<compile_context>
chip_gen: v7x
topology: tpu7x:2x2x1
jax: 0.10.2.dev20260603
libtpu: 0.0.44.dev20260713+nightly
codegen_flags: <defaults>
</compile_context>

<pallas_src>
import functools

import jax
import jax.numpy as jnp
from jax import lax
from jax.experimental import pallas as pl
from jax.experimental.pallas import tpu as pltpu
from jax.experimental.pallas import tpu_sc as plsc

SEQ = 2048
DIM = 1024
NEXP = 64
HID = 256
NSHARED = 2
ROWS = 2 * SEQ
TILE = 256
GRID_G = ROWS // TILE + NEXP - 1
PADROWS = GRID_G * TILE
GPAD = 128
NCORES = 2
NSUB = 16
NW = NCORES * NSUB
TOKW = SEQ // NW
HALF = TOKW // 2
SHTILE = 256


def _excl_cumsum_lanes(v):
    inc = v
    for sh in (1, 2, 4, 8, 16, 32):
        inc = inc + jnp.concatenate(
            [jnp.zeros((1, sh), jnp.float32), inc[:, :NEXP - sh]], axis=1)
    return inc - v, inc



def _route_body(x_ref, ge_ref, gb_ref, w0x_ref, w1x_ref, dst0_ref, dst1_ref,
                eid_ref, val_ref, tot_ref, ent_ref):
    xf = x_ref[...]
    ge = ge_ref[...]
    logits = lax.dot_general(xf, ge, (((1,), (1,)), ((), ())),
                             preferred_element_type=jnp.float32)
    scores = jax.nn.sigmoid(logits) + gb_ref[...]

    eidx = lax.broadcasted_iota(jnp.int32, (SEQ, NEXP), 1)
    m1 = jnp.max(scores, axis=1, keepdims=True)
    i1 = jnp.min(jnp.where(scores == m1, eidx, NEXP), axis=1, keepdims=True)
    scores2 = jnp.where(eidx == i1, -jnp.inf, scores)
    m2 = jnp.max(scores2, axis=1, keepdims=True)
    i2 = jnp.min(jnp.where(scores2 == m2, eidx, NEXP), axis=1, keepdims=True)

    denom = m1 + m2
    w0 = m1 / denom
    w1 = m2 / denom
    ent = -(w0 * jnp.log(w0) + w1 * jnp.log(w1))
    ent_ref[...] = jnp.broadcast_to(jnp.mean(ent), (1, 1))

    oh0 = (eidx == i1).astype(jnp.float32)
    oh1 = (eidx == i2).astype(jnp.float32)
    comb = oh0 + oh1

    ri = lax.broadcasted_iota(jnp.int32, (SEQ, SEQ), 0)
    ci = lax.broadcasted_iota(jnp.int32, (SEQ, SEQ), 1)
    tri = (ri > ci).astype(jnp.bfloat16)
    cex = lax.dot_general(tri, comb.astype(jnp.bfloat16),
                          (((1,), (0,)), ((), ())),
                          preferred_element_type=jnp.float32)
    counts = cex[SEQ - 1:SEQ, :] + comb[SEQ - 1:SEQ, :]

    pc = jnp.ceil(counts * (1.0 / TILE)) * TILE
    astart, _ = _excl_cumsum_lanes(pc)
    tt = pc * (1.0 / TILE)
    it_excl, it_inc = _excl_cumsum_lanes(tt)
    total = it_inc[:, NEXP - 1:NEXP]

    pos = astart + cex
    dst0 = jnp.sum(pos * oh0, axis=1, keepdims=True)
    dst1 = jnp.sum(pos * oh1, axis=1, keepdims=True)

    gi = lax.broadcasted_iota(jnp.int32, (GPAD, 1), 0).astype(jnp.float32)
    eid = jnp.sum((it_inc <= gi).astype(jnp.float32), axis=1, keepdims=True)
    eid = jnp.minimum(eid, NEXP - 1)
    lastexp = jnp.sum((it_inc < total).astype(jnp.float32),
                      axis=1, keepdims=True)
    valid = (gi < total).astype(jnp.int32)
    eid = jnp.where(valid > 0, eid, lastexp)

    dst0_ref[...] = jnp.round(dst0).astype(jnp.int32)
    dst1_ref[...] = jnp.round(dst1).astype(jnp.int32)
    eid_ref[...] = jnp.round(eid).astype(jnp.int32)
    val_ref[...] = valid
    tot_ref[...] = jnp.round(total).astype(jnp.int32)
    w0x_ref[...] = jnp.broadcast_to(w0, (SEQ, 128))
    w1x_ref[...] = jnp.broadcast_to(w1, (SEQ, 128))


def _route_call(xf, gate_emb, gate_bias2d):
    out_shape = (
        jax.ShapeDtypeStruct((SEQ, 128), jnp.float32),
        jax.ShapeDtypeStruct((SEQ, 128), jnp.float32),
        jax.ShapeDtypeStruct((SEQ, 1), jnp.int32),
        jax.ShapeDtypeStruct((SEQ, 1), jnp.int32),
        jax.ShapeDtypeStruct((GPAD, 1), jnp.int32),
        jax.ShapeDtypeStruct((GPAD, 1), jnp.int32),
        jax.ShapeDtypeStruct((1, 1), jnp.int32),
        jax.ShapeDtypeStruct((1, 1), jnp.float32),
    )
    return pl.pallas_call(_route_body, out_shape=out_shape)(
        xf, gate_emb, gate_bias2d)



def _ffn_body(eid_ref, val_ref, tot_ref, xs_ref, ws_ref, w1_ref, w3_ref,
              w2_ref, out_ref):
    g = pl.program_id(0)

    @pl.when(val_ref[g, 0] > 0)
    def _():
        x = xs_ref[...]
        h1 = lax.dot_general(x, w1_ref[0], (((1,), (1,)), ((), ())),
                             preferred_element_type=jnp.float32)
        h3 = lax.dot_general(x, w3_ref[0], (((1,), (1,)), ((), ())),
                             preferred_element_type=jnp.float32)
        hh = h1 * jax.nn.sigmoid(h1) * h3
        contrib = lax.dot_general(hh, w2_ref[0], (((1,), (1,)), ((), ())),
                                  preferred_element_type=jnp.float32)
        out_ref[...] = contrib * ws_ref[:, :1]


def _tile_map(g, eid, val, tot):
    return (jnp.minimum(g, tot[0, 0] - 1), 0)


def _ffn_call(eidv, validv, tot, xs, ws, exp_w1, exp_w3, exp_w2):
    grid_spec = pltpu.PrefetchScalarGridSpec(
        num_scalar_prefetch=3,
        grid=(GRID_G,),
        in_specs=[
            pl.BlockSpec((TILE, DIM), _tile_map),
            pl.BlockSpec((TILE, 128), _tile_map),
            pl.BlockSpec((1, HID, DIM), lambda g, eid, val, tot: (eid[g, 0], 0, 0)),
            pl.BlockSpec((1, HID, DIM), lambda g, eid, val, tot: (eid[g, 0], 0, 0)),
            pl.BlockSpec((1, DIM, HID), lambda g, eid, val, tot: (eid[g, 0], 0, 0)),
        ],
        out_specs=pl.BlockSpec((TILE, DIM), _tile_map),
    )
    return pl.pallas_call(
        _ffn_body,
        grid_spec=grid_spec,
        out_shape=jax.ShapeDtypeStruct((PADROWS, DIM), jnp.float32),
        compiler_params=pltpu.CompilerParams(
            dimension_semantics=("arbitrary",)),
    )(eidv, validv, tot, xs, ws, exp_w1, exp_w3, exp_w2)



def _shared_body(x_ref, w1_ref, w2_ref, w3_ref, out_ref):
    x = x_ref[...]
    acc = None
    for s in range(NSHARED):
        h1 = lax.dot_general(x, w1_ref[s], (((1,), (1,)), ((), ())),
                             preferred_element_type=jnp.float32)
        h3 = lax.dot_general(x, w3_ref[s], (((1,), (1,)), ((), ())),
                             preferred_element_type=jnp.float32)
        hh = h1 * jax.nn.sigmoid(h1) * h3
        o = lax.dot_general(hh, w2_ref[s], (((1,), (1,)), ((), ())),
                            preferred_element_type=jnp.float32)
        acc = o if acc is None else acc + o
    out_ref[...] = acc * (1.0 / NSHARED)


def _shared_call(xf, shared_w1, shared_w2, shared_w3):
    nst = SEQ // SHTILE
    return pl.pallas_call(
        _shared_body,
        grid=(nst,),
        in_specs=[
            pl.BlockSpec((SHTILE, DIM), lambda i: (i, 0)),
            pl.BlockSpec((NSHARED, HID, DIM), lambda i: (0, 0, 0)),
            pl.BlockSpec((NSHARED, DIM, HID), lambda i: (0, 0, 0)),
            pl.BlockSpec((NSHARED, HID, DIM), lambda i: (0, 0, 0)),
        ],
        out_specs=pl.BlockSpec((SHTILE, DIM), lambda i: (i, 0)),
        out_shape=jax.ShapeDtypeStruct((SEQ, DIM), jnp.float32),
    )(xf, shared_w1, shared_w2, shared_w3)



def _dispatch_body(xf_hbm, w0x_hbm, w1x_hbm, dst0_hbm, dst1_hbm,
                   xs_hbm, ws_hbm, idx_v, rows_v, wrows_v, sem):
    wid = lax.axis_index("s") * NCORES + lax.axis_index("c")
    base = wid * TOKW
    pltpu.sync_copy(xf_hbm.at[pl.ds(base, TOKW)], rows_v)
    pltpu.sync_copy(w0x_hbm.at[pl.ds(base, TOKW)], wrows_v)
    pltpu.sync_copy(dst0_hbm.at[wid], idx_v)
    pltpu.async_copy(rows_v, xs_hbm.at[idx_v], sem).wait()
    pltpu.async_copy(wrows_v, ws_hbm.at[idx_v], sem).wait()
    pltpu.sync_copy(w1x_hbm.at[pl.ds(base, TOKW)], wrows_v)
    pltpu.sync_copy(dst1_hbm.at[wid], idx_v)
    pltpu.async_copy(rows_v, xs_hbm.at[idx_v], sem).wait()
    pltpu.async_copy(wrows_v, ws_hbm.at[idx_v], sem).wait()


def _dispatch_call(xf, w0x, w1x, dst0w, dst1w):
    mesh = plsc.VectorSubcoreMesh(core_axis_name="c", subcore_axis_name="s")
    f = pl.kernel(
        _dispatch_body,
        out_type=(
            jax.ShapeDtypeStruct((PADROWS, DIM), jnp.float32),
            jax.ShapeDtypeStruct((PADROWS, 128), jnp.float32),
        ),
        mesh=mesh,
        scratch_types=[
            pltpu.VMEM((TOKW,), jnp.int32),
            pltpu.VMEM((TOKW, DIM), jnp.float32),
            pltpu.VMEM((TOKW, 128), jnp.float32),
            pltpu.SemaphoreType.DMA,
        ],
    )
    return f(xf, w0x, w1x, dst0w, dst1w)



def _combine_body(ys_hbm, sh_hbm, dstc_hbm, out_hbm, idx_v, acc_v, tmp_v, sem):
    wid = lax.axis_index("s") * NCORES + lax.axis_index("c")
    base = wid * TOKW
    pltpu.sync_copy(dstc_hbm.at[wid], idx_v)

    for h in range(2):
        hb = h * HALF
        pltpu.sync_copy(sh_hbm.at[pl.ds(base + hb, HALF)], acc_v)
        pltpu.async_copy(ys_hbm.at[idx_v.at[h]], tmp_v, sem).wait()

        def row_body(r, _):
            for c in range(DIM // 16):
                sl = pl.ds(c * 16, 16)
                acc_v[r, sl] = acc_v[r, sl] + tmp_v[r, sl] + tmp_v[HALF + r, sl]
            return 0

        lax.fori_loop(0, HALF, row_body, 0)
        pltpu.sync_copy(acc_v, out_hbm.at[pl.ds(base + hb, HALF)])


def _combine_call(ys, shared, dstc):
    mesh = plsc.VectorSubcoreMesh(core_axis_name="c", subcore_axis_name="s")
    f = pl.kernel(
        _combine_body,
        out_type=jax.ShapeDtypeStruct((SEQ, DIM), jnp.float32),
        mesh=mesh,
        scratch_types=[
            pltpu.VMEM((2, 2 * HALF), jnp.int32),
            pltpu.VMEM((HALF, DIM), jnp.float32),
            pltpu.VMEM((2 * HALF, DIM), jnp.float32),
            pltpu.SemaphoreType.DMA,
        ],
    )
    return f(ys, shared, dstc)



def kernel(x, gate_emb, gate_bias, shared_w1, shared_w2, shared_w3,
           exp_w1, exp_w2, exp_w3):
    b, s, d = x.shape
    xf = x.reshape(SEQ, DIM)

    (w0x, w1x, dst0, dst1, eidv, validv, tot, ent) = _route_call(
        xf, gate_emb, gate_bias.reshape(1, NEXP))

    shared = _shared_call(xf, shared_w1, shared_w2, shared_w3)

    dst0f = dst0[:, 0]
    dst1f = dst1[:, 0]
    xs, ws = _dispatch_call(xf, w0x, w1x,
                            dst0f.reshape(NW, TOKW), dst1f.reshape(NW, TOKW))

    ys = _ffn_call(eidv, validv, tot, xs, ws, exp_w1, exp_w3, exp_w2)

    dstc = jnp.concatenate(
        [dst0f.reshape(NW, 2, HALF), dst1f.reshape(NW, 2, HALF)], axis=2)
    out = _combine_call(ys, shared, dstc)

    aux_loss = jnp.asarray(0.0, dtype=x.dtype)
    return out.reshape(b, s, d), aux_loss, ent[0, 0]

# --- scband reference (transcript-rebuilt; emitter-appended) ---
"""Pipeline reference for scband-mo-e-833223655783 (READ-ONLY COPY).

The authoritative reference and input builder live on the scoring server;
editing this copy changes nothing except your own understanding.
"""

import jax, jax.numpy as jnp
import numpy as np

B, S, D = 1, 2048, 1024
E = 64          # n_routed_experts
NS = 2          # shared experts
TOPK = 2        # activate_experts
# hidden_dim per module math: ratio=(2+2)/(64+2); h=int(2*(4*1024)/3*ratio)=165 -> round up to multiple_of=256
H = 256


def setup_inputs(seed: int = 0) -> dict:
    key = jax.random.key(seed)
    ks = jax.random.split(key, 10)
    x = jax.random.normal(ks[0], (B, S, D), dtype=jnp.float32)
    gate_emb = jax.random.normal(ks[1], (E, D), dtype=jnp.float32)
    gate_bias = jnp.zeros((E,), dtype=jnp.float32)
    shared_w1 = jax.random.normal(ks[2], (NS, H, D), dtype=jnp.float32) * 0.02
    shared_w2 = jax.random.normal(ks[3], (NS, D, H), dtype=jnp.float32) * 0.02
    shared_w3 = jax.random.normal(ks[4], (NS, H, D), dtype=jnp.float32) * 0.02
    exp_w1 = jax.random.normal(ks[5], (E, H, D), dtype=jnp.float32) * 0.02
    exp_w2 = jax.random.normal(ks[6], (E, D, H), dtype=jnp.float32) * 0.02
    exp_w3 = jax.random.normal(ks[7], (E, H, D), dtype=jnp.float32) * 0.02
    return {"x": x, "gate_emb": gate_emb, "gate_bias": gate_bias,
            "shared_w1": shared_w1, "shared_w2": shared_w2, "shared_w3": shared_w3,
            "exp_w1": exp_w1, "exp_w2": exp_w2, "exp_w3": exp_w3}


def _ff(xt, w1, w2, w3):
    # FeedForward: w2(silu(w1 x) * (w3 x)); nn.Linear weight is [out, in] -> x @ W.T
    return (jax.nn.silu(xt @ w1.T) * (xt @ w3.T)) @ w2.T


def reference(x, gate_emb, gate_bias, shared_w1, shared_w2, shared_w3, exp_w1, exp_w2, exp_w3):
    b, s, d = x.shape
    xf = x.reshape(b * s, d)
    # shared experts (mean over NS experts)
    shared_outs = jnp.stack([_ff(xf, shared_w1[i], shared_w2[i], shared_w3[i]) for i in range(NS)], axis=0)
    shared_outputs = shared_outs.mean(axis=0)
    # Gate: sigmoid scores + bias, top-k, gather, normalize
    scores = jax.nn.sigmoid(xf @ gate_emb.T) + gate_bias
    _, indices = jax.lax.top_k(scores, TOPK)
    weights = jnp.take_along_axis(scores, indices, axis=-1)
    weights = weights / weights.sum(axis=-1, keepdims=True)
    weights = weights.astype(x.dtype)
    # routed experts: mathematically identical to the sparse torch loop
    # (tokens not routed to expert e get weight 0)
    routed_outputs = jnp.zeros_like(xf)
    for e in range(E):
        w_e = ((indices == e).astype(weights.dtype) * weights).sum(axis=-1)  # (B*S,)
        out_e = _ff(xf, exp_w1[e], exp_w2[e], exp_w3[e])
        routed_outputs = routed_outputs + out_e * w_e[:, None]
    # eval mode: no bias update, aux_loss = 0
    aux_loss = jnp.asarray(0.0, dtype=x.dtype)
    routing_entropy = -(weights * jnp.log(weights)).sum(axis=-1).mean()
    output = (shared_outputs + routed_outputs).reshape(b, s, d)
    return (output, aux_loss, routing_entropy)

if __name__ == "__main__":
    import jax
    _d = setup_inputs()
    print(jax.jit(kernel)(*tuple(_d.values())))

</pallas_src>

<mosaic_0001>
#map = affine_map<(d0, d1) -> (0, 0)>
#map1 = affine_map<(d0, d1) -> (0, 0, 0)>
module attributes {stable_mosaic.version = 14 : i64} {
  func.func @_combine_body(%arg0: i32, %arg1: i32, %arg2: memref<20224x1024xf32, #tpu.memory_space<hbm>>, %arg3: memref<2048x1024xf32, #tpu.memory_space<hbm>>, %arg4: memref<32x2x64xi32, #tpu.memory_space<hbm>>, %arg5: memref<2048x1024xf32, #tpu.memory_space<hbm>>, %arg6: memref<2x64xi32, #tpu.memory_space<vmem>>, %arg7: memref<32x1024xf32, #tpu.memory_space<vmem>>, %arg8: memref<64x1024xf32, #tpu.memory_space<vmem>>, %arg9: memref<!tpu.dma_semaphore, #tpu.memory_space<semaphore_mem>>) attributes {dimension_semantics = [#tpu.dimension_semantics<core_parallel>, #tpu.dimension_semantics<subcore_parallel>], iteration_bounds = array<i64: 2, 16>, scalar_prefetch = 0 : i64, scratch_operands = 4 : i64, tpu.core_type = #tpu.core_type<sc_vector_subcore>, window_params = [{transform_indices = #map}, {transform_indices = #map}, {transform_indices = #map1}, {transform_indices = #map}]} {
    %mul3A = arith.constant 2 : i32
    %mul3A_0 = arith.muli %arg1, %mul3A : i32
    %add3A = arith.addi %mul3A_0, %arg0 : i32
    %mul3A_1 = arith.constant 64 : i32
    %mul3A_2 = arith.muli %add3A, %mul3A_1 : i32
    "tpu.region"() ({
      %run_scoped3A = tpu.sem_alloc : memref<!tpu.dma_semaphore, #tpu.memory_space<semaphore_mem>>
      %dma_start3A_50 = arith.constant 0 : i32
      %dma_start3A_51 = arith.constant 0 : i32
      %dma_start3A_52 = tpu.memref_slice %arg4[%add3A, %dma_start3A_50, %dma_start3A_51] : memref<32x2x64xi32, #tpu.memory_space<hbm>> -> memref<1x2x64xi32, #tpu.memory_space<hbm>>
      %dma_start3A_53 = tpu.memref_squeeze %dma_start3A_52 : memref<1x2x64xi32, #tpu.memory_space<hbm>> -> memref<2x64xi32, #tpu.memory_space<hbm>>
      %dma_start3A_54 = arith.constant 0 : i32
      %dma_start3A_55 = arith.constant 0 : i32
      %dma_start3A_56 = tpu.memref_slice %arg4[%add3A, %dma_start3A_54, %dma_start3A_55] : memref<32x2x64xi32, #tpu.memory_space<hbm>> -> memref<1x2x64xi32, #tpu.memory_space<hbm>>
      %dma_start3A_57 = tpu.memref_squeeze %dma_start3A_56 : memref<1x2x64xi32, #tpu.memory_space<hbm>> -> memref<2x64xi32, #tpu.memory_space<hbm>>
      tpu.enqueue_dma source(%dma_start3A_57 : memref<2x64xi32, #tpu.memory_space<hbm>>) target(%arg6 : memref<2x64xi32, #tpu.memory_space<vmem>>) target_semaphore(%run_scoped3A : memref<!tpu.dma_semaphore, #tpu.memory_space<semaphore_mem>>)
      %dma_wait3A_58 = arith.constant 0 : i32
      %dma_wait3A_59 = arith.constant 0 : i32
      %dma_wait3A_60 = tpu.memref_slice %arg4[%add3A, %dma_wait3A_58, %dma_wait3A_59] : memref<32x2x64xi32, #tpu.memory_space<hbm>> -> memref<1x2x64xi32, #tpu.memory_space<hbm>>
      %dma_wait3A_61 = tpu.memref_squeeze %dma_wait3A_60 : memref<1x2x64xi32, #tpu.memory_space<hbm>> -> memref<2x64xi32, #tpu.memory_space<hbm>>
      %dma_wait3A_62 = arith.constant 0 : i32
      %dma_wait3A_63 = arith.constant 0 : i32
      %dma_wait3A_64 = tpu.memref_slice %arg4[%add3A, %dma_wait3A_62, %dma_wait3A_63] : memref<32x2x64xi32, #tpu.memory_space<hbm>> -> memref<1x2x64xi32, #tpu.memory_space<hbm>>
      %dma_wait3A_65 = tpu.memref_squeeze %dma_wait3A_64 : memref<1x2x64xi32, #tpu.memory_space<hbm>> -> memref<2x64xi32, #tpu.memory_space<hbm>>
      tpu.wait_dma2 semaphore(%run_scoped3A : memref<!tpu.dma_semaphore, #tpu.memory_space<semaphore_mem>>) src(%dma_wait3A_65 : memref<2x64xi32, #tpu.memory_space<hbm>>) dst(%arg6 : memref<2x64xi32, #tpu.memory_space<vmem>>)
      tpu.yield
    }) : () -> ()
    %add3A_3 = arith.constant 0 : i32
    %add3A_4 = arith.addi %mul3A_2, %add3A_3 : i32
    "tpu.region"() ({
      %run_scoped3A = tpu.sem_alloc : memref<!tpu.dma_semaphore, #tpu.memory_space<semaphore_mem>>
      %dma_start3A_50 = arith.constant 0 : i32
      %dma_start3A_51 = tpu.memref_slice %arg3[%add3A_4, %dma_start3A_50] : memref<2048x1024xf32, #tpu.memory_space<hbm>> -> memref<32x1024xf32, #tpu.memory_space<hbm>>
      %dma_start3A_52 = arith.constant 0 : i32
      %dma_start3A_53 = tpu.memref_slice %arg3[%add3A_4, %dma_start3A_52] : memref<2048x1024xf32, #tpu.memory_space<hbm>> -> memref<32x1024xf32, #tpu.memory_space<hbm>>
      tpu.enqueue_dma source(%dma_start3A_53 : memref<32x1024xf32, #tpu.memory_space<hbm>>) target(%arg7 : memref<32x1024xf32, #tpu.memory_space<vmem>>) target_semaphore(%run_scoped3A : memref<!tpu.dma_semaphore, #tpu.memory_space<semaphore_mem>>)
      %dma_wait3A_54 = arith.constant 0 : i32
      %dma_wait3A_55 = tpu.memref_slice %arg3[%add3A_4, %dma_wait3A_54] : memref<2048x1024xf32, #tpu.memory_space<hbm>> -> memref<32x1024xf32, #tpu.memory_space<hbm>>
      %dma_wait3A_56 = arith.constant 0 : i32
      %dma_wait3A_57 = tpu.memref_slice %arg3[%add3A_4, %dma_wait3A_56] : memref<2048x1024xf32, #tpu.memory_space<hbm>> -> memref<32x1024xf32, #tpu.memory_space<hbm>>
      tpu.wait_dma2 semaphore(%run_scoped3A : memref<!tpu.dma_semaphore, #tpu.memory_space<semaphore_mem>>) src(%dma_wait3A_57 : memref<32x1024xf32, #tpu.memory_space<hbm>>) dst(%arg7 : memref<32x1024xf32, #tpu.memory_space<vmem>>)
      tpu.yield
    }) : () -> ()
    %dma_start3A = arith.constant 0 : i32
    %dma_start3A_5 = arith.constant 0 : i32
    %dma_start3A_6 = tpu.memref_slice %arg6[%dma_start3A, %dma_start3A_5] : memref<2x64xi32, #tpu.memory_space<vmem>> -> memref<1x64xi32, #tpu.memory_space<vmem>>
    %dma_start3A_7 = tpu.memref_squeeze %dma_start3A_6 : memref<1x64xi32, #tpu.memory_space<vmem>> -> memref<64xi32, #tpu.memory_space<vmem>>
    %dma_start3A_8 = arith.constant 0 : i32
    %dma_start3A_9 = arith.constant 0 : i32
    %dma_start3A_10 = tpu.memref_slice %arg2[%dma_start3A_8, %dma_start3A_9] : memref<20224x1024xf32, #tpu.memory_space<hbm>> -> memref<20224x1024xf32, #tpu.memory_space<hbm>>
    tpu.enqueue_indirect_dma source(%dma_start3A_10 : memref<20224x1024xf32, #tpu.memory_space<hbm>>) target(%arg8 : memref<64x1024xf32, #tpu.memory_space<vmem>>) offsets(%dma_start3A_7 : memref<64xi32, #tpu.memory_space<vmem>>) semaphore(%arg9 : memref<!tpu.dma_semaphore, #tpu.memory_space<semaphore_mem>>)
    %dma_wait3A = arith.constant 0 : i32
    %dma_wait3A_11 = arith.constant 0 : i32
    %dma_wait3A_12 = tpu.memref_slice %arg6[%dma_wait3A, %dma_wait3A_11] : memref<2x64xi32, #tpu.memory_space<vmem>> -> memref<1x64xi32, #tpu.memory_space<vmem>>
    %dma_wait3A_13 = tpu.memref_squeeze %dma_wait3A_12 : memref<1x64xi32, #tpu.memory_space<vmem>> -> memref<64xi32, #tpu.memory_space<vmem>>
    %dma_wait3A_14 = arith.constant 0 : i32
    %dma_wait3A_15 = arith.constant 0 : i32
    %dma_wait3A_16 = tpu.memref_slice %arg2[%dma_wait3A_14, %dma_wait3A_15] : memref<20224x1024xf32, #tpu.memory_space<hbm>> -> memref<20224x1024xf32, #tpu.memory_space<hbm>>
    tpu.wait_indirect_dma semaphore(%arg9 : memref<!tpu.dma_semaphore, #tpu.memory_space<semaphore_mem>>) src(%dma_wait3A_16 : memref<20224x1024xf32, #tpu.memory_space<hbm>>) dst(%arg8 : memref<64x1024xf32, #tpu.memory_space<vmem>>)
    %scan3A = arith.constant 0 : i32
    %scan3A_17 = arith.constant 0 : i32
    %scan3A_18 = arith.constant 32 : i32
    %scan3A_19 = arith.addi %scan3A_17, %scan3A_18 : i32
    %scan3A_20 = arith.constant 1 : i32
    %scan3A_21 = scf.for %scan3A_50 = %scan3A_17 to %scan3A_19 step %scan3A_20 iter_args(%scan3A_51 = %scan3A) -> (i32)  : i32 {
      %get3A = arith.index_cast %scan3A_50 : i32 to index
      %get3A_52 = arith.constant 0 : index
      %get3A_53 = tpu.vector_load %arg7[%get3A, %get3A_52] {strides = array<i32>} : memref<32x1024xf32, #tpu.memory_space<vmem>>, vector<1x16xf32>,
      %get3A_54 = vector.shape_cast %get3A_53 : vector<1x16xf32> to vector<16xf32>
      %get3A_55 = arith.index_cast %scan3A_50 : i32 to index
      %get3A_56 = arith.constant 0 : index
      %get3A_57 = tpu.vector_load %arg8[%get3A_55, %get3A_56] {strides = array<i32>} : memref<64x1024xf32, #tpu.memory_space<vmem>>, vector<1x16xf32>,
      %get3A_58 = vector.shape_cast %get3A_57 : vector<1x16xf32> to vector<16xf32>
      %add3A_59 = arith.addf %get3A_54, %get3A_58 : vector<16xf32>
      %add3A_60 = arith.constant 32 : i32
      %add3A_61 = arith.addi %add3A_60, %scan3A_50 : i32
      %get3A_62 = arith.index_cast %add3A_61 : i32 to index
      %get3A_63 = arith.constant 0 : index
      %get3A_64 = tpu.vector_load %arg8[%get3A_62, %get3A_63] {strides = array<i32>} : memref<64x1024xf32, #tpu.memory_space<vmem>>, vector<1x16xf32>,
      %get3A_65 = vector.shape_cast %get3A_64 : vector<1x16xf32> to vector<16xf32>
      %add3A_66 = arith.addf %add3A_59, %get3A_65 : vector<16xf32>
      %swap3A = arith.index_cast %scan3A_50 : i32 to index
      %swap3A_67 = arith.constant 0 : index
      %swap3A_68 = tpu.vector_load %arg7[%swap3A, %swap3A_67] {strides = array<i32>} : memref<32x1024xf32, #tpu.memory_space<vmem>>, vector<1x16xf32>,
      %swap3A_69 = vector.shape_cast %swap3A_68 : vector<1x16xf32> to vector<16xf32>
      %swap3A_70 = vector.shape_cast %add3A_66 : vector<16xf32> to vector<1x16xf32>
      tpu.vector_store %arg7[%swap3A, %swap3A_67], %swap3A_70 {strides = array<i32>} : memref<32x1024xf32, #tpu.memory_space<vmem>>, vector<1x16xf32>,
      %get3A_71 = arith.index_cast %scan3A_50 : i32 to index
      %get3A_72 = arith.constant 16 : index
      %get3A_73 = tpu.vector_load %arg7[%get3A_71, %get3A_72] {strides = array<i32>} : memref<32x1024xf32, #tpu.memory_space<vmem>>, vector<1x16xf32>,
      %get3A_74 = vector.shape_cast %get3A_73 : vector<1x16xf32> to vector<16xf32>
      %get3A_75 = arith.index_cast %scan3A_50 : i32 to index
      %get3A_76 = arith.constant 16 : index
      %get3A_77 = tpu.vector_load %arg8[%get3A_75, %get3A_76] {strides = array<i32>} : memref<64x1024xf32, #tpu.memory_space<vmem>>, vector<1x16xf32>,
      %get3A_78 = vector.shape_cast %get3A_77 : vector<1x16xf32> to vector<16xf32>
      %add3A_79 = arith.addf %get3A_74, %get3A_78 : vector<16xf32>
      %add3A_80 = arith.constant 32 : i32
      %add3A_81 = arith.addi %add3A_80, %scan3A_50 : i32
      %get3A_82 = arith.index_cast %add3A_81 : i32 to index
      %get3A_83 = arith.constant 16 : index
      %get3A_84 = tpu.vector_load %arg8[%get3A_82, %get3A_83] {strides = array<i32>} : memref<64x1024xf32, #tpu.memory_space<vmem>>, vector<1x16xf32>,
      %get3A_85 = vector.shape_cast %get3A_84 : vector<1x16xf32> to vector<16xf32>
      %add3A_86 = arith.addf %add3A_79, %get3A_85 : vector<16xf32>
      %swap3A_87 = arith.index_cast %scan3A_50 : i32 to index
      %swap3A_88 = arith.constant 16 : index
      %swap3A_89 = tpu.vector_load %arg7[%swap3A_87, %swap3A_88] {strides = array<i32>} : memref<32x1024xf32, #tpu.memory_space<vmem>>, vector<1x16xf32>,
      %swap3A_90 = vector.shape_cast %swap3A_89 : vector<1x16xf32> to vector<16xf32>
      %swap3A_91 = vector.shape_cast %add3A_86 : vector<16xf32> to vector<1x16xf32>
      tpu.vector_store %arg7[%swap3A_87, %swap3A_88], %swap3A_91 {strides = array<i32>} : memref<32x1024xf32, #tpu.memory_space<vmem>>, vector<1x16xf32>,
      %get3A_92 = arith.index_cast %scan3A_50 : i32 to index
      %get3A_93 = arith.constant 32 : index
      %get3A_94 = tpu.vector_load %arg7[%get3A_92, %get3A_93] {strides = array<i32>} : memref<32x1024xf32, #tpu.memory_space<vmem>>, vector<1x16xf32>,
      %get3A_95 = vector.shape_cast %get3A_94 : vector<1x16xf32> to vector<16xf32>
      %get3A_96 = arith.index_cast %scan3A_50 : i32 to index
      %get3A_97 = arith.constant 32 : index
      %get3A_98 = tpu.vector_load %arg8[%get3A_96, %get3A_97] {strides = array<i32>} : memref<64x1024xf32, #tpu.memory_space<vmem>>, vector<1x16xf32>,
      %get3A_99 = vector.shape_cast %get3A_98 : vector<1x16xf32> to vector<16xf32>
      %add3A_100 = arith.addf %get3A_95, %get3A_99 : vector<16xf32>
      %add3A_101 = arith.constant 32 : i32
      %add3A_102 = arith.addi %add3A_101, %scan3A_50 : i32
      %get3A_103 = arith.index_cast %add3A_102 : i32 to index
      %get3A_104 = arith.constant 32 : index
      %get3A_105 = tpu.vector_load %arg8[%get3A_103, %get3A_104] {strides = array<i32>} : memref<64x1024xf32, #tpu.memory_space<vmem>>, vector<1x16xf32>,
      %get3A_106 = vector.shape_cast %get3A_105 : vector<1x16xf32> to vector<16xf32>
      %add3A_107 = arith.addf %add3A_100, %get3A_106 : vector<16xf32>
      %swap3A_108 = arith.index_cast %scan3A_50 : i32 to index
      %swap3A_109 = arith.constant 32 : index
      %swap3A_110 = tpu.vector_load %arg7[%swap3A_108, %swap3A_109] {strides = array<i32>} : memref<32x1024xf32, #tpu.memory_space<vmem>>, vector<1x16xf32>,
      %swap3A_111 = vector.shape_cast %swap3A_110 : vector<1x16xf32> to vector<16xf32>
      %swap3A_112 = vector.shape_cast %add3A_107 : vector<16xf32> to vector<1x16xf32>
      tpu.vector_store %arg7[%swap3A_108, %swap3A_109], %swap3A_112 {strides = array<i32>} : memref<32x1024xf32, #tpu.memory_space<vmem>>, vector<1x16xf32>,
      %get3A_113 = arith.index_cast %scan3A_50 : i32 to index
      %get3A_114 = arith.constant 48 : index
      %get3A_115 = tpu.vector_load %arg7[%get3A_113, %get3A_114] {strides = array<i32>} : memref<32x1024xf32, #tpu.memory_space<vmem>>, vector<1x16xf32>,
      %get3A_116 = vector.shape_cast %get3A_115 : vector<1x16xf32> to vector<16xf32>
      %get3A_117 = arith.index_cast %scan3A_50 : i32 to index
      %get3A_118 = arith.constant 48 : index
      %get3A_119 = tpu.vector_load %arg8[%get3A_117, %get3A_118] {strides = array<i32>} : memref<64x1024xf32, #tpu.memory_space<vmem>>, vector<1x16xf32>,
      %get3A_120 = vector.shape_cast %get3A_119 : vector<1x16xf32> to vector<16xf32>
      %add3A_121 = arith.addf %get3A_116, %get3A_120 : vector<16xf32>
      %add3A_122 = arith.constant 32 : i32
      %add3A_123 = arith.addi %add3A_122, %scan3A_50 : i32
      %get3A_124 = arith.index_cast %add3A_123 : i32 to index
      %get3A_125 = arith.constant 48 : index
      %get3A_126 = tpu.vector_load %arg8[%get3A_124, %get3A_125] {strides = array<i32>} : memref<64x1024xf32, #tpu.memory_space<vmem>>, vector<1x16xf32>,
      %get3A_127 = vector.shape_cast %get3A_126 : vector<1x16xf32> to vector<16xf32>
      %add3A_128 = arith.addf %add3A_121, %get3A_127 : vector<16xf32>
      %swap3A_129 = arith.index_cast %scan3A_50 : i32 to index
      %swap3A_130 = arith.constant 48 : index
      %swap3A_131 = tpu.vector_load %arg7[%swap3A_129, %swap3A_130] {strides = array<i32>} : memref<32x1024xf32, #tpu.memory_space<vmem>>, vector<1x16xf32>,
      %swap3A_132 = vector.shape_cast %swap3A_131 : vector<1x16xf32> to vector<16xf32>
      %swap3A_133 = vector.shape_cast %add3A_128 : vector<16xf32> to vector<1x16xf32>
      tpu.vector_store %arg7[%swap3A_129, %swap3A_130], %swap3A_133 {strides = array<i32>} : memref<32x1024xf32, #tpu.memory_space<vmem>>, vector<1x16xf32>,
      %get3A_134 = arith.index_cast %scan3A_50 : i32 to index
      %get3A_135 = arith.constant 64 : index
      %get3A_136 = tpu.vector_load %arg7[%get3A_134, %get3A_135] {strides = array<i32>} : memref<32x1024xf32, #tpu.memory_space<vmem>>, vector<1x16xf32>,
      %get3A_137 = vector.shape_cast %get3A_136 : vector<1x16xf32> to vector<16xf32>
      %get3A_138 = arith.index_cast %scan3A_50 : i32 to index
      %get3A_139 = arith.constant 64 : index
      %get3A_140 = tpu.vector_load %arg8[%get3A_138, %get3A_139] {strides = array<i32>} : memref<64x1024xf32, #tpu.memory_space<vmem>>, vector<1x16xf32>,
      %get3A_141 = vector.shape_cast %get3A_140 : vector<1x16xf32> to vector<16xf32>
      %add3A_142 = arith.addf %get3A_137, %get3A_141 : vector<16xf32>
      %add3A_143 = arith.constant 32 : i32
      %add3A_144 = arith.addi %add3A_143, %scan3A_50 : i32
      %get3A_145 = arith.index_cast %add3A_144 : i32 to index
      %get3A_146 = arith.constant 64 : index
      %get3A_147 = tpu.vector_load %arg8[%get3A_145, %get3A_146] {strides = array<i32>} : memref<64x1024xf32, #tpu.memory_space<vmem>>, vector<1x16xf32>,
      %get3A_148 = vector.shape_cast %get3A_147 : vector<1x16xf32> to vector<16xf32>
      %add3A_149 = arith.addf %add3A_142, %get3A_148 : vector<16xf32>
      %swap3A_150 = arith.index_cast %scan3A_50 : i32 to index
      %swap3A_151 = arith.constant 64 : index
      %swap3A_152 = tpu.vector_load %arg7[%swap3A_150, %swap3A_151] {strides = array<i32>} : memref<32x1024xf32, #tpu.memory_space<vmem>>, vector<1x16xf32>,
      %swap3A_153 = vector.shape_cast %swap3A_152 : vector<1x16xf32> to vector<16xf32>
      %swap3A_154 = vector.shape_cast %add3A_149 : vector<16xf32> to vector<1x16xf32>
      tpu.vector_store %arg7[%swap3A_150, %swap3A_151], %swap3A_154 {strides = array<i32>} : memref<32x1024xf32, #tpu.memory_space<vmem>>, vector<1x16xf32>,
      %get3A_155 = arith.index_cast %scan3A_50 : i32 to index
      %get3A_156 = arith.constant 80 : index
      %get3A_157 = tpu.vector_load %arg7[%get3A_155, %get3A_156] {strides = array<i32>} : memref<32x1024xf32, #tpu.memory_space<vmem>>, vector<1x16xf32>,
      %get3A_158 = vector.shape_cast %get3A_157 : vector<1x16xf32> to vector<16xf32>
      %get3A_159 = arith.index_cast %scan3A_50 : i32 to index
      %get3A_160 = arith.constant 80 : index
      %get3A_161 = tpu.vector_load %arg8[%get3A_159, %get3A_160] {strides = array<i32>} : memref<64x1024xf32, #tpu.memory_space<vmem>>, vector<1x16xf32>,
      %get3A_162 = vector.shape_cast %get3A_161 : vector<1x16xf32> to vector<16xf32>
      %add3A_163 = arith.addf %get3A_158, %get3A_162 : vector<16xf32>
      %add3A_164 = arith.constant 32 : i32
      %add3A_165 = arith.addi %add3A_164, %scan3A_50 : i32
      %get3A_166 = arith.index_cast %add3A_165 : i32 to index
      %get3A_167 = arith.constant 80 : index
      %get3A_168 = tpu.vector_load %arg8[%get3A_166, %get3A_167] {strides = array<i32>} : memref<64x1024xf32, #tpu.memory_space<vmem>>, vector<1x16xf32>,
      %get3A_169 = vector.shape_cast %get3A_168 : vector<1x16xf32> to vector<16xf32>
      %add3A_170 = arith.addf %add3A_163, %get3A_169 : vector<16xf32>
      %swap3A_171 = arith.index_cast %scan3A_50 : i32 to index
      %swap3A_172 = arith.constant 80 : index
      %swap3A_173 = tpu.vector_load %arg7[%swap3A_171, %swap3A_172] {strides = array<i32>} : memref<32x1024xf32, #tpu.memory_space<vmem>>, vector<1x16xf32>,
      %swap3A_174 = vector.shape_cast %swap3A_173 : vector<1x16xf32> to vector<16xf32>
      %swap3A_175 = vector.shape_cast %add3A_170 : vector<16xf32> to vector<1x16xf32>
      tpu.vector_store %arg7[%swap3A_171, %swap3A_172], %swap3A_175 {strides = array<i32>} : memref<32x1024xf32, #tpu.memory_space<vmem>>, vector<1x16xf32>,
      %get3A_176 = arith.index_cast %scan3A_50 : i32 to index
      %get3A_177 = arith.constant 96 : index
      %get3A_178 = tpu.vector_load %arg7[%get3A_176, %get3A_177] {strides = array<i32>} : memref<32x1024xf32, #tpu.memory_space<vmem>>, vector<1x16xf32>,
      %get3A_179 = vector.shape_cast %get3A_178 : vector<1x16xf32> to vector<16xf32>
      %get3A_180 = arith.index_cast %scan3A_50 : i32 to index
      %get3A_181 = arith.constant 96 : index
      %get3A_182 = tpu.vector_load %arg8[%get3A_180, %get3A_181] {strides = array<i32>} : memref<64x1024xf32, #tpu.memory_space<vmem>>, vector<1x16xf32>,
      %get3A_183 = vector.shape_cast %get3A_182 : vector<1x16xf32> to vector<16xf32>
      %add3A_184 = arith.addf %get3A_179, %get3A_183 : vector<16xf32>
      %add3A_185 = arith.constant 32 : i32
      %add3A_186 = arith.addi %add3A_185, %scan3A_50 : i32
      %get3A_187 = arith.index_cast %add3A_186 : i32 to index
      %get3A_188 = arith.constant 96 : index
      %get3A_189 = tpu.vector_load %arg8[%get3A_187, %get3A_188] {strides = array<i32>} : memref<64x1024xf32, #tpu.memory_space<vmem>>, vector<1x16xf32>,
      %get3A_190 = vector.shape_cast %get3A_189 : vector<1x16xf32> to vector<16xf32>
      %add3A_191 = arith.addf %add3A_184, %get3A_190 : vector<16xf32>
      %swap3A_192 = arith.index_cast %scan3A_50 : i32 to index
      %swap3A_193 = arith.constant 96 : index
      %swap3A_194 = tpu.vector_load %arg7[%swap3A_192, %swap3A_193] {strides = array<i32>} : memref<32x1024xf32, #tpu.memory_space<vmem>>, vector<1x16xf32>,
      %swap3A_195 = vector.shape_cast %swap3A_194 : vector<1x16xf32> to vector<16xf32>
      %swap3A_196 = vector.shape_cast %add3A_191 : vector<16xf32> to vector<1x16xf32>
      tpu.vector_store %arg7[%swap3A_192, %swap3A_193], %swap3A_196 {strides = array<i32>} : memref<32x1024xf32, #tpu.memory_space<vmem>>, vector<1x16xf32>,
      %get3A_197 = arith.index_cast %scan3A_50 : i32 to index
      %get3A_198 = arith.constant 112 : index
      %get3A_199 = tpu.vector_load %arg7[%get3A_197, %get3A_198] {strides = array<i32>} : memref<32x1024xf32, #tpu.memory_space<vmem>>, vector<1x16xf32>,
      %get3A_200 = vector.shape_cast %get3A_199 : vector<1x16xf32> to vector<16xf32>
      %get3A_201 = arith.index_cast %scan3A_50 : i32 to index
      %get3A_202 = arith.constant 112 : index
      %get3A_203 = tpu.vector_load %arg8[%get3A_201, %get3A_202] {strides = array<i32>} : memref<64x1024xf32, #tpu.memory_space<vmem>>, vector<1x16xf32>,
      %get3A_204 = vector.shape_cast %get3A_203 : vector<1x16xf32> to vector<16xf32>
      %add3A_205 = arith.addf %get3A_200, %get3A_204 : vector<16xf32>
      %add3A_206 = arith.constant 32 : i32
      %add3A_207 = arith.addi %add3A_206, %scan3A_50 : i32
      %get3A_208 = arith.index_cast %add3A_207 : i32 to index
      %get3A_209 = arith.constant 112 : index
      %get3A_210 = tpu.vector_load %arg8[%get3A_208, %get3A_209] {strides = array<i32>} : memref<64x1024xf32, #tpu.memory_space<vmem>>, vector<1x16xf32>,
      %get3A_211 = vector.shape_cast %get3A_210 : vector<1x16xf32> to vector<16xf32>
      %add3A_212 = arith.addf %add3A_205, %get3A_211 : vector<16xf32>
      %swap3A_213 = arith.index_cast %scan3A_50 : i32 to index
      %swap3A_214 = arith.constant 112 : index
      %swap3A_215 = tpu.vector_load %arg7[%swap3A_213, %swap3A_214] {strides = array<i32>} : memref<32x1024xf32, #tpu.memory_space<vmem>>, vector<1x16xf32>,
      %swap3A_216 = vector.shape_cast %swap3A_215 : vector<1x16xf32> to vector<16xf32>
      %swap3A_217 = vector.shape_cast %add3A_212 : vector<16xf32> to vector<1x16xf32>
      tpu.vector_store %arg7[%swap3A_213, %swap3A_214], %swap3A_217 {strides = array<i32>} : memref<32x1024xf32, #tpu.memory_space<vmem>>, vector<1x16xf32>,
      %get3A_218 = arith.index_cast %scan3A_50 : i32 to index
      %get3A_219 = arith.constant 128 : index
      %get3A_220 = tpu.vector_load %arg7[%get3A_218, %get3A_219] {strides = array<i32>} : memref<32x1024xf32, #tpu.memory_space<vmem>>, vector<1x16xf32>,
      %get3A_221 = vector.shape_cast %get3A_220 : vector<1x16xf32> to vector<16xf32>
      %get3A_222 = arith.index_cast %scan3A_50 : i32 to index
      %get3A_223 = arith.constant 128 : index
      %get3A_224 = tpu.vector_load %arg8[%get3A_222, %get3A_223] {strides = array<i32>} : memref<64x1024xf32, #tpu.memory_space<vmem>>, vector<1x16xf32>,
      %get3A_225 = vector.shape_cast %get3A_224 : vector<1x16xf32> to vector<16xf32>
      %add3A_226 = arith.addf %get3A_221, %get3A_225 : vector<16xf32>
      %add3A_227 = arith.constant 32 : i32
      %add3A_228 = arith.addi %add3A_227, %scan3A_50 : i32
      %get3A_229 = arith.index_cast %add3A_228 : i32 to index
      %get3A_230 = arith.constant 128 : index
      %get3A_231 = tpu.vector_load %arg8[%get3A_229, %get3A_230] {strides = array<i32>} : memref<64x1024xf32, #tpu.memory_space<vmem>>, vector<1x16xf32>,
      %get3A_232 = vector.shape_cast %get3A_231 : vector<1x16xf32> to vector<16xf32>
      %add3A_233 = arith.addf %add3A_226, %get3A_232 : vector<16xf32>
      %swap3A_234 = arith.index_cast %scan3A_50 : i32 to index
      %swap3A_235 = arith.constant 128 : index
      %swap3A_236 = tpu.vector_load %arg7[%swap3A_234, %swap3A_235] {strides = array<i32>} : memref<32x1024xf32, #tpu.memory_space<vmem>>, vector<1x16xf32>,
      %swap3A_237 = vector.shape_cast %swap3A_236 : vector<1x16xf32> to vector<16xf32>
      %swap3A_238 = vector.shape_cast %add3A_233 : vector<16xf32> to vector<1x16xf32>
      tpu.vector_store %arg7[%swap3A_234, %swap3A_235], %swap3A_238 {strides = array<i32>} : memref<32x1024xf32, #tpu.memory_space<vmem>>, vector<1x16xf32>,
      %get3A_239 = arith.index_cast %scan3A_50 : i32 to index
      %get3A_240 = arith.constant 144 : index
      %get3A_241 = tpu.vector_load %arg7[%get3A_239, %get3A_240] {strides = array<i32>} : memref<32x1024xf32, #tpu.memory_space<vmem>>, vector<1x16xf32>,
      %get3A_242 = vector.shape_cast %get3A_241 : vector<1x16xf32> to vector<16xf32>
      %get3A_243 = arith.index_cast %scan3A_50 : i32 to index
      %get3A_244 = arith.constant 144 : index
      %get3A_245 = tpu.vector_load %arg8[%get3A_243, %get3A_244] {strides = array<i32>} : memref<64x1024xf32, #tpu.memory_space<vmem>>, vector<1x16xf32>,
      %get3A_246 = vector.shape_cast %get3A_245 : vector<1x16xf32> to vector<16xf32>
      %add3A_247 = arith.addf %get3A_242, %get3A_246 : vector<16xf32>
      %add3A_248 = arith.constant 32 : i32
      %add3A_249 = arith.addi %add3A_248, %scan3A_50 : i32
      %get3A_250 = arith.index_cast %add3A_249 : i32 to index
      %get3A_251 = arith.constant 144 : index
      %get3A_252 = tpu.vector_load %arg8[%get3A_250, %get3A_251] {strides = array<i32>} : memref<64x1024xf32, #tpu.memory_space<vmem>>, vector<1x16xf32>,
      %get3A_253 = vector.shape_cast %get3A_252 : vector<1x16xf32> to vector<16xf32>
      %add3A_254 = arith.addf %add3A_247, %get3A_253 : vector<16xf32>
      %swap3A_255 = arith.index_cast %scan3A_50 : i32 to index
      %swap3A_256 = arith.constant 144 : index
      %swap3A_257 = tpu.vector_load %arg7[%swap3A_255, %swap3A_256] {strides = array<i32>} : memref<32x1024xf32, #tpu.memory_space<vmem>>, vector<1x16xf32>,
      %swap3A_258 = vector.shape_cast %swap3A_257 : vector<1x16xf32> to vector<16xf32>
      %swap3A_259 = vector.shape_cast %add3A_254 : vector<16xf32> to vector<1x16xf32>
      tpu.vector_store %arg7[%swap3A_255, %swap3A_256], %swap3A_259 {strides = array<i32>} : memref<32x1024xf32, #tpu.memory_space<vmem>>, vector<1x16xf32>,
      %get3A_260 = arith.index_cast %scan3A_50 : i32 to index
      %get3A_261 = arith.constant 160 : index
      %get3A_262 = tpu.vector_load %arg7[%get3A_260, %get3A_261] {strides = array<i32>} : memref<32x1024xf32, #tpu.memory_space<vmem>>, vector<1x16xf32>,
      %get3A_263 = vector.shape_cast %get3A_262 : vector<1x16xf32> to vector<16xf32>
      %get3A_264 = arith.index_cast %scan3A_50 : i32 to index
      %get3A_265 = arith.constant 160 : index
      %get3A_266 = tpu.vector_load %arg8[%get3A_264, %get3A_265] {strides = array<i32>} : memref<64x1024xf32, #tpu.memory_space<vmem>>, vector<1x16xf32>,
      %get3A_267 = vector.shape_cast %get3A_266 : vector<1x16xf32> to vector<16xf32>
      %add3A_268 = arith.addf %get3A_263, %get3A_267 : vector<16xf32>
      %add3A_269 = arith.constant 32 : i32
      %add3A_270 = arith.addi %add3A_269, %scan3A_50 : i32
      %get3A_271 = arith.index_cast %add3A_270 : i32 to index
      %get3A_272 = arith.constant 160 : index
      %get3A_273 = tpu.vector_load %arg8[%get3A_271, %get3A_272] {strides = array<i32>} : memref<64x1024xf32, #tpu.memory_space<vmem>>, vector<1x16xf32>,
      %get3A_274 = vector.shape_cast %get3A_273 : vector<1x16xf32> to vector<16xf32>
      %add3A_275 = arith.addf %add3A_268, %get3A_274 : vector<16xf32>
      %swap3A_276 = arith.index_cast %scan3A_50 : i32 to index
      %swap3A_277 = arith.constant 160 : index
      %swap3A_278 = tpu.vector_load %arg7[%swap3A_276, %swap3A_277] {strides = array<i32>} : memref<32x1024xf32, #tpu.memory_space<vmem>>, vector<1x16xf32>,
      %swap3A_279 = vector.shape_cast %swap3A_278 : vector<1x16xf32> to vector<16xf32>
      %swap3A_280 = vector.shape_cast %add3A_275 : vector<16xf32> to vector<1x16xf32>
      tpu.vector_store %arg7[%swap3A_276, %swap3A_277], %swap3A_280 {strides = array<i32>} : memref<32x1024xf32, #tpu.memory_space<vmem>>, vector<1x16xf32>,
      %get3A_281 = arith.index_cast %scan3A_50 : i32 to index
      %get3A_282 = arith.constant 176 : index
      %get3A_283 = tpu.vector_load %arg7[%get3A_281, %get3A_282] {strides = array<i32>} : memref<32x1024xf32, #tpu.memory_space<vmem>>, vector<1x16xf32>,
      %get3A_284 = vector.shape_cast %get3A_283 : vector<1x16xf32> to vector<16xf32>
      %get3A_285 = arith.index_cast %scan3A_50 : i32 to index
      %get3A_286 = arith.constant 176 : index
      %get3A_287 = tpu.vector_load %arg8[%get3A_285, %get3A_286] {strides = array<i32>} : memref<64x1024xf32, #tpu.memory_space<vmem>>, vector<1x16xf32>,
      %get3A_288 = vector.shape_cast %get3A_287 : vector<1x16xf32> to vector<16xf32>
      %add3A_289 = arith.addf %get3A_284, %get3A_288 : vector<16xf32>
      %add3A_290 = arith.constant 32 : i32
      %add3A_291 = arith.addi %add3A_290, %scan3A_50 : i32
      %get3A_292 = arith.index_cast %add3A_291 : i32 to index
      %get3A_293 = arith.constant 176 : index
      %get3A_294 = tpu.vector_load %arg8[%get3A_292, %get3A_293] {strides = array<i32>} : memref<64x1024xf32, #tpu.memory_space<vmem>>, vector<1x16xf32>,
      %get3A_295 = vector.shape_cast %get3A_294 : vector<1x16xf32> to vector<16xf32>
      %add3A_296 = arith.addf %add3A_289, %get3A_295 : vector<16xf32>
      %swap3A_297 = arith.index_cast %scan3A_50 : i32 to index
      %swap3A_298 = arith.constant 176 : index
      %swap3A_299 = tpu.vector_load %arg7[%swap3A_297, %swap3A_298] {strides = array<i32>} : memref<32x1024xf32, #tpu.memory_space<vmem>>, vector<1x16xf32>,
      %swap3A_300 = vector.shape_cast %swap3A_299 : vector<1x16xf32> to vector<16xf32>
      %swap3A_301 = vector.shape_cast %add3A_296 : vector<16xf32> to vector<1x16xf32>
      tpu.vector_store %arg7[%swap3A_297, %swap3A_298], %swap3A_301 {strides = array<i32>} : memref<32x1024xf32, #tpu.memory_space<vmem>>, vector<1x16xf32>,
      %get3A_302 = arith.index_cast %scan3A_50 : i32 to index
      %get3A_303 = arith.constant 192 : index
      %get3A_304 = tpu.vector_load %arg7[%get3A_302, %get3A_303] {strides = array<i32>} : memref<32x1024xf32, #tpu.memory_space<vmem>>, vector<1x16xf32>,
      %get3A_305 = vector.shape_cast %get3A_304 : vector<1x16xf32> to vector<16xf32>
      %get3A_306 = arith.index_cast %scan3A_50 : i32 to index
      %get3A_307 = arith.constant 192 : index
      %get3A_308 = tpu.vector_load %arg8[%get3A_306, %get3A_307] {strides = array<i32>} : memref<64x1024xf32, #tpu.memory_space<vmem>>, vector<1x16xf32>,
      %get3A_309 = vector.shape_cast %get3A_308 : vector<1x16xf32> to vector<16xf32>
      %add3A_310 = arith.addf %get3A_305, %get3A_309 : vector<16xf32>
      %add3A_311 = arith.constant 32 : i32
      %add3A_312 = arith.addi %add3A_311, %scan3A_50 : i32
      %get3A_313 = arith.index_cast %add3A_312 : i32 to index
      %get3A_314 = arith.constant 192 : index
      %get3A_315 = tpu.vector_load %arg8[%get3A_313, %get3A_314] {strides = array<i32>} : memref<64x1024xf32, #tpu.memory_space<vmem>>, vector<1x16xf32>,
      %get3A_316 = vector.shape_cast %get3A_315 : vector<1x16xf32> to vector<16xf32>
      %add3A_317 = arith.addf %add3A_310, %get3A_316 : vector<16xf32>
      %swap3A_318 = arith.index_cast %scan3A_50 : i32 to index
      %swap3A_319 = arith.constant 192 : index
      %swap3A_320 = tpu.vector_load %arg7[%swap3A_318, %swap3A_319] {strides = array<i32>} : memref<32x1024xf32, #tpu.memory_space<vmem>>, vector<1x16xf32>,
      %swap3A_321 = vector.shape_cast %swap3A_320 : vector<1x16xf32> to vector<16xf32>
      %swap3A_322 = vector.shape_cast %add3A_317 : vector<16xf32> to vector<1x16xf32>
      tpu.vector_store %arg7[%swap3A_318, %swap3A_319], %swap3A_322 {strides = array<i32>} : memref<32x1024xf32, #tpu.memory_space<vmem>>, vector<1x16xf32>,
      %get3A_323 = arith.index_cast %scan3A_50 : i32 to index
      %get3A_324 = arith.constant 208 : index
      %get3A_325 = tpu.vector_load %arg7[%get3A_323, %get3A_324] {strides = array<i32>} : memref<32x1024xf32, #tpu.memory_space<vmem>>, vector<1x16xf32>,
      %get3A_326 = vector.shape_cast %get3A_325 : vector<1x16xf32> to vector<16xf32>
      %get3A_327 = arith.index_cast %scan3A_50 : i32 to index
      %get3A_328 = arith.constant 208 : index
      %get3A_329 = tpu.vector_load %arg8[%get3A_327, %get3A_328] {strides = array<i32>} : memref<64x1024xf32, #tpu.memory_space<vmem>>, vector<1x16xf32>,
      %get3A_330 = vector.shape_cast %get3A_329 : vector<1x16xf32> to vector<16xf32>
      %add3A_331 = arith.addf %get3A_326, %get3A_330 : vector<16xf32>
      %add3A_332 = arith.constant 32 : i32
      %add3A_333 = arith.addi %add3A_332, %scan3A_50 : i32
      %get3A_334 = arith.index_cast %add3A_333 : i32 to index
      %get3A_335 = arith.constant 208 : index
      %get3A_336 = tpu.vector_load %arg8[%get3A_334, %get3A_335] {strides = array<i32>} : memref<64x1024xf32, #tpu.memory_space<vmem>>, vector<1x16xf32>,
      %get3A_337 = vector.shape_cast %get3A_336 : vector<1x16xf32> to vector<16xf32>
      %add3A_338 = arith.addf %add3A_331, %get3A_337 : vector<16xf32>
      %swap3A_339 = arith.index_cast %scan3A_50 : i32 to index
      %swap3A_340 = arith.constant 208 : index
      %swap3A_341 = tpu.vector_load %arg7[%swap3A_339, %swap3A_340] {strides = array<i32>} : memref<32x1024xf32, #tpu.memory_space<vmem>>, vector<1x16xf32>,
      %swap3A_342 = vector.shape_cast %swap3A_341 : vector<1x16xf32> to vector<16xf32>
      %swap3A_343 = vector.shape_cast %add3A_338 : vector<16xf32> to vector<1x16xf32>
      tpu.vector_store %arg7[%swap3A_339, %swap3A_340], %swap3A_343 {strides = array<i32>} : memref<32x1024xf32, #tpu.memory_space<vmem>>, vector<1x16xf32>,
      %get3A_344 = arith.index_cast %scan3A_50 : i32 to index
      %get3A_345 = arith.constant 224 : index
      %get3A_346 = tpu.vector_load %arg7[%get3A_344, %get3A_345] {strides = array<i32>} : memref<32x1024xf32, #tpu.memory_space<vmem>>, vector<1x16xf32>,
      %get3A_347 = vector.shape_cast %get3A_346 : vector<1x16xf32> to vector<16xf32>
      %get3A_348 = arith.index_cast %scan3A_50 : i32 to index
      %get3A_349 = arith.constant 224 : index
      %get3A_350 = tpu.vector_load %arg8[%get3A_348, %get3A_349] {strides = array<i32>} : memref<64x1024xf32, #tpu.memory_space<vmem>>, vector<1x16xf32>,
      %get3A_351 = vector.shape_cast %get3A_350 : vector<1x16xf32> to vector<16xf32>
      %add3A_352 = arith.addf %get3A_347, %get3A_351 : vector<16xf32>
      %add3A_353 = arith.constant 32 : i32
      %add3A_354 = arith.addi %add3A_353, %scan3A_50 : i32
      %get3A_355 = arith.index_cast %add3A_354 : i32 to index
      %get3A_356 = arith.constant 224 : index
      %get3A_357 = tpu.vector_load %arg8[%get3A_355, %get3A_356] {strides = array<i32>} : memref<64x1024xf32, #tpu.memory_space<vmem>>, vector<1x16xf32>,
      %get3A_358 = vector.shape_cast %get3A_357 : vector<1x16xf32> to vector<16xf32>
      %add3A_359 = arith.addf %add3A_352, %get3A_358 : vector<16xf32>
      %swap3A_360 = arith.index_cast %scan3A_50 : i32 to index
      %swap3A_361 = arith.constant 224 : index
      %swap3A_362 = tpu.vector_load %arg7[%swap3A_360, %swap3A_361] {strides = array<i32>} : memref<32x1024xf32, #tpu.memory_space<vmem>>, vector<1x16xf32>,
      %swap3A_363 = vector.shape_cast %swap3A_362 : vector<1x16xf32> to vector<16xf32>
      %swap3A_364 = vector.shape_cast %add3A_359 : vector<16xf32> to vector<1x16xf32>
      tpu.vector_store %arg7[%swap3A_360, %swap3A_361], %swap3A_364 {strides = array<i32>} : memref<32x1024xf32, #tpu.memory_space<vmem>>, vector<1x16xf32>,
      %get3A_365 = arith.index_cast %scan3A_50 : i32 to index
      %get3A_366 = arith.constant 240 : index
      %get3A_367 = tpu.vector_load %arg7[%get3A_365, %get3A_366] {strides = array<i32>} : memref<32x1024xf32, #tpu.memory_space<vmem>>, vector<1x16xf32>,
      %get3A_368 = vector.shape_cast %get3A_367 : vector<1x16xf32> to vector<16xf32>
      %get3A_369 = arith.index_cast %scan3A_50 : i32 to index
      %get3A_370 = arith.constant 240 : index
      %get3A_371 = tpu.vector_load %arg8[%get3A_369, %get3A_370] {strides = array<i32>} : memref<64x1024xf32, #tpu.memory_space<vmem>>, vector<1x16xf32>,
      %get3A_372 = vector.shape_cast %get3A_371 : vector<1x16xf32> to vector<16xf32>
      %add3A_373 = arith.addf %get3A_368, %get3A_372 : vector<16xf32>
      %add3A_374 = arith.constant 32 : i32
      %add3A_375 = arith.addi %add3A_374, %scan3A_50 : i32
      %get3A_376 = arith.index_cast %add3A_375 : i32 to index
      %get3A_377 = arith.constant 240 : index
      %get3A_378 = tpu.vector_load %arg8[%get3A_376, %get3A_377] {strides = array<i32>} : memref<64x1024xf32, #tpu.memory_space<vmem>>, vector<1x16xf32>,
      %get3A_379 = vector.shape_cast %get3A_378 : vector<1x16xf32> to vector<16xf32>
      %add3A_380 = arith.addf %add3A_373, %get3A_379 : vector<16xf32>
      %swap3A_381 = arith.index_cast %scan3A_50 : i32 to index
      %swap3A_382 = arith.constant 240 : index
      %swap3A_383 = tpu.vector_load %arg7[%swap3A_381, %swap3A_382] {strides = array<i32>} : memref<32x1024xf32, #tpu.memory_space<vmem>>, vector<1x16xf32>,
      %swap3A_384 = vector.shape_cast %swap3A_383 : vector<1x16xf32> to vector<16xf32>
      %swap3A_385 = vector.shape_cast %add3A_380 : vector<16xf32> to vector<1x16xf32>
      tpu.vector_store %arg7[%swap3A_381, %swap3A_382], %swap3A_385 {strides = array<i32>} : memref<32x1024xf32, #tpu.memory_space<vmem>>, vector<1x16xf32>,
      %get3A_386 = arith.index_cast %scan3A_50 : i32 to index
      %get3A_387 = arith.constant 256 : index
      %get3A_388 = tpu.vector_load %arg7[%get3A_386, %get3A_387] {strides = array<i32>} : memref<32x1024xf32, #tpu.memory_space<vmem>>, vector<1x16xf32>,
      %get3A_389 = vector.shape_cast %get3A_388 : vector<1x16xf32> to vector<16xf32>
      %get3A_390 = arith.index_cast %scan3A_50 : i32 to index
      %get3A_391 = arith.constant 256 : index
      %get3A_392 = tpu.vector_load %arg8[%get3A_390, %get3A_391] {strides = array<i32>} : memref<64x1024xf32, #tpu.memory_space<vmem>>, vector<1x16xf32>,
      %get3A_393 = vector.shape_cast %get3A_392 : vector<1x16xf32> to vector<16xf32>
      %add3A_394 = arith.addf %get3A_389, %get3A_393 : vector<16xf32>
      %add3A_395 = arith.constant 32 : i32
      %add3A_396 = arith.addi %add3A_395, %scan3A_50 : i32
      %get3A_397 = arith.index_cast %add3A_396 : i32 to index
      %get3A_398 = arith.constant 256 : index
      %get3A_399 = tpu.vector_load %arg8[%get3A_397, %get3A_398] {strides = array<i32>} : memref<64x1024xf32, #tpu.memory_space<vmem>>, vector<1x16xf32>,
      %get3A_400 = vector.shape_cast %get3A_399 : vector<1x16xf32> to vector<16xf32>
      %add3A_401 = arith.addf %add3A_394, %get3A_400 : vector<16xf32>
      %swap3A_402 = arith.index_cast %scan3A_50 : i32 to index
      %swap3A_403 = arith.constant 256 : index
      %swap3A_404 = tpu.vector_load %arg7[%swap3A_402, %swap3A_403] {strides = array<i32>} : memref<32x1024xf32, #tpu.memory_space<vmem>>, vector<1x16xf32>,
      %swap3A_405 = vector.shape_cast %swap3A_404 : vector<1x16xf32> to vector<16xf32>
      %swap3A_406 = vector.shape_cast %add3A_401 : vector<16xf32> to vector<1x16xf32>
      tpu.vector_store %arg7[%swap3A_402, %swap3A_403], %swap3A_406 {strides = array<i32>} : memref<32x1024xf32, #tpu.memory_space<vmem>>, vector<1x16xf32>,
      %get3A_407 = arith.index_cast %scan3A_50 : i32 to index
      %get3A_408 = arith.constant 272 : index
      %get3A_409 = tpu.vector_load %arg7[%get3A_407, %get3A_408] {strides = array<i32>} : memref<32x1024xf32, #tpu.memory_space<vmem>>, vector<1x16xf32>,
      %get3A_410 = vector.shape_cast %get3A_409 : vector<1x16xf32> to vector<16xf32>
      %get3A_411 = arith.index_cast %scan3A_50 : i32 to index
      %get3A_412 = arith.constant 272 : index
      %get3A_413 = tpu.vector_load %arg8[%get3A_411, %get3A_412] {strides = array<i32>} : memref<64x1024xf32, #tpu.memory_space<vmem>>, vector<1x16xf32>,
      %get3A_414 = vector.shape_cast %get3A_413 : vector<1x16xf32> to vector<16xf32>
      %add3A_415 = arith.addf %get3A_410, %get3A_414 : vector<16xf32>
      %add3A_416 = arith.constant 32 : i32
      %add3A_417 = arith.addi %add3A_416, %scan3A_50 : i32
      %get3A_418 = arith.index_cast %add3A_417 : i32 to index
      %get3A_419 = arith.constant 272 : index
      %get3A_420 = tpu.vector_load %arg8[%get3A_418, %get3A_419] {strides = array<i32>} : memref<64x1024xf32, #tpu.memory_space<vmem>>, vector<1x16xf32>,
      %get3A_421 = vector.shape_cast %get3A_420 : vector<1x16xf32> to vector<16xf32>
      %add3A_422 = arith.addf %add3A_415, %get3A_421 : vector<16xf32>
      %swap3A_423 = arith.index_cast %scan3A_50 : i32 to index
      %swap3A_424 = arith.constant 272 : index
      %swap3A_425 = tpu.vector_load %arg7[%swap3A_423, %swap3A_424] {strides = array<i32>} : memref<32x1024xf32, #tpu.memory_space<vmem>>, vector<1x16xf32>,
      %swap3A_426 = vector.shape_cast %swap3A_425 : vector<1x16xf32> to vector<16xf32>
      %swap3A_427 = vector.shape_cast %add3A_422 : vector<16xf32> to vector<1x16xf32>
      tpu.vector_store %arg7[%swap3A_423, %swap3A_424], %swap3A_427 {strides = array<i32>} : memref<32x1024xf32, #tpu.memory_space<vmem>>, vector<1x16xf32>,
      %get3A_428 = arith.index_cast %scan3A_50 : i32 to index
      %get3A_429 = arith.constant 288 : index
      %get3A_430 = tpu.vector_load %arg7[%get3A_428, %get3A_429] {strides = array<i32>} : memref<32x1024xf32, #tpu.memory_space<vmem>>, vector<1x16xf32>,
      %get3A_431 = vector.shape_cast %get3A_430 : vector<1x16xf32> to vector<16xf32>
      %get3A_432 = arith.index_cast %scan3A_50 : i32 to index
      %get3A_433 = arith.constant 288 : index
      %get3A_434 = tpu.vector_load %arg8[%get3A_432, %get3A_433] {strides = array<i32>} : memref<64x1024xf32, #tpu.memory_space<vmem>>, vector<1x16xf32>,
      %get3A_435 = vector.shape_cast %get3A_434 : vector<1x16xf32> to vector<16xf32>
      %add3A_436 = arith.addf %get3A_431, %get3A_435 : vector<16xf32>
      %add3A_437 = arith.constant 32 : i32
      %add3A_438 = arith.addi %add3A_437, %scan3A_50 : i32
      %get3A_439 = arith.index_cast %add3A_438 : i32 to index
      %get3A_440 = arith.constant 288 : index
      %get3A_441 = tpu.vector_load %arg8[%get3A_439, %get3A_440] {strides = array<i32>} : memref<64x1024xf32, #tpu.memory_space<vmem>>, vector<1x16xf32>,
      %get3A_442 = vector.shape_cast %get3A_441 : vector<1x16xf32> to vector<16xf32>
      %add3A_443 = arith.addf %add3A_436, %get3A_442 : vector<16xf32>
      %swap3A_444 = arith.index_cast %scan3A_50 : i32 to index
      %swap3A_445 = arith.constant 288 : index
      %swap3A_446 = tpu.vector_load %arg7[%swap3A_444, %swap3A_445] {strides = array<i32>} : memref<32x1024xf32, #tpu.memory_space<vmem>>, vector<1x16xf32>,
      %swap3A_447 = vector.shape_cast %swap3A_446 : vector<1x16xf32> to vector<16xf32>
      %swap3A_448 = vector.shape_cast %add3A_443 : vector<16xf32> to vector<1x16xf32>
      tpu.vector_store %arg7[%swap3A_444, %swap3A_445], %swap3A_448 {strides = array<i32>} : memref<32x1024xf32, #tpu.memory_space<vmem>>, vector<1x16xf32>,
      %get3A_449 = arith.index_cast %scan3A_50 : i32 to index
      %get3A_450 = arith.constant 304 : index
      %get3A_451 = tpu.vector_load %arg7[%get3A_449, %get3A_450] {strides = array<i32>} : memref<32x1024xf32, #tpu.memory_space<vmem>>, vector<1x16xf32>,
      %get3A_452 = vector.shape_cast %get3A_451 : vector<1x16xf32> to vector<16xf32>
      %get3A_453 = arith.index_cast %scan3A_50 : i32 to index
      %get3A_454 = arith.constant 304 : index
      %get3A_455 = tpu.vector_load %arg8[%get3A_453, %get3A_454] {strides = array<i32>} : memref<64x1024xf32, #tpu.memory_space<vmem>>, vector<1x16xf32>,
      %get3A_456 = vector.shape_cast %get3A_455 : vector<1x16xf32> to vector<16xf32>
      %add3A_457 = arith.addf %get3A_452, %get3A_456 : vector<16xf32>
      %add3A_458 = arith.constant 32 : i32
      %add3A_459 = arith.addi %add3A_458, %scan3A_50 : i32
      %get3A_460 = arith.index_cast %add3A_459 : i32 to index
      %get3A_461 = arith.constant 304 : index
      %get3A_462 = tpu.vector_load %arg8[%get3A_460, %get3A_461] {strides = array<i32>} : memref<64x1024xf32, #tpu.memory_space<vmem>>, vector<1x16xf32>,
      %get3A_463 = vector.shape_cast %get3A_462 : vector<1x16xf32> to vector<16xf32>
      %add3A_464 = arith.addf %add3A_457, %get3A_463 : vector<16xf32>
      %swap3A_465 = arith.index_cast %scan3A_50 : i32 to index
      %swap3A_466 = arith.constant 304 : index
      %swap3A_467 = tpu.vector_load %arg7[%swap3A_465, %swap3A_466] {strides = array<i32>} : memref<32x1024xf32, #tpu.memory_space<vmem>>, vector<1x16xf32>,
      %swap3A_468 = vector.shape_cast %swap3A_467 : vector<1x16xf32> to vector<16xf32>
      %swap3A_469 = vector.shape_cast %add3A_464 : vector<16xf32> to vector<1x16xf32>
      tpu.vector_store %arg7[%swap3A_465, %swap3A_466], %swap3A_469 {strides = array<i32>} : memref<32x1024xf32, #tpu.memory_space<vmem>>, vector<1x16xf32>,
      %get3A_470 = arith.index_cast %scan3A_50 : i32 to index
      %get3A_471 = arith.constant 320 : index
      %get3A_472 = tpu.vector_load %arg7[%get3A_470, %get3A_471] {strides = array<i32>} : memref<32x1024xf32, #tpu.memory_space<vmem>>, vector<1x16xf32>,
      %get3A_473 = vector.shape_cast %get3A_472 : vector<1x16xf32> to vector<16xf32>
      %get3A_474 = arith.index_cast %scan3A_50 : i32 to index
      %get3A_475 = arith.constant 320 : index
      %get3A_476 = tpu.vector_load %arg8[%get3A_474, %get3A_475] {strides = array<i32>} : memref<64x1024xf32, #tpu.memory_space<vmem>>, vector<1x16xf32>,
      %get3A_477 = vector.shape_cast %get3A_476 : vector<1x16xf32> to vector<16xf32>
      %add3A_478 = arith.addf %get3A_473, %get3A_477 : vector<16xf32>
      %add3A_479 = arith.constant 32 : i32
      %add3A_480 = arith.addi %add3A_479, %scan3A_50 : i32
      %get3A_481 = arith.index_cast %add3A_480 : i32 to index
      %get3A_482 = arith.constant 320 : index
      %get3A_483 = tpu.vector_load %arg8[%get3A_481, %get3A_482] {strides = array<i32>} : memref<64x1024xf32, #tpu.memory_space<vmem>>, vector<1x16xf32>,
      %get3A_484 = vector.shape_cast %get3A_483 : vector<1x16xf32> to vector<16xf32>
      %add3A_485 = arith.addf %add3A_478, %get3A_484 : vector<16xf32>
      %swap3A_486 = arith.index_cast %scan3A_50 : i32 to index
      %swap3A_487 = arith.constant 320 : index
      %swap3A_488 = tpu.vector_load %arg7[%swap3A_486, %swap3A_487] {strides = array<i32>} : memref<32x1024xf32, #tpu.memory_space<vmem>>, vector<1x16xf32>,
      %swap3A_489 = vector.shape_cast %swap3A_488 : vector<1x16xf32> to vector<16xf32>
      %swap3A_490 = vector.shape_cast %add3A_485 : vector<16xf32> to vector<1x16xf32>
      tpu.vector_store %arg7[%swap3A_486, %swap3A_487], %swap3A_490 {strides = array<i32>} : memref<32x1024xf32, #tpu.memory_space<vmem>>, vector<1x16xf32>,
      %get3A_491 = arith.index_cast %scan3A_50 : i32 to index
      %get3A_492 = arith.constant 336 : index
      %get3A_493 = tpu.vector_load %arg7[%get3A_491, %get3A_492] {strides = array<i32>} : memref<32x1024xf32, #tpu.memory_space<vmem>>, vector<1x16xf32>,
      %get3A_494 = vector.shape_cast %get3A_493 : vector<1x16xf32> to vector<16xf32>
      %get3A_495 = arith.index_cast %scan3A_50 : i32 to index
      %get3A_496 = arith.constant 336 : index
      %get3A_497 = tpu.vector_load %arg8[%get3A_495, %get3A_496] {strides = array<i32>} : memref<64x1024xf32, #tpu.memory_space<vmem>>, vector<1x16xf32>,
      %get3A_498 = vector.shape_cast %get3A_497 : vector<1x16xf32> to vector<16xf32>
      %add3A_499 = arith.addf %get3A_494, %get3A_498 : vector<16xf32>
      %add3A_500 = arith.constant 32 : i32
      %add3A_501 = arith.addi %add3A_500, %scan3A_50 : i32
      %get3A_502 = arith.index_cast %add3A_501 : i32 to index
      %get3A_503 = arith.constant 336 : index
      %get3A_504 = tpu.vector_load %arg8[%get3A_502, %get3A_503] {strides = array<i32>} : memref<64x1024xf32, #tpu.memory_space<vmem>>, vector<1x16xf32>,
      %get3A_505 = vector.shape_cast %get3A_504 : vector<1x16xf32> to vector<16xf32>
      %add3A_506 = arith.addf %add3A_499, %get3A_505 : vector<16xf32>
      %swap3A_507 = arith.index_cast %scan3A_50 : i32 to index
      %swap3A_508 = arith.constant 336 : index
      %swap3A_509 = tpu.vector_load %arg7[%swap3A_507, %swap3A_508] {strides = array<i32>} : memref<32x1024xf32, #tpu.memory_space<vmem>>, vector<1x16xf32>,
      %swap3A_510 = vector.shape_cast %swap3A_509 : vector<1x16xf32> to vector<16xf32>
      %swap3A_511 = vector.shape_cast %add3A_506 : vector<16xf32> to vector<1x16xf32>
      tpu.vector_store %arg7[%swap3A_507, %swap3A_508], %swap3A_511 {strides = array<i32>} : memref<32x1024xf32, #tpu.memory_space<vmem>>, vector<1x16xf32>,
      %get3A_512 = arith.index_cast %scan3A_50 : i32 to index
      %get3A_513 = arith.constant 352 : index
      %get3A_514 = tpu.vector_load %arg7[%get3A_512, %get3A_513] {strides = array<i32>} : memref<32x1024xf32, #tpu.memory_space<vmem>>, vector<1x16xf32>,
      %get3A_515 = vector.shape_cast %get3A_514 : vector<1x16xf32> to vector<16xf32>
      %get3A_516 = arith.index_cast %scan3A_50 : i32 to index
      %get3A_517 = arith.constant 352 : index
      %get3A_518 = tpu.vector_load %arg8[%get3A_516, %get3A_517] {strides = array<i32>} : memref<64x1024xf32, #tpu.memory_space<vmem>>, vector<1x16xf32>,
      %get3A_519 = vector.shape_cast %get3A_518 : vector<1x16xf32> to vector<16xf32>
      %add3A_520 = arith.addf %get3A_515, %get3A_519 : vector<16xf32>
      %add3A_521 = arith.constant 32 : i32
      %add3A_522 = arith.addi %add3A_521, %scan3A_50 : i32
      %get3A_523 = arith.index_cast %add3A_522 : i32 to index
      %get3A_524 = arith.constant 352 : index
      %get3A_525 = tpu.vector_load %arg8[%get3A_523, %get3A_524] {strides = array<i32>} : memref<64x1024xf32, #tpu.memory_space<vmem>>, vector<1x16xf32>,
      %get3A_526 = vector.shape_cast %get3A_525 : vector<1x16xf32> to vector<16xf32>
      %add3A_527 = arith.addf %add3A_520, %get3A_526 : vector<16xf32>
      %swap3A_528 = arith.index_cast %scan3A_50 : i32 to index
      %swap3A_529 = arith.constant 352 : index
      %swap3A_530 = tpu.vector_load %arg7[%swap3A_528, %swap3A_529] {strides = array<i32>} : memref<32x1024xf32, #tpu.memory_space<vmem>>, vector<1x16xf32>,
      %swap3A_531 = vector.shape_cast %swap3A_530 : vector<1x16xf32> to vector<16xf32>
      %swap3A_532 = vector.shape_cast %add3A_527 : vector<16xf32> to vector<1x16xf32>
      tpu.vector_store %arg7[%swap3A_528, %swap3A_529], %swap3A_532 {strides = array<i32>} : memref<32x1024xf32, #tpu.memory_space<vmem>>, vector<1x16xf32>,
      %get3A_533 = arith.index_cast %scan3A_50 : i32 to index
      %get3A_534 = arith.constant 368 : index
      %get3A_535 = tpu.vector_load %arg7[%get3A_533, %get3A_534] {strides = array<i32>} : memref<32x1024xf32, #tpu.memory_space<vmem>>, vector<1x16xf32>,
      %get3A_536 = vector.shape_cast %get3A_535 : vector<1x16xf32> to vector<16xf32>
      %get3A_537 = arith.index_cast %scan3A_50 : i32 to index
      %get3A_538 = arith.constant 368 : index
      %get3A_539 = tpu.vector_load %arg8[%get3A_537, %get3A_538] {strides = array<i32>} : memref<64x1024xf32, #tpu.memory_space<vmem>>, vector<1x16xf32>,
      %get3A_540 = vector.shape_cast %get3A_539 : vector<1x16xf32> to vector<16xf32>
      %add3A_541 = arith.addf %get3A_536, %get3A_540 : vector<16xf32>
      %add3A_542 = arith.constant 32 : i32
      %add3A_543 = arith.addi %add3A_542, %scan3A_50 : i32
      %get3A_544 = arith.index_cast %add3A_543 : i32 to index
      %get3A_545 = arith.constant 368 : index
      %get3A_546 = tpu.vector_load %arg8[%get3A_544, %get3A_545] {strides = array<i32>} : memref<64x1024xf32, #tpu.memory_space<vmem>>, vector<1x16xf32>,
      %get3A_547 = vector.shape_cast %get3A_546 : vector<1x16xf32> to vector<16xf32>
      %add3A_548 = arith.addf %add3A_541, %get3A_547 : vector<16xf32>
      %swap3A_549 = arith.index_cast %scan3A_50 : i32 to index
      %swap3A_550 = arith.constant 368 : index
      %swap3A_551 = tpu.vector_load %arg7[%swap3A_549, %swap3A_550] {strides = array<i32>} : memref<32x1024xf32, #tpu.memory_space<vmem>>, vector<1x16xf32>,
      %swap3A_552 = vector.shape_cast %swap3A_551 : vector<1x16xf32> to vector<16xf32>
      %swap3A_553 = vector.shape_cast %add3A_548 : vector<16xf32> to vector<1x16xf32>
      tpu.vector_store %arg7[%swap3A_549, %swap3A_550], %swap3A_553 {strides = array<i32>} : memref<32x1024xf32, #tpu.memory_space<vmem>>, vector<1x16xf32>,
      %get3A_554 = arith.index_cast %scan3A_50 : i32 to index
      %get3A_555 = arith.constant 384 : index
      %get3A_556 = tpu.vector_load %arg7[%get3A_554, %get3A_555] {strides = array<i32>} : memref<32x1024xf32, #tpu.memory_space<vmem>>, vector<1x16xf32>,
      %get3A_557 = vector.shape_cast %get3A_556 : vector<1x16xf32> to vector<16xf32>
      %get3A_558 = arith.index_cast %scan3A_50 : i32 to index
      %get3A_559 = arith.constant 384 : index
      %get3A_560 = tpu.vector_load %arg8[%get3A_558, %get3A_559] {strides = array<i32>} : memref<64x1024xf32, #tpu.memory_space<vmem>>, vector<1x16xf32>,
      %get3A_561 = vector.shape_cast %get3A_560 : vector<1x16xf32> to vector<16xf32>
      %add3A_562 = arith.addf %get3A_557, %get3A_561 : vector<16xf32>
      %add3A_563 = arith.constant 32 : i32
      %add3A_564 = arith.addi %add3A_563, %scan3A_50 : i32
      %get3A_565 = arith.index_cast %add3A_564 : i32 to index
      %get3A_566 = arith.constant 384 : index
      %get3A_567 = tpu.vector_load %arg8[%get3A_565, %get3A_566] {strides = array<i32>} : memref<64x1024xf32, #tpu.memory_space<vmem>>, vector<1x16xf32>,
      %get3A_568 = vector.shape_cast %get3A_567 : vector<1x16xf32> to vector<16xf32>
      %add3A_569 = arith.addf %add3A_562, %get3A_568 : vector<16xf32>
      %swap3A_570 = arith.index_cast %scan3A_50 : i32 to index
      %swap3A_571 = arith.constant 384 : index
      %swap3A_572 = tpu.vector_load %arg7[%swap3A_570, %swap3A_571] {strides = array<i32>} : memref<32x1024xf32, #tpu.memory_space<vmem>>, vector<1x16xf32>,
      %swap3A_573 = vector.shape_cast %swap3A_572 : vector<1x16xf32> to vector<16xf32>
      %swap3A_574 = vector.shape_cast %add3A_569 : vector<16xf32> to vector<1x16xf32>
      tpu.vector_store %arg7[%swap3A_570, %swap3A_571], %swap3A_574 {strides = array<i32>} : memref<32x1024xf32, #tpu.memory_space<vmem>>, vector<1x16xf32>,
      %get3A_575 = arith.index_cast %scan3A_50 : i32 to index
      %get3A_576 = arith.constant 400 : index
      %get3A_577 = tpu.vector_load %arg7[%get3A_575, %get3A_576] {strides = array<i32>} : memref<32x1024xf32, #tpu.memory_space<vmem>>, vector<1x16xf32>,
      %get3A_578 = vector.shape_cast %get3A_577 : vector<1x16xf32> to vector<16xf32>
      %get3A_579 = arith.index_cast %scan3A_50 : i32 to index
      %get3A_580 = arith.constant 400 : index
      %get3A_581 = tpu.vector_load %arg8[%get3A_579, %get3A_580] {strides = array<i32>} : memref<64x1024xf32, #tpu.memory_space<vmem>>, vector<1x16xf32>,
      %get3A_582 = vector.shape_cast %get3A_581 : vector<1x16xf32> to vector<16xf32>
      %add3A_583 = arith.addf %get3A_578, %get3A_582 : vector<16xf32>
      %add3A_584 = arith.constant 32 : i32
      %add3A_585 = arith.addi %add3A_584, %scan3A_50 : i32
      %get3A_586 = arith.index_cast %add3A_585 : i32 to index
      %get3A_587 = arith.constant 400 : index
      %get3A_588 = tpu.vector_load %arg8[%get3A_586, %get3A_587] {strides = array<i32>} : memref<64x1024xf32, #tpu.memory_space<vmem>>, vector<1x16xf32>,
      %get3A_589 = vector.shape_cast %get3A_588 : vector<1x16xf32> to vector<16xf32>
      %add3A_590 = arith.addf %add3A_583, %get3A_589 : vector<16xf32>
      %swap3A_591 = arith.index_cast %scan3A_50 : i32 to index
      %swap3A_592 = arith.constant 400 : index
      %swap3A_593 = tpu.vector_load %arg7[%swap3A_591, %swap3A_592] {strides = array<i32>} : memref<32x1024xf32, #tpu.memory_space<vmem>>, vector<1x16xf32>,
      %swap3A_594 = vector.shape_cast %swap3A_593 : vector<1x16xf32> to vector<16xf32>
      %swap3A_595 = vector.shape_cast %add3A_590 : vector<16xf32> to vector<1x16xf32>
      tpu.vector_store %arg7[%swap3A_591, %swap3A_592], %swap3A_595 {strides = array<i32>} : memref<32x1024xf32, #tpu.memory_space<vmem>>, vector<1x16xf32>,
      %get3A_596 = arith.index_cast %scan3A_50 : i32 to index
      %get3A_597 = arith.constant 416 : index
      %get3A_598 = tpu.vector_load %arg7[%get3A_596, %get3A_597] {strides = array<i32>} : memref<32x1024xf32, #tpu.memory_space<vmem>>, vector<1x16xf32>,
      %get3A_599 = vector.shape_cast %get3A_598 : vector<1x16xf32> to vector<16xf32>
      %get3A_600 = arith.index_cast %scan3A_50 : i32 to index
      %get3A_601 = arith.constant 416 : index
      %get3A_602 = tpu.vector_load %arg8[%get3A_600, %get3A_601] {strides = array<i32>} : memref<64x1024xf32, #tpu.memory_space<vmem>>, vector<1x16xf32>,
      %get3A_603 = vector.shape_cast %get3A_602 : vector<1x16xf32> to vector<16xf32>
      %add3A_604 = arith.addf %get3A_599, %get3A_603 : vector<16xf32>
      %add3A_605 = arith.constant 32 : i32
      %add3A_606 = arith.addi %add3A_605, %scan3A_50 : i32
      %get3A_607 = arith.index_cast %add3A_606 : i32 to index
      %get3A_608 = arith.constant 416 : index
      %get3A_609 = tpu.vector_load %arg8[%get3A_607, %get3A_608] {strides = array<i32>} : memref<64x1024xf32, #tpu.memory_space<vmem>>, vector<1x16xf32>,
      %get3A_610 = vector.shape_cast %get3A_609 : vector<1x16xf32> to vector<16xf32>
      %add3A_611 = arith.addf %add3A_604, %get3A_610 : vector<16xf32>
      %swap3A_612 = arith.index_cast %scan3A_50 : i32 to index
      %swap3A_613 = arith.constant 416 : index
      %swap3A_614 = tpu.vector_load %arg7[%swap3A_612, %swap3A_613] {strides = array<i32>} : memref<32x1024xf32, #tpu.memory_space<vmem>>, vector<1x16xf32>,
      %swap3A_615 = vector.shape_cast %swap3A_614 : vector<1x16xf32> to vector<16xf32>
      %swap3A_616 = vector.shape_cast %add3A_611 : vector<16xf32> to vector<1x16xf32>
      tpu.vector_store %arg7[%swap3A_612, %swap3A_613], %swap3A_616 {strides = array<i32>} : memref<32x1024xf32, #tpu.memory_space<vmem>>, vector<1x16xf32>,
      %get3A_617 = arith.index_cast %scan3A_50 : i32 to index
      %get3A_618 = arith.constant 432 : index
      %get3A_619 = tpu.vector_load %arg7[%get3A_617, %get3A_618] {strides = array<i32>} : memref<32x1024xf32, #tpu.memory_space<vmem>>, vector<1x16xf32>,
      %get3A_620 = vector.shape_cast %get3A_619 : vector<1x16xf32> to vector<16xf32>
      %get3A_621 = arith.index_cast %scan3A_50 : i32 to index
      %get3A_622 = arith.constant 432 : index
      %get3A_623 = tpu.vector_load %arg8[%get3A_621, %get3A_622] {strides = array<i32>} : memref<64x1024xf32, #tpu.memory_space<vmem>>, vector<1x16xf32>,
      %get3A_624 = vector.shape_cast %get3A_623 : vector<1x16xf32> to vector<16xf32>
      %add3A_625 = arith.addf %get3A_620, %get3A_624 : vector<16xf32>
      %add3A_626 = arith.constant 32 : i32
      %add3A_627 = arith.addi %add3A_626, %scan3A_50 : i32
      %get3A_628 = arith.index_cast %add3A_627 : i32 to index
      %get3A_629 = arith.constant 432 : index
      %get3A_630 = tpu.vector_load %arg8[%get3A_628, %get3A_629] {strides = array<i32>} : memref<64x1024xf32, #tpu.memory_space<vmem>>, vector<1x16xf32>,
      %get3A_631 = vector.shape_cast %get3A_630 : vector<1x16xf32> to vector<16xf32>
      %add3A_632 = arith.addf %add3A_625, %get3A_631 : vector<16xf32>
      %swap3A_633 = arith.index_cast %scan3A_50 : i32 to index
      %swap3A_634 = arith.constant 432 : index
      %swap3A_635 = tpu.vector_load %arg7[%swap3A_633, %swap3A_634] {strides = array<i32>} : memref<32x1024xf32, #tpu.memory_space<vmem>>, vector<1x16xf32>,
      %swap3A_636 = vector.shape_cast %swap3A_635 : vector<1x16xf32> to vector<16xf32>
      %swap3A_637 = vector.shape_cast %add3A_632 : vector<16xf32> to vector<1x16xf32>
      tpu.vector_store %arg7[%swap3A_633, %swap3A_634], %swap3A_637 {strides = array<i32>} : memref<32x1024xf32, #tpu.memory_space<vmem>>, vector<1x16xf32>,
      %get3A_638 = arith.index_cast %scan3A_50 : i32 to index
      %get3A_639 = arith.constant 448 : index
      %get3A_640 = tpu.vector_load %arg7[%get3A_638, %get3A_639] {strides = array<i32>} : memref<32x1024xf32, #tpu.memory_space<vmem>>, vector<1x16xf32>,
      %get3A_641 = vector.shape_cast %get3A_640 : vector<1x16xf32> to vector<16xf32>
      %get3A_642 = arith.index_cast %scan3A_50 : i32 to index
      %get3A_643 = arith.constant 448 : index
      %get3A_644 = tpu.vector_load %arg8[%get3A_642, %get3A_643] {strides = array<i32>} : memref<64x1024xf32, #tpu.memory_space<vmem>>, vector<1x16xf32>,
      %get3A_645 = vector.shape_cast %get3A_644 : vector<1x16xf32> to vector<16xf32>
      %add3A_646 = arith.addf %get3A_641, %get3A_645 : vector<16xf32>
      %add3A_647 = arith.constant 32 : i32
      %add3A_648 = arith.addi %add3A_647, %scan3A_50 : i32
      %get3A_649 = arith.index_cast %add3A_648 : i32 to index
      %get3A_650 = arith.constant 448 : index
      %get3A_651 = tpu.vector_load %arg8[%get3A_649, %get3A_650] {strides = array<i32>} : memref<64x1024xf32, #tpu.memory_space<vmem>>, vector<1x16xf32>,
      %get3A_652 = vector.shape_cast %get3A_651 : vector<1x16xf32> to vector<16xf32>
      %add3A_653 = arith.addf %add3A_646, %get3A_652 : vector<16xf32>
      %swap3A_654 = arith.index_cast %scan3A_50 : i32 to index
      %swap3A_655 = arith.constant 448 : index
      %swap3A_656 = tpu.vector_load %arg7[%swap3A_654, %swap3A_655] {strides = array<i32>} : memref<32x1024xf32, #tpu.memory_space<vmem>>, vector<1x16xf32>,
      %swap3A_657 = vector.shape_cast %swap3A_656 : vector<1x16xf32> to vector<16xf32>
      %swap3A_658 = vector.shape_cast %add3A_653 : vector<16xf32> to vector<1x16xf32>
      tpu.vector_store %arg7[%swap3A_654, %swap3A_655], %swap3A_658 {strides = array<i32>} : memref<32x1024xf32, #tpu.memory_space<vmem>>, vector<1x16xf32>,
      %get3A_659 = arith.index_cast %scan3A_50 : i32 to index
      %get3A_660 = arith.constant 464 : index
      %get3A_661 = tpu.vector_load %arg7[%get3A_659, %get3A_660] {strides = array<i32>} : memref<32x1024xf32, #tpu.memory_space<vmem>>, vector<1x16xf32>,
      %get3A_662 = vector.shape_cast %get3A_661 : vector<1x16xf32> to vector<16xf32>
      %get3A_663 = arith.index_cast %scan3A_50 : i32 to index
      %get3A_664 = arith.constant 464 : index
      %get3A_665 = tpu.vector_load %arg8[%get3A_663, %get3A_664] {strides = array<i32>} : memref<64x1024xf32, #tpu.memory_space<vmem>>, vector<1x16xf32>,
      %get3A_666 = vector.shape_cast %get3A_665 : vector<1x16xf32> to vector<16xf32>
      %add3A_667 = arith.addf %get3A_662, %get3A_666 : vector<16xf32>
      %add3A_668 = arith.constant 32 : i32
      %add3A_669 = arith.addi %add3A_668, %scan3A_50 : i32
      %get3A_670 = arith.index_cast %add3A_669 : i32 to index
      %get3A_671 = arith.constant 464 : index
      %get3A_672 = tpu.vector_load %arg8[%get3A_670, %get3A_671] {strides = array<i32>} : memref<64x1024xf32, #tpu.memory_space<vmem>>, vector<1x16xf32>,
      %get3A_673 = vector.shape_cast %get3A_672 : vector<1x16xf32> to vector<16xf32>
      %add3A_674 = arith.addf %add3A_667, %get3A_673 : vector<16xf32>
      %swap3A_675 = arith.index_cast %scan3A_50 : i32 to index
      %swap3A_676 = arith.constant 464 : index
      %swap3A_677 = tpu.vector_load %arg7[%swap3A_675, %swap3A_676] {strides = array<i32>} : memref<32x1024xf32, #tpu.memory_space<vmem>>, vector<1x16xf32>,
      %swap3A_678 = vector.shape_cast %swap3A_677 : vector<1x16xf32> to vector<16xf32>
      %swap3A_679 = vector.shape_cast %add3A_674 : vector<16xf32> to vector<1x16xf32>
      tpu.vector_store %arg7[%swap3A_675, %swap3A_676], %swap3A_679 {strides = array<i32>} : memref<32x1024xf32, #tpu.memory_space<vmem>>, vector<1x16xf32>,
      %get3A_680 = arith.index_cast %scan3A_50 : i32 to index
      %get3A_681 = arith.constant 480 : index
      %get3A_682 = tpu.vector_load %arg7[%get3A_680, %get3A_681] {strides = array<i32>} : memref<32x1024xf32, #tpu.memory_space<vmem>>, vector<1x16xf32>,
      %get3A_683 = vector.shape_cast %get3A_682 : vector<1x16xf32> to vector<16xf32>
      %get3A_684 = arith.index_cast %scan3A_50 : i32 to index
      %get3A_685 = arith.constant 480 : index
      %get3A_686 = tpu.vector_load %arg8[%get3A_684, %get3A_685] {strides = array<i32>} : memref<64x1024xf32, #tpu.memory_space<vmem>>, vector<1x16xf32>,
      %get3A_687 = vector.shape_cast %get3A_686 : vector<1x16xf32> to vector<16xf32>
      %add3A_688 = arith.addf %get3A_683, %get3A_687 : vector<16xf32>
      %add3A_689 = arith.constant 32 : i32
      %add3A_690 = arith.addi %add3A_689, %scan3A_50 : i32
      %get3A_691 = arith.index_cast %add3A_690 : i32 to index
      %get3A_692 = arith.constant 480 : index
      %get3A_693 = tpu.vector_load %arg8[%get3A_691, %get3A_692] {strides = array<i32>} : memref<64x1024xf32, #tpu.memory_space<vmem>>, vector<1x16xf32>,
      %get3A_694 = vector.shape_cast %get3A_693 : vector<1x16xf32> to vector<16xf32>
      %add3A_695 = arith.addf %add3A_688, %get3A_694 : vector<16xf32>
      %swap3A_696 = arith.index_cast %scan3A_50 : i32 to index
      %swap3A_697 = arith.constant 480 : index
      %swap3A_698 = tpu.vector_load %arg7[%swap3A_696, %swap3A_697] {strides = array<i32>} : memref<32x1024xf32, #tpu.memory_space<vmem>>, vector<1x16xf32>,
      %swap3A_699 = vector.shape_cast %swap3A_698 : vector<1x16xf32> to vector<16xf32>
      %swap3A_700 = vector.shape_cast %add3A_695 : vector<16xf32> to vector<1x16xf32>
      tpu.vector_store %arg7[%swap3A_696, %swap3A_697], %swap3A_700 {strides = array<i32>} : memref<32x1024xf32, #tpu.memory_space<vmem>>, vector<1x16xf32>,
      %get3A_701 = arith.index_cast %scan3A_50 : i32 to index
      %get3A_702 = arith.constant 496 : index
      %get3A_703 = tpu.vector_load %arg7[%get3A_701, %get3A_702] {strides = array<i32>} : memref<32x1024xf32, #tpu.memory_space<vmem>>, vector<1x16xf32>,
      %get3A_704 = vector.shape_cast %get3A_703 : vector<1x16xf32> to vector<16xf32>
      %get3A_705 = arith.index_cast %scan3A_50 : i32 to index
      %get3A_706 = arith.constant 496 : index
      %get3A_707 = tpu.vector_load %arg8[%get3A_705, %get3A_706] {strides = array<i32>} : memref<64x1024xf32, #tpu.memory_space<vmem>>, vector<1x16xf32>,
      %get3A_708 = vector.shape_cast %get3A_707 : vector<1x16xf32> to vector<16xf32>
      %add3A_709 = arith.addf %get3A_704, %get3A_708 : vector<16xf32>
      %add3A_710 = arith.constant 32 : i32
      %add3A_711 = arith.addi %add3A_710, %scan3A_50 : i32
      %get3A_712 = arith.index_cast %add3A_711 : i32 to index
      %get3A_713 = arith.constant 496 : index
      %get3A_714 = tpu.vector_load %arg8[%get3A_712, %get3A_713] {strides = array<i32>} : memref<64x1024xf32, #tpu.memory_space<vmem>>, vector<1x16xf32>,
      %get3A_715 = vector.shape_cast %get3A_714 : vector<1x16xf32> to vector<16xf32>
      %add3A_716 = arith.addf %add3A_709, %get3A_715 : vector<16xf32>
      %swap3A_717 = arith.index_cast %scan3A_50 : i32 to index
      %swap3A_718 = arith.constant 496 : index
      %swap3A_719 = tpu.vector_load %arg7[%swap3A_717, %swap3A_718] {strides = array<i32>} : memref<32x1024xf32, #tpu.memory_space<vmem>>, vector<1x16xf32>,
      %swap3A_720 = vector.shape_cast %swap3A_719 : vector<1x16xf32> to vector<16xf32>
      %swap3A_721 = vector.shape_cast %add3A_716 : vector<16xf32> to vector<1x16xf32>
      tpu.vector_store %arg7[%swap3A_717, %swap3A_718], %swap3A_721 {strides = array<i32>} : memref<32x1024xf32, #tpu.memory_space<vmem>>, vector<1x16xf32>,
      %get3A_722 = arith.index_cast %scan3A_50 : i32 to index
      %get3A_723 = arith.constant 512 : index
      %get3A_724 = tpu.vector_load %arg7[%get3A_722, %get3A_723] {strides = array<i32>} : memref<32x1024xf32, #tpu.memory_space<vmem>>, vector<1x16xf32>,
      %get3A_725 = vector.shape_cast %get3A_724 : vector<1x16xf32> to vector<16xf32>
      %get3A_726 = arith.index_cast %scan3A_50 : i32 to index
      %get3A_727 = arith.constant 512 : index
      %get3A_728 = tpu.vector_load %arg8[%get3A_726, %get3A_727] {strides = array<i32>} : memref<64x1024xf32, #tpu.memory_space<vmem>>, vector<1x16xf32>,
      %get3A_729 = vector.shape_cast %get3A_728 : vector<1x16xf32> to vector<16xf32>
      %add3A_730 = arith.addf %get3A_725, %get3A_729 : vector<16xf32>
      %add3A_731 = arith.constant 32 : i32
      %add3A_732 = arith.addi %add3A_731, %scan3A_50 : i32
      %get3A_733 = arith.index_cast %add3A_732 : i32 to index
      %get3A_734 = arith.constant 512 : index
      %get3A_735 = tpu.vector_load %arg8[%get3A_733, %get3A_734] {strides = array<i32>} : memref<64x1024xf32, #tpu.memory_space<vmem>>, vector<1x16xf32>,
      %get3A_736 = vector.shape_cast %get3A_735 : vector<1x16xf32> to vector<16xf32>
      %add3A_737 = arith.addf %add3A_730, %get3A_736 : vector<16xf32>
      %swap3A_738 = arith.index_cast %scan3A_50 : i32 to index
      %swap3A_739 = arith.constant 512 : index
      %swap3A_740 = tpu.vector_load %arg7[%swap3A_738, %swap3A_739] {strides = array<i32>} : memref<32x1024xf32, #tpu.memory_space<vmem>>, vector<1x16xf32>,
      %swap3A_741 = vector.shape_cast %swap3A_740 : vector<1x16xf32> to vector<16xf32>
      %swap3A_742 = vector.shape_cast %add3A_737 : vector<16xf32> to vector<1x16xf32>
      tpu.vector_store %arg7[%swap3A_738, %swap3A_739], %swap3A_742 {strides = array<i32>} : memref<32x1024xf32, #tpu.memory_space<vmem>>, vector<1x16xf32>,
      %get3A_743 = arith.index_cast %scan3A_50 : i32 to index
      %get3A_744 = arith.constant 528 : index
      %get3A_745 = tpu.vector_load %arg7[%get3A_743, %get3A_744] {strides = array<i32>} : memref<32x1024xf32, #tpu.memory_space<vmem>>, vector<1x16xf32>,
      %get3A_746 = vector.shape_cast %get3A_745 : vector<1x16xf32> to vector<16xf32>
      %get3A_747 = arith.index_cast %scan3A_50 : i32 to index
      %get3A_748 = arith.constant 528 : index
      %get3A_749 = tpu.vector_load %arg8[%get3A_747, %get3A_748] {strides = array<i32>} : memref<64x1024xf32, #tpu.memory_space<vmem>>, vector<1x16xf32>,
      %get3A_750 = vector.shape_cast %get3A_749 : vector<1x16xf32> to vector<16xf32>
      %add3A_751 = arith.addf %get3A_746, %get3A_750 : vector<16xf32>
      %add3A_752 = arith.constant 32 : i32
      %add3A_753 = arith.addi %add3A_752, %scan3A_50 : i32
      %get3A_754 = arith.index_cast %add3A_753 : i32 to index
      %get3A_755 = arith.constant 528 : index
      %get3A_756 = tpu.vector_load %arg8[%get3A_754, %get3A_755] {strides = array<i32>} : memref<64x1024xf32, #tpu.memory_space<vmem>>, vector<1x16xf32>,
      %get3A_757 = vector.shape_cast %get3A_756 : vector<1x16xf32> to vector<16xf32>
      %add3A_758 = arith.addf %add3A_751, %get3A_757 : vector<16xf32>
      %swap3A_759 = arith.index_cast %scan3A_50 : i32 to index
      %swap3A_760 = arith.constant 528 : index
      %swap3A_761 = tpu.vector_load %arg7[%swap3A_759, %swap3A_760] {strides = array<i32>} : memref<32x1024xf32, #tpu.memory_space<vmem>>, vector<1x16xf32>,
      %swap3A_762 = vector.shape_cast %swap3A_761 : vector<1x16xf32> to vector<16xf32>
      %swap3A_763 = vector.shape_cast %add3A_758 : vector<16xf32> to vector<1x16xf32>
      tpu.vector_store %arg7[%swap3A_759, %swap3A_760], %swap3A_763 {strides = array<i32>} : memref<32x1024xf32, #tpu.memory_space<vmem>>, vector<1x16xf32>,
      %get3A_764 = arith.index_cast %scan3A_50 : i32 to index
      %get3A_765 = arith.constant 544 : index
      %get3A_766 = tpu.vector_load %arg7[%get3A_764, %get3A_765] {strides = array<i32>} : memref<32x1024xf32, #tpu.memory_space<vmem>>, vector<1x16xf32>,
      %get3A_767 = vector.shape_cast %get3A_766 : vector<1x16xf32> to vector<16xf32>
      %get3A_768 = arith.index_cast %scan3A_50 : i32 to index
      %get3A_769 = arith.constant 544 : index
      %get3A_770 = tpu.vector_load %arg8[%get3A_768, %get3A_769] {strides = array<i32>} : memref<64x1024xf32, #tpu.memory_space<vmem>>, vector<1x16xf32>,
      %get3A_771 = vector.shape_cast %get3A_770 : vector<1x16xf32> to vector<16xf32>
      %add3A_772 = arith.addf %get3A_767, %get3A_771 : vector<16xf32>
      %add3A_773 = arith.constant 32 : i32
      %add3A_774 = arith.addi %add3A_773, %scan3A_50 : i32
      %get3A_775 = arith.index_cast %add3A_774 : i32 to index
      %get3A_776 = arith.constant 544 : index
      %get3A_777 = tpu.vector_load %arg8[%get3A_775, %get3A_776] {strides = array<i32>} : memref<64x1024xf32, #tpu.memory_space<vmem>>, vector<1x16xf32>,
      %get3A_778 = vector.shape_cast %get3A_777 : vector<1x16xf32> to vector<16xf32>
      %add3A_779 = arith.addf %add3A_772, %get3A_778 : vector<16xf32>
      %swap3A_780 = arith.index_cast %scan3A_50 : i32 to index
      %swap3A_781 = arith.constant 544 : index
      %swap3A_782 = tpu.vector_load %arg7[%swap3A_780, %swap3A_781] {strides = array<i32>} : memref<32x1024xf32, #tpu.memory_space<vmem>>, vector<1x16xf32>,
      %swap3A_783 = vector.shape_cast %swap3A_782 : vector<1x16xf32> to vector<16xf32>
      %swap3A_784 = vector.shape_cast %add3A_779 : vector<16xf32> to vector<1x16xf32>
      tpu.vector_store %arg7[%swap3A_780, %swap3A_781], %swap3A_784 {strides = array<i32>} : memref<32x1024xf32, #tpu.memory_space<vmem>>, vector<1x16xf32>,
      %get3A_785 = arith.index_cast %scan3A_50 : i32 to index
      %get3A_786 = arith.constant 560 : index
      %get3A_787 = tpu.vector_load %arg7[%get3A_785, %get3A_786] {strides = array<i32>} : memref<32x1024xf32, #tpu.memory_space<vmem>>, vector<1x16xf32>,
      %get3A_788 = vector.shape_cast %get3A_787 : vector<1x16xf32> to vector<16xf32>
      %get3A_789 = arith.index_cast %scan3A_50 : i32 to index
      %get3A_790 = arith.constant 560 : index
      %get3A_791 = tpu.vector_load %arg8[%get3A_789, %get3A_790] {strides = array<i32>} : memref<64x1024xf32, #tpu.memory_space<vmem>>, vector<1x16xf32>,
      %get3A_792 = vector.shape_cast %get3A_791 : vector<1x16xf32> to vector<16xf32>
      %add3A_793 = arith.addf %get3A_788, %get3A_792 : vector<16xf32>
      %add3A_794 = arith.constant 32 : i32
      %add3A_795 = arith.addi %add3A_794, %scan3A_50 : i32
      %get3A_796 = arith.index_cast %add3A_795 : i32 to index
      %get3A_797 = arith.constant 560 : index
      %get3A_798 = tpu.vector_load %arg8[%get3A_796, %get3A_797] {strides = array<i32>} : memref<64x1024xf32, #tpu.memory_space<vmem>>, vector<1x16xf32>,
      %get3A_799 = vector.shape_cast %get3A_798 : vector<1x16xf32> to vector<16xf32>
      %add3A_800 = arith.addf %add3A_793, %get3A_799 : vector<16xf32>
      %swap3A_801 = arith.index_cast %scan3A_50 : i32 to index
      %swap3A_802 = arith.constant 560 : index
      %swap3A_803 = tpu.vector_load %arg7[%swap3A_801, %swap3A_802] {strides = array<i32>} : memref<32x1024xf32, #tpu.memory_space<vmem>>, vector<1x16xf32>,
      %swap3A_804 = vector.shape_cast %swap3A_803 : vector<1x16xf32> to vector<16xf32>
      %swap3A_805 = vector.shape_cast %add3A_800 : vector<16xf32> to vector<1x16xf32>
      tpu.vector_store %arg7[%swap3A_801, %swap3A_802], %swap3A_805 {strides = array<i32>} : memref<32x1024xf32, #tpu.memory_space<vmem>>, vector<1x16xf32>,
      %get3A_806 = arith.index_cast %scan3A_50 : i32 to index
      %get3A_807 = arith.constant 576 : index
      %get3A_808 = tpu.vector_load %arg7[%get3A_806, %get3A_807] {strides = array<i32>} : memref<32x1024xf32, #tpu.memory_space<vmem>>, vector<1x16xf32>,
      %get3A_809 = vector.shape_cast %get3A_808 : vector<1x16xf32> to vector<16xf32>
      %get3A_810 = arith.index_cast %scan3A_50 : i32 to index
      %get3A_811 = arith.constant 576 : index
      %get3A_812 = tpu.vector_load %arg8[%get3A_810, %get3A_811] {strides = array<i32>} : memref<64x1024xf32, #tpu.memory_space<vmem>>, vector<1x16xf32>,
      %get3A_813 = vector.shape_cast %get3A_812 : vector<1x16xf32> to vector<16xf32>
      %add3A_814 = arith.addf %get3A_809, %get3A_813 : vector<16xf32>
      %add3A_815 = arith.constant 32 : i32
      %add3A_816 = arith.addi %add3A_815, %scan3A_50 : i32
      %get3A_817 = arith.index_cast %add3A_816 : i32 to index
      %get3A_818 = arith.constant 576 : index
      %get3A_819 = tpu.vector_load %arg8[%get3A_817, %get3A_818] {strides = array<i32>} : memref<64x1024xf32, #tpu.memory_space<vmem>>, vector<1x16xf32>,
      %get3A_820 = vector.shape_cast %get3A_819 : vector<1x16xf32> to vector<16xf32>
      %add3A_821 = arith.addf %add3A_814, %get3A_820 : vector<16xf32>
      %swap3A_822 = arith.index_cast %scan3A_50 : i32 to index
      %swap3A_823 = arith.constant 576 : index
      %swap3A_824 = tpu.vector_load %arg7[%swap3A_822, %swap3A_823] {strides = array<i32>} : memref<32x1024xf32, #tpu.memory_space<vmem>>, vector<1x16xf32>,
      %swap3A_825 = vector.shape_cast %swap3A_824 : vector<1x16xf32> to vector<16xf32>
      %swap3A_826 = vector.shape_cast %add3A_821 : vector<16xf32> to vector<1x16xf32>
      tpu.vector_store %arg7[%swap3A_822, %swap3A_823], %swap3A_826 {strides = array<i32>} : memref<32x1024xf32, #tpu.memory_space<vmem>>, vector<1x16xf32>,
      %get3A_827 = arith.index_cast %scan3A_50 : i32 to index
      %get3A_828 = arith.constant 592 : index
      %get3A_829 = tpu.vector_load %arg7[%get3A_827, %get3A_828] {strides = array<i32>} : memref<32x1024xf32, #tpu.memory_space<vmem>>, vector<1x16xf32>,
      %get3A_830 = vector.shape_cast %get3A_829 : vector<1x16xf32> to vector<16xf32>
      %get3A_831 = arith.index_cast %scan3A_50 : i32 to index
      %get3A_832 = arith.constant 592 : index
      %get3A_833 = tpu.vector_load %arg8[%get3A_831, %get3A_832] {strides = array<i32>} : memref<64x1024xf32, #tpu.memory_space<vmem>>, vector<1x16xf32>,
      %get3A_834 = vector.shape_cast %get3A_833 : vector<1x16xf32> to vector<16xf32>
      %add3A_835 = arith.addf %get3A_830, %get3A_834 : vector<16xf32>
      %add3A_836 = arith.constant 32 : i32
      %add3A_837 = arith.addi %add3A_836, %scan3A_50 : i32
      %get3A_838 = arith.index_cast %add3A_837 : i32 to index
      %get3A_839 = arith.constant 592 : index
      %get3A_840 = tpu.vector_load %arg8[%get3A_838, %get3A_839] {strides = array<i32>} : memref<64x1024xf32, #tpu.memory_space<vmem>>, vector<1x16xf32>,
      %get3A_841 = vector.shape_cast %get3A_840 : vector<1x16xf32> to vector<16xf32>
      %add3A_842 = arith.addf %add3A_835, %get3A_841 : vector<16xf32>
      %swap3A_843 = arith.index_cast %scan3A_50 : i32 to index
      %swap3A_844 = arith.constant 592 : index
      %swap3A_845 = tpu.vector_load %arg7[%swap3A_843, %swap3A_844] {strides = array<i32>} : memref<32x1024xf32, #tpu.memory_space<vmem>>, vector<1x16xf32>,
      %swap3A_846 = vector.shape_cast %swap3A_845 : vector<1x16xf32> to vector<16xf32>
      %swap3A_847 = vector.shape_cast %add3A_842 : vector<16xf32> to vector<1x16xf32>
      tpu.vector_store %arg7[%swap3A_843, %swap3A_844], %swap3A_847 {strides = array<i32>} : memref<32x1024xf32, #tpu.memory_space<vmem>>, vector<1x16xf32>,
      %get3A_848 = arith.index_cast %scan3A_50 : i32 to index
      %get3A_849 = arith.constant 608 : index
      %get3A_850 = tpu.vector_load %arg7[%get3A_848, %get3A_849] {strides = array<i32>} : memref<32x1024xf32, #tpu.memory_space<vmem>>, vector<1x16xf32>,
      %get3A_851 = vector.shape_cast %get3A_850 : vector<1x16xf32> to vector<16xf32>
      %get3A_852 = arith.index_cast %scan3A_50 : i32 to index
      %get3A_853 = arith.constant 608 : index
      %get3A_854 = tpu.vector_load %arg8[%get3A_852, %get3A_853] {strides = array<i32>} : memref<64x1024xf32, #tpu.memory_space<vmem>>, vector<1x16xf32>,
      %get3A_855 = vector.shape_cast %get3A_854 : vector<1x16xf32> to vector<16xf32>
      %add3A_856 = arith.addf %get3A_851, %get3A_855 : vector<16xf32>
      %add3A_857 = arith.constant 32 : i32
      %add3A_858 = arith.addi %add3A_857, %scan3A_50 : i32
      %get3A_859 = arith.index_cast %add3A_858 : i32 to index
      %get3A_860 = arith.constant 608 : index
      %get3A_861 = tpu.vector_load %arg8[%get3A_859, %get3A_860] {strides = array<i32>} : memref<64x1024xf32, #tpu.memory_space<vmem>>, vector<1x16xf32>,
      %get3A_862 = vector.shape_cast %get3A_861 : vector<1x16xf32> to vector<16xf32>
      %add3A_863 = arith.addf %add3A_856, %get3A_862 : vector<16xf32>
      %swap3A_864 = arith.index_cast %scan3A_50 : i32 to index
      %swap3A_865 = arith.constant 608 : index
      %swap3A_866 = tpu.vector_load %arg7[%swap3A_864, %swap3A_865] {strides = array<i32>} : memref<32x1024xf32, #tpu.memory_space<vmem>>, vector<1x16xf32>,
      %swap3A_867 = vector.shape_cast %swap3A_866 : vector<1x16xf32> to vector<16xf32>
      %swap3A_868 = vector.shape_cast %add3A_863 : vector<16xf32> to vector<1x16xf32>
      tpu.vector_store %arg7[%swap3A_864, %swap3A_865], %swap3A_868 {strides = array<i32>} : memref<32x1024xf32, #tpu.memory_space<vmem>>, vector<1x16xf32>,
      %get3A_869 = arith.index_cast %scan3A_50 : i32 to index
      %get3A_870 = arith.constant 624 : index
      %get3A_871 = tpu.vector_load %arg7[%get3A_869, %get3A_870] {strides = array<i32>} : memref<32x1024xf32, #tpu.memory_space<vmem>>, vector<1x16xf32>,
      %get3A_872 = vector.shape_cast %get3A_871 : vector<1x16xf32> to vector<16xf32>
      %get3A_873 = arith.index_cast %scan3A_50 : i32 to index
      %get3A_874 = arith.constant 624 : index
      %get3A_875 = tpu.vector_load %arg8[%get3A_873, %get3A_874] {strides = array<i32>} : memref<64x1024xf32, #tpu.memory_space<vmem>>, vector<1x16xf32>,
      %get3A_876 = vector.shape_cast %get3A_875 : vector<1x16xf32> to vector<16xf32>
      %add3A_877 = arith.addf %get3A_872, %get3A_876 : vector<16xf32>
      %add3A_878 = arith.constant 32 : i32
      %add3A_879 = arith.addi %add3A_878, %scan3A_50 : i32
      %get3A_880 = arith.index_cast %add3A_879 : i32 to index
      %get3A_881 = arith.constant 624 : index
      %get3A_882 = tpu.vector_load %arg8[%get3A_880, %get3A_881] {strides = array<i32>} : memref<64x1024xf32, #tpu.memory_space<vmem>>, vector<1x16xf32>,
      %get3A_883 = vector.shape_cast %get3A_882 : vector<1x16xf32> to vector<16xf32>
      %add3A_884 = arith.addf %add3A_877, %get3A_883 : vector<16xf32>
      %swap3A_885 = arith.index_cast %scan3A_50 : i32 to index
      %swap3A_886 = arith.constant 624 : index
      %swap3A_887 = tpu.vector_load %arg7[%swap3A_885, %swap3A_886] {strides = array<i32>} : memref<32x1024xf32, #tpu.memory_space<vmem>>, vector<1x16xf32>,
      %swap3A_888 = vector.shape_cast %swap3A_887 : vector<1x16xf32> to vector<16xf32>
      %swap3A_889 = vector.shape_cast %add3A_884 : vector<16xf32> to vector<1x16xf32>
      tpu.vector_store %arg7[%swap3A_885, %swap3A_886], %swap3A_889 {strides = array<i32>} : memref<32x1024xf32, #tpu.memory_space<vmem>>, vector<1x16xf32>,
      %get3A_890 = arith.index_cast %scan3A_50 : i32 to index
      %get3A_891 = arith.constant 640 : index
      %get3A_892 = tpu.vector_load %arg7[%get3A_890, %get3A_891] {strides = array<i32>} : memref<32x1024xf32, #tpu.memory_space<vmem>>, vector<1x16xf32>,
      %get3A_893 = vector.shape_cast %get3A_892 : vector<1x16xf32> to vector<16xf32>
      %get3A_894 = arith.index_cast %scan3A_50 : i32 to index
      %get3A_895 = arith.constant 640 : index
      %get3A_896 = tpu.vector_load %arg8[%get3A_894, %get3A_895] {strides = array<i32>} : memref<64x1024xf32, #tpu.memory_space<vmem>>, vector<1x16xf32>,
      %get3A_897 = vector.shape_cast %get3A_896 : vector<1x16xf32> to vector<16xf32>
      %add3A_898 = arith.addf %get3A_893, %get3A_897 : vector<16xf32>
      %add3A_899 = arith.constant 32 : i32
      %add3A_900 = arith.addi %add3A_899, %scan3A_50 : i32
      %get3A_901 = arith.index_cast %add3A_900 : i32 to index
      %get3A_902 = arith.constant 640 : index
      %get3A_903 = tpu.vector_load %arg8[%get3A_901, %get3A_902] {strides = array<i32>} : memref<64x1024xf32, #tpu.memory_space<vmem>>, vector<1x16xf32>,
      %get3A_904 = vector.shape_cast %get3A_903 : vector<1x16xf32> to vector<16xf32>
      %add3A_905 = arith.addf %add3A_898, %get3A_904 : vector<16xf32>
      %swap3A_906 = arith.index_cast %scan3A_50 : i32 to index
      %swap3A_907 = arith.constant 640 : index
      %swap3A_908 = tpu.vector_load %arg7[%swap3A_906, %swap3A_907] {strides = array<i32>} : memref<32x1024xf32, #tpu.memory_space<vmem>>, vector<1x16xf32>,
      %swap3A_909 = vector.shape_cast %swap3A_908 : vector<1x16xf32> to vector<16xf32>
      %swap3A_910 = vector.shape_cast %add3A_905 : vector<16xf32> to vector<1x16xf32>
      tpu.vector_store %arg7[%swap3A_906, %swap3A_907], %swap3A_910 {strides = array<i32>} : memref<32x1024xf32, #tpu.memory_space<vmem>>, vector<1x16xf32>,
      %get3A_911 = arith.index_cast %scan3A_50 : i32 to index
      %get3A_912 = arith.constant 656 : index
      %get3A_913 = tpu.vector_load %arg7[%get3A_911, %get3A_912] {strides = array<i32>} : memref<32x1024xf32, #tpu.memory_space<vmem>>, vector<1x16xf32>,
      %get3A_914 = vector.shape_cast %get3A_913 : vector<1x16xf32> to vector<16xf32>
      %get3A_915 = arith.index_cast %scan3A_50 : i32 to index
      %get3A_916 = arith.constant 656 : index
      %get3A_917 = tpu.vector_load %arg8[%get3A_915, %get3A_916] {strides = array<i32>} : memref<64x1024xf32, #tpu.memory_space<vmem>>, vector<1x16xf32>,
      %get3A_918 = vector.shape_cast %get3A_917 : vector<1x16xf32> to vector<16xf32>
      %add3A_919 = arith.addf %get3A_914, %get3A_918 : vector<16xf32>
      %add3A_920 = arith.constant 32 : i32
      %add3A_921 = arith.addi %add3A_920, %scan3A_50 : i32
      %get3A_922 = arith.index_cast %add3A_921 : i32 to index
      %get3A_923 = arith.constant 656 : index
      %get3A_924 = tpu.vector_load %arg8[%get3A_922, %get3A_923] {strides = array<i32>} : memref<64x1024xf32, #tpu.memory_space<vmem>>, vector<1x16xf32>,
      %get3A_925 = vector.shape_cast %get3A_924 : vector<1x16xf32> to vector<16xf32>
      %add3A_926 = arith.addf %add3A_919, %get3A_925 : vector<16xf32>
      %swap3A_927 = arith.index_cast %scan3A_50 : i32 to index
      %swap3A_928 = arith.constant 656 : index
      %swap3A_929 = tpu.vector_load %arg7[%swap3A_927, %swap3A_928] {strides = array<i32>} : memref<32x1024xf32, #tpu.memory_space<vmem>>, vector<1x16xf32>,
      %swap3A_930 = vector.shape_cast %swap3A_929 : vector<1x16xf32> to vector<16xf32>
      %swap3A_931 = vector.shape_cast %add3A_926 : vector<16xf32> to vector<1x16xf32>
      tpu.vector_store %arg7[%swap3A_927, %swap3A_928], %swap3A_931 {strides = array<i32>} : memref<32x1024xf32, #tpu.memory_space<vmem>>, vector<1x16xf32>,
      %get3A_932 = arith.index_cast %scan3A_50 : i32 to index
      %get3A_933 = arith.constant 672 : index
      %get3A_934 = tpu.vector_load %arg7[%get3A_932, %get3A_933] {strides = array<i32>} : memref<32x1024xf32, #tpu.memory_space<vmem>>, vector<1x16xf32>,
      %get3A_935 = vector.shape_cast %get3A_934 : vector<1x16xf32> to vector<16xf32>
      %get3A_936 = arith.index_cast %scan3A_50 : i32 to index
      %get3A_937 = arith.constant 672 : index
      %get3A_938 = tpu.vector_load %arg8[%get3A_936, %get3A_937] {strides = array<i32>} : memref<64x1024xf32, #tpu.memory_space<vmem>>, vector<1x16xf32>,
      %get3A_939 = vector.shape_cast %get3A_938 : vector<1x16xf32> to vector<16xf32>
      %add3A_940 = arith.addf %get3A_935, %get3A_939 : vector<16xf32>
      %add3A_941 = arith.constant 32 : i32
      %add3A_942 = arith.addi %add3A_941, %scan3A_50 : i32
      %get3A_943 = arith.index_cast %add3A_942 : i32 to index
      %get3A_944 = arith.constant 672 : index
      %get3A_945 = tpu.vector_load %arg8[%get3A_943, %get3A_944] {strides = array<i32>} : memref<64x1024xf32, #tpu.memory_space<vmem>>, vector<1x16xf32>,
      %get3A_946 = vector.shape_cast %get3A_945 : vector<1x16xf32> to vector<16xf32>
      %add3A_947 = arith.addf %add3A_940, %get3A_946 : vector<16xf32>
      %swap3A_948 = arith.index_cast %scan3A_50 : i32 to index
      %swap3A_949 = arith.constant 672 : index
      %swap3A_950 = tpu.vector_load %arg7[%swap3A_948, %swap3A_949] {strides = array<i32>} : memref<32x1024xf32, #tpu.memory_space<vmem>>, vector<1x16xf32>,
      %swap3A_951 = vector.shape_cast %swap3A_950 : vector<1x16xf32> to vector<16xf32>
      %swap3A_952 = vector.shape_cast %add3A_947 : vector<16xf32> to vector<1x16xf32>
      tpu.vector_store %arg7[%swap3A_948, %swap3A_949], %swap3A_952 {strides = array<i32>} : memref<32x1024xf32, #tpu.memory_space<vmem>>, vector<1x16xf32>,
      %get3A_953 = arith.index_cast %scan3A_50 : i32 to index
      %get3A_954 = arith.constant 688 : index
      %get3A_955 = tpu.vector_load %arg7[%get3A_953, %get3A_954] {strides = array<i32>} : memref<32x1024xf32, #tpu.memory_space<vmem>>, vector<1x16xf32>,
      %get3A_956 = vector.shape_cast %get3A_955 : vector<1x16xf32> to vector<16xf32>
      %get3A_957 = arith.index_cast %scan3A_50 : i32 to index
      %get3A_958 = arith.constant 688 : index
      %get3A_959 = tpu.vector_load %arg8[%get3A_957, %get3A_958] {strides = array<i32>} : memref<64x1024xf32, #tpu.memory_space<vmem>>, vector<1x16xf32>,
      %get3A_960 = vector.shape_cast %get3A_959 : vector<1x16xf32> to vector<16xf32>
      %add3A_961 = arith.addf %get3A_956, %get3A_960 : vector<16xf32>
      %add3A_962 = arith.constant 32 : i32
      %add3A_963 = arith.addi %add3A_962, %scan3A_50 : i32
      %get3A_964 = arith.index_cast %add3A_963 : i32 to index
      %get3A_965 = arith.constant 688 : index
      %get3A_966 = tpu.vector_load %arg8[%get3A_964, %get3A_965] {strides = array<i32>} : memref<64x1024xf32, #tpu.memory_space<vmem>>, vector<1x16xf32>,
      %get3A_967 = vector.shape_cast %get3A_966 : vector<1x16xf32> to vector<16xf32>
      %add3A_968 = arith.addf %add3A_961, %get3A_967 : vector<16xf32>
      %swap3A_969 = arith.index_cast %scan3A_50 : i32 to index
      %swap3A_970 = arith.constant 688 : index
      %swap3A_971 = tpu.vector_load %arg7[%swap3A_969, %swap3A_970] {strides = array<i32>} : memref<32x1024xf32, #tpu.memory_space<vmem>>, vector<1x16xf32>,
      %swap3A_972 = vector.shape_cast %swap3A_971 : vector<1x16xf32> to vector<16xf32>
      %swap3A_973 = vector.shape_cast %add3A_968 : vector<16xf32> to vector<1x16xf32>
      tpu.vector_store %arg7[%swap3A_969, %swap3A_970], %swap3A_973 {strides = array<i32>} : memref<32x1024xf32, #tpu.memory_space<vmem>>, vector<1x16xf32>,
      %get3A_974 = arith.index_cast %scan3A_50 : i32 to index
      %get3A_975 = arith.constant 704 : index
      %get3A_976 = tpu.vector_load %arg7[%get3A_974, %get3A_975] {strides = array<i32>} : memref<32x1024xf32, #tpu.memory_space<vmem>>, vector<1x16xf32>,
      %get3A_977 = vector.shape_cast %get3A_976 : vector<1x16xf32> to vector<16xf32>
      %get3A_978 = arith.index_cast %scan3A_50 : i32 to index
      %get3A_979 = arith.constant 704 : index
      %get3A_980 = tpu.vector_load %arg8[%get3A_978, %get3A_979] {strides = array<i32>} : memref<64x1024xf32, #tpu.memory_space<vmem>>, vector<1x16xf32>,
      %get3A_981 = vector.shape_cast %get3A_980 : vector<1x16xf32> to vector<16xf32>
      %add3A_982 = arith.addf %get3A_977, %get3A_981 : vector<16xf32>
      %add3A_983 = arith.constant 32 : i32
      %add3A_984 = arith.addi %add3A_983, %scan3A_50 : i32
      %get3A_985 = arith.index_cast %add3A_984 : i32 to index
      %get3A_986 = arith.constant 704 : index
      %get3A_987 = tpu.vector_load %arg8[%get3A_985, %get3A_986] {strides = array<i32>} : memref<64x1024xf32, #tpu.memory_space<vmem>>, vector<1x16xf32>,
      %get3A_988 = vector.shape_cast %get3A_987 : vector<1x16xf32> to vector<16xf32>
      %add3A_989 = arith.addf %add3A_982, %get3A_988 : vector<16xf32>
      %swap3A_990 = arith.index_cast %scan3A_50 : i32 to index
      %swap3A_991 = arith.constant 704 : index
      %swap3A_992 = tpu.vector_load %arg7[%swap3A_990, %swap3A_991] {strides = array<i32>} : memref<32x1024xf32, #tpu.memory_space<vmem>>, vector<1x16xf32>,
      %swap3A_993 = vector.shape_cast %swap3A_992 : vector<1x16xf32> to vector<16xf32>
      %swap3A_994 = vector.shape_cast %add3A_989 : vector<16xf32> to vector<1x16xf32>
      tpu.vector_store %arg7[%swap3A_990, %swap3A_991], %swap3A_994 {strides = array<i32>} : memref<32x1024xf32, #tpu.memory_space<vmem>>, vector<1x16xf32>,
      %get3A_995 = arith.index_cast %scan3A_50 : i32 to index
      %get3A_996 = arith.constant 720 : index
      %get3A_997 = tpu.vector_load %arg7[%get3A_995, %get3A_996] {strides = array<i32>} : memref<32x1024xf32, #tpu.memory_space<vmem>>, vector<1x16xf32>,
      %get3A_998 = vector.shape_cast %get3A_997 : vector<1x16xf32> to vector<16xf32>
      %get3A_999 = arith.index_cast %scan3A_50 : i32 to index
      %get3A_1000 = arith.constant 720 : index
      %get3A_1001 = tpu.vector_load %arg8[%get3A_999, %get3A_1000] {strides = array<i32>} : memref<64x1024xf32, #tpu.memory_space<vmem>>, vector<1x16xf32>,
      %get3A_1002 = vector.shape_cast %get3A_1001 : vector<1x16xf32> to vector<16xf32>
      %add3A_1003 = arith.addf %get3A_998, %get3A_1002 : vector<16xf32>
      %add3A_1004 = arith.constant 32 : i32
      %add3A_1005 = arith.addi %add3A_1004, %scan3A_50 : i32
      %get3A_1006 = arith.index_cast %add3A_1005 : i32 to index
      %get3A_1007 = arith.constant 720 : index
      %get3A_1008 = tpu.vector_load %arg8[%get3A_1006, %get3A_1007] {strides = array<i32>} : memref<64x1024xf32, #tpu.memory_space<vmem>>, vector<1x16xf32>,
      %get3A_1009 = vector.shape_cast %get3A_1008 : vector<1x16xf32> to vector<16xf32>
      %add3A_1010 = arith.addf %add3A_1003, %get3A_1009 : vector<16xf32>
      %swap3A_1011 = arith.index_cast %scan3A_50 : i32 to index
      %swap3A_1012 = arith.constant 720 : index
      %swap3A_1013 = tpu.vector_load %arg7[%swap3A_1011, %swap3A_1012] {strides = array<i32>} : memref<32x1024xf32, #tpu.memory_space<vmem>>, vector<1x16xf32>,
      %swap3A_1014 = vector.shape_cast %swap3A_1013 : vector<1x16xf32> to vector<16xf32>
      %swap3A_1015 = vector.shape_cast %add3A_1010 : vector<16xf32> to vector<1x16xf32>
      tpu.vector_store %arg7[%swap3A_1011, %swap3A_1012], %swap3A_1015 {strides = array<i32>} : memref<32x1024xf32, #tpu.memory_space<vmem>>, vector<1x16xf32>,
      %get3A_1016 = arith.index_cast %scan3A_50 : i32 to index
      %get3A_1017 = arith.constant 736 : index
      %get3A_1018 = tpu.vector_load %arg7[%get3A_1016, %get3A_1017] {strides = array<i32>} : memref<32x1024xf32, #tpu.memory_space<vmem>>, vector<1x16xf32>,
      %get3A_1019 = vector.shape_cast %get3A_1018 : vector<1x16xf32> to vector<16xf32>
      %get3A_1020 = arith.index_cast %scan3A_50 : i32 to index
      %get3A_1021 = arith.constant 736 : index
      %get3A_1022 = tpu.vector_load %arg8[%get3A_1020, %get3A_1021] {strides = array<i32>} : memref<64x1024xf32, #tpu.memory_space<vmem>>, vector<1x16xf32>,
      %get3A_1023 = vector.shape_cast %get3A_1022 : vector<1x16xf32> to vector<16xf32>
      %add3A_1024 = arith.addf %get3A_1019, %get3A_1023 : vector<16xf32>
      %add3A_1025 = arith.constant 32 : i32
      %add3A_1026 = arith.addi %add3A_1025, %scan3A_50 : i32
      %get3A_1027 = arith.index_cast %add3A_1026 : i32 to index
      %get3A_1028 = arith.constant 736 : index
      %get3A_1029 = tpu.vector_load %arg8[%get3A_1027, %get3A_1028] {strides = array<i32>} : memref<64x1024xf32, #tpu.memory_space<vmem>>, vector<1x16xf32>,
      %get3A_1030 = vector.shape_cast %get3A_1029 : vector<1x16xf32> to vector<16xf32>
      %add3A_1031 = arith.addf %add3A_1024, %get3A_1030 : vector<16xf32>
      %swap3A_1032 = arith.index_cast %scan3A_50 : i32 to index
      %swap3A_1033 = arith.constant 736 : index
      %swap3A_1034 = tpu.vector_load %arg7[%swap3A_1032, %swap3A_1033] {strides = array<i32>} : memref<32x1024xf32, #tpu.memory_space<vmem>>, vector<1x16xf32>,
      %swap3A_1035 = vector.shape_cast %swap3A_1034 : vector<1x16xf32> to vector<16xf32>
      %swap3A_1036 = vector.shape_cast %add3A_1031 : vector<16xf32> to vector<1x16xf32>
      tpu.vector_store %arg7[%swap3A_1032, %swap3A_1033], %swap3A_1036 {strides = array<i32>} : memref<32x1024xf32, #tpu.memory_space<vmem>>, vector<1x16xf32>,
      %get3A_1037 = arith.index_cast %scan3A_50 : i32 to index
      %get3A_1038 = arith.constant 752 : index
      %get3A_1039 = tpu.vector_load %arg7[%get3A_1037, %get3A_1038] {strides = array<i32>} : memref<32x1024xf32, #tpu.memory_space<vmem>>, vector<1x16xf32>,
      %get3A_1040 = vector.shape_cast %get3A_1039 : vector<1x16xf32> to vector<16xf32>
      %get3A_1041 = arith.index_cast %scan3A_50 : i32 to index
      %get3A_1042 = arith.constant 752 : index
      %get3A_1043 = tpu.vector_load %arg8[%get3A_1041, %get3A_1042] {strides = array<i32>} : memref<64x1024xf32, #tpu.memory_space<vmem>>, vector<1x16xf32>,
      %get3A_1044 = vector.shape_cast %get3A_1043 : vector<1x16xf32> to vector<16xf32>
      %add3A_1045 = arith.addf %get3A_1040, %get3A_1044 : vector<16xf32>
      %add3A_1046 = arith.constant 32 : i32
      %add3A_1047 = arith.addi %add3A_1046, %scan3A_50 : i32
      %get3A_1048 = arith.index_cast %add3A_1047 : i32 to index
      %get3A_1049 = arith.constant 752 : index
      %get3A_1050 = tpu.vector_load %arg8[%get3A_1048, %get3A_1049] {strides = array<i32>} : memref<64x1024xf32, #tpu.memory_space<vmem>>, vector<1x16xf32>,
      %get3A_1051 = vector.shape_cast %get3A_1050 : vector<1x16xf32> to vector<16xf32>
      %add3A_1052 = arith.addf %add3A_1045, %get3A_1051 : vector<16xf32>
      %swap3A_1053 = arith.index_cast %scan3A_50 : i32 to index
      %swap3A_1054 = arith.constant 752 : index
      %swap3A_1055 = tpu.vector_load %arg7[%swap3A_1053, %swap3A_1054] {strides = array<i32>} : memref<32x1024xf32, #tpu.memory_space<vmem>>, vector<1x16xf32>,
      %swap3A_1056 = vector.shape_cast %swap3A_1055 : vector<1x16xf32> to vector<16xf32>
      %swap3A_1057 = vector.shape_cast %add3A_1052 : vector<16xf32> to vector<1x16xf32>
      tpu.vector_store %arg7[%swap3A_1053, %swap3A_1054], %swap3A_1057 {strides = array<i32>} : memref<32x1024xf32, #tpu.memory_space<vmem>>, vector<1x16xf32>,
      %get3A_1058 = arith.index_cast %scan3A_50 : i32 to index
      %get3A_1059 = arith.constant 768 : index
      %get3A_1060 = tpu.vector_load %arg7[%get3A_1058, %get3A_1059] {strides = array<i32>} : memref<32x1024xf32, #tpu.memory_space<vmem>>, vector<1x16xf32>,
      %get3A_1061 = vector.shape_cast %get3A_1060 : vector<1x16xf32> to vector<16xf32>
      %get3A_1062 = arith.index_cast %scan3A_50 : i32 to index
      %get3A_1063 = arith.constant 768 : index
      %get3A_1064 = tpu.vector_load %arg8[%get3A_1062, %get3A_1063] {strides = array<i32>} : memref<64x1024xf32, #tpu.memory_space<vmem>>, vector<1x16xf32>,
      %get3A_1065 = vector.shape_cast %get3A_1064 : vector<1x16xf32> to vector<16xf32>
      %add3A_1066 = arith.addf %get3A_1061, %get3A_1065 : vector<16xf32>
      %add3A_1067 = arith.constant 32 : i32
      %add3A_1068 = arith.addi %add3A_1067, %scan3A_50 : i32
      %get3A_1069 = arith.index_cast %add3A_1068 : i32 to index
      %get3A_1070 = arith.constant 768 : index
      %get3A_1071 = tpu.vector_load %arg8[%get3A_1069, %get3A_1070] {strides = array<i32>} : memref<64x1024xf32, #tpu.memory_space<vmem>>, vector<1x16xf32>,
      %get3A_1072 = vector.shape_cast %get3A_1071 : vector<1x16xf32> to vector<16xf32>
      %add3A_1073 = arith.addf %add3A_1066, %get3A_1072 : vector<16xf32>
      %swap3A_1074 = arith.index_cast %scan3A_50 : i32 to index
      %swap3A_1075 = arith.constant 768 : index
      %swap3A_1076 = tpu.vector_load %arg7[%swap3A_1074, %swap3A_1075] {strides = array<i32>} : memref<32x1024xf32, #tpu.memory_space<vmem>>, vector<1x16xf32>,
      %swap3A_1077 = vector.shape_cast %swap3A_1076 : vector<1x16xf32> to vector<16xf32>
      %swap3A_1078 = vector.shape_cast %add3A_1073 : vector<16xf32> to vector<1x16xf32>
      tpu.vector_store %arg7[%swap3A_1074, %swap3A_1075], %swap3A_1078 {strides = array<i32>} : memref<32x1024xf32, #tpu.memory_space<vmem>>, vector<1x16xf32>,
      %get3A_1079 = arith.index_cast %scan3A_50 : i32 to index
      %get3A_1080 = arith.constant 784 : index
      %get3A_1081 = tpu.vector_load %arg7[%get3A_1079, %get3A_1080] {strides = array<i32>} : memref<32x1024xf32, #tpu.memory_space<vmem>>, vector<1x16xf32>,
      %get3A_1082 = vector.shape_cast %get3A_1081 : vector<1x16xf32> to vector<16xf32>
      %get3A_1083 = arith.index_cast %scan3A_50 : i32 to index
      %get3A_1084 = arith.constant 784 : index
      %get3A_1085 = tpu.vector_load %arg8[%get3A_1083, %get3A_1084] {strides = array<i32>} : memref<64x1024xf32, #tpu.memory_space<vmem>>, vector<1x16xf32>,
      %get3A_1086 = vector.shape_cast %get3A_1085 : vector<1x16xf32> to vector<16xf32>
      %add3A_1087 = arith.addf %get3A_1082, %get3A_1086 : vector<16xf32>
      %add3A_1088 = arith.constant 32 : i32
      %add3A_1089 = arith.addi %add3A_1088, %scan3A_50 : i32
      %get3A_1090 = arith.index_cast %add3A_1089 : i32 to index
      %get3A_1091 = arith.constant 784 : index
      %get3A_1092 = tpu.vector_load %arg8[%get3A_1090, %get3A_1091] {strides = array<i32>} : memref<64x1024xf32, #tpu.memory_space<vmem>>, vector<1x16xf32>,
      %get3A_1093 = vector.shape_cast %get3A_1092 : vector<1x16xf32> to vector<16xf32>
      %add3A_1094 = arith.addf %add3A_1087, %get3A_1093 : vector<16xf32>
      %swap3A_1095 = arith.index_cast %scan3A_50 : i32 to index
      %swap3A_1096 = arith.constant 784 : index
      %swap3A_1097 = tpu.vector_load %arg7[%swap3A_1095, %swap3A_1096] {strides = array<i32>} : memref<32x1024xf32, #tpu.memory_space<vmem>>, vector<1x16xf32>,
      %swap3A_1098 = vector.shape_cast %swap3A_1097 : vector<1x16xf32> to vector<16xf32>
      %swap3A_1099 = vector.shape_cast %add3A_1094 : vector<16xf32> to vector<1x16xf32>
      tpu.vector_store %arg7[%swap3A_1095, %swap3A_1096], %swap3A_1099 {strides = array<i32>} : memref<32x1024xf32, #tpu.memory_space<vmem>>, vector<1x16xf32>,
      %get3A_1100 = arith.index_cast %scan3A_50 : i32 to index
      %get3A_1101 = arith.constant 800 : index
      %get3A_1102 = tpu.vector_load %arg7[%get3A_1100, %get3A_1101] {strides = array<i32>} : memref<32x1024xf32, #tpu.memory_space<vmem>>, vector<1x16xf32>,
      %get3A_1103 = vector.shape_cast %get3A_1102 : vector<1x16xf32> to vector<16xf32>
      %get3A_1104 = arith.index_cast %scan3A_50 : i32 to index
      %get3A_1105 = arith.constant 800 : index
      %get3A_1106 = tpu.vector_load %arg8[%get3A_1104, %get3A_1105] {strides = array<i32>} : memref<64x1024xf32, #tpu.memory_space<vmem>>, vector<1x16xf32>,
      %get3A_1107 = vector.shape_cast %get3A_1106 : vector<1x16xf32> to vector<16xf32>
      %add3A_1108 = arith.addf %get3A_1103, %get3A_1107 : vector<16xf32>
      %add3A_1109 = arith.constant 32 : i32
      %add3A_1110 = arith.addi %add3A_1109, %scan3A_50 : i32
      %get3A_1111 = arith.index_cast %add3A_1110 : i32 to index
      %get3A_1112 = arith.constant 800 : index
      %get3A_1113 = tpu.vector_load %arg8[%get3A_1111, %get3A_1112] {strides = array<i32>} : memref<64x1024xf32, #tpu.memory_space<vmem>>, vector<1x16xf32>,
      %get3A_1114 = vector.shape_cast %get3A_1113 : vector<1x16xf32> to vector<16xf32>
      %add3A_1115 = arith.addf %add3A_1108, %get3A_1114 : vector<16xf32>
      %swap3A_1116 = arith.index_cast %scan3A_50 : i32 to index
      %swap3A_1117 = arith.constant 800 : index
      %swap3A_1118 = tpu.vector_load %arg7[%swap3A_1116, %swap3A_1117] {strides = array<i32>} : memref<32x1024xf32, #tpu.memory_space<vmem>>, vector<1x16xf32>,
      %swap3A_1119 = vector.shape_cast %swap3A_1118 : vector<1x16xf32> to vector<16xf32>
      %swap3A_1120 = vector.shape_cast %add3A_1115 : vector<16xf32> to vector<1x16xf32>
      tpu.vector_store %arg7[%swap3A_1116, %swap3A_1117], %swap3A_1120 {strides = array<i32>} : memref<32x1024xf32, #tpu.memory_space<vmem>>, vector<1x16xf32>,
      %get3A_1121 = arith.index_cast %scan3A_50 : i32 to index
      %get3A_1122 = arith.constant 816 : index
      %get3A_1123 = tpu.vector_load %arg7[%get3A_1121, %get3A_1122] {strides = array<i32>} : memref<32x1024xf32, #tpu.memory_space<vmem>>, vector<1x16xf32>,
      %get3A_1124 = vector.shape_cast %get3A_1123 : vector<1x16xf32> to vector<16xf32>
      %get3A_1125 = arith.index_cast %scan3A_50 : i32 to index
      %get3A_1126 = arith.constant 816 : index
      %get3A_1127 = tpu.vector_load %arg8[%get3A_1125, %get3A_1126] {strides = array<i32>} : memref<64x1024xf32, #tpu.memory_space<vmem>>, vector<1x16xf32>,
      %get3A_1128 = vector.shape_cast %get3A_1127 : vector<1x16xf32> to vector<16xf32>
      %add3A_1129 = arith.addf %get3A_1124, %get3A_1128 : vector<16xf32>
      %add3A_1130 = arith.constant 32 : i32
      %add3A_1131 = arith.addi %add3A_1130, %scan3A_50 : i32
      %get3A_1132 = arith.index_cast %add3A_1131 : i32 to index
      %get3A_1133 = arith.constant 816 : index
      %get3A_1134 = tpu.vector_load %arg8[%get3A_1132, %get3A_1133] {strides = array<i32>} : memref<64x1024xf32, #tpu.memory_space<vmem>>, vector<1x16xf32>,
      %get3A_1135 = vector.shape_cast %get3A_1134 : vector<1x16xf32> to vector<16xf32>
      %add3A_1136 = arith.addf %add3A_1129, %get3A_1135 : vector<16xf32>
      %swap3A_1137 = arith.index_cast %scan3A_50 : i32 to index
      %swap3A_1138 = arith.constant 816 : index
      %swap3A_1139 = tpu.vector_load %arg7[%swap3A_1137, %swap3A_1138] {strides = array<i32>} : memref<32x1024xf32, #tpu.memory_space<vmem>>, vector<1x16xf32>,
      %swap3A_1140 = vector.shape_cast %swap3A_1139 : vector<1x16xf32> to vector<16xf32>
      %swap3A_1141 = vector.shape_cast %add3A_1136 : vector<16xf32> to vector<1x16xf32>
      tpu.vector_store %arg7[%swap3A_1137, %swap3A_1138], %swap3A_1141 {strides = array<i32>} : memref<32x1024xf32, #tpu.memory_space<vmem>>, vector<1x16xf32>,
      %get3A_1142 = arith.index_cast %scan3A_50 : i32 to index
      %get3A_1143 = arith.constant 832 : index
      %get3A_1144 = tpu.vector_load %arg7[%get3A_1142, %get3A_1143] {strides = array<i32>} : memref<32x1024xf32, #tpu.memory_space<vmem>>, vector<1x16xf32>,
      %get3A_1145 = vector.shape_cast %get3A_1144 : vector<1x16xf32> to vector<16xf32>
      %get3A_1146 = arith.index_cast %scan3A_50 : i32 to index
      %get3A_1147 = arith.constant 832 : index
      %get3A_1148 = tpu.vector_load %arg8[%get3A_1146, %get3A_1147] {strides = array<i32>} : memref<64x1024xf32, #tpu.memory_space<vmem>>, vector<1x16xf32>,
      %get3A_1149 = vector.shape_cast %get3A_1148 : vector<1x16xf32> to vector<16xf32>
      %add3A_1150 = arith.addf %get3A_1145, %get3A_1149 : vector<16xf32>
      %add3A_1151 = arith.constant 32 : i32
      %add3A_1152 = arith.addi %add3A_1151, %scan3A_50 : i32
      %get3A_1153 = arith.index_cast %add3A_1152 : i32 to index
      %get3A_1154 = arith.constant 832 : index
      %get3A_1155 = tpu.vector_load %arg8[%get3A_1153, %get3A_1154] {strides = array<i32>} : memref<64x1024xf32, #tpu.memory_space<vmem>>, vector<1x16xf32>,
      %get3A_1156 = vector.shape_cast %get3A_1155 : vector<1x16xf32> to vector<16xf32>
      %add3A_1157 = arith.addf %add3A_1150, %get3A_1156 : vector<16xf32>
      %swap3A_1158 = arith.index_cast %scan3A_50 : i32 to index
      %swap3A_1159 = arith.constant 832 : index
      %swap3A_1160 = tpu.vector_load %arg7[%swap3A_1158, %swap3A_1159] {strides = array<i32>} : memref<32x1024xf32, #tpu.memory_space<vmem>>, vector<1x16xf32>,
      %swap3A_1161 = vector.shape_cast %swap3A_1160 : vector<1x16xf32> to vector<16xf32>
      %swap3A_1162 = vector.shape_cast %add3A_1157 : vector<16xf32> to vector<1x16xf32>
      tpu.vector_store %arg7[%swap3A_1158, %swap3A_1159], %swap3A_1162 {strides = array<i32>} : memref<32x1024xf32, #tpu.memory_space<vmem>>, vector<1x16xf32>,
      %get3A_1163 = arith.index_cast %scan3A_50 : i32 to index
      %get3A_1164 = arith.constant 848 : index
      %get3A_1165 = tpu.vector_load %arg7[%get3A_1163, %get3A_1164] {strides = array<i32>} : memref<32x1024xf32, #tpu.memory_space<vmem>>, vector<1x16xf32>,
      %get3A_1166 = vector.shape_cast %get3A_1165 : vector<1x16xf32> to vector<16xf32>
      %get3A_1167 = arith.index_cast %scan3A_50 : i32 to index
      %get3A_1168 = arith.constant 848 : index
      %get3A_1169 = tpu.vector_load %arg8[%get3A_1167, %get3A_1168] {strides = array<i32>} : memref<64x1024xf32, #tpu.memory_space<vmem>>, vector<1x16xf32>,
      %get3A_1170 = vector.shape_cast %get3A_1169 : vector<1x16xf32> to vector<16xf32>
      %add3A_1171 = arith.addf %get3A_1166, %get3A_1170 : vector<16xf32>
      %add3A_1172 = arith.constant 32 : i32
      %add3A_1173 = arith.addi %add3A_1172, %scan3A_50 : i32
      %get3A_1174 = arith.index_cast %add3A_1173 : i32 to index
      %get3A_1175 = arith.constant 848 : index
      %get3A_1176 = tpu.vector_load %arg8[%get3A_1174, %get3A_1175] {strides = array<i32>} : memref<64x1024xf32, #tpu.memory_space<vmem>>, vector<1x16xf32>,
      %get3A_1177 = vector.shape_cast %get3A_1176 : vector<1x16xf32> to vector<16xf32>
      %add3A_1178 = arith.addf %add3A_1171, %get3A_1177 : vector<16xf32>
      %swap3A_1179 = arith.index_cast %scan3A_50 : i32 to index
      %swap3A_1180 = arith.constant 848 : index
      %swap3A_1181 = tpu.vector_load %arg7[%swap3A_1179, %swap3A_1180] {strides = array<i32>} : memref<32x1024xf32, #tpu.memory_space<vmem>>, vector<1x16xf32>,
      %swap3A_1182 = vector.shape_cast %swap3A_1181 : vector<1x16xf32> to vector<16xf32>
      %swap3A_1183 = vector.shape_cast %add3A_1178 : vector<16xf32> to vector<1x16xf32>
      tpu.vector_store %arg7[%swap3A_1179, %swap3A_1180], %swap3A_1183 {strides = array<i32>} : memref<32x1024xf32, #tpu.memory_space<vmem>>, vector<1x16xf32>,
      %get3A_1184 = arith.index_cast %scan3A_50 : i32 to index
      %get3A_1185 = arith.constant 864 : index
      %get3A_1186 = tpu.vector_load %arg7[%get3A_1184, %get3A_1185] {strides = array<i32>} : memref<32x1024xf32, #tpu.memory_space<vmem>>, vector<1x16xf32>,
      %get3A_1187 = vector.shape_cast %get3A_1186 : vector<1x16xf32> to vector<16xf32>
      %get3A_1188 = arith.index_cast %scan3A_50 : i32 to index
      %get3A_1189 = arith.constant 864 : index
      %get3A_1190 = tpu.vector_load %arg8[%get3A_1188, %get3A_1189] {strides = array<i32>} : memref<64x1024xf32, #tpu.memory_space<vmem>>, vector<1x16xf32>,
      %get3A_1191 = vector.shape_cast %get3A_1190 : vector<1x16xf32> to vector<16xf32>
      %add3A_1192 = arith.addf %get3A_1187, %get3A_1191 : vector<16xf32>
      %add3A_1193 = arith.constant 32 : i32
      %add3A_1194 = arith.addi %add3A_1193, %scan3A_50 : i32
      %get3A_1195 = arith.index_cast %add3A_1194 : i32 to index
      %get3A_1196 = arith.constant 864 : index
      %get3A_1197 = tpu.vector_load %arg8[%get3A_1195, %get3A_1196] {strides = array<i32>} : memref<64x1024xf32, #tpu.memory_space<vmem>>, vector<1x16xf32>,
      %get3A_1198 = vector.shape_cast %get3A_1197 : vector<1x16xf32> to vector<16xf32>
      %add3A_1199 = arith.addf %add3A_1192, %get3A_1198 : vector<16xf32>
      %swap3A_1200 = arith.index_cast %scan3A_50 : i32 to index
      %swap3A_1201 = arith.constant 864 : index
      %swap3A_1202 = tpu.vector_load %arg7[%swap3A_1200, %swap3A_1201] {strides = array<i32>} : memref<32x1024xf32, #tpu.memory_space<vmem>>, vector<1x16xf32>,
      %swap3A_1203 = vector.shape_cast %swap3A_1202 : vector<1x16xf32> to vector<16xf32>
      %swap3A_1204 = vector.shape_cast %add3A_1199 : vector<16xf32> to vector<1x16xf32>
      tpu.vector_store %arg7[%swap3A_1200, %swap3A_1201], %swap3A_1204 {strides = array<i32>} : memref<32x1024xf32, #tpu.memory_space<vmem>>, vector<1x16xf32>,
      %get3A_1205 = arith.index_cast %scan3A_50 : i32 to index
      %get3A_1206 = arith.constant 880 : index
      %get3A_1207 = tpu.vector_load %arg7[%get3A_1205, %get3A_1206] {strides = array<i32>} : memref<32x1024xf32, #tpu.memory_space<vmem>>, vector<1x16xf32>,
      %get3A_1208 = vector.shape_cast %get3A_1207 : vector<1x16xf32> to vector<16xf32>
      %get3A_1209 = arith.index_cast %scan3A_50 : i32 to index
      %get3A_1210 = arith.constant 880 : index
      %get3A_1211 = tpu.vector_load %arg8[%get3A_1209, %get3A_1210] {strides = array<i32>} : memref<64x1024xf32, #tpu.memory_space<vmem>>, vector<1x16xf32>,
      %get3A_1212 = vector.shape_cast %get3A_1211 : vector<1x16xf32> to vector<16xf32>
      %add3A_1213 = arith.addf %get3A_1208, %get3A_1212 : vector<16xf32>
      %add3A_1214 = arith.constant 32 : i32
      %add3A_1215 = arith.addi %add3A_1214, %scan3A_50 : i32
      %get3A_1216 = arith.index_cast %add3A_1215 : i32 to index
      %get3A_1217 = arith.constant 880 : index
      %get3A_1218 = tpu.vector_load %arg8[%get3A_1216, %get3A_1217] {strides = array<i32>} : memref<64x1024xf32, #tpu.memory_space<vmem>>, vector<1x16xf32>,
      %get3A_1219 = vector.shape_cast %get3A_1218 : vector<1x16xf32> to vector<16xf32>
      %add3A_1220 = arith.addf %add3A_1213, %get3A_1219 : vector<16xf32>
      %swap3A_1221 = arith.index_cast %scan3A_50 : i32 to index
      %swap3A_1222 = arith.constant 880 : index
      %swap3A_1223 = tpu.vector_load %arg7[%swap3A_1221, %swap3A_1222] {strides = array<i32>} : memref<32x1024xf32, #tpu.memory_space<vmem>>, vector<1x16xf32>,
      %swap3A_1224 = vector.shape_cast %swap3A_1223 : vector<1x16xf32> to vector<16xf32>
      %swap3A_1225 = vector.shape_cast %add3A_1220 : vector<16xf32> to vector<1x16xf32>
      tpu.vector_store %arg7[%swap3A_1221, %swap3A_1222], %swap3A_1225 {strides = array<i32>} : memref<32x1024xf32, #tpu.memory_space<vmem>>, vector<1x16xf32>,
      %get3A_1226 = arith.index_cast %scan3A_50 : i32 to index
      %get3A_1227 = arith.constant 896 : index
      %get3A_1228 = tpu.vector_load %arg7[%get3A_1226, %get3A_1227] {strides = array<i32>} : memref<32x1024xf32, #tpu.memory_space<vmem>>, vector<1x16xf32>,
      %get3A_1229 = vector.shape_cast %get3A_1228 : vector<1x16xf32> to vector<16xf32>
      %get3A_1230 = arith.index_cast %scan3A_50 : i32 to index
      %get3A_1231 = arith.constant 896 : index
      %get3A_1232 = tpu.vector_load %arg8[%get3A_1230, %get3A_1231] {strides = array<i32>} : memref<64x1024xf32, #tpu.memory_space<vmem>>, vector<1x16xf32>,
      %get3A_1233 = vector.shape_cast %get3A_1232 : vector<1x16xf32> to vector<16xf32>
      %add3A_1234 = arith.addf %get3A_1229, %get3A_1233 : vector<16xf32>
      %add3A_1235 = arith.constant 32 : i32
      %add3A_1236 = arith.addi %add3A_1235, %scan3A_50 : i32
      %get3A_1237 = arith.index_cast %add3A_1236 : i32 to index
      %get3A_1238 = arith.constant 896 : index
      %get3A_1239 = tpu.vector_load %arg8[%get3A_1237, %get3A_1238] {strides = array<i32>} : memref<64x1024xf32, #tpu.memory_space<vmem>>, vector<1x16xf32>,
      %get3A_1240 = vector.shape_cast %get3A_1239 : vector<1x16xf32> to vector<16xf32>
      %add3A_1241 = arith.addf %add3A_1234, %get3A_1240 : vector<16xf32>
      %swap3A_1242 = arith.index_cast %scan3A_50 : i32 to index
      %swap3A_1243 = arith.constant 896 : index
      %swap3A_1244 = tpu.vector_load %arg7[%swap3A_1242, %swap3A_1243] {strides = array<i32>} : memref<32x1024xf32, #tpu.memory_space<vmem>>, vector<1x16xf32>,
      %swap3A_1245 = vector.shape_cast %swap3A_1244 : vector<1x16xf32> to vector<16xf32>
      %swap3A_1246 = vector.shape_cast %add3A_1241 : vector<16xf32> to vector<1x16xf32>
      tpu.vector_store %arg7[%swap3A_1242, %swap3A_1243], %swap3A_1246 {strides = array<i32>} : memref<32x1024xf32, #tpu.memory_space<vmem>>, vector<1x16xf32>,
      %get3A_1247 = arith.index_cast %scan3A_50 : i32 to index
      %get3A_1248 = arith.constant 912 : index
      %get3A_1249 = tpu.vector_load %arg7[%get3A_1247, %get3A_1248] {strides = array<i32>} : memref<32x1024xf32, #tpu.memory_space<vmem>>, vector<1x16xf32>,
      %get3A_1250 = vector.shape_cast %get3A_1249 : vector<1x16xf32> to vector<16xf32>
      %get3A_1251 = arith.index_cast %scan3A_50 : i32 to index
      %get3A_1252 = arith.constant 912 : index
      %get3A_1253 = tpu.vector_load %arg8[%get3A_1251, %get3A_1252] {strides = array<i32>} : memref<64x1024xf32, #tpu.memory_space<vmem>>, vector<1x16xf32>,
      %get3A_1254 = vector.shape_cast %get3A_1253 : vector<1x16xf32> to vector<16xf32>
      %add3A_1255 = arith.addf %get3A_1250, %get3A_1254 : vector<16xf32>
      %add3A_1256 = arith.constant 32 : i32
      %add3A_1257 = arith.addi %add3A_1256, %scan3A_50 : i32
      %get3A_1258 = arith.index_cast %add3A_1257 : i32 to index
      %get3A_1259 = arith.constant 912 : index
      %get3A_1260 = tpu.vector_load %arg8[%get3A_1258, %get3A_1259] {strides = array<i32>} : memref<64x1024xf32, #tpu.memory_space<vmem>>, vector<1x16xf32>,
      %get3A_1261 = vector.shape_cast %get3A_1260 : vector<1x16xf32> to vector<16xf32>
      %add3A_1262 = arith.addf %add3A_1255, %get3A_1261 : vector<16xf32>
      %swap3A_1263 = arith.index_cast %scan3A_50 : i32 to index
      %swap3A_1264 = arith.constant 912 : index
      %swap3A_1265 = tpu.vector_load %arg7[%swap3A_1263, %swap3A_1264] {strides = array<i32>} : memref<32x1024xf32, #tpu.memory_space<vmem>>, vector<1x16xf32>,
      %swap3A_1266 = vector.shape_cast %swap3A_1265 : vector<1x16xf32> to vector<16xf32>
      %swap3A_1267 = vector.shape_cast %add3A_1262 : vector<16xf32> to vector<1x16xf32>
      tpu.vector_store %arg7[%swap3A_1263, %swap3A_1264], %swap3A_1267 {strides = array<i32>} : memref<32x1024xf32, #tpu.memory_space<vmem>>, vector<1x16xf32>,
      %get3A_1268 = arith.index_cast %scan3A_50 : i32 to index
      %get3A_1269 = arith.constant 928 : index
      %get3A_1270 = tpu.vector_load %arg7[%get3A_1268, %get3A_1269] {strides = array<i32>} : memref<32x1024xf32, #tpu.memory_space<vmem>>, vector<1x16xf32>,
      %get3A_1271 = vector.shape_cast %get3A_1270 : vector<1x16xf32> to vector<16xf32>
      %get3A_1272 = arith.index_cast %scan3A_50 : i32 to index
      %get3A_1273 = arith.constant 928 : index
      %get3A_1274 = tpu.vector_load %arg8[%get3A_1272, %get3A_1273] {strides = array<i32>} : memref<64x1024xf32, #tpu.memory_space<vmem>>, vector<1x16xf32>,
      %get3A_1275 = vector.shape_cast %get3A_1274 : vector<1x16xf32> to vector<16xf32>
      %add3A_1276 = arith.addf %get3A_1271, %get3A_1275 : vector<16xf32>
      %add3A_1277 = arith.constant 32 : i32
      %add3A_1278 = arith.addi %add3A_1277, %scan3A_50 : i32
      %get3A_1279 = arith.index_cast %add3A_1278 : i32 to index
      %get3A_1280 = arith.constant 928 : index
      %get3A_1281 = tpu.vector_load %arg8[%get3A_1279, %get3A_1280] {strides = array<i32>} : memref<64x1024xf32, #tpu.memory_space<vmem>>, vector<1x16xf32>,
      %get3A_1282 = vector.shape_cast %get3A_1281 : vector<1x16xf32> to vector<16xf32>
      %add3A_1283 = arith.addf %add3A_1276, %get3A_1282 : vector<16xf32>
      %swap3A_1284 = arith.index_cast %scan3A_50 : i32 to index
      %swap3A_1285 = arith.constant 928 : index
      %swap3A_1286 = tpu.vector_load %arg7[%swap3A_1284, %swap3A_1285] {strides = array<i32>} : memref<32x1024xf32, #tpu.memory_space<vmem>>, vector<1x16xf32>,
      %swap3A_1287 = vector.shape_cast %swap3A_1286 : vector<1x16xf32> to vector<16xf32>
      %swap3A_1288 = vector.shape_cast %add3A_1283 : vector<16xf32> to vector<1x16xf32>
      tpu.vector_store %arg7[%swap3A_1284, %swap3A_1285], %swap3A_1288 {strides = array<i32>} : memref<32x1024xf32, #tpu.memory_space<vmem>>, vector<1x16xf32>,
      %get3A_1289 = arith.index_cast %scan3A_50 : i32 to index
      %get3A_1290 = arith.constant 944 : index
      %get3A_1291 = tpu.vector_load %arg7[%get3A_1289, %get3A_1290] {strides = array<i32>} : memref<32x1024xf32, #tpu.memory_space<vmem>>, vector<1x16xf32>,
      %get3A_1292 = vector.shape_cast %get3A_1291 : vector<1x16xf32> to vector<16xf32>
      %get3A_1293 = arith.index_cast %scan3A_50 : i32 to index
      %get3A_1294 = arith.constant 944 : index
      %get3A_1295 = tpu.vector_load %arg8[%get3A_1293, %get3A_1294] {strides = array<i32>} : memref<64x1024xf32, #tpu.memory_space<vmem>>, vector<1x16xf32>,
      %get3A_1296 = vector.shape_cast %get3A_1295 : vector<1x16xf32> to vector<16xf32>
      %add3A_1297 = arith.addf %get3A_1292, %get3A_1296 : vector<16xf32>
      %add3A_1298 = arith.constant 32 : i32
      %add3A_1299 = arith.addi %add3A_1298, %scan3A_50 : i32
      %get3A_1300 = arith.index_cast %add3A_1299 : i32 to index
      %get3A_1301 = arith.constant 944 : index
      %get3A_1302 = tpu.vector_load %arg8[%get3A_1300, %get3A_1301] {strides = array<i32>} : memref<64x1024xf32, #tpu.memory_space<vmem>>, vector<1x16xf32>,
      %get3A_1303 = vector.shape_cast %get3A_1302 : vector<1x16xf32> to vector<16xf32>
      %add3A_1304 = arith.addf %add3A_1297, %get3A_1303 : vector<16xf32>
      %swap3A_1305 = arith.index_cast %scan3A_50 : i32 to index
      %swap3A_1306 = arith.constant 944 : index
      %swap3A_1307 = tpu.vector_load %arg7[%swap3A_1305, %swap3A_1306] {strides = array<i32>} : memref<32x1024xf32, #tpu.memory_space<vmem>>, vector<1x16xf32>,
      %swap3A_1308 = vector.shape_cast %swap3A_1307 : vector<1x16xf32> to vector<16xf32>
      %swap3A_1309 = vector.shape_cast %add3A_1304 : vector<16xf32> to vector<1x16xf32>
      tpu.vector_store %arg7[%swap3A_1305, %swap3A_1306], %swap3A_1309 {strides = array<i32>} : memref<32x1024xf32, #tpu.memory_space<vmem>>, vector<1x16xf32>,
      %get3A_1310 = arith.index_cast %scan3A_50 : i32 to index
      %get3A_1311 = arith.constant 960 : index
      %get3A_1312 = tpu.vector_load %arg7[%get3A_1310, %get3A_1311] {strides = array<i32>} : memref<32x1024xf32, #tpu.memory_space<vmem>>, vector<1x16xf32>,
      %get3A_1313 = vector.shape_cast %get3A_1312 : vector<1x16xf32> to vector<16xf32>
      %get3A_1314 = arith.index_cast %scan3A_50 : i32 to index
      %get3A_1315 = arith.constant 960 : index
      %get3A_1316 = tpu.vector_load %arg8[%get3A_1314, %get3A_1315] {strides = array<i32>} : memref<64x1024xf32, #tpu.memory_space<vmem>>, vector<1x16xf32>,
      %get3A_1317 = vector.shape_cast %get3A_1316 : vector<1x16xf32> to vector<16xf32>
      %add3A_1318 = arith.addf %get3A_1313, %get3A_1317 : vector<16xf32>
      %add3A_1319 = arith.constant 32 : i32
      %add3A_1320 = arith.addi %add3A_1319, %scan3A_50 : i32
      %get3A_1321 = arith.index_cast %add3A_1320 : i32 to index
      %get3A_1322 = arith.constant 960 : index
      %get3A_1323 = tpu.vector_load %arg8[%get3A_1321, %get3A_1322] {strides = array<i32>} : memref<64x1024xf32, #tpu.memory_space<vmem>>, vector<1x16xf32>,
      %get3A_1324 = vector.shape_cast %get3A_1323 : vector<1x16xf32> to vector<16xf32>
      %add3A_1325 = arith.addf %add3A_1318, %get3A_1324 : vector<16xf32>
      %swap3A_1326 = arith.index_cast %scan3A_50 : i32 to index
      %swap3A_1327 = arith.constant 960 : index
      %swap3A_1328 = tpu.vector_load %arg7[%swap3A_1326, %swap3A_1327] {strides = array<i32>} : memref<32x1024xf32, #tpu.memory_space<vmem>>, vector<1x16xf32>,
      %swap3A_1329 = vector.shape_cast %swap3A_1328 : vector<1x16xf32> to vector<16xf32>
      %swap3A_1330 = vector.shape_cast %add3A_1325 : vector<16xf32> to vector<1x16xf32>
      tpu.vector_store %arg7[%swap3A_1326, %swap3A_1327], %swap3A_1330 {strides = array<i32>} : memref<32x1024xf32, #tpu.memory_space<vmem>>, vector<1x16xf32>,
      %get3A_1331 = arith.index_cast %scan3A_50 : i32 to index
      %get3A_1332 = arith.constant 976 : index
      %get3A_1333 = tpu.vector_load %arg7[%get3A_1331, %get3A_1332] {strides = array<i32>} : memref<32x1024xf32, #tpu.memory_space<vmem>>, vector<1x16xf32>,
      %get3A_1334 = vector.shape_cast %get3A_1333 : vector<1x16xf32> to vector<16xf32>
      %get3A_1335 = arith.index_cast %scan3A_50 : i32 to index
      %get3A_1336 = arith.constant 976 : index
      %get3A_1337 = tpu.vector_load %arg8[%get3A_1335, %get3A_1336] {strides = array<i32>} : memref<64x1024xf32, #tpu.memory_space<vmem>>, vector<1x16xf32>,
      %get3A_1338 = vector.shape_cast %get3A_1337 : vector<1x16xf32> to vector<16xf32>
      %add3A_1339 = arith.addf %get3A_1334, %get3A_1338 : vector<16xf32>
      %add3A_1340 = arith.constant 32 : i32
      %add3A_1341 = arith.addi %add3A_1340, %scan3A_50 : i32
      %get3A_1342 = arith.index_cast %add3A_1341 : i32 to index
      %get3A_1343 = arith.constant 976 : index
      %get3A_1344 = tpu.vector_load %arg8[%get3A_1342, %get3A_1343] {strides = array<i32>} : memref<64x1024xf32, #tpu.memory_space<vmem>>, vector<1x16xf32>,
      %get3A_1345 = vector.shape_cast %get3A_1344 : vector<1x16xf32> to vector<16xf32>
      %add3A_1346 = arith.addf %add3A_1339, %get3A_1345 : vector<16xf32>
      %swap3A_1347 = arith.index_cast %scan3A_50 : i32 to index
      %swap3A_1348 = arith.constant 976 : index
      %swap3A_1349 = tpu.vector_load %arg7[%swap3A_1347, %swap3A_1348] {strides = array<i32>} : memref<32x1024xf32, #tpu.memory_space<vmem>>, vector<1x16xf32>,
      %swap3A_1350 = vector.shape_cast %swap3A_1349 : vector<1x16xf32> to vector<16xf32>
      %swap3A_1351 = vector.shape_cast %add3A_1346 : vector<16xf32> to vector<1x16xf32>
      tpu.vector_store %arg7[%swap3A_1347, %swap3A_1348], %swap3A_1351 {strides = array<i32>} : memref<32x1024xf32, #tpu.memory_space<vmem>>, vector<1x16xf32>,
      %get3A_1352 = arith.index_cast %scan3A_50 : i32 to index
      %get3A_1353 = arith.constant 992 : index
      %get3A_1354 = tpu.vector_load %arg7[%get3A_1352, %get3A_1353] {strides = array<i32>} : memref<32x1024xf32, #tpu.memory_space<vmem>>, vector<1x16xf32>,
      %get3A_1355 = vector.shape_cast %get3A_1354 : vector<1x16xf32> to vector<16xf32>
      %get3A_1356 = arith.index_cast %scan3A_50 : i32 to index
      %get3A_1357 = arith.constant 992 : index
      %get3A_1358 = tpu.vector_load %arg8[%get3A_1356, %get3A_1357] {strides = array<i32>} : memref<64x1024xf32, #tpu.memory_space<vmem>>, vector<1x16xf32>,
      %get3A_1359 = vector.shape_cast %get3A_1358 : vector<1x16xf32> to vector<16xf32>
      %add3A_1360 = arith.addf %get3A_1355, %get3A_1359 : vector<16xf32>
      %add3A_1361 = arith.constant 32 : i32
      %add3A_1362 = arith.addi %add3A_1361, %scan3A_50 : i32
      %get3A_1363 = arith.index_cast %add3A_1362 : i32 to index
      %get3A_1364 = arith.constant 992 : index
      %get3A_1365 = tpu.vector_load %arg8[%get3A_1363, %get3A_1364] {strides = array<i32>} : memref<64x1024xf32, #tpu.memory_space<vmem>>, vector<1x16xf32>,
      %get3A_1366 = vector.shape_cast %get3A_1365 : vector<1x16xf32> to vector<16xf32>
      %add3A_1367 = arith.addf %add3A_1360, %get3A_1366 : vector<16xf32>
      %swap3A_1368 = arith.index_cast %scan3A_50 : i32 to index
      %swap3A_1369 = arith.constant 992 : index
      %swap3A_1370 = tpu.vector_load %arg7[%swap3A_1368, %swap3A_1369] {strides = array<i32>} : memref<32x1024xf32, #tpu.memory_space<vmem>>, vector<1x16xf32>,
      %swap3A_1371 = vector.shape_cast %swap3A_1370 : vector<1x16xf32> to vector<16xf32>
      %swap3A_1372 = vector.shape_cast %add3A_1367 : vector<16xf32> to vector<1x16xf32>
      tpu.vector_store %arg7[%swap3A_1368, %swap3A_1369], %swap3A_1372 {strides = array<i32>} : memref<32x1024xf32, #tpu.memory_space<vmem>>, vector<1x16xf32>,
      %get3A_1373 = arith.index_cast %scan3A_50 : i32 to index
      %get3A_1374 = arith.constant 1008 : index
      %get3A_1375 = tpu.vector_load %arg7[%get3A_1373, %get3A_1374] {strides = array<i32>} : memref<32x1024xf32, #tpu.memory_space<vmem>>, vector<1x16xf32>,
      %get3A_1376 = vector.shape_cast %get3A_1375 : vector<1x16xf32> to vector<16xf32>
      %get3A_1377 = arith.index_cast %scan3A_50 : i32 to index
      %get3A_1378 = arith.constant 1008 : index
      %get3A_1379 = tpu.vector_load %arg8[%get3A_1377, %get3A_1378] {strides = array<i32>} : memref<64x1024xf32, #tpu.memory_space<vmem>>, vector<1x16xf32>,
      %get3A_1380 = vector.shape_cast %get3A_1379 : vector<1x16xf32> to vector<16xf32>
      %add3A_1381 = arith.addf %get3A_1376, %get3A_1380 : vector<16xf32>
      %add3A_1382 = arith.constant 32 : i32
      %add3A_1383 = arith.addi %add3A_1382, %scan3A_50 : i32
      %get3A_1384 = arith.index_cast %add3A_1383 : i32 to index
      %get3A_1385 = arith.constant 1008 : index
      %get3A_1386 = tpu.vector_load %arg8[%get3A_1384, %get3A_1385] {strides = array<i32>} : memref<64x1024xf32, #tpu.memory_space<vmem>>, vector<1x16xf32>,
      %get3A_1387 = vector.shape_cast %get3A_1386 : vector<1x16xf32> to vector<16xf32>
      %add3A_1388 = arith.addf %add3A_1381, %get3A_1387 : vector<16xf32>
      %swap3A_1389 = arith.index_cast %scan3A_50 : i32 to index
      %swap3A_1390 = arith.constant 1008 : index
      %swap3A_1391 = tpu.vector_load %arg7[%swap3A_1389, %swap3A_1390] {strides = array<i32>} : memref<32x1024xf32, #tpu.memory_space<vmem>>, vector<1x16xf32>,
      %swap3A_1392 = vector.shape_cast %swap3A_1391 : vector<1x16xf32> to vector<16xf32>
      %swap3A_1393 = vector.shape_cast %add3A_1388 : vector<16xf32> to vector<1x16xf32>
      tpu.vector_store %arg7[%swap3A_1389, %swap3A_1390], %swap3A_1393 {strides = array<i32>} : memref<32x1024xf32, #tpu.memory_space<vmem>>, vector<1x16xf32>,
      %scan3A_1394 = arith.constant 0 : i32
      scf.yield %scan3A_1394 : i32
    }
    %scan3A_22 = arith.constant 32 : i32
    %add3A_23 = arith.constant 0 : i32
    %add3A_24 = arith.addi %mul3A_2, %add3A_23 : i32
    "tpu.region"() ({
      %run_scoped3A = tpu.sem_alloc : memref<!tpu.dma_semaphore, #tpu.memory_space<semaphore_mem>>
      %dma_start3A_50 = arith.constant 0 : i32
      %dma_start3A_51 = tpu.memref_slice %arg5[%add3A_24, %dma_start3A_50] : memref<2048x1024xf32, #tpu.memory_space<hbm>> -> memref<32x1024xf32, #tpu.memory_space<hbm>>
      %dma_start3A_52 = arith.constant 0 : i32
      %dma_start3A_53 = tpu.memref_slice %arg5[%add3A_24, %dma_start3A_52] : memref<2048x1024xf32, #tpu.memory_space<hbm>> -> memref<32x1024xf32, #tpu.memory_space<hbm>>
      tpu.enqueue_dma source(%arg7 : memref<32x1024xf32, #tpu.memory_space<vmem>>) target(%dma_start3A_53 : memref<32x1024xf32, #tpu.memory_space<hbm>>) target_semaphore(%run_scoped3A : memref<!tpu.dma_semaphore, #tpu.memory_space<semaphore_mem>>)
      %dma_wait3A_54 = arith.constant 0 : i32
      %dma_wait3A_55 = tpu.memref_slice %arg5[%add3A_24, %dma_wait3A_54] : memref<2048x1024xf32, #tpu.memory_space<hbm>> -> memref<32x1024xf32, #tpu.memory_space<hbm>>
      %dma_wait3A_56 = arith.constant 0 : i32
      %dma_wait3A_57 = tpu.memref_slice %arg5[%add3A_24, %dma_wait3A_56] : memref<2048x1024xf32, #tpu.memory_space<hbm>> -> memref<32x1024xf32, #tpu.memory_space<hbm>>
      tpu.wait_dma2 semaphore(%run_scoped3A : memref<!tpu.dma_semaphore, #tpu.memory_space<semaphore_mem>>) src(%arg7 : memref<32x1024xf32, #tpu.memory_space<vmem>>) dst(%dma_wait3A_57 : memref<32x1024xf32, #tpu.memory_space<hbm>>)
      tpu.yield
    }) : () -> ()
    %add3A_25 = arith.constant 32 : i32
    %add3A_26 = arith.addi %mul3A_2, %add3A_25 : i32
    "tpu.region"() ({
      %run_scoped3A = tpu.sem_alloc : memref<!tpu.dma_semaphore, #tpu.memory_space<semaphore_mem>>
      %dma_start3A_50 = arith.constant 0 : i32
      %dma_start3A_51 = tpu.memref_slice %arg3[%add3A_26, %dma_start3A_50] : memref<2048x1024xf32, #tpu.memory_space<hbm>> -> memref<32x1024xf32, #tpu.memory_space<hbm>>
      %dma_start3A_52 = arith.constant 0 : i32
      %dma_start3A_53 = tpu.memref_slice %arg3[%add3A_26, %dma_start3A_52] : memref<2048x1024xf32, #tpu.memory_space<hbm>> -> memref<32x1024xf32, #tpu.memory_space<hbm>>
      tpu.enqueue_dma source(%dma_start3A_53 : memref<32x1024xf32, #tpu.memory_space<hbm>>) target(%arg7 : memref<32x1024xf32, #tpu.memory_space<vmem>>) target_semaphore(%run_scoped3A : memref<!tpu.dma_semaphore, #tpu.memory_space<semaphore_mem>>)
      %dma_wait3A_54 = arith.constant 0 : i32
      %dma_wait3A_55 = tpu.memref_slice %arg3[%add3A_26, %dma_wait3A_54] : memref<2048x1024xf32, #tpu.memory_space<hbm>> -> memref<32x1024xf32, #tpu.memory_space<hbm>>
      %dma_wait3A_56 = arith.constant 0 : i32
      %dma_wait3A_57 = tpu.memref_slice %arg3[%add3A_26, %dma_wait3A_56] : memref<2048x1024xf32, #tpu.memory_space<hbm>> -> memref<32x1024xf32, #tpu.memory_space<hbm>>
      tpu.wait_dma2 semaphore(%run_scoped3A : memref<!tpu.dma_semaphore, #tpu.memory_space<semaphore_mem>>) src(%dma_wait3A_57 : memref<32x1024xf32, #tpu.memory_space<hbm>>) dst(%arg7 : memref<32x1024xf32, #tpu.memory_space<vmem>>)
      tpu.yield
    }) : () -> ()
    %dma_start3A_27 = arith.constant 1 : i32
    %dma_start3A_28 = arith.constant 0 : i32
    %dma_start3A_29 = tpu.memref_slice %arg6[%dma_start3A_27, %dma_start3A_28] : memref<2x64xi32, #tpu.memory_space<vmem>> -> memref<1x64xi32, #tpu.memory_space<vmem>>
    %dma_start3A_30 = tpu.memref_squeeze %dma_start3A_29 : memref<1x64xi32, #tpu.memory_space<vmem>> -> memref<64xi32, #tpu.memory_space<vmem>>
    %dma_start3A_31 = arith.constant 0 : i32
    %dma_start3A_32 = arith.constant 0 : i32
    %dma_start3A_33 = tpu.memref_slice %arg2[%dma_start3A_31, %dma_start3A_32] : memref<20224x1024xf32, #tpu.memory_space<hbm>> -> memref<20224x1024xf32, #tpu.memory_space<hbm>>
    tpu.enqueue_indirect_dma source(%dma_start3A_33 : memref<20224x1024xf32, #tpu.memory_space<hbm>>) target(%arg8 : memref<64x1024xf32, #tpu.memory_space<vmem>>) offsets(%dma_start3A_30 : memref<64xi32, #tpu.memory_space<vmem>>) semaphore(%arg9 : memref<!tpu.dma_semaphore, #tpu.memory_space<semaphore_mem>>)
    %dma_wait3A_34 = arith.constant 1 : i32
    %dma_wait3A_35 = arith.constant 0 : i32
    %dma_wait3A_36 = tpu.memref_slice %arg6[%dma_wait3A_34, %dma_wait3A_35] : memref<2x64xi32, #tpu.memory_space<vmem>> -> memref<1x64xi32, #tpu.memory_space<vmem>>
    %dma_wait3A_37 = tpu.memref_squeeze %dma_wait3A_36 : memref<1x64xi32, #tpu.memory_space<vmem>> -> memref<64xi32, #tpu.memory_space<vmem>>
    %dma_wait3A_38 = arith.constant 0 : i32
    %dma_wait3A_39 = arith.constant 0 : i32
    %dma_wait3A_40 = tpu.memref_slice %arg2[%dma_wait3A_38, %dma_wait3A_39] : memref<20224x1024xf32, #tpu.memory_space<hbm>> -> memref<20224x1024xf32, #tpu.memory_space<hbm>>
    tpu.wait_indirect_dma semaphore(%arg9 : memref<!tpu.dma_semaphore, #tpu.memory_space<semaphore_mem>>) src(%dma_wait3A_40 : memref<20224x1024xf32, #tpu.memory_space<hbm>>) dst(%arg8 : memref<64x1024xf32, #tpu.memory_space<vmem>>)
    %scan3A_41 = arith.constant 0 : i32
    %scan3A_42 = arith.constant 0 : i32
    %scan3A_43 = arith.constant 32 : i32
    %scan3A_44 = arith.addi %scan3A_42, %scan3A_43 : i32
    %scan3A_45 = arith.constant 1 : i32
    %scan3A_46 = scf.for %scan3A_50 = %scan3A_42 to %scan3A_44 step %scan3A_45 iter_args(%scan3A_51 = %scan3A_41) -> (i32)  : i32 {
      %get3A = arith.index_cast %scan3A_50 : i32 to index
      %get3A_52 = arith.constant 0 : index
      %get3A_53 = tpu.vector_load %arg7[%get3A, %get3A_52] {strides = array<i32>} : memref<32x1024xf32, #tpu.memory_space<vmem>>, vector<1x16xf32>,
      %get3A_54 = vector.shape_cast %get3A_53 : vector<1x16xf32> to vector<16xf32>
      %get3A_55 = arith.index_cast %scan3A_50 : i32 to index
      %get3A_56 = arith.constant 0 : index
      %get3A_57 = tpu.vector_load %arg8[%get3A_55, %get3A_56] {strides = array<i32>} : memref<64x1024xf32, #tpu.memory_space<vmem>>, vector<1x16xf32>,
      %get3A_58 = vector.shape_cast %get3A_57 : vector<1x16xf32> to vector<16xf32>
      %add3A_59 = arith.addf %get3A_54, %get3A_58 : vector<16xf32>
      %add3A_60 = arith.constant 32 : i32
      %add3A_61 = arith.addi %add3A_60, %scan3A_50 : i32
      %get3A_62 = arith.index_cast %add3A_61 : i32 to index
      %get3A_63 = arith.constant 0 : index
      %get3A_64 = tpu.vector_load %arg8[%get3A_62, %get3A_63] {strides = array<i32>} : memref<64x1024xf32, #tpu.memory_space<vmem>>, vector<1x16xf32>,
      %get3A_65 = vector.shape_cast %get3A_64 : vector<1x16xf32> to vector<16xf32>
      %add3A_66 = arith.addf %add3A_59, %get3A_65 : vector<16xf32>
      %swap3A = arith.index_cast %scan3A_50 : i32 to index
      %swap3A_67 = arith.constant 0 : index
      %swap3A_68 = tpu.vector_load %arg7[%swap3A, %swap3A_67] {strides = array<i32>} : memref<32x1024xf32, #tpu.memory_space<vmem>>, vector<1x16xf32>,
      %swap3A_69 = vector.shape_cast %swap3A_68 : vector<1x16xf32> to vector<16xf32>
      %swap3A_70 = vector.shape_cast %add3A_66 : vector<16xf32> to vector<1x16xf32>
      tpu.vector_store %arg7[%swap3A, %swap3A_67], %swap3A_70 {strides = array<i32>} : memref<32x1024xf32, #tpu.memory_space<vmem>>, vector<1x16xf32>,
      %get3A_71 = arith.index_cast %scan3A_50 : i32 to index
      %get3A_72 = arith.constant 16 : index
      %get3A_73 = tpu.vector_load %arg7[%get3A_71, %get3A_72] {strides = array<i32>} : memref<32x1024xf32, #tpu.memory_space<vmem>>, vector<1x16xf32>,
      %get3A_74 = vector.shape_cast %get3A_73 : vector<1x16xf32> to vector<16xf32>
      %get3A_75 = arith.index_cast %scan3A_50 : i32 to index
      %get3A_76 = arith.constant 16 : index
      %get3A_77 = tpu.vector_load %arg8[%get3A_75, %get3A_76] {strides = array<i32>} : memref<64x1024xf32, #tpu.memory_space<vmem>>, vector<1x16xf32>,
      %get3A_78 = vector.shape_cast %get3A_77 : vector<1x16xf32> to vector<16xf32>
      %add3A_79 = arith.addf %get3A_74, %get3A_78 : vector<16xf32>
      %add3A_80 = arith.constant 32 : i32
      %add3A_81 = arith.addi %add3A_80, %scan3A_50 : i32
      %get3A_82 = arith.index_cast %add3A_81 : i32 to index
      %get3A_83 = arith.constant 16 : index
      %get3A_84 = tpu.vector_load %arg8[%get3A_82, %get3A_83] {strides = array<i32>} : memref<64x1024xf32, #tpu.memory_space<vmem>>, vector<1x16xf32>,
      %get3A_85 = vector.shape_cast %get3A_84 : vector<1x16xf32> to vector<16xf32>
      %add3A_86 = arith.addf %add3A_79, %get3A_85 : vector<16xf32>
      %swap3A_87 = arith.index_cast %scan3A_50 : i32 to index
      %swap3A_88 = arith.constant 16 : index
      %swap3A_89 = tpu.vector_load %arg7[%swap3A_87, %swap3A_88] {strides = array<i32>} : memref<32x1024xf32, #tpu.memory_space<vmem>>, vector<1x16xf32>,
      %swap3A_90 = vector.shape_cast %swap3A_89 : vector<1x16xf32> to vector<16xf32>
      %swap3A_91 = vector.shape_cast %add3A_86 : vector<16xf32> to vector<1x16xf32>
      tpu.vector_store %arg7[%swap3A_87, %swap3A_88], %swap3A_91 {strides = array<i32>} : memref<32x1024xf32, #tpu.memory_space<vmem>>, vector<1x16xf32>,
      %get3A_92 = arith.index_cast %scan3A_50 : i32 to index
      %get3A_93 = arith.constant 32 : index
      %get3A_94 = tpu.vector_load %arg7[%get3A_92, %get3A_93] {strides = array<i32>} : memref<32x1024xf32, #tpu.memory_space<vmem>>, vector<1x16xf32>,
      %get3A_95 = vector.shape_cast %get3A_94 : vector<1x16xf32> to vector<16xf32>
      %get3A_96 = arith.index_cast %scan3A_50 : i32 to index
      %get3A_97 = arith.constant 32 : index
      %get3A_98 = tpu.vector_load %arg8[%get3A_96, %get3A_97] {strides = array<i32>} : memref<64x1024xf32, #tpu.memory_space<vmem>>, vector<1x16xf32>,
      %get3A_99 = vector.shape_cast %get3A_98 : vector<1x16xf32> to vector<16xf32>
      %add3A_100 = arith.addf %get3A_95, %get3A_99 : vector<16xf32>
      %add3A_101 = arith.constant 32 : i32
      %add3A_102 = arith.addi %add3A_101, %scan3A_50 : i32
      %get3A_103 = arith.index_cast %add3A_102 : i32 to index
      %get3A_104 = arith.constant 32 : index
      %get3A_105 = tpu.vector_load %arg8[%get3A_103, %get3A_104] {strides = array<i32>} : memref<64x1024xf32, #tpu.memory_space<vmem>>, vector<1x16xf32>,
      %get3A_106 = vector.shape_cast %get3A_105 : vector<1x16xf32> to vector<16xf32>
      %add3A_107 = arith.addf %add3A_100, %get3A_106 : vector<16xf32>
      %swap3A_108 = arith.index_cast %scan3A_50 : i32 to index
      %swap3A_109 = arith.constant 32 : index
      %swap3A_110 = tpu.vector_load %arg7[%swap3A_108, %swap3A_109] {strides = array<i32>} : memref<32x1024xf32, #tpu.memory_space<vmem>>, vector<1x16xf32>,
      %swap3A_111 = vector.shape_cast %swap3A_110 : vector<1x16xf32> to vector<16xf32>
      %swap3A_112 = vector.shape_cast %add3A_107 : vector<16xf32> to vector<1x16xf32>
      tpu.vector_store %arg7[%swap3A_108, %swap3A_109], %swap3A_112 {strides = array<i32>} : memref<32x1024xf32, #tpu.memory_space<vmem>>, vector<1x16xf32>,
      %get3A_113 = arith.index_cast %scan3A_50 : i32 to index
      %get3A_114 = arith.constant 48 : index
      %get3A_115 = tpu.vector_load %arg7[%get3A_113, %get3A_114] {strides = array<i32>} : memref<32x1024xf32, #tpu.memory_space<vmem>>, vector<1x16xf32>,
      %get3A_116 = vector.shape_cast %get3A_115 : vector<1x16xf32> to vector<16xf32>
      %get3A_117 = arith.index_cast %scan3A_50 : i32 to index
      %get3A_118 = arith.constant 48 : index
      %get3A_119 = tpu.vector_load %arg8[%get3A_117, %get3A_118] {strides = array<i32>} : memref<64x1024xf32, #tpu.memory_space<vmem>>, vector<1x16xf32>,
      %get3A_120 = vector.shape_cast %get3A_119 : vector<1x16xf32> to vector<16xf32>
      %add3A_121 = arith.addf %get3A_116, %get3A_120 : vector<16xf32>
      %add3A_122 = arith.constant 32 : i32
      %add3A_123 = arith.addi %add3A_122, %scan3A_50 : i32
      %get3A_124 = arith.index_cast %add3A_123 : i32 to index
      %get3A_125 = arith.constant 48 : index
      %get3A_126 = tpu.vector_load %arg8[%get3A_124, %get3A_125] {strides = array<i32>} : memref<64x1024xf32, #tpu.memory_space<vmem>>, vector<1x16xf32>,
      %get3A_127 = vector.shape_cast %get3A_126 : vector<1x16xf32> to vector<16xf32>
      %add3A_128 = arith.addf %add3A_121, %get3A_127 : vector<16xf32>
      %swap3A_129 = arith.index_cast %scan3A_50 : i32 to index
      %swap3A_130 = arith.constant 48 : index
      %swap3A_131 = tpu.vector_load %arg7[%swap3A_129, %swap3A_130] {strides = array<i32>} : memref<32x1024xf32, #tpu.memory_space<vmem>>, vector<1x16xf32>,
      %swap3A_132 = vector.shape_cast %swap3A_131 : vector<1x16xf32> to vector<16xf32>
      %swap3A_133 = vector.shape_cast %add3A_128 : vector<16xf32> to vector<1x16xf32>
      tpu.vector_store %arg7[%swap3A_129, %swap3A_130], %swap3A_133 {strides = array<i32>} : memref<32x1024xf32, #tpu.memory_space<vmem>>, vector<1x16xf32>,
      %get3A_134 = arith.index_cast %scan3A_50 : i32 to index
      %get3A_135 = arith.constant 64 : index
      %get3A_136 = tpu.vector_load %arg7[%get3A_134, %get3A_135] {strides = array<i32>} : memref<32x1024xf32, #tpu.memory_space<vmem>>, vector<1x16xf32>,
      %get3A_137 = vector.shape_cast %get3A_136 : vector<1x16xf32> to vector<16xf32>
      %get3A_138 = arith.index_cast %scan3A_50 : i32 to index
      %get3A_139 = arith.constant 64 : index
      %get3A_140 = tpu.vector_load %arg8[%get3A_138, %get3A_139] {strides = array<i32>} : memref<64x1024xf32, #tpu.memory_space<vmem>>, vector<1x16xf32>,
      %get3A_141 = vector.shape_cast %get3A_140 : vector<1x16xf32> to vector<16xf32>
      %add3A_142 = arith.addf %get3A_137, %get3A_141 : vector<16xf32>
      %add3A_143 = arith.constant 32 : i32
      %add3A_144 = arith.addi %add3A_143, %scan3A_50 : i32
      %get3A_145 = arith.index_cast %add3A_144 : i32 to index
      %get3A_146 = arith.constant 64 : index
      %get3A_147 = tpu.vector_load %arg8[%get3A_145, %get3A_146] {strides = array<i32>} : memref<64x1024xf32, #tpu.memory_space<vmem>>, vector<1x16xf32>,
      %get3A_148 = vector.shape_cast %get3A_147 : vector<1x16xf32> to vector<16xf32>
      %add3A_149 = arith.addf %add3A_142, %get3A_148 : vector<16xf32>
      %swap3A_150 = arith.index_cast %scan3A_50 : i32 to index
      %swap3A_151 = arith.constant 64 : index
      %swap3A_152 = tpu.vector_load %arg7[%swap3A_150, %swap3A_151] {strides = array<i32>} : memref<32x1024xf32, #tpu.memory_space<vmem>>, vector<1x16xf32>,
      %swap3A_153 = vector.shape_cast %swap3A_152 : vector<1x16xf32> to vector<16xf32>
      %swap3A_154 = vector.shape_cast %add3A_149 : vector<16xf32> to vector<1x16xf32>
      tpu.vector_store %arg7[%swap3A_150, %swap3A_151], %swap3A_154 {strides = array<i32>} : memref<32x1024xf32, #tpu.memory_space<vmem>>, vector<1x16xf32>,
      %get3A_155 = arith.index_cast %scan3A_50 : i32 to index
      %get3A_156 = arith.constant 80 : index
      %get3A_157 = tpu.vector_load %arg7[%get3A_155, %get3A_156] {strides = array<i32>} : memref<32x1024xf32, #tpu.memory_space<vmem>>, vector<1x16xf32>,
      %get3A_158 = vector.shape_cast %get3A_157 : vector<1x16xf32> to vector<16xf32>
      %get3A_159 = arith.index_cast %scan3A_50 : i32 to index
      %get3A_160 = arith.constant 80 : index
      %get3A_161 = tpu.vector_load %arg8[%get3A_159, %get3A_160] {strides = array<i32>} : memref<64x1024xf32, #tpu.memory_space<vmem>>, vector<1x16xf32>,
      %get3A_162 = vector.shape_cast %get3A_161 : vector<1x16xf32> to vector<16xf32>
      %add3A_163 = arith.addf %get3A_158, %get3A_162 : vector<16xf32>
      %add3A_164 = arith.constant 32 : i32
      %add3A_165 = arith.addi %add3A_164, %scan3A_50 : i32
      %get3A_166 = arith.index_cast %add3A_165 : i32 to index
      %get3A_167 = arith.constant 80 : index
      %get3A_168 = tpu.vector_load %arg8[%get3A_166, %get3A_167] {strides = array<i32>} : memref<64x1024xf32, #tpu.memory_space<vmem>>, vector<1x16xf32>,
      %get3A_169 = vector.shape_cast %get3A_168 : vector<1x16xf32> to vector<16xf32>
      %add3A_170 = arith.addf %add3A_163, %get3A_169 : vector<16xf32>
      %swap3A_171 = arith.index_cast %scan3A_50 : i32 to index
      %swap3A_172 = arith.constant 80 : index
      %swap3A_173 = tpu.vector_load %arg7[%swap3A_171, %swap3A_172] {strides = array<i32>} : memref<32x1024xf32, #tpu.memory_space<vmem>>, vector<1x16xf32>,
      %swap3A_174 = vector.shape_cast %swap3A_173 : vector<1x16xf32> to vector<16xf32>
      %swap3A_175 = vector.shape_cast %add3A_170 : vector<16xf32> to vector<1x16xf32>
      tpu.vector_store %arg7[%swap3A_171, %swap3A_172], %swap3A_175 {strides = array<i32>} : memref<32x1024xf32, #tpu.memory_space<vmem>>, vector<1x16xf32>,
      %get3A_176 = arith.index_cast %scan3A_50 : i32 to index
      %get3A_177 = arith.constant 96 : index
      %get3A_178 = tpu.vector_load %arg7[%get3A_176, %get3A_177] {strides = array<i32>} : memref<32x1024xf32, #tpu.memory_space<vmem>>, vector<1x16xf32>,
      %get3A_179 = vector.shape_cast %get3A_178 : vector<1x16xf32> to vector<16xf32>
      %get3A_180 = arith.index_cast %scan3A_50 : i32 to index
      %get3A_181 = arith.constant 96 : index
      %get3A_182 = tpu.vector_load %arg8[%get3A_180, %get3A_181] {strides = array<i32>} : memref<64x1024xf32, #tpu.memory_space<vmem>>, vector<1x16xf32>,
      %get3A_183 = vector.shape_cast %get3A_182 : vector<1x16xf32> to vector<16xf32>
      %add3A_184 = arith.addf %get3A_179, %get3A_183 : vector<16xf32>
      %add3A_185 = arith.constant 32 : i32
      %add3A_186 = arith.addi %add3A_185, %scan3A_50 : i32
      %get3A_187 = arith.index_cast %add3A_186 : i32 to index
      %get3A_188 = arith.constant 96 : index
      %get3A_189 = tpu.vector_load %arg8[%get3A_187, %get3A_188] {strides = array<i32>} : memref<64x1024xf32, #tpu.memory_space<vmem>>, vector<1x16xf32>,
      %get3A_190 = vector.shape_cast %get3A_189 : vector<1x16xf32> to vector<16xf32>
      %add3A_191 = arith.addf %add3A_184, %get3A_190 : vector<16xf32>
      %swap3A_192 = arith.index_cast %scan3A_50 : i32 to index
      %swap3A_193 = arith.constant 96 : index
      %swap3A_194 = tpu.vector_load %arg7[%swap3A_192, %swap3A_193] {strides = array<i32>} : memref<32x1024xf32, #tpu.memory_space<vmem>>, vector<1x16xf32>,
      %swap3A_195 = vector.shape_cast %swap3A_194 : vector<1x16xf32> to vector<16xf32>
      %swap3A_196 = vector.shape_cast %add3A_191 : vector<16xf32> to vector<1x16xf32>
      tpu.vector_store %arg7[%swap3A_192, %swap3A_193], %swap3A_196 {strides = array<i32>} : memref<32x1024xf32, #tpu.memory_space<vmem>>, vector<1x16xf32>,
      %get3A_197 = arith.index_cast %scan3A_50 : i32 to index
      %get3A_198 = arith.constant 112 : index
      %get3A_199 = tpu.vector_load %arg7[%get3A_197, %get3A_198] {strides = array<i32>} : memref<32x1024xf32, #tpu.memory_space<vmem>>, vector<1x16xf32>,
      %get3A_200 = vector.shape_cast %get3A_199 : vector<1x16xf32> to vector<16xf32>
      %get3A_201 = arith.index_cast %scan3A_50 : i32 to index
      %get3A_202 = arith.constant 112 : index
      %get3A_203 = tpu.vector_load %arg8[%get3A_201, %get3A_202] {strides = array<i32>} : memref<64x1024xf32, #tpu.memory_space<vmem>>, vector<1x16xf32>,
      %get3A_204 = vector.shape_cast %get3A_203 : vector<1x16xf32> to vector<16xf32>
      %add3A_205 = arith.addf %get3A_200, %get3A_204 : vector<16xf32>
      %add3A_206 = arith.constant 32 : i32
      %add3A_207 = arith.addi %add3A_206, %scan3A_50 : i32
      %get3A_208 = arith.index_cast %add3A_207 : i32 to index
      %get3A_209 = arith.constant 112 : index
      %get3A_210 = tpu.vector_load %arg8[%get3A_208, %get3A_209] {strides = array<i32>} : memref<64x1024xf32, #tpu.memory_space<vmem>>, vector<1x16xf32>,
      %get3A_211 = vector.shape_cast %get3A_210 : vector<1x16xf32> to vector<16xf32>
      %add3A_212 = arith.addf %add3A_205, %get3A_211 : vector<16xf32>
      %swap3A_213 = arith.index_cast %scan3A_50 : i32 to index
      %swap3A_214 = arith.constant 112 : index
      %swap3A_215 = tpu.vector_load %arg7[%swap3A_213, %swap3A_214] {strides = array<i32>} : memref<32x1024xf32, #tpu.memory_space<vmem>>, vector<1x16xf32>,
      %swap3A_216 = vector.shape_cast %swap3A_215 : vector<1x16xf32> to vector<16xf32>
      %swap3A_217 = vector.shape_cast %add3A_212 : vector<16xf32> to vector<1x16xf32>
      tpu.vector_store %arg7[%swap3A_213, %swap3A_214], %swap3A_217 {strides = array<i32>} : memref<32x1024xf32, #tpu.memory_space<vmem>>, vector<1x16xf32>,
      %get3A_218 = arith.index_cast %scan3A_50 : i32 to index
      %get3A_219 = arith.constant 128 : index
      %get3A_220 = tpu.vector_load %arg7[%get3A_218, %get3A_219] {strides = array<i32>} : memref<32x1024xf32, #tpu.memory_space<vmem>>, vector<1x16xf32>,
      %get3A_221 = vector.shape_cast %get3A_220 : vector<1x16xf32> to vector<16xf32>
      %get3A_222 = arith.index_cast %scan3A_50 : i32 to index
      %get3A_223 = arith.constant 128 : index
      %get3A_224 = tpu.vector_load %arg8[%get3A_222, %get3A_223] {strides = array<i32>} : memref<64x1024xf32, #tpu.memory_space<vmem>>, vector<1x16xf32>,
      %get3A_225 = vector.shape_cast %get3A_224 : vector<1x16xf32> to vector<16xf32>
      %add3A_226 = arith.addf %get3A_221, %get3A_225 : vector<16xf32>
      %add3A_227 = arith.constant 32 : i32
      %add3A_228 = arith.addi %add3A_227, %scan3A_50 : i32
      %get3A_229 = arith.index_cast %add3A_228 : i32 to index
      %get3A_230 = arith.constant 128 : index
      %get3A_231 = tpu.vector_load %arg8[%get3A_229, %get3A_230] {strides = array<i32>} : memref<64x1024xf32, #tpu.memory_space<vmem>>, vector<1x16xf32>,
      %get3A_232 = vector.shape_cast %get3A_231 : vector<1x16xf32> to vector<16xf32>
      %add3A_233 = arith.addf %add3A_226, %get3A_232 : vector<16xf32>
      %swap3A_234 = arith.index_cast %scan3A_50 : i32 to index
      %swap3A_235 = arith.constant 128 : index
      %swap3A_236 = tpu.vector_load %arg7[%swap3A_234, %swap3A_235] {strides = array<i32>} : memref<32x1024xf32, #tpu.memory_space<vmem>>, vector<1x16xf32>,
      %swap3A_237 = vector.shape_cast %swap3A_236 : vector<1x16xf32> to vector<16xf32>
      %swap3A_238 = vector.shape_cast %add3A_233 : vector<16xf32> to vector<1x16xf32>
      tpu.vector_store %arg7[%swap3A_234, %swap3A_235], %swap3A_238 {strides = array<i32>} : memref<32x1024xf32, #tpu.memory_space<vmem>>, vector<1x16xf32>,
      %get3A_239 = arith.index_cast %scan3A_50 : i32 to index
      %get3A_240 = arith.constant 144 : index
      %get3A_241 = tpu.vector_load %arg7[%get3A_239, %get3A_240] {strides = array<i32>} : memref<32x1024xf32, #tpu.memory_space<vmem>>, vector<1x16xf32>,
      %get3A_242 = vector.shape_cast %get3A_241 : vector<1x16xf32> to vector<16xf32>
      %get3A_243 = arith.index_cast %scan3A_50 : i32 to index
      %get3A_244 = arith.constant 144 : index
      %get3A_245 = tpu.vector_load %arg8[%get3A_243, %get3A_244] {strides = array<i32>} : memref<64x1024xf32, #tpu.memory_space<vmem>>, vector<1x16xf32>,
      %get3A_246 = vector.shape_cast %get3A_245 : vector<1x16xf32> to vector<16xf32>
      %add3A_247 = arith.addf %get3A_242, %get3A_246 : vector<16xf32>
      %add3A_248 = arith.constant 32 : i32
      %add3A_249 = arith.addi %add3A_248, %scan3A_50 : i32
      %get3A_250 = arith.index_cast %add3A_249 : i32 to index
      %get3A_251 = arith.constant 144 : index
      %get3A_252 = tpu.vector_load %arg8[%get3A_250, %get3A_251] {strides = array<i32>} : memref<64x1024xf32, #tpu.memory_space<vmem>>, vector<1x16xf32>,
      %get3A_253 = vector.shape_cast %get3A_252 : vector<1x16xf32> to vector<16xf32>
      %add3A_254 = arith.addf %add3A_247, %get3A_253 : vector<16xf32>
      %swap3A_255 = arith.index_cast %scan3A_50 : i32 to index
      %swap3A_256 = arith.constant 144 : index
      %swap3A_257 = tpu.vector_load %arg7[%swap3A_255, %swap3A_256] {strides = array<i32>} : memref<32x1024xf32, #tpu.memory_space<vmem>>, vector<1x16xf32>,
      %swap3A_258 = vector.shape_cast %swap3A_257 : vector<1x16xf32> to vector<16xf32>
      %swap3A_259 = vector.shape_cast %add3A_254 : vector<16xf32> to vector<1x16xf32>
      tpu.vector_store %arg7[%swap3A_255, %swap3A_256], %swap3A_259 {strides = array<i32>} : memref<32x1024xf32, #tpu.memory_space<vmem>>, vector<1x16xf32>,
      %get3A_260 = arith.index_cast %scan3A_50 : i32 to index
      %get3A_261 = arith.constant 160 : index
      %get3A_262 = tpu.vector_load %arg7[%get3A_260, %get3A_261] {strides = array<i32>} : memref<32x1024xf32, #tpu.memory_space<vmem>>, vector<1x16xf32>,
      %get3A_263 = vector.shape_cast %get3A_262 : vector<1x16xf32> to vector<16xf32>
      %get3A_264 = arith.index_cast %scan3A_50 : i32 to index
      %get3A_265 = arith.constant 160 : index
      %get3A_266 = tpu.vector_load %arg8[%get3A_264, %get3A_265] {strides = array<i32>} : memref<64x1024xf32, #tpu.memory_space<vmem>>, vector<1x16xf32>,
      %get3A_267 = vector.shape_cast %get3A_266 : vector<1x16xf32> to vector<16xf32>
      %add3A_268 = arith.addf %get3A_263, %get3A_267 : vector<16xf32>
      %add3A_269 = arith.constant 32 : i32
      %add3A_270 = arith.addi %add3A_269, %scan3A_50 : i32
      %get3A_271 = arith.index_cast %add3A_270 : i32 to index
      %get3A_272 = arith.constant 160 : index
      %get3A_273 = tpu.vector_load %arg8[%get3A_271, %get3A_272] {strides = array<i32>} : memref<64x1024xf32, #tpu.memory_space<vmem>>, vector<1x16xf32>,
      %get3A_274 = vector.shape_cast %get3A_273 : vector<1x16xf32> to vector<16xf32>
      %add3A_275 = arith.addf %add3A_268, %get3A_274 : vector<16xf32>
      %swap3A_276 = arith.index_cast %scan3A_50 : i32 to index
      %swap3A_277 = arith.constant 160 : index
      %swap3A_278 = tpu.vector_load %arg7[%swap3A_276, %swap3A_277] {strides = array<i32>} : memref<32x1024xf32, #tpu.memory_space<vmem>>, vector<1x16xf32>,
      %swap3A_279 = vector.shape_cast %swap3A_278 : vector<1x16xf32> to vector<16xf32>
      %swap3A_280 = vector.shape_cast %add3A_275 : vector<16xf32> to vector<1x16xf32>
      tpu.vector_store %arg7[%swap3A_276, %swap3A_277], %swap3A_280 {strides = array<i32>} : memref<32x1024xf32, #tpu.memory_space<vmem>>, vector<1x16xf32>,
      %get3A_281 = arith.index_cast %scan3A_50 : i32 to index
      %get3A_282 = arith.constant 176 : index
      %get3A_283 = tpu.vector_load %arg7[%get3A_281, %get3A_282] {strides = array<i32>} : memref<32x1024xf32, #tpu.memory_space<vmem>>, vector<1x16xf32>,
      %get3A_284 = vector.shape_cast %get3A_283 : vector<1x16xf32> to vector<16xf32>
      %get3A_285 = arith.index_cast %scan3A_50 : i32 to index
      %get3A_286 = arith.constant 176 : index
      %get3A_287 = tpu.vector_load %arg8[%get3A_285, %get3A_286] {strides = array<i32>} : memref<64x1024xf32, #tpu.memory_space<vmem>>, vector<1x16xf32>,
      %get3A_288 = vector.shape_cast %get3A_287 : vector<1x16xf32> to vector<16xf32>
      %add3A_289 = arith.addf %get3A_284, %get3A_288 : vector<16xf32>
      %add3A_290 = arith.constant 32 : i32
      %add3A_291 = arith.addi %add3A_290, %scan3A_50 : i32
      %get3A_292 = arith.index_cast %add3A_291 : i32 to index
      %get3A_293 = arith.constant 176 : index
      %get3A_294 = tpu.vector_load %arg8[%get3A_292, %get3A_293] {strides = array<i32>} : memref<64x1024xf32, #tpu.memory_space<vmem>>, vector<1x16xf32>,
      %get3A_295 = vector.shape_cast %get3A_294 : vector<1x16xf32> to vector<16xf32>
      %add3A_296 = arith.addf %add3A_289, %get3A_295 : vector<16xf32>
      %swap3A_297 = arith.index_cast %scan3A_50 : i32 to index
      %swap3A_298 = arith.constant 176 : index
      %swap3A_299 = tpu.vector_load %arg7[%swap3A_297, %swap3A_298] {strides = array<i32>} : memref<32x1024xf32, #tpu.memory_space<vmem>>, vector<1x16xf32>,
      %swap3A_300 = vector.shape_cast %swap3A_299 : vector<1x16xf32> to vector<16xf32>
      %swap3A_301 = vector.shape_cast %add3A_296 : vector<16xf32> to vector<1x16xf32>
      tpu.vector_store %arg7[%swap3A_297, %swap3A_298], %swap3A_301 {strides = array<i32>} : memref<32x1024xf32, #tpu.memory_space<vmem>>, vector<1x16xf32>,
      %get3A_302 = arith.index_cast %scan3A_50 : i32 to index
      %get3A_303 = arith.constant 192 : index
      %get3A_304 = tpu.vector_load %arg7[%get3A_302, %get3A_303] {strides = array<i32>} : memref<32x1024xf32, #tpu.memory_space<vmem>>, vector<1x16xf32>,
      %get3A_305 = vector.shape_cast %get3A_304 : vector<1x16xf32> to vector<16xf32>
      %get3A_306 = arith.index_cast %scan3A_50 : i32 to index
      %get3A_307 = arith.constant 192 : index
      %get3A_308 = tpu.vector_load %arg8[%get3A_306, %get3A_307] {strides = array<i32>} : memref<64x1024xf32, #tpu.memory_space<vmem>>, vector<1x16xf32>,
      %get3A_309 = vector.shape_cast %get3A_308 : vector<1x16xf32> to vector<16xf32>
      %add3A_310 = arith.addf %get3A_305, %get3A_309 : vector<16xf32>
      %add3A_311 = arith.constant 32 : i32
      %add3A_312 = arith.addi %add3A_311, %scan3A_50 : i32
      %get3A_313 = arith.index_cast %add3A_312 : i32 to index
      %get3A_314 = arith.constant 192 : index
      %get3A_315 = tpu.vector_load %arg8[%get3A_313, %get3A_314] {strides = array<i32>} : memref<64x1024xf32, #tpu.memory_space<vmem>>, vector<1x16xf32>,
      %get3A_316 = vector.shape_cast %get3A_315 : vector<1x16xf32> to vector<16xf32>
      %add3A_317 = arith.addf %add3A_310, %get3A_316 : vector<16xf32>
      %swap3A_318 = arith.index_cast %scan3A_50 : i32 to index
      %swap3A_319 = arith.constant 192 : index
      %swap3A_320 = tpu.vector_load %arg7[%swap3A_318, %swap3A_319] {strides = array<i32>} : memref<32x1024xf32, #tpu.memory_space<vmem>>, vector<1x16xf32>,
      %swap3A_321 = vector.shape_cast %swap3A_320 : vector<1x16xf32> to vector<16xf32>
      %swap3A_322 = vector.shape_cast %add3A_317 : vector<16xf32> to vector<1x16xf32>
      tpu.vector_store %arg7[%swap3A_318, %swap3A_319], %swap3A_322 {strides = array<i32>} : memref<32x1024xf32, #tpu.memory_space<vmem>>, vector<1x16xf32>,
      %get3A_323 = arith.index_cast %scan3A_50 : i32 to index
      %get3A_324 = arith.constant 208 : index
      %get3A_325 = tpu.vector_load %arg7[%get3A_323, %get3A_324] {strides = array<i32>} : memref<32x1024xf32, #tpu.memory_space<vmem>>, vector<1x16xf32>,
      %get3A_326 = vector.shape_cast %get3A_325 : vector<1x16xf32> to vector<16xf32>
      %get3A_327 = arith.index_cast %scan3A_50 : i32 to index
      %get3A_328 = arith.constant 208 : index
      %get3A_329 = tpu.vector_load %arg8[%get3A_327, %get3A_328] {strides = array<i32>} : memref<64x1024xf32, #tpu.memory_space<vmem>>, vector<1x16xf32>,
      %get3A_330 = vector.shape_cast %get3A_329 : vector<1x16xf32> to vector<16xf32>
      %add3A_331 = arith.addf %get3A_326, %get3A_330 : vector<16xf32>
      %add3A_332 = arith.constant 32 : i32
      %add3A_333 = arith.addi %add3A_332, %scan3A_50 : i32
      %get3A_334 = arith.index_cast %add3A_333 : i32 to index
      %get3A_335 = arith.constant 208 : index
      %get3A_336 = tpu.vector_load %arg8[%get3A_334, %get3A_335] {strides = array<i32>} : memref<64x1024xf32, #tpu.memory_space<vmem>>, vector<1x16xf32>,
      %get3A_337 = vector.shape_cast %get3A_336 : vector<1x16xf32> to vector<16xf32>
      %add3A_338 = arith.addf %add3A_331, %get3A_337 : vector<16xf32>
      %swap3A_339 = arith.index_cast %scan3A_50 : i32 to index
      %swap3A_340 = arith.constant 208 : index
      %swap3A_341 = tpu.vector_load %arg7[%swap3A_339, %swap3A_340] {strides = array<i32>} : memref<32x1024xf32, #tpu.memory_space<vmem>>, vector<1x16xf32>,
      %swap3A_342 = vector.shape_cast %swap3A_341 : vector<1x16xf32> to vector<16xf32>
      %swap3A_343 = vector.shape_cast %add3A_338 : vector<16xf32> to vector<1x16xf32>
      tpu.vector_store %arg7[%swap3A_339, %swap3A_340], %swap3A_343 {strides = array<i32>} : memref<32x1024xf32, #tpu.memory_space<vmem>>, vector<1x16xf32>,
      %get3A_344 = arith.index_cast %scan3A_50 : i32 to index
      %get3A_345 = arith.constant 224 : index
      %get3A_346 = tpu.vector_load %arg7[%get3A_344, %get3A_345] {strides = array<i32>} : memref<32x1024xf32, #tpu.memory_space<vmem>>, vector<1x16xf32>,
      %get3A_347 = vector.shape_cast %get3A_346 : vector<1x16xf32> to vector<16xf32>
      %get3A_348 = arith.index_cast %scan3A_50 : i32 to index
      %get3A_349 = arith.constant 224 : index
      %get3A_350 = tpu.vector_load %arg8[%get3A_348, %get3A_349] {strides = array<i32>} : memref<64x1024xf32, #tpu.memory_space<vmem>>, vector<1x16xf32>,
      %get3A_351 = vector.shape_cast %get3A_350 : vector<1x16xf32> to vector<16xf32>
      %add3A_352 = arith.addf %get3A_347, %get3A_351 : vector<16xf32>
      %add3A_353 = arith.constant 32 : i32
      %add3A_354 = arith.addi %add3A_353, %scan3A_50 : i32
      %get3A_355 = arith.index_cast %add3A_354 : i32 to index
      %get3A_356 = arith.constant 224 : index
      %get3A_357 = tpu.vector_load %arg8[%get3A_355, %get3A_356] {strides = array<i32>} : memref<64x1024xf32, #tpu.memory_space<vmem>>, vector<1x16xf32>,
      %get3A_358 = vector.shape_cast %get3A_357 : vector<1x16xf32> to vector<16xf32>
      %add3A_359 = arith.addf %add3A_352, %get3A_358 : vector<16xf32>
      %swap3A_360 = arith.index_cast %scan3A_50 : i32 to index
      %swap3A_361 = arith.constant 224 : index
      %swap3A_362 = tpu.vector_load %arg7[%swap3A_360, %swap3A_361] {strides = array<i32>} : memref<32x1024xf32, #tpu.memory_space<vmem>>, vector<1x16xf32>,
      %swap3A_363 = vector.shape_cast %swap3A_362 : vector<1x16xf32> to vector<16xf32>
      %swap3A_364 = vector.shape_cast %add3A_359 : vector<16xf32> to vector<1x16xf32>
      tpu.vector_store %arg7[%swap3A_360, %swap3A_361], %swap3A_364 {strides = array<i32>} : memref<32x1024xf32, #tpu.memory_space<vmem>>, vector<1x16xf32>,
      %get3A_365 = arith.index_cast %scan3A_50 : i32 to index
      %get3A_366 = arith.constant 240 : index
      %get3A_367 = tpu.vector_load %arg7[%get3A_365, %get3A_366] {strides = array<i32>} : memref<32x1024xf32, #tpu.memory_space<vmem>>, vector<1x16xf32>,
      %get3A_368 = vector.shape_cast %get3A_367 : vector<1x16xf32> to vector<16xf32>
      %get3A_369 = arith.index_cast %scan3A_50 : i32 to index
      %get3A_370 = arith.constant 240 : index
      %get3A_371 = tpu.vector_load %arg8[%get3A_369, %get3A_370] {strides = array<i32>} : memref<64x1024xf32, #tpu.memory_space<vmem>>, vector<1x16xf32>,
      %get3A_372 = vector.shape_cast %get3A_371 : vector<1x16xf32> to vector<16xf32>
      %add3A_373 = arith.addf %get3A_368, %get3A_372 : vector<16xf32>
      %add3A_374 = arith.constant 32 : i32
      %add3A_375 = arith.addi %add3A_374, %scan3A_50 : i32
      %get3A_376 = arith.index_cast %add3A_375 : i32 to index
      %get3A_377 = arith.constant 240 : index
      %get3A_378 = tpu.vector_load %arg8[%get3A_376, %get3A_377] {strides = array<i32>} : memref<64x1024xf32, #tpu.memory_space<vmem>>, vector<1x16xf32>,
      %get3A_379 = vector.shape_cast %get3A_378 : vector<1x16xf32> to vector<16xf32>
      %add3A_380 = arith.addf %add3A_373, %get3A_379 : vector<16xf32>
      %swap3A_381 = arith.index_cast %scan3A_50 : i32 to index
      %swap3A_382 = arith.constant 240 : index
      %swap3A_383 = tpu.vector_load %arg7[%swap3A_381, %swap3A_382] {strides = array<i32>} : memref<32x1024xf32, #tpu.memory_space<vmem>>, vector<1x16xf32>,
      %swap3A_384 = vector.shape_cast %swap3A_383 : vector<1x16xf32> to vector<16xf32>
      %swap3A_385 = vector.shape_cast %add3A_380 : vector<16xf32> to vector<1x16xf32>
      tpu.vector_store %arg7[%swap3A_381, %swap3A_382], %swap3A_385 {strides = array<i32>} : memref<32x1024xf32, #tpu.memory_space<vmem>>, vector<1x16xf32>,
      %get3A_386 = arith.index_cast %scan3A_50 : i32 to index
      %get3A_387 = arith.constant 256 : index
      %get3A_388 = tpu.vector_load %arg7[%get3A_386, %get3A_387] {strides = array<i32>} : memref<32x1024xf32, #tpu.memory_space<vmem>>, vector<1x16xf32>,
      %get3A_389 = vector.shape_cast %get3A_388 : vector<1x16xf32> to vector<16xf32>
      %get3A_390 = arith.index_cast %scan3A_50 : i32 to index
      %get3A_391 = arith.constant 256 : index
      %get3A_392 = tpu.vector_load %arg8[%get3A_390, %get3A_391] {strides = array<i32>} : memref<64x1024xf32, #tpu.memory_space<vmem>>, vector<1x16xf32>,
      %get3A_393 = vector.shape_cast %get3A_392 : vector<1x16xf32> to vector<16xf32>
      %add3A_394 = arith.addf %get3A_389, %get3A_393 : vector<16xf32>
      %add3A_395 = arith.constant 32 : i32
      %add3A_396 = arith.addi %add3A_395, %scan3A_50 : i32
      %get3A_397 = arith.index_cast %add3A_396 : i32 to index
      %get3A_398 = arith.constant 256 : index
      %get3A_399 = tpu.vector_load %arg8[%get3A_397, %get3A_398] {strides = array<i32>} : memref<64x1024xf32, #tpu.memory_space<vmem>>, vector<1x16xf32>,
      %get3A_400 = vector.shape_cast %get3A_399 : vector<1x16xf32> to vector<16xf32>
      %add3A_401 = arith.addf %add3A_394, %get3A_400 : vector<16xf32>
      %swap3A_402 = arith.index_cast %scan3A_50 : i32 to index
      %swap3A_403 = arith.constant 256 : index
      %swap3A_404 = tpu.vector_load %arg7[%swap3A_402, %swap3A_403] {strides = array<i32>} : memref<32x1024xf32, #tpu.memory_space<vmem>>, vector<1x16xf32>,
      %swap3A_405 = vector.shape_cast %swap3A_404 : vector<1x16xf32> to vector<16xf32>
      %swap3A_406 = vector.shape_cast %add3A_401 : vector<16xf32> to vector<1x16xf32>
      tpu.vector_store %arg7[%swap3A_402, %swap3A_403], %swap3A_406 {strides = array<i32>} : memref<32x1024xf32, #tpu.memory_space<vmem>>, vector<1x16xf32>,
      %get3A_407 = arith.index_cast %scan3A_50 : i32 to index
      %get3A_408 = arith.constant 272 : index
      %get3A_409 = tpu.vector_load %arg7[%get3A_407, %get3A_408] {strides = array<i32>} : memref<32x1024xf32, #tpu.memory_space<vmem>>, vector<1x16xf32>,
      %get3A_410 = vector.shape_cast %get3A_409 : vector<1x16xf32> to vector<16xf32>
      %get3A_411 = arith.index_cast %scan3A_50 : i32 to index
      %get3A_412 = arith.constant 272 : index
      %get3A_413 = tpu.vector_load %arg8[%get3A_411, %get3A_412] {strides = array<i32>} : memref<64x1024xf32, #tpu.memory_space<vmem>>, vector<1x16xf32>,
      %get3A_414 = vector.shape_cast %get3A_413 : vector<1x16xf32> to vector<16xf32>
      %add3A_415 = arith.addf %get3A_410, %get3A_414 : vector<16xf32>
      %add3A_416 = arith.constant 32 : i32
      %add3A_417 = arith.addi %add3A_416, %scan3A_50 : i32
      %get3A_418 = arith.index_cast %add3A_417 : i32 to index
      %get3A_419 = arith.constant 272 : index
      %get3A_420 = tpu.vector_load %arg8[%get3A_418, %get3A_419] {strides = array<i32>} : memref<64x1024xf32, #tpu.memory_space<vmem>>, vector<1x16xf32>,
      %get3A_421 = vector.shape_cast %get3A_420 : vector<1x16xf32> to vector<16xf32>
      %add3A_422 = arith.addf %add3A_415, %get3A_421 : vector<16xf32>
      %swap3A_423 = arith.index_cast %scan3A_50 : i32 to index
      %swap3A_424 = arith.constant 272 : index
      %swap3A_425 = tpu.vector_load %arg7[%swap3A_423, %swap3A_424] {strides = array<i32>} : memref<32x1024xf32, #tpu.memory_space<vmem>>, vector<1x16xf32>,
      %swap3A_426 = vector.shape_cast %swap3A_425 : vector<1x16xf32> to vector<16xf32>
      %swap3A_427 = vector.shape_cast %add3A_422 : vector<16xf32> to vector<1x16xf32>
      tpu.vector_store %arg7[%swap3A_423, %swap3A_424], %swap3A_427 {strides = array<i32>} : memref<32x1024xf32, #tpu.memory_space<vmem>>, vector<1x16xf32>,
      %get3A_428 = arith.index_cast %scan3A_50 : i32 to index
      %get3A_429 = arith.constant 288 : index
      %get3A_430 = tpu.vector_load %arg7[%get3A_428, %get3A_429] {strides = array<i32>} : memref<32x1024xf32, #tpu.memory_space<vmem>>, vector<1x16xf32>,
      %get3A_431 = vector.shape_cast %get3A_430 : vector<1x16xf32> to vector<16xf32>
      %get3A_432 = arith.index_cast %scan3A_50 : i32 to index
      %get3A_433 = arith.constant 288 : index
      %get3A_434 = tpu.vector_load %arg8[%get3A_432, %get3A_433] {strides = array<i32>} : memref<64x1024xf32, #tpu.memory_space<vmem>>, vector<1x16xf32>,
      %get3A_435 = vector.shape_cast %get3A_434 : vector<1x16xf32> to vector<16xf32>
      %add3A_436 = arith.addf %get3A_431, %get3A_435 : vector<16xf32>
      %add3A_437 = arith.constant 32 : i32
      %add3A_438 = arith.addi %add3A_437, %scan3A_50 : i32
      %get3A_439 = arith.index_cast %add3A_438 : i32 to index
      %get3A_440 = arith.constant 288 : index
      %get3A_441 = tpu.vector_load %arg8[%get3A_439, %get3A_440] {strides = array<i32>} : memref<64x1024xf32, #tpu.memory_space<vmem>>, vector<1x16xf32>,
      %get3A_442 = vector.shape_cast %get3A_441 : vector<1x16xf32> to vector<16xf32>
      %add3A_443 = arith.addf %add3A_436, %get3A_442 : vector<16xf32>
      %swap3A_444 = arith.index_cast %scan3A_50 : i32 to index
      %swap3A_445 = arith.constant 288 : index
      %swap3A_446 = tpu.vector_load %arg7[%swap3A_444, %swap3A_445] {strides = array<i32>} : memref<32x1024xf32, #tpu.memory_space<vmem>>, vector<1x16xf32>,
      %swap3A_447 = vector.shape_cast %swap3A_446 : vector<1x16xf32> to vector<16xf32>
      %swap3A_448 = vector.shape_cast %add3A_443 : vector<16xf32> to vector<1x16xf32>
      tpu.vector_store %arg7[%swap3A_444, %swap3A_445], %swap3A_448 {strides = array<i32>} : memref<32x1024xf32, #tpu.memory_space<vmem>>, vector<1x16xf32>,
      %get3A_449 = arith.index_cast %scan3A_50 : i32 to index
      %get3A_450 = arith.constant 304 : index
      %get3A_451 = tpu.vector_load %arg7[%get3A_449, %get3A_450] {strides = array<i32>} : memref<32x1024xf32, #tpu.memory_space<vmem>>, vector<1x16xf32>,
      %get3A_452 = vector.shape_cast %get3A_451 : vector<1x16xf32> to vector<16xf32>
      %get3A_453 = arith.index_cast %scan3A_50 : i32 to index
      %get3A_454 = arith.constant 304 : index
      %get3A_455 = tpu.vector_load %arg8[%get3A_453, %get3A_454] {strides = array<i32>} : memref<64x1024xf32, #tpu.memory_space<vmem>>, vector<1x16xf32>,
      %get3A_456 = vector.shape_cast %get3A_455 : vector<1x16xf32> to vector<16xf32>
      %add3A_457 = arith.addf %get3A_452, %get3A_456 : vector<16xf32>
      %add3A_458 = arith.constant 32 : i32
      %add3A_459 = arith.addi %add3A_458, %scan3A_50 : i32
      %get3A_460 = arith.index_cast %add3A_459 : i32 to index
      %get3A_461 = arith.constant 304 : index
      %get3A_462 = tpu.vector_load %arg8[%get3A_460, %get3A_461] {strides = array<i32>} : memref<64x1024xf32, #tpu.memory_space<vmem>>, vector<1x16xf32>,
      %get3A_463 = vector.shape_cast %get3A_462 : vector<1x16xf32> to vector<16xf32>
      %add3A_464 = arith.addf %add3A_457, %get3A_463 : vector<16xf32>
      %swap3A_465 = arith.index_cast %scan3A_50 : i32 to index
      %swap3A_466 = arith.constant 304 : index
      %swap3A_467 = tpu.vector_load %arg7[%swap3A_465, %swap3A_466] {strides = array<i32>} : memref<32x1024xf32, #tpu.memory_space<vmem>>, vector<1x16xf32>,
      %swap3A_468 = vector.shape_cast %swap3A_467 : vector<1x16xf32> to vector<16xf32>
      %swap3A_469 = vector.shape_cast %add3A_464 : vector<16xf32> to vector<1x16xf32>
      tpu.vector_store %arg7[%swap3A_465, %swap3A_466], %swap3A_469 {strides = array<i32>} : memref<32x1024xf32, #tpu.memory_space<vmem>>, vector<1x16xf32>,
      %get3A_470 = arith.index_cast %scan3A_50 : i32 to index
      %get3A_471 = arith.constant 320 : index
      %get3A_472 = tpu.vector_load %arg7[%get3A_470, %get3A_471] {strides = array<i32>} : memref<32x1024xf32, #tpu.memory_space<vmem>>, vector<1x16xf32>,
      %get3A_473 = vector.shape_cast %get3A_472 : vector<1x16xf32> to vector<16xf32>
      %get3A_474 = arith.index_cast %scan3A_50 : i32 to index
      %get3A_475 = arith.constant 320 : index
      %get3A_476 = tpu.vector_load %arg8[%get3A_474, %get3A_475] {strides = array<i32>} : memref<64x1024xf32, #tpu.memory_space<vmem>>, vector<1x16xf32>,
      %get3A_477 = vector.shape_cast %get3A_476 : vector<1x16xf32> to vector<16xf32>
      %add3A_478 = arith.addf %get3A_473, %get3A_477 : vector<16xf32>
      %add3A_479 = arith.constant 32 : i32
      %add3A_480 = arith.addi %add3A_479, %scan3A_50 : i32
      %get3A_481 = arith.index_cast %add3A_480 : i32 to index
      %get3A_482 = arith.constant 320 : index
      %get3A_483 = tpu.vector_load %arg8[%get3A_481, %get3A_482] {strides = array<i32>} : memref<64x1024xf32, #tpu.memory_space<vmem>>, vector<1x16xf32>,
      %get3A_484 = vector.shape_cast %get3A_483 : vector<1x16xf32> to vector<16xf32>
      %add3A_485 = arith.addf %add3A_478, %get3A_484 : vector<16xf32>
      %swap3A_486 = arith.index_cast %scan3A_50 : i32 to index
      %swap3A_487 = arith.constant 320 : index
      %swap3A_488 = tpu.vector_load %arg7[%swap3A_486, %swap3A_487] {strides = array<i32>} : memref<32x1024xf32, #tpu.memory_space<vmem>>, vector<1x16xf32>,
      %swap3A_489 = vector.shape_cast %swap3A_488 : vector<1x16xf32> to vector<16xf32>
      %swap3A_490 = vector.shape_cast %add3A_485 : vector<16xf32> to vector<1x16xf32>
      tpu.vector_store %arg7[%swap3A_486, %swap3A_487], %swap3A_490 {strides = array<i32>} : memref<32x1024xf32, #tpu.memory_space<vmem>>, vector<1x16xf32>,
      %get3A_491 = arith.index_cast %scan3A_50 : i32 to index
      %get3A_492 = arith.constant 336 : index
      %get3A_493 = tpu.vector_load %arg7[%get3A_491, %get3A_492] {strides = array<i32>} : memref<32x1024xf32, #tpu.memory_space<vmem>>, vector<1x16xf32>,
      %get3A_494 = vector.shape_cast %get3A_493 : vector<1x16xf32> to vector<16xf32>
      %get3A_495 = arith.index_cast %scan3A_50 : i32 to index
      %get3A_496 = arith.constant 336 : index
      %get3A_497 = tpu.vector_load %arg8[%get3A_495, %get3A_496] {strides = array<i32>} : memref<64x1024xf32, #tpu.memory_space<vmem>>, vector<1x16xf32>,
      %get3A_498 = vector.shape_cast %get3A_497 : vector<1x16xf32> to vector<16xf32>
      %add3A_499 = arith.addf %get3A_494, %get3A_498 : vector<16xf32>
      %add3A_500 = arith.constant 32 : i32
      %add3A_501 = arith.addi %add3A_500, %scan3A_50 : i32
      %get3A_502 = arith.index_cast %add3A_501 : i32 to index
      %get3A_503 = arith.constant 336 : index
      %get3A_504 = tpu.vector_load %arg8[%get3A_502, %get3A_503] {strides = array<i32>} : memref<64x1024xf32, #tpu.memory_space<vmem>>, vector<1x16xf32>,
      %get3A_505 = vector.shape_cast %get3A_504 : vector<1x16xf32> to vector<16xf32>
      %add3A_506 = arith.addf %add3A_499, %get3A_505 : vector<16xf32>
      %swap3A_507 = arith.index_cast %scan3A_50 : i32 to index
      %swap3A_508 = arith.constant 336 : index
      %swap3A_509 = tpu.vector_load %arg7[%swap3A_507, %swap3A_508] {strides = array<i32>} : memref<32x1024xf32, #tpu.memory_space<vmem>>, vector<1x16xf32>,
      %swap3A_510 = vector.shape_cast %swap3A_509 : vector<1x16xf32> to vector<16xf32>
      %swap3A_511 = vector.shape_cast %add3A_506 : vector<16xf32> to vector<1x16xf32>
      tpu.vector_store %arg7[%swap3A_507, %swap3A_508], %swap3A_511 {strides = array<i32>} : memref<32x1024xf32, #tpu.memory_space<vmem>>, vector<1x16xf32>,
      %get3A_512 = arith.index_cast %scan3A_50 : i32 to index
      %get3A_513 = arith.constant 352 : index
      %get3A_514 = tpu.vector_load %arg7[%get3A_512, %get3A_513] {strides = array<i32>} : memref<32x1024xf32, #tpu.memory_space<vmem>>, vector<1x16xf32>,
      %get3A_515 = vector.shape_cast %get3A_514 : vector<1x16xf32> to vector<16xf32>
      %get3A_516 = arith.index_cast %scan3A_50 : i32 to index
      %get3A_517 = arith.constant 352 : index
      %get3A_518 = tpu.vector_load %arg8[%get3A_516, %get3A_517] {strides = array<i32>} : memref<64x1024xf32, #tpu.memory_space<vmem>>, vector<1x16xf32>,
      %get3A_519 = vector.shape_cast %get3A_518 : vector<1x16xf32> to vector<16xf32>
      %add3A_520 = arith.addf %get3A_515, %get3A_519 : vector<16xf32>
      %add3A_521 = arith.constant 32 : i32
      %add3A_522 = arith.addi %add3A_521, %scan3A_50 : i32
      %get3A_523 = arith.index_cast %add3A_522 : i32 to index
      %get3A_524 = arith.constant 352 : index
      %get3A_525 = tpu.vector_load %arg8[%get3A_523, %get3A_524] {strides = array<i32>} : memref<64x1024xf32, #tpu.memory_space<vmem>>, vector<1x16xf32>,
      %get3A_526 = vector.shape_cast %get3A_525 : vector<1x16xf32> to vector<16xf32>
      %add3A_527 = arith.addf %add3A_520, %get3A_526 : vector<16xf32>
      %swap3A_528 = arith.index_cast %scan3A_50 : i32 to index
      %swap3A_529 = arith.constant 352 : index
      %swap3A_530 = tpu.vector_load %arg7[%swap3A_528, %swap3A_529] {strides = array<i32>} : memref<32x1024xf32, #tpu.memory_space<vmem>>, vector<1x16xf32>,
      %swap3A_531 = vector.shape_cast %swap3A_530 : vector<1x16xf32> to vector<16xf32>
      %swap3A_532 = vector.shape_cast %add3A_527 : vector<16xf32> to vector<1x16xf32>
      tpu.vector_store %arg7[%swap3A_528, %swap3A_529], %swap3A_532 {strides = array<i32>} : memref<32x1024xf32, #tpu.memory_space<vmem>>, vector<1x16xf32>,
      %get3A_533 = arith.index_cast %scan3A_50 : i32 to index
      %get3A_534 = arith.constant 368 : index
      %get3A_535 = tpu.vector_load %arg7[%get3A_533, %get3A_534] {strides = array<i32>} : memref<32x1024xf32, #tpu.memory_space<vmem>>, vector<1x16xf32>,
      %get3A_536 = vector.shape_cast %get3A_535 : vector<1x16xf32> to vector<16xf32>
      %get3A_537 = arith.index_cast %scan3A_50 : i32 to index
      %get3A_538 = arith.constant 368 : index
      %get3A_539 = tpu.vector_load %arg8[%get3A_537, %get3A_538] {strides = array<i32>} : memref<64x1024xf32, #tpu.memory_space<vmem>>, vector<1x16xf32>,
      %get3A_540 = vector.shape_cast %get3A_539 : vector<1x16xf32> to vector<16xf32>
      %add3A_541 = arith.addf %get3A_536, %get3A_540 : vector<16xf32>
      %add3A_542 = arith.constant 32 : i32
      %add3A_543 = arith.addi %add3A_542, %scan3A_50 : i32
      %get3A_544 = arith.index_cast %add3A_543 : i32 to index
      %get3A_545 = arith.constant 368 : index
      %get3A_546 = tpu.vector_load %arg8[%get3A_544, %get3A_545] {strides = array<i32>} : memref<64x1024xf32, #tpu.memory_space<vmem>>, vector<1x16xf32>,
      %get3A_547 = vector.shape_cast %get3A_546 : vector<1x16xf32> to vector<16xf32>
      %add3A_548 = arith.addf %add3A_541, %get3A_547 : vector<16xf32>
      %swap3A_549 = arith.index_cast %scan3A_50 : i32 to index
      %swap3A_550 = arith.constant 368 : index
      %swap3A_551 = tpu.vector_load %arg7[%swap3A_549, %swap3A_550] {strides = array<i32>} : memref<32x1024xf32, #tpu.memory_space<vmem>>, vector<1x16xf32>,
      %swap3A_552 = vector.shape_cast %swap3A_551 : vector<1x16xf32> to vector<16xf32>
      %swap3A_553 = vector.shape_cast %add3A_548 : vector<16xf32> to vector<1x16xf32>
      tpu.vector_store %arg7[%swap3A_549, %swap3A_550], %swap3A_553 {strides = array<i32>} : memref<32x1024xf32, #tpu.memory_space<vmem>>, vector<1x16xf32>,
      %get3A_554 = arith.index_cast %scan3A_50 : i32 to index
      %get3A_555 = arith.constant 384 : index
      %get3A_556 = tpu.vector_load %arg7[%get3A_554, %get3A_555] {strides = array<i32>} : memref<32x1024xf32, #tpu.memory_space<vmem>>, vector<1x16xf32>,
      %get3A_557 = vector.shape_cast %get3A_556 : vector<1x16xf32> to vector<16xf32>
      %get3A_558 = arith.index_cast %scan3A_50 : i32 to index
      %get3A_559 = arith.constant 384 : index
      %get3A_560 = tpu.vector_load %arg8[%get3A_558, %get3A_559] {strides = array<i32>} : memref<64x1024xf32, #tpu.memory_space<vmem>>, vector<1x16xf32>,
      %get3A_561 = vector.shape_cast %get3A_560 : vector<1x16xf32> to vector<16xf32>
      %add3A_562 = arith.addf %get3A_557, %get3A_561 : vector<16xf32>
      %add3A_563 = arith.constant 32 : i32
      %add3A_564 = arith.addi %add3A_563, %scan3A_50 : i32
      %get3A_565 = arith.index_cast %add3A_564 : i32 to index
      %get3A_566 = arith.constant 384 : index
      %get3A_567 = tpu.vector_load %arg8[%get3A_565, %get3A_566] {strides = array<i32>} : memref<64x1024xf32, #tpu.memory_space<vmem>>, vector<1x16xf32>,
      %get3A_568 = vector.shape_cast %get3A_567 : vector<1x16xf32> to vector<16xf32>
      %add3A_569 = arith.addf %add3A_562, %get3A_568 : vector<16xf32>
      %swap3A_570 = arith.index_cast %scan3A_50 : i32 to index
      %swap3A_571 = arith.constant 384 : index
      %swap3A_572 = tpu.vector_load %arg7[%swap3A_570, %swap3A_571] {strides = array<i32>} : memref<32x1024xf32, #tpu.memory_space<vmem>>, vector<1x16xf32>,
      %swap3A_573 = vector.shape_cast %swap3A_572 : vector<1x16xf32> to vector<16xf32>
      %swap3A_574 = vector.shape_cast %add3A_569 : vector<16xf32> to vector<1x16xf32>
      tpu.vector_store %arg7[%swap3A_570, %swap3A_571], %swap3A_574 {strides = array<i32>} : memref<32x1024xf32, #tpu.memory_space<vmem>>, vector<1x16xf32>,
      %get3A_575 = arith.index_cast %scan3A_50 : i32 to index
      %get3A_576 = arith.constant 400 : index
      %get3A_577 = tpu.vector_load %arg7[%get3A_575, %get3A_576] {strides = array<i32>} : memref<32x1024xf32, #tpu.memory_space<vmem>>, vector<1x16xf32>,
      %get3A_578 = vector.shape_cast %get3A_577 : vector<1x16xf32> to vector<16xf32>
      %get3A_579 = arith.index_cast %scan3A_50 : i32 to index
      %get3A_580 = arith.constant 400 : index
      %get3A_581 = tpu.vector_load %arg8[%get3A_579, %get3A_580] {strides = array<i32>} : memref<64x1024xf32, #tpu.memory_space<vmem>>, vector<1x16xf32>,
      %get3A_582 = vector.shape_cast %get3A_581 : vector<1x16xf32> to vector<16xf32>
      %add3A_583 = arith.addf %get3A_578, %get3A_582 : vector<16xf32>
      %add3A_584 = arith.constant 32 : i32
      %add3A_585 = arith.addi %add3A_584, %scan3A_50 : i32
      %get3A_586 = arith.index_cast %add3A_585 : i32 to index
      %get3A_587 = arith.constant 400 : index
      %get3A_588 = tpu.vector_load %arg8[%get3A_586, %get3A_587] {strides = array<i32>} : memref<64x1024xf32, #tpu.memory_space<vmem>>, vector<1x16xf32>,
      %get3A_589 = vector.shape_cast %get3A_588 : vector<1x16xf32> to vector<16xf32>
      %add3A_590 = arith.addf %add3A_583, %get3A_589 : vector<16xf32>
      %swap3A_591 = arith.index_cast %scan3A_50 : i32 to index
      %swap3A_592 = arith.constant 400 : index
      %swap3A_593 = tpu.vector_load %arg7[%swap3A_591, %swap3A_592] {strides = array<i32>} : memref<32x1024xf32, #tpu.memory_space<vmem>>, vector<1x16xf32>,
      %swap3A_594 = vector.shape_cast %swap3A_593 : vector<1x16xf32> to vector<16xf32>
      %swap3A_595 = vector.shape_cast %add3A_590 : vector<16xf32> to vector<1x16xf32>
      tpu.vector_store %arg7[%swap3A_591, %swap3A_592], %swap3A_595 {strides = array<i32>} : memref<32x1024xf32, #tpu.memory_space<vmem>>, vector<1x16xf32>,
      %get3A_596 = arith.index_cast %scan3A_50 : i32 to index
      %get3A_597 = arith.constant 416 : index
      %get3A_598 = tpu.vector_load %arg7[%get3A_596, %get3A_597] {strides = array<i32>} : memref<32x1024xf32, #tpu.memory_space<vmem>>, vector<1x16xf32>,
      %get3A_599 = vector.shape_cast %get3A_598 : vector<1x16xf32> to vector<16xf32>
      %get3A_600 = arith.index_cast %scan3A_50 : i32 to index
      %get3A_601 = arith.constant 416 : index
      %get3A_602 = tpu.vector_load %arg8[%get3A_600, %get3A_601] {strides = array<i32>} : memref<64x1024xf32, #tpu.memory_space<vmem>>, vector<1x16xf32>,
      %get3A_603 = vector.shape_cast %get3A_602 : vector<1x16xf32> to vector<16xf32>
      %add3A_604 = arith.addf %get3A_599, %get3A_603 : vector<16xf32>
      %add3A_605 = arith.constant 32 : i32
      %add3A_606 = arith.addi %add3A_605, %scan3A_50 : i32
      %get3A_607 = arith.index_cast %add3A_606 : i32 to index
      %get3A_608 = arith.constant 416 : index
      %get3A_609 = tpu.vector_load %arg8[%get3A_607, %get3A_608] {strides = array<i32>} : memref<64x1024xf32, #tpu.memory_space<vmem>>, vector<1x16xf32>,
      %get3A_610 = vector.shape_cast %get3A_609 : vector<1x16xf32> to vector<16xf32>
      %add3A_611 = arith.addf %add3A_604, %get3A_610 : vector<16xf32>
      %swap3A_612 = arith.index_cast %scan3A_50 : i32 to index
      %swap3A_613 = arith.constant 416 : index
      %swap3A_614 = tpu.vector_load %arg7[%swap3A_612, %swap3A_613] {strides = array<i32>} : memref<32x1024xf32, #tpu.memory_space<vmem>>, vector<1x16xf32>,
      %swap3A_615 = vector.shape_cast %swap3A_614 : vector<1x16xf32> to vector<16xf32>
      %swap3A_616 = vector.shape_cast %add3A_611 : vector<16xf32> to vector<1x16xf32>
      tpu.vector_store %arg7[%swap3A_612, %swap3A_613], %swap3A_616 {strides = array<i32>} : memref<32x1024xf32, #tpu.memory_space<vmem>>, vector<1x16xf32>,
      %get3A_617 = arith.index_cast %scan3A_50 : i32 to index
      %get3A_618 = arith.constant 432 : index
      %get3A_619 = tpu.vector_load %arg7[%get3A_617, %get3A_618] {strides = array<i32>} : memref<32x1024xf32, #tpu.memory_space<vmem>>, vector<1x16xf32>,
      %get3A_620 = vector.shape_cast %get3A_619 : vector<1x16xf32> to vector<16xf32>
      %get3A_621 = arith.index_cast %scan3A_50 : i32 to index
      %get3A_622 = arith.constant 432 : index
      %get3A_623 = tpu.vector_load %arg8[%get3A_621, %get3A_622] {strides = array<i32>} : memref<64x1024xf32, #tpu.memory_space<vmem>>, vector<1x16xf32>,
      %get3A_624 = vector.shape_cast %get3A_623 : vector<1x16xf32> to vector<16xf32>
      %add3A_625 = arith.addf %get3A_620, %get3A_624 : vector<16xf32>
      %add3A_626 = arith.constant 32 : i32
      %add3A_627 = arith.addi %add3A_626, %scan3A_50 : i32
      %get3A_628 = arith.index_cast %add3A_627 : i32 to index
      %get3A_629 = arith.constant 432 : index
      %get3A_630 = tpu.vector_load %arg8[%get3A_628, %get3A_629] {strides = array<i32>} : memref<64x1024xf32, #tpu.memory_space<vmem>>, vector<1x16xf32>,
      %get3A_631 = vector.shape_cast %get3A_630 : vector<1x16xf32> to vector<16xf32>
      %add3A_632 = arith.addf %add3A_625, %get3A_631 : vector<16xf32>
      %swap3A_633 = arith.index_cast %scan3A_50 : i32 to index
      %swap3A_634 = arith.constant 432 : index
      %swap3A_635 = tpu.vector_load %arg7[%swap3A_633, %swap3A_634] {strides = array<i32>} : memref<32x1024xf32, #tpu.memory_space<vmem>>, vector<1x16xf32>,
      %swap3A_636 = vector.shape_cast %swap3A_635 : vector<1x16xf32> to vector<16xf32>
      %swap3A_637 = vector.shape_cast %add3A_632 : vector<16xf32> to vector<1x16xf32>
      tpu.vector_store %arg7[%swap3A_633, %swap3A_634], %swap3A_637 {strides = array<i32>} : memref<32x1024xf32, #tpu.memory_space<vmem>>, vector<1x16xf32>,
      %get3A_638 = arith.index_cast %scan3A_50 : i32 to index
      %get3A_639 = arith.constant 448 : index
      %get3A_640 = tpu.vector_load %arg7[%get3A_638, %get3A_639] {strides = array<i32>} : memref<32x1024xf32, #tpu.memory_space<vmem>>, vector<1x16xf32>,
      %get3A_641 = vector.shape_cast %get3A_640 : vector<1x16xf32> to vector<16xf32>
      %get3A_642 = arith.index_cast %scan3A_50 : i32 to index
      %get3A_643 = arith.constant 448 : index
      %get3A_644 = tpu.vector_load %arg8[%get3A_642, %get3A_643] {strides = array<i32>} : memref<64x1024xf32, #tpu.memory_space<vmem>>, vector<1x16xf32>,
      %get3A_645 = vector.shape_cast %get3A_644 : vector<1x16xf32> to vector<16xf32>
      %add3A_646 = arith.addf %get3A_641, %get3A_645 : vector<16xf32>
      %add3A_647 = arith.constant 32 : i32
      %add3A_648 = arith.addi %add3A_647, %scan3A_50 : i32
      %get3A_649 = arith.index_cast %add3A_648 : i32 to index
      %get3A_650 = arith.constant 448 : index
      %get3A_651 = tpu.vector_load %arg8[%get3A_649, %get3A_650] {strides = array<i32>} : memref<64x1024xf32, #tpu.memory_space<vmem>>, vector<1x16xf32>,
      %get3A_652 = vector.shape_cast %get3A_651 : vector<1x16xf32> to vector<16xf32>
      %add3A_653 = arith.addf %add3A_646, %get3A_652 : vector<16xf32>
      %swap3A_654 = arith.index_cast %scan3A_50 : i32 to index
      %swap3A_655 = arith.constant 448 : index
      %swap3A_656 = tpu.vector_load %arg7[%swap3A_654, %swap3A_655] {strides = array<i32>} : memref<32x1024xf32, #tpu.memory_space<vmem>>, vector<1x16xf32>,
      %swap3A_657 = vector.shape_cast %swap3A_656 : vector<1x16xf32> to vector<16xf32>
      %swap3A_658 = vector.shape_cast %add3A_653 : vector<16xf32> to vector<1x16xf32>
      tpu.vector_store %arg7[%swap3A_654, %swap3A_655], %swap3A_658 {strides = array<i32>} : memref<32x1024xf32, #tpu.memory_space<vmem>>, vector<1x16xf32>,
      %get3A_659 = arith.index_cast %scan3A_50 : i32 to index
      %get3A_660 = arith.constant 464 : index
      %get3A_661 = tpu.vector_load %arg7[%get3A_659, %get3A_660] {strides = array<i32>} : memref<32x1024xf32, #tpu.memory_space<vmem>>, vector<1x16xf32>,
      %get3A_662 = vector.shape_cast %get3A_661 : vector<1x16xf32> to vector<16xf32>
      %get3A_663 = arith.index_cast %scan3A_50 : i32 to index
      %get3A_664 = arith.constant 464 : index
      %get3A_665 = tpu.vector_load %arg8[%get3A_663, %get3A_664] {strides = array<i32>} : memref<64x1024xf32, #tpu.memory_space<vmem>>, vector<1x16xf32>,
      %get3A_666 = vector.shape_cast %get3A_665 : vector<1x16xf32> to vector<16xf32>
      %add3A_667 = arith.addf %get3A_662, %get3A_666 : vector<16xf32>
      %add3A_668 = arith.constant 32 : i32
      %add3A_669 = arith.addi %add3A_668, %scan3A_50 : i32
      %get3A_670 = arith.index_cast %add3A_669 : i32 to index
      %get3A_671 = arith.constant 464 : index
      %get3A_672 = tpu.vector_load %arg8[%get3A_670, %get3A_671] {strides = array<i32>} : memref<64x1024xf32, #tpu.memory_space<vmem>>, vector<1x16xf32>,
      %get3A_673 = vector.shape_cast %get3A_672 : vector<1x16xf32> to vector<16xf32>
      %add3A_674 = arith.addf %add3A_667, %get3A_673 : vector<16xf32>
      %swap3A_675 = arith.index_cast %scan3A_50 : i32 to index
      %swap3A_676 = arith.constant 464 : index
      %swap3A_677 = tpu.vector_load %arg7[%swap3A_675, %swap3A_676] {strides = array<i32>} : memref<32x1024xf32, #tpu.memory_space<vmem>>, vector<1x16xf32>,
      %swap3A_678 = vector.shape_cast %swap3A_677 : vector<1x16xf32> to vector<16xf32>
      %swap3A_679 = vector.shape_cast %add3A_674 : vector<16xf32> to vector<1x16xf32>
      tpu.vector_store %arg7[%swap3A_675, %swap3A_676], %swap3A_679 {strides = array<i32>} : memref<32x1024xf32, #tpu.memory_space<vmem>>, vector<1x16xf32>,
      %get3A_680 = arith.index_cast %scan3A_50 : i32 to index
      %get3A_681 = arith.constant 480 : index
      %get3A_682 = tpu.vector_load %arg7[%get3A_680, %get3A_681] {strides = array<i32>} : memref<32x1024xf32, #tpu.memory_space<vmem>>, vector<1x16xf32>,
      %get3A_683 = vector.shape_cast %get3A_682 : vector<1x16xf32> to vector<16xf32>
      %get3A_684 = arith.index_cast %scan3A_50 : i32 to index
      %get3A_685 = arith.constant 480 : index
      %get3A_686 = tpu.vector_load %arg8[%get3A_684, %get3A_685] {strides = array<i32>} : memref<64x1024xf32, #tpu.memory_space<vmem>>, vector<1x16xf32>,
      %get3A_687 = vector.shape_cast %get3A_686 : vector<1x16xf32> to vector<16xf32>
      %add3A_688 = arith.addf %get3A_683, %get3A_687 : vector<16xf32>
      %add3A_689 = arith.constant 32 : i32
      %add3A_690 = arith.addi %add3A_689, %scan3A_50 : i32
      %get3A_691 = arith.index_cast %add3A_690 : i32 to index
      %get3A_692 = arith.constant 480 : index
      %get3A_693 = tpu.vector_load %arg8[%get3A_691, %get3A_692] {strides = array<i32>} : memref<64x1024xf32, #tpu.memory_space<vmem>>, vector<1x16xf32>,
      %get3A_694 = vector.shape_cast %get3A_693 : vector<1x16xf32> to vector<16xf32>
      %add3A_695 = arith.addf %add3A_688, %get3A_694 : vector<16xf32>
      %swap3A_696 = arith.index_cast %scan3A_50 : i32 to index
      %swap3A_697 = arith.constant 480 : index
      %swap3A_698 = tpu.vector_load %arg7[%swap3A_696, %swap3A_697] {strides = array<i32>} : memref<32x1024xf32, #tpu.memory_space<vmem>>, vector<1x16xf32>,
      %swap3A_699 = vector.shape_cast %swap3A_698 : vector<1x16xf32> to vector<16xf32>
      %swap3A_700 = vector.shape_cast %add3A_695 : vector<16xf32> to vector<1x16xf32>
      tpu.vector_store %arg7[%swap3A_696, %swap3A_697], %swap3A_700 {strides = array<i32>} : memref<32x1024xf32, #tpu.memory_space<vmem>>, vector<1x16xf32>,
      %get3A_701 = arith.index_cast %scan3A_50 : i32 to index
      %get3A_702 = arith.constant 496 : index
      %get3A_703 = tpu.vector_load %arg7[%get3A_701, %get3A_702] {strides = array<i32>} : memref<32x1024xf32, #tpu.memory_space<vmem>>, vector<1x16xf32>,
      %get3A_704 = vector.shape_cast %get3A_703 : vector<1x16xf32> to vector<16xf32>
      %get3A_705 = arith.index_cast %scan3A_50 : i32 to index
      %get3A_706 = arith.constant 496 : index
      %get3A_707 = tpu.vector_load %arg8[%get3A_705, %get3A_706] {strides = array<i32>} : memref<64x1024xf32, #tpu.memory_space<vmem>>, vector<1x16xf32>,
      %get3A_708 = vector.shape_cast %get3A_707 : vector<1x16xf32> to vector<16xf32>
      %add3A_709 = arith.addf %get3A_704, %get3A_708 : vector<16xf32>
      %add3A_710 = arith.constant 32 : i32
      %add3A_711 = arith.addi %add3A_710, %scan3A_50 : i32
      %get3A_712 = arith.index_cast %add3A_711 : i32 to index
      %get3A_713 = arith.constant 496 : index
      %get3A_714 = tpu.vector_load %arg8[%get3A_712, %get3A_713] {strides = array<i32>} : memref<64x1024xf32, #tpu.memory_space<vmem>>, vector<1x16xf32>,
      %get3A_715 = vector.shape_cast %get3A_714 : vector<1x16xf32> to vector<16xf32>
      %add3A_716 = arith.addf %add3A_709, %get3A_715 : vector<16xf32>
      %swap3A_717 = arith.index_cast %scan3A_50 : i32 to index
      %swap3A_718 = arith.constant 496 : index
      %swap3A_719 = tpu.vector_load %arg7[%swap3A_717, %swap3A_718] {strides = array<i32>} : memref<32x1024xf32, #tpu.memory_space<vmem>>, vector<1x16xf32>,
      %swap3A_720 = vector.shape_cast %swap3A_719 : vector<1x16xf32> to vector<16xf32>
      %swap3A_721 = vector.shape_cast %add3A_716 : vector<16xf32> to vector<1x16xf32>
      tpu.vector_store %arg7[%swap3A_717, %swap3A_718], %swap3A_721 {strides = array<i32>} : memref<32x1024xf32, #tpu.memory_space<vmem>>, vector<1x16xf32>,
      %get3A_722 = arith.index_cast %scan3A_50 : i32 to index
      %get3A_723 = arith.constant 512 : index
      %get3A_724 = tpu.vector_load %arg7[%get3A_722, %get3A_723] {strides = array<i32>} : memref<32x1024xf32, #tpu.memory_space<vmem>>, vector<1x16xf32>,
      %get3A_725 = vector.shape_cast %get3A_724 : vector<1x16xf32> to vector<16xf32>
      %get3A_726 = arith.index_cast %scan3A_50 : i32 to index
      %get3A_727 = arith.constant 512 : index
      %get3A_728 = tpu.vector_load %arg8[%get3A_726, %get3A_727] {strides = array<i32>} : memref<64x1024xf32, #tpu.memory_space<vmem>>, vector<1x16xf32>,
      %get3A_729 = vector.shape_cast %get3A_728 : vector<1x16xf32> to vector<16xf32>
      %add3A_730 = arith.addf %get3A_725, %get3A_729 : vector<16xf32>
      %add3A_731 = arith.constant 32 : i32
      %add3A_732 = arith.addi %add3A_731, %scan3A_50 : i32
      %get3A_733 = arith.index_cast %add3A_732 : i32 to index
      %get3A_734 = arith.constant 512 : index
      %get3A_735 = tpu.vector_load %arg8[%get3A_733, %get3A_734] {strides = array<i32>} : memref<64x1024xf32, #tpu.memory_space<vmem>>, vector<1x16xf32>,
      %get3A_736 = vector.shape_cast %get3A_735 : vector<1x16xf32> to vector<16xf32>
      %add3A_737 = arith.addf %add3A_730, %get3A_736 : vector<16xf32>
      %swap3A_738 = arith.index_cast %scan3A_50 : i32 to index
      %swap3A_739 = arith.constant 512 : index
      %swap3A_740 = tpu.vector_load %arg7[%swap3A_738, %swap3A_739] {strides = array<i32>} : memref<32x1024xf32, #tpu.memory_space<vmem>>, vector<1x16xf32>,
      %swap3A_741 = vector.shape_cast %swap3A_740 : vector<1x16xf32> to vector<16xf32>
      %swap3A_742 = vector.shape_cast %add3A_737 : vector<16xf32> to vector<1x16xf32>
      tpu.vector_store %arg7[%swap3A_738, %swap3A_739], %swap3A_742 {strides = array<i32>} : memref<32x1024xf32, #tpu.memory_space<vmem>>, vector<1x16xf32>,
      %get3A_743 = arith.index_cast %scan3A_50 : i32 to index
      %get3A_744 = arith.constant 528 : index
      %get3A_745 = tpu.vector_load %arg7[%get3A_743, %get3A_744] {strides = array<i32>} : memref<32x1024xf32, #tpu.memory_space<vmem>>, vector<1x16xf32>,
      %get3A_746 = vector.shape_cast %get3A_745 : vector<1x16xf32> to vector<16xf32>
      %get3A_747 = arith.index_cast %scan3A_50 : i32 to index
      %get3A_748 = arith.constant 528 : index
      %get3A_749 = tpu.vector_load %arg8[%get3A_747, %get3A_748] {strides = array<i32>} : memref<64x1024xf32, #tpu.memory_space<vmem>>, vector<1x16xf32>,
      %get3A_750 = vector.shape_cast %get3A_749 : vector<1x16xf32> to vector<16xf32>
      %add3A_751 = arith.addf %get3A_746, %get3A_750 : vector<16xf32>
      %add3A_752 = arith.constant 32 : i32
      %add3A_753 = arith.addi %add3A_752, %scan3A_50 : i32
      %get3A_754 = arith.index_cast %add3A_753 : i32 to index
      %get3A_755 = arith.constant 528 : index
      %get3A_756 = tpu.vector_load %arg8[%get3A_754, %get3A_755] {strides = array<i32>} : memref<64x1024xf32, #tpu.memory_space<vmem>>, vector<1x16xf32>,
      %get3A_757 = vector.shape_cast %get3A_756 : vector<1x16xf32> to vector<16xf32>
      %add3A_758 = arith.addf %add3A_751, %get3A_757 : vector<16xf32>
      %swap3A_759 = arith.index_cast %scan3A_50 : i32 to index
      %swap3A_760 = arith.constant 528 : index
      %swap3A_761 = tpu.vector_load %arg7[%swap3A_759, %swap3A_760] {strides = array<i32>} : memref<32x1024xf32, #tpu.memory_space<vmem>>, vector<1x16xf32>,
      %swap3A_762 = vector.shape_cast %swap3A_761 : vector<1x16xf32> to vector<16xf32>
      %swap3A_763 = vector.shape_cast %add3A_758 : vector<16xf32> to vector<1x16xf32>
      tpu.vector_store %arg7[%swap3A_759, %swap3A_760], %swap3A_763 {strides = array<i32>} : memref<32x1024xf32, #tpu.memory_space<vmem>>, vector<1x16xf32>,
      %get3A_764 = arith.index_cast %scan3A_50 : i32 to index
      %get3A_765 = arith.constant 544 : index
      %get3A_766 = tpu.vector_load %arg7[%get3A_764, %get3A_765] {strides = array<i32>} : memref<32x1024xf32, #tpu.memory_space<vmem>>, vector<1x16xf32>,
      %get3A_767 = vector.shape_cast %get3A_766 : vector<1x16xf32> to vector<16xf32>
      %get3A_768 = arith.index_cast %scan3A_50 : i32 to index
      %get3A_769 = arith.constant 544 : index
      %get3A_770 = tpu.vector_load %arg8[%get3A_768, %get3A_769] {strides = array<i32>} : memref<64x1024xf32, #tpu.memory_space<vmem>>, vector<1x16xf32>,
      %get3A_771 = vector.shape_cast %get3A_770 : vector<1x16xf32> to vector<16xf32>
      %add3A_772 = arith.addf %get3A_767, %get3A_771 : vector<16xf32>
      %add3A_773 = arith.constant 32 : i32
      %add3A_774 = arith.addi %add3A_773, %scan3A_50 : i32
      %get3A_775 = arith.index_cast %add3A_774 : i32 to index
      %get3A_776 = arith.constant 544 : index
      %get3A_777 = tpu.vector_load %arg8[%get3A_775, %get3A_776] {strides = array<i32>} : memref<64x1024xf32, #tpu.memory_space<vmem>>, vector<1x16xf32>,
      %get3A_778 = vector.shape_cast %get3A_777 : vector<1x16xf32> to vector<16xf32>
      %add3A_779 = arith.addf %add3A_772, %get3A_778 : vector<16xf32>
      %swap3A_780 = arith.index_cast %scan3A_50 : i32 to index
      %swap3A_781 = arith.constant 544 : index
      %swap3A_782 = tpu.vector_load %arg7[%swap3A_780, %swap3A_781] {strides = array<i32>} : memref<32x1024xf32, #tpu.memory_space<vmem>>, vector<1x16xf32>,
      %swap3A_783 = vector.shape_cast %swap3A_782 : vector<1x16xf32> to vector<16xf32>
      %swap3A_784 = vector.shape_cast %add3A_779 : vector<16xf32> to vector<1x16xf32>
      tpu.vector_store %arg7[%swap3A_780, %swap3A_781], %swap3A_784 {strides = array<i32>} : memref<32x1024xf32, #tpu.memory_space<vmem>>, vector<1x16xf32>,
      %get3A_785 = arith.index_cast %scan3A_50 : i32 to index
      %get3A_786 = arith.constant 560 : index
      %get3A_787 = tpu.vector_load %arg7[%get3A_785, %get3A_786] {strides = array<i32>} : memref<32x1024xf32, #tpu.memory_space<vmem>>, vector<1x16xf32>,
      %get3A_788 = vector.shape_cast %get3A_787 : vector<1x16xf32> to vector<16xf32>
      %get3A_789 = arith.index_cast %scan3A_50 : i32 to index
      %get3A_790 = arith.constant 560 : index
      %get3A_791 = tpu.vector_load %arg8[%get3A_789, %get3A_790] {strides = array<i32>} : memref<64x1024xf32, #tpu.memory_space<vmem>>, vector<1x16xf32>,
      %get3A_792 = vector.shape_cast %get3A_791 : vector<1x16xf32> to vector<16xf32>
      %add3A_793 = arith.addf %get3A_788, %get3A_792 : vector<16xf32>
      %add3A_794 = arith.constant 32 : i32
      %add3A_795 = arith.addi %add3A_794, %scan3A_50 : i32
      %get3A_796 = arith.index_cast %add3A_795 : i32 to index
      %get3A_797 = arith.constant 560 : index
      %get3A_798 = tpu.vector_load %arg8[%get3A_796, %get3A_797] {strides = array<i32>} : memref<64x1024xf32, #tpu.memory_space<vmem>>, vector<1x16xf32>,
      %get3A_799 = vector.shape_cast %get3A_798 : vector<1x16xf32> to vector<16xf32>
      %add3A_800 = arith.addf %add3A_793, %get3A_799 : vector<16xf32>
      %swap3A_801 = arith.index_cast %scan3A_50 : i32 to index
      %swap3A_802 = arith.constant 560 : index
      %swap3A_803 = tpu.vector_load %arg7[%swap3A_801, %swap3A_802] {strides = array<i32>} : memref<32x1024xf32, #tpu.memory_space<vmem>>, vector<1x16xf32>,
      %swap3A_804 = vector.shape_cast %swap3A_803 : vector<1x16xf32> to vector<16xf32>
      %swap3A_805 = vector.shape_cast %add3A_800 : vector<16xf32> to vector<1x16xf32>
      tpu.vector_store %arg7[%swap3A_801, %swap3A_802], %swap3A_805 {strides = array<i32>} : memref<32x1024xf32, #tpu.memory_space<vmem>>, vector<1x16xf32>,
      %get3A_806 = arith.index_cast %scan3A_50 : i32 to index
      %get3A_807 = arith.constant 576 : index
      %get3A_808 = tpu.vector_load %arg7[%get3A_806, %get3A_807] {strides = array<i32>} : memref<32x1024xf32, #tpu.memory_space<vmem>>, vector<1x16xf32>,
      %get3A_809 = vector.shape_cast %get3A_808 : vector<1x16xf32> to vector<16xf32>
      %get3A_810 = arith.index_cast %scan3A_50 : i32 to index
      %get3A_811 = arith.constant 576 : index
      %get3A_812 = tpu.vector_load %arg8[%get3A_810, %get3A_811] {strides = array<i32>} : memref<64x1024xf32, #tpu.memory_space<vmem>>, vector<1x16xf32>,
      %get3A_813 = vector.shape_cast %get3A_812 : vector<1x16xf32> to vector<16xf32>
      %add3A_814 = arith.addf %get3A_809, %get3A_813 : vector<16xf32>
      %add3A_815 = arith.constant 32 : i32
      %add3A_816 = arith.addi %add3A_815, %scan3A_50 : i32
      %get3A_817 = arith.index_cast %add3A_816 : i32 to index
      %get3A_818 = arith.constant 576 : index
      %get3A_819 = tpu.vector_load %arg8[%get3A_817, %get3A_818] {strides = array<i32>} : memref<64x1024xf32, #tpu.memory_space<vmem>>, vector<1x16xf32>,
      %get3A_820 = vector.shape_cast %get3A_819 : vector<1x16xf32> to vector<16xf32>
      %add3A_821 = arith.addf %add3A_814, %get3A_820 : vector<16xf32>
      %swap3A_822 = arith.index_cast %scan3A_50 : i32 to index
      %swap3A_823 = arith.constant 576 : index
      %swap3A_824 = tpu.vector_load %arg7[%swap3A_822, %swap3A_823] {strides = array<i32>} : memref<32x1024xf32, #tpu.memory_space<vmem>>, vector<1x16xf32>,
      %swap3A_825 = vector.shape_cast %swap3A_824 : vector<1x16xf32> to vector<16xf32>
      %swap3A_826 = vector.shape_cast %add3A_821 : vector<16xf32> to vector<1x16xf32>
      tpu.vector_store %arg7[%swap3A_822, %swap3A_823], %swap3A_826 {strides = array<i32>} : memref<32x1024xf32, #tpu.memory_space<vmem>>, vector<1x16xf32>,
      %get3A_827 = arith.index_cast %scan3A_50 : i32 to index
      %get3A_828 = arith.constant 592 : index
      %get3A_829 = tpu.vector_load %arg7[%get3A_827, %get3A_828] {strides = array<i32>} : memref<32x1024xf32, #tpu.memory_space<vmem>>, vector<1x16xf32>,
      %get3A_830 = vector.shape_cast %get3A_829 : vector<1x16xf32> to vector<16xf32>
      %get3A_831 = arith.index_cast %scan3A_50 : i32 to index
      %get3A_832 = arith.constant 592 : index
      %get3A_833 = tpu.vector_load %arg8[%get3A_831, %get3A_832] {strides = array<i32>} : memref<64x1024xf32, #tpu.memory_space<vmem>>, vector<1x16xf32>,
      %get3A_834 = vector.shape_cast %get3A_833 : vector<1x16xf32> to vector<16xf32>
      %add3A_835 = arith.addf %get3A_830, %get3A_834 : vector<16xf32>
      %add3A_836 = arith.constant 32 : i32
      %add3A_837 = arith.addi %add3A_836, %scan3A_50 : i32
      %get3A_838 = arith.index_cast %add3A_837 : i32 to index
      %get3A_839 = arith.constant 592 : index
      %get3A_840 = tpu.vector_load %arg8[%get3A_838, %get3A_839] {strides = array<i32>} : memref<64x1024xf32, #tpu.memory_space<vmem>>, vector<1x16xf32>,
      %get3A_841 = vector.shape_cast %get3A_840 : vector<1x16xf32> to vector<16xf32>
      %add3A_842 = arith.addf %add3A_835, %get3A_841 : vector<16xf32>
      %swap3A_843 = arith.index_cast %scan3A_50 : i32 to index
      %swap3A_844 = arith.constant 592 : index
      %swap3A_845 = tpu.vector_load %arg7[%swap3A_843, %swap3A_844] {strides = array<i32>} : memref<32x1024xf32, #tpu.memory_space<vmem>>, vector<1x16xf32>,
      %swap3A_846 = vector.shape_cast %swap3A_845 : vector<1x16xf32> to vector<16xf32>
      %swap3A_847 = vector.shape_cast %add3A_842 : vector<16xf32> to vector<1x16xf32>
      tpu.vector_store %arg7[%swap3A_843, %swap3A_844], %swap3A_847 {strides = array<i32>} : memref<32x1024xf32, #tpu.memory_space<vmem>>, vector<1x16xf32>,
      %get3A_848 = arith.index_cast %scan3A_50 : i32 to index
      %get3A_849 = arith.constant 608 : index
      %get3A_850 = tpu.vector_load %arg7[%get3A_848, %get3A_849] {strides = array<i32>} : memref<32x1024xf32, #tpu.memory_space<vmem>>, vector<1x16xf32>,
      %get3A_851 = vector.shape_cast %get3A_850 : vector<1x16xf32> to vector<16xf32>
      %get3A_852 = arith.index_cast %scan3A_50 : i32 to index
      %get3A_853 = arith.constant 608 : index
      %get3A_854 = tpu.vector_load %arg8[%get3A_852, %get3A_853] {strides = array<i32>} : memref<64x1024xf32, #tpu.memory_space<vmem>>, vector<1x16xf32>,
      %get3A_855 = vector.shape_cast %get3A_854 : vector<1x16xf32> to vector<16xf32>
      %add3A_856 = arith.addf %get3A_851, %get3A_855 : vector<16xf32>
      %add3A_857 = arith.constant 32 : i32
      %add3A_858 = arith.addi %add3A_857, %scan3A_50 : i32
      %get3A_859 = arith.index_cast %add3A_858 : i32 to index
      %get3A_860 = arith.constant 608 : index
      %get3A_861 = tpu.vector_load %arg8[%get3A_859, %get3A_860] {strides = array<i32>} : memref<64x1024xf32, #tpu.memory_space<vmem>>, vector<1x16xf32>,
      %get3A_862 = vector.shape_cast %get3A_861 : vector<1x16xf32> to vector<16xf32>
      %add3A_863 = arith.addf %add3A_856, %get3A_862 : vector<16xf32>
      %swap3A_864 = arith.index_cast %scan3A_50 : i32 to index
      %swap3A_865 = arith.constant 608 : index
      %swap3A_866 = tpu.vector_load %arg7[%swap3A_864, %swap3A_865] {strides = array<i32>} : memref<32x1024xf32, #tpu.memory_space<vmem>>, vector<1x16xf32>,
      %swap3A_867 = vector.shape_cast %swap3A_866 : vector<1x16xf32> to vector<16xf32>
      %swap3A_868 = vector.shape_cast %add3A_863 : vector<16xf32> to vector<1x16xf32>
      tpu.vector_store %arg7[%swap3A_864, %swap3A_865], %swap3A_868 {strides = array<i32>} : memref<32x1024xf32, #tpu.memory_space<vmem>>, vector<1x16xf32>,
      %get3A_869 = arith.index_cast %scan3A_50 : i32 to index
      %get3A_870 = arith.constant 624 : index
      %get3A_871 = tpu.vector_load %arg7[%get3A_869, %get3A_870] {strides = array<i32>} : memref<32x1024xf32, #tpu.memory_space<vmem>>, vector<1x16xf32>,
      %get3A_872 = vector.shape_cast %get3A_871 : vector<1x16xf32> to vector<16xf32>
      %get3A_873 = arith.index_cast %scan3A_50 : i32 to index
      %get3A_874 = arith.constant 624 : index
      %get3A_875 = tpu.vector_load %arg8[%get3A_873, %get3A_874] {strides = array<i32>} : memref<64x1024xf32, #tpu.memory_space<vmem>>, vector<1x16xf32>,
      %get3A_876 = vector.shape_cast %get3A_875 : vector<1x16xf32> to vector<16xf32>
      %add3A_877 = arith.addf %get3A_872, %get3A_876 : vector<16xf32>
      %add3A_878 = arith.constant 32 : i32
      %add3A_879 = arith.addi %add3A_878, %scan3A_50 : i32
      %get3A_880 = arith.index_cast %add3A_879 : i32 to index
      %get3A_881 = arith.constant 624 : index
      %get3A_882 = tpu.vector_load %arg8[%get3A_880, %get3A_881] {strides = array<i32>} : memref<64x1024xf32, #tpu.memory_space<vmem>>, vector<1x16xf32>,
      %get3A_883 = vector.shape_cast %get3A_882 : vector<1x16xf32> to vector<16xf32>
      %add3A_884 = arith.addf %add3A_877, %get3A_883 : vector<16xf32>
      %swap3A_885 = arith.index_cast %scan3A_50 : i32 to index
      %swap3A_886 = arith.constant 624 : index
      %swap3A_887 = tpu.vector_load %arg7[%swap3A_885, %swap3A_886] {strides = array<i32>} : memref<32x1024xf32, #tpu.memory_space<vmem>>, vector<1x16xf32>,
      %swap3A_888 = vector.shape_cast %swap3A_887 : vector<1x16xf32> to vector<16xf32>
      %swap3A_889 = vector.shape_cast %add3A_884 : vector<16xf32> to vector<1x16xf32>
      tpu.vector_store %arg7[%swap3A_885, %swap3A_886], %swap3A_889 {strides = array<i32>} : memref<32x1024xf32, #tpu.memory_space<vmem>>, vector<1x16xf32>,
      %get3A_890 = arith.index_cast %scan3A_50 : i32 to index
      %get3A_891 = arith.constant 640 : index
      %get3A_892 = tpu.vector_load %arg7[%get3A_890, %get3A_891] {strides = array<i32>} : memref<32x1024xf32, #tpu.memory_space<vmem>>, vector<1x16xf32>,
      %get3A_893 = vector.shape_cast %get3A_892 : vector<1x16xf32> to vector<16xf32>
      %get3A_894 = arith.index_cast %scan3A_50 : i32 to index
      %get3A_895 = arith.constant 640 : index
      %get3A_896 = tpu.vector_load %arg8[%get3A_894, %get3A_895] {strides = array<i32>} : memref<64x1024xf32, #tpu.memory_space<vmem>>, vector<1x16xf32>,
      %get3A_897 = vector.shape_cast %get3A_896 : vector<1x16xf32> to vector<16xf32>
      %add3A_898 = arith.addf %get3A_893, %get3A_897 : vector<16xf32>
      %add3A_899 = arith.constant 32 : i32
      %add3A_900 = arith.addi %add3A_899, %scan3A_50 : i32
      %get3A_901 = arith.index_cast %add3A_900 : i32 to index
      %get3A_902 = arith.constant 640 : index
      %get3A_903 = tpu.vector_load %arg8[%get3A_901, %get3A_902] {strides = array<i32>} : memref<64x1024xf32, #tpu.memory_space<vmem>>, vector<1x16xf32>,
      %get3A_904 = vector.shape_cast %get3A_903 : vector<1x16xf32> to vector<16xf32>
      %add3A_905 = arith.addf %add3A_898, %get3A_904 : vector<16xf32>
      %swap3A_906 = arith.index_cast %scan3A_50 : i32 to index
      %swap3A_907 = arith.constant 640 : index
      %swap3A_908 = tpu.vector_load %arg7[%swap3A_906, %swap3A_907] {strides = array<i32>} : memref<32x1024xf32, #tpu.memory_space<vmem>>, vector<1x16xf32>,
      %swap3A_909 = vector.shape_cast %swap3A_908 : vector<1x16xf32> to vector<16xf32>
      %swap3A_910 = vector.shape_cast %add3A_905 : vector<16xf32> to vector<1x16xf32>
      tpu.vector_store %arg7[%swap3A_906, %swap3A_907], %swap3A_910 {strides = array<i32>} : memref<32x1024xf32, #tpu.memory_space<vmem>>, vector<1x16xf32>,
      %get3A_911 = arith.index_cast %scan3A_50 : i32 to index
      %get3A_912 = arith.constant 656 : index
      %get3A_913 = tpu.vector_load %arg7[%get3A_911, %get3A_912] {strides = array<i32>} : memref<32x1024xf32, #tpu.memory_space<vmem>>, vector<1x16xf32>,
      %get3A_914 = vector.shape_cast %get3A_913 : vector<1x16xf32> to vector<16xf32>
      %get3A_915 = arith.index_cast %scan3A_50 : i32 to index
      %get3A_916 = arith.constant 656 : index
      %get3A_917 = tpu.vector_load %arg8[%get3A_915, %get3A_916] {strides = array<i32>} : memref<64x1024xf32, #tpu.memory_space<vmem>>, vector<1x16xf32>,
      %get3A_918 = vector.shape_cast %get3A_917 : vector<1x16xf32> to vector<16xf32>
      %add3A_919 = arith.addf %get3A_914, %get3A_918 : vector<16xf32>
      %add3A_920 = arith.constant 32 : i32
      %add3A_921 = arith.addi %add3A_920, %scan3A_50 : i32
      %get3A_922 = arith.index_cast %add3A_921 : i32 to index
      %get3A_923 = arith.constant 656 : index
      %get3A_924 = tpu.vector_load %arg8[%get3A_922, %get3A_923] {strides = array<i32>} : memref<64x1024xf32, #tpu.memory_space<vmem>>, vector<1x16xf32>,
      %get3A_925 = vector.shape_cast %get3A_924 : vector<1x16xf32> to vector<16xf32>
      %add3A_926 = arith.addf %add3A_919, %get3A_925 : vector<16xf32>
      %swap3A_927 = arith.index_cast %scan3A_50 : i32 to index
      %swap3A_928 = arith.constant 656 : index
      %swap3A_929 = tpu.vector_load %arg7[%swap3A_927, %swap3A_928] {strides = array<i32>} : memref<32x1024xf32, #tpu.memory_space<vmem>>, vector<1x16xf32>,
      %swap3A_930 = vector.shape_cast %swap3A_929 : vector<1x16xf32> to vector<16xf32>
      %swap3A_931 = vector.shape_cast %add3A_926 : vector<16xf32> to vector<1x16xf32>
      tpu.vector_store %arg7[%swap3A_927, %swap3A_928], %swap3A_931 {strides = array<i32>} : memref<32x1024xf32, #tpu.memory_space<vmem>>, vector<1x16xf32>,
      %get3A_932 = arith.index_cast %scan3A_50 : i32 to index
      %get3A_933 = arith.constant 672 : index
      %get3A_934 = tpu.vector_load %arg7[%get3A_932, %get3A_933] {strides = array<i32>} : memref<32x1024xf32, #tpu.memory_space<vmem>>, vector<1x16xf32>,
      %get3A_935 = vector.shape_cast %get3A_934 : vector<1x16xf32> to vector<16xf32>
      %get3A_936 = arith.index_cast %scan3A_50 : i32 to index
      %get3A_937 = arith.constant 672 : index
      %get3A_938 = tpu.vector_load %arg8[%get3A_936, %get3A_937] {strides = array<i32>} : memref<64x1024xf32, #tpu.memory_space<vmem>>, vector<1x16xf32>,
      %get3A_939 = vector.shape_cast %get3A_938 : vector<1x16xf32> to vector<16xf32>
      %add3A_940 = arith.addf %get3A_935, %get3A_939 : vector<16xf32>
      %add3A_941 = arith.constant 32 : i32
      %add3A_942 = arith.addi %add3A_941, %scan3A_50 : i32
      %get3A_943 = arith.index_cast %add3A_942 : i32 to index
      %get3A_944 = arith.constant 672 : index
      %get3A_945 = tpu.vector_load %arg8[%get3A_943, %get3A_944] {strides = array<i32>} : memref<64x1024xf32, #tpu.memory_space<vmem>>, vector<1x16xf32>,
      %get3A_946 = vector.shape_cast %get3A_945 : vector<1x16xf32> to vector<16xf32>
      %add3A_947 = arith.addf %add3A_940, %get3A_946 : vector<16xf32>
      %swap3A_948 = arith.index_cast %scan3A_50 : i32 to index
      %swap3A_949 = arith.constant 672 : index
      %swap3A_950 = tpu.vector_load %arg7[%swap3A_948, %swap3A_949] {strides = array<i32>} : memref<32x1024xf32, #tpu.memory_space<vmem>>, vector<1x16xf32>,
      %swap3A_951 = vector.shape_cast %swap3A_950 : vector<1x16xf32> to vector<16xf32>
      %swap3A_952 = vector.shape_cast %add3A_947 : vector<16xf32> to vector<1x16xf32>
      tpu.vector_store %arg7[%swap3A_948, %swap3A_949], %swap3A_952 {strides = array<i32>} : memref<32x1024xf32, #tpu.memory_space<vmem>>, vector<1x16xf32>,
      %get3A_953 = arith.index_cast %scan3A_50 : i32 to index
      %get3A_954 = arith.constant 688 : index
      %get3A_955 = tpu.vector_load %arg7[%get3A_953, %get3A_954] {strides = array<i32>} : memref<32x1024xf32, #tpu.memory_space<vmem>>, vector<1x16xf32>,
      %get3A_956 = vector.shape_cast %get3A_955 : vector<1x16xf32> to vector<16xf32>
      %get3A_957 = arith.index_cast %scan3A_50 : i32 to index
      %get3A_958 = arith.constant 688 : index
      %get3A_959 = tpu.vector_load %arg8[%get3A_957, %get3A_958] {strides = array<i32>} : memref<64x1024xf32, #tpu.memory_space<vmem>>, vector<1x16xf32>,
      %get3A_960 = vector.shape_cast %get3A_959 : vector<1x16xf32> to vector<16xf32>
      %add3A_961 = arith.addf %get3A_956, %get3A_960 : vector<16xf32>
      %add3A_962 = arith.constant 32 : i32
      %add3A_963 = arith.addi %add3A_962, %scan3A_50 : i32
      %get3A_964 = arith.index_cast %add3A_963 : i32 to index
      %get3A_965 = arith.constant 688 : index
      %get3A_966 = tpu.vector_load %arg8[%get3A_964, %get3A_965] {strides = array<i32>} : memref<64x1024xf32, #tpu.memory_space<vmem>>, vector<1x16xf32>,
      %get3A_967 = vector.shape_cast %get3A_966 : vector<1x16xf32> to vector<16xf32>
      %add3A_968 = arith.addf %add3A_961, %get3A_967 : vector<16xf32>
      %swap3A_969 = arith.index_cast %scan3A_50 : i32 to index
      %swap3A_970 = arith.constant 688 : index
      %swap3A_971 = tpu.vector_load %arg7[%swap3A_969, %swap3A_970] {strides = array<i32>} : memref<32x1024xf32, #tpu.memory_space<vmem>>, vector<1x16xf32>,
      %swap3A_972 = vector.shape_cast %swap3A_971 : vector<1x16xf32> to vector<16xf32>
      %swap3A_973 = vector.shape_cast %add3A_968 : vector<16xf32> to vector<1x16xf32>
      tpu.vector_store %arg7[%swap3A_969, %swap3A_970], %swap3A_973 {strides = array<i32>} : memref<32x1024xf32, #tpu.memory_space<vmem>>, vector<1x16xf32>,
      %get3A_974 = arith.index_cast %scan3A_50 : i32 to index
      %get3A_975 = arith.constant 704 : index
      %get3A_976 = tpu.vector_load %arg7[%get3A_974, %get3A_975] {strides = array<i32>} : memref<32x1024xf32, #tpu.memory_space<vmem>>, vector<1x16xf32>,
      %get3A_977 = vector.shape_cast %get3A_976 : vector<1x16xf32> to vector<16xf32>
      %get3A_978 = arith.index_cast %scan3A_50 : i32 to index
      %get3A_979 = arith.constant 704 : index
      %get3A_980 = tpu.vector_load %arg8[%get3A_978, %get3A_979] {strides = array<i32>} : memref<64x1024xf32, #tpu.memory_space<vmem>>, vector<1x16xf32>,
      %get3A_981 = vector.shape_cast %get3A_980 : vector<1x16xf32> to vector<16xf32>
      %add3A_982 = arith.addf %get3A_977, %get3A_981 : vector<16xf32>
      %add3A_983 = arith.constant 32 : i32
      %add3A_984 = arith.addi %add3A_983, %scan3A_50 : i32
      %get3A_985 = arith.index_cast %add3A_984 : i32 to index
      %get3A_986 = arith.constant 704 : index
      %get3A_987 = tpu.vector_load %arg8[%get3A_985, %get3A_986] {strides = array<i32>} : memref<64x1024xf32, #tpu.memory_space<vmem>>, vector<1x16xf32>,
      %get3A_988 = vector.shape_cast %get3A_987 : vector<1x16xf32> to vector<16xf32>
      %add3A_989 = arith.addf %add3A_982, %get3A_988 : vector<16xf32>
      %swap3A_990 = arith.index_cast %scan3A_50 : i32 to index
      %swap3A_991 = arith.constant 704 : index
      %swap3A_992 = tpu.vector_load %arg7[%swap3A_990, %swap3A_991] {strides = array<i32>} : memref<32x1024xf32, #tpu.memory_space<vmem>>, vector<1x16xf32>,
      %swap3A_993 = vector.shape_cast %swap3A_992 : vector<1x16xf32> to vector<16xf32>
      %swap3A_994 = vector.shape_cast %add3A_989 : vector<16xf32> to vector<1x16xf32>
      tpu.vector_store %arg7[%swap3A_990, %swap3A_991], %swap3A_994 {strides = array<i32>} : memref<32x1024xf32, #tpu.memory_space<vmem>>, vector<1x16xf32>,
      %get3A_995 = arith.index_cast %scan3A_50 : i32 to index
      %get3A_996 = arith.constant 720 : index
      %get3A_997 = tpu.vector_load %arg7[%get3A_995, %get3A_996] {strides = array<i32>} : memref<32x1024xf32, #tpu.memory_space<vmem>>, vector<1x16xf32>,
      %get3A_998 = vector.shape_cast %get3A_997 : vector<1x16xf32> to vector<16xf32>
      %get3A_999 = arith.index_cast %scan3A_50 : i32 to index
      %get3A_1000 = arith.constant 720 : index
      %get3A_1001 = tpu.vector_load %arg8[%get3A_999, %get3A_1000] {strides = array<i32>} : memref<64x1024xf32, #tpu.memory_space<vmem>>, vector<1x16xf32>,
      %get3A_1002 = vector.shape_cast %get3A_1001 : vector<1x16xf32> to vector<16xf32>
      %add3A_1003 = arith.addf %get3A_998, %get3A_1002 : vector<16xf32>
      %add3A_1004 = arith.constant 32 : i32
      %add3A_1005 = arith.addi %add3A_1004, %scan3A_50 : i32
      %get3A_1006 = arith.index_cast %add3A_1005 : i32 to index
      %get3A_1007 = arith.constant 720 : index
      %get3A_1008 = tpu.vector_load %arg8[%get3A_1006, %get3A_1007] {strides = array<i32>} : memref<64x1024xf32, #tpu.memory_space<vmem>>, vector<1x16xf32>,
      %get3A_1009 = vector.shape_cast %get3A_1008 : vector<1x16xf32> to vector<16xf32>
      %add3A_1010 = arith.addf %add3A_1003, %get3A_1009 : vector<16xf32>
      %swap3A_1011 = arith.index_cast %scan3A_50 : i32 to index
      %swap3A_1012 = arith.constant 720 : index
      %swap3A_1013 = tpu.vector_load %arg7[%swap3A_1011, %swap3A_1012] {strides = array<i32>} : memref<32x1024xf32, #tpu.memory_space<vmem>>, vector<1x16xf32>,
      %swap3A_1014 = vector.shape_cast %swap3A_1013 : vector<1x16xf32> to vector<16xf32>
      %swap3A_1015 = vector.shape_cast %add3A_1010 : vector<16xf32> to vector<1x16xf32>
      tpu.vector_store %arg7[%swap3A_1011, %swap3A_1012], %swap3A_1015 {strides = array<i32>} : memref<32x1024xf32, #tpu.memory_space<vmem>>, vector<1x16xf32>,
      %get3A_1016 = arith.index_cast %scan3A_50 : i32 to index
      %get3A_1017 = arith.constant 736 : index
      %get3A_1018 = tpu.vector_load %arg7[%get3A_1016, %get3A_1017] {strides = array<i32>} : memref<32x1024xf32, #tpu.memory_space<vmem>>, vector<1x16xf32>,
      %get3A_1019 = vector.shape_cast %get3A_1018 : vector<1x16xf32> to vector<16xf32>
      %get3A_1020 = arith.index_cast %scan3A_50 : i32 to index
      %get3A_1021 = arith.constant 736 : index
      %get3A_1022 = tpu.vector_load %arg8[%get3A_1020, %get3A_1021] {strides = array<i32>} : memref<64x1024xf32, #tpu.memory_space<vmem>>, vector<1x16xf32>,
      %get3A_1023 = vector.shape_cast %get3A_1022 : vector<1x16xf32> to vector<16xf32>
      %add3A_1024 = arith.addf %get3A_1019, %get3A_1023 : vector<16xf32>
      %add3A_1025 = arith.constant 32 : i32
      %add3A_1026 = arith.addi %add3A_1025, %scan3A_50 : i32
      %get3A_1027 = arith.index_cast %add3A_1026 : i32 to index
      %get3A_1028 = arith.constant 736 : index
      %get3A_1029 = tpu.vector_load %arg8[%get3A_1027, %get3A_1028] {strides = array<i32>} : memref<64x1024xf32, #tpu.memory_space<vmem>>, vector<1x16xf32>,
      %get3A_1030 = vector.shape_cast %get3A_1029 : vector<1x16xf32> to vector<16xf32>
      %add3A_1031 = arith.addf %add3A_1024, %get3A_1030 : vector<16xf32>
      %swap3A_1032 = arith.index_cast %scan3A_50 : i32 to index
      %swap3A_1033 = arith.constant 736 : index
      %swap3A_1034 = tpu.vector_load %arg7[%swap3A_1032, %swap3A_1033] {strides = array<i32>} : memref<32x1024xf32, #tpu.memory_space<vmem>>, vector<1x16xf32>,
      %swap3A_1035 = vector.shape_cast %swap3A_1034 : vector<1x16xf32> to vector<16xf32>
      %swap3A_1036 = vector.shape_cast %add3A_1031 : vector<16xf32> to vector<1x16xf32>
      tpu.vector_store %arg7[%swap3A_1032, %swap3A_1033], %swap3A_1036 {strides = array<i32>} : memref<32x1024xf32, #tpu.memory_space<vmem>>, vector<1x16xf32>,
      %get3A_1037 = arith.index_cast %scan3A_50 : i32 to index
      %get3A_1038 = arith.constant 752 : index
      %get3A_1039 = tpu.vector_load %arg7[%get3A_1037, %get3A_1038] {strides = array<i32>} : memref<32x1024xf32, #tpu.memory_space<vmem>>, vector<1x16xf32>,
      %get3A_1040 = vector.shape_cast %get3A_1039 : vector<1x16xf32> to vector<16xf32>
      %get3A_1041 = arith.index_cast %scan3A_50 : i32 to index
      %get3A_1042 = arith.constant 752 : index
      %get3A_1043 = tpu.vector_load %arg8[%get3A_1041, %get3A_1042] {strides = array<i32>} : memref<64x1024xf32, #tpu.memory_space<vmem>>, vector<1x16xf32>,
      %get3A_1044 = vector.shape_cast %get3A_1043 : vector<1x16xf32> to vector<16xf32>
      %add3A_1045 = arith.addf %get3A_1040, %get3A_1044 : vector<16xf32>
      %add3A_1046 = arith.constant 32 : i32
      %add3A_1047 = arith.addi %add3A_1046, %scan3A_50 : i32
      %get3A_1048 = arith.index_cast %add3A_1047 : i32 to index
      %get3A_1049 = arith.constant 752 : index
      %get3A_1050 = tpu.vector_load %arg8[%get3A_1048, %get3A_1049] {strides = array<i32>} : memref<64x1024xf32, #tpu.memory_space<vmem>>, vector<1x16xf32>,
      %get3A_1051 = vector.shape_cast %get3A_1050 : vector<1x16xf32> to vector<16xf32>
      %add3A_1052 = arith.addf %add3A_1045, %get3A_1051 : vector<16xf32>
      %swap3A_1053 = arith.index_cast %scan3A_50 : i32 to index
      %swap3A_1054 = arith.constant 752 : index
      %swap3A_1055 = tpu.vector_load %arg7[%swap3A_1053, %swap3A_1054] {strides = array<i32>} : memref<32x1024xf32, #tpu.memory_space<vmem>>, vector<1x16xf32>,
      %swap3A_1056 = vector.shape_cast %swap3A_1055 : vector<1x16xf32> to vector<16xf32>
      %swap3A_1057 = vector.shape_cast %add3A_1052 : vector<16xf32> to vector<1x16xf32>
      tpu.vector_store %arg7[%swap3A_1053, %swap3A_1054], %swap3A_1057 {strides = array<i32>} : memref<32x1024xf32, #tpu.memory_space<vmem>>, vector<1x16xf32>,
      %get3A_1058 = arith.index_cast %scan3A_50 : i32 to index
      %get3A_1059 = arith.constant 768 : index
      %get3A_1060 = tpu.vector_load %arg7[%get3A_1058, %get3A_1059] {strides = array<i32>} : memref<32x1024xf32, #tpu.memory_space<vmem>>, vector<1x16xf32>,
      %get3A_1061 = vector.shape_cast %get3A_1060 : vector<1x16xf32> to vector<16xf32>
      %get3A_1062 = arith.index_cast %scan3A_50 : i32 to index
      %get3A_1063 = arith.constant 768 : index
      %get3A_1064 = tpu.vector_load %arg8[%get3A_1062, %get3A_1063] {strides = array<i32>} : memref<64x1024xf32, #tpu.memory_space<vmem>>, vector<1x16xf32>,
      %get3A_1065 = vector.shape_cast %get3A_1064 : vector<1x16xf32> to vector<16xf32>
      %add3A_1066 = arith.addf %get3A_1061, %get3A_1065 : vector<16xf32>
      %add3A_1067 = arith.constant 32 : i32
      %add3A_1068 = arith.addi %add3A_1067, %scan3A_50 : i32
      %get3A_1069 = arith.index_cast %add3A_1068 : i32 to index
      %get3A_1070 = arith.constant 768 : index
      %get3A_1071 = tpu.vector_load %arg8[%get3A_1069, %get3A_1070] {strides = array<i32>} : memref<64x1024xf32, #tpu.memory_space<vmem>>, vector<1x16xf32>,
      %get3A_1072 = vector.shape_cast %get3A_1071 : vector<1x16xf32> to vector<16xf32>
      %add3A_1073 = arith.addf %add3A_1066, %get3A_1072 : vector<16xf32>
      %swap3A_1074 = arith.index_cast %scan3A_50 : i32 to index
      %swap3A_1075 = arith.constant 768 : index
      %swap3A_1076 = tpu.vector_load %arg7[%swap3A_1074, %swap3A_1075] {strides = array<i32>} : memref<32x1024xf32, #tpu.memory_space<vmem>>, vector<1x16xf32>,
      %swap3A_1077 = vector.shape_cast %swap3A_1076 : vector<1x16xf32> to vector<16xf32>
      %swap3A_1078 = vector.shape_cast %add3A_1073 : vector<16xf32> to vector<1x16xf32>
      tpu.vector_store %arg7[%swap3A_1074, %swap3A_1075], %swap3A_1078 {strides = array<i32>} : memref<32x1024xf32, #tpu.memory_space<vmem>>, vector<1x16xf32>,
      %get3A_1079 = arith.index_cast %scan3A_50 : i32 to index
      %get3A_1080 = arith.constant 784 : index
      %get3A_1081 = tpu.vector_load %arg7[%get3A_1079, %get3A_1080] {strides = array<i32>} : memref<32x1024xf32, #tpu.memory_space<vmem>>, vector<1x16xf32>,
      %get3A_1082 = vector.shape_cast %get3A_1081 : vector<1x16xf32> to vector<16xf32>
      %get3A_1083 = arith.index_cast %scan3A_50 : i32 to index
      %get3A_1084 = arith.constant 784 : index
      %get3A_1085 = tpu.vector_load %arg8[%get3A_1083, %get3A_1084] {strides = array<i32>} : memref<64x1024xf32, #tpu.memory_space<vmem>>, vector<1x16xf32>,
      %get3A_1086 = vector.shape_cast %get3A_1085 : vector<1x16xf32> to vector<16xf32>
      %add3A_1087 = arith.addf %get3A_1082, %get3A_1086 : vector<16xf32>
      %add3A_1088 = arith.constant 32 : i32
      %add3A_1089 = arith.addi %add3A_1088, %scan3A_50 : i32
      %get3A_1090 = arith.index_cast %add3A_1089 : i32 to index
      %get3A_1091 = arith.constant 784 : index
      %get3A_1092 = tpu.vector_load %arg8[%get3A_1090, %get3A_1091] {strides = array<i32>} : memref<64x1024xf32, #tpu.memory_space<vmem>>, vector<1x16xf32>,
      %get3A_1093 = vector.shape_cast %get3A_1092 : vector<1x16xf32> to vector<16xf32>
      %add3A_1094 = arith.addf %add3A_1087, %get3A_1093 : vector<16xf32>
      %swap3A_1095 = arith.index_cast %scan3A_50 : i32 to index
      %swap3A_1096 = arith.constant 784 : index
      %swap3A_1097 = tpu.vector_load %arg7[%swap3A_1095, %swap3A_1096] {strides = array<i32>} : memref<32x1024xf32, #tpu.memory_space<vmem>>, vector<1x16xf32>,
      %swap3A_1098 = vector.shape_cast %swap3A_1097 : vector<1x16xf32> to vector<16xf32>
      %swap3A_1099 = vector.shape_cast %add3A_1094 : vector<16xf32> to vector<1x16xf32>
      tpu.vector_store %arg7[%swap3A_1095, %swap3A_1096], %swap3A_1099 {strides = array<i32>} : memref<32x1024xf32, #tpu.memory_space<vmem>>, vector<1x16xf32>,
      %get3A_1100 = arith.index_cast %scan3A_50 : i32 to index
      %get3A_1101 = arith.constant 800 : index
      %get3A_1102 = tpu.vector_load %arg7[%get3A_1100, %get3A_1101] {strides = array<i32>} : memref<32x1024xf32, #tpu.memory_space<vmem>>, vector<1x16xf32>,
      %get3A_1103 = vector.shape_cast %get3A_1102 : vector<1x16xf32> to vector<16xf32>
      %get3A_1104 = arith.index_cast %scan3A_50 : i32 to index
      %get3A_1105 = arith.constant 800 : index
      %get3A_1106 = tpu.vector_load %arg8[%get3A_1104, %get3A_1105] {strides = array<i32>} : memref<64x1024xf32, #tpu.memory_space<vmem>>, vector<1x16xf32>,
      %get3A_1107 = vector.shape_cast %get3A_1106 : vector<1x16xf32> to vector<16xf32>
      %add3A_1108 = arith.addf %get3A_1103, %get3A_1107 : vector<16xf32>
      %add3A_1109 = arith.constant 32 : i32
      %add3A_1110 = arith.addi %add3A_1109, %scan3A_50 : i32
      %get3A_1111 = arith.index_cast %add3A_1110 : i32 to index
      %get3A_1112 = arith.constant 800 : index
      %get3A_1113 = tpu.vector_load %arg8[%get3A_1111, %get3A_1112] {strides = array<i32>} : memref<64x1024xf32, #tpu.memory_space<vmem>>, vector<1x16xf32>,
      %get3A_1114 = vector.shape_cast %get3A_1113 : vector<1x16xf32> to vector<16xf32>
      %add3A_1115 = arith.addf %add3A_1108, %get3A_1114 : vector<16xf32>
      %swap3A_1116 = arith.index_cast %scan3A_50 : i32 to index
      %swap3A_1117 = arith.constant 800 : index
      %swap3A_1118 = tpu.vector_load %arg7[%swap3A_1116, %swap3A_1117] {strides = array<i32>} : memref<32x1024xf32, #tpu.memory_space<vmem>>, vector<1x16xf32>,
      %swap3A_1119 = vector.shape_cast %swap3A_1118 : vector<1x16xf32> to vector<16xf32>
      %swap3A_1120 = vector.shape_cast %add3A_1115 : vector<16xf32> to vector<1x16xf32>
      tpu.vector_store %arg7[%swap3A_1116, %swap3A_1117], %swap3A_1120 {strides = array<i32>} : memref<32x1024xf32, #tpu.memory_space<vmem>>, vector<1x16xf32>,
      %get3A_1121 = arith.index_cast %scan3A_50 : i32 to index
      %get3A_1122 = arith.constant 816 : index
      %get3A_1123 = tpu.vector_load %arg7[%get3A_1121, %get3A_1122] {strides = array<i32>} : memref<32x1024xf32, #tpu.memory_space<vmem>>, vector<1x16xf32>,
      %get3A_1124 = vector.shape_cast %get3A_1123 : vector<1x16xf32> to vector<16xf32>
      %get3A_1125 = arith.index_cast %scan3A_50 : i32 to index
      %get3A_1126 = arith.constant 816 : index
      %get3A_1127 = tpu.vector_load %arg8[%get3A_1125, %get3A_1126] {strides = array<i32>} : memref<64x1024xf32, #tpu.memory_space<vmem>>, vector<1x16xf32>,
      %get3A_1128 = vector.shape_cast %get3A_1127 : vector<1x16xf32> to vector<16xf32>
      %add3A_1129 = arith.addf %get3A_1124, %get3A_1128 : vector<16xf32>
      %add3A_1130 = arith.constant 32 : i32
      %add3A_1131 = arith.addi %add3A_1130, %scan3A_50 : i32
      %get3A_1132 = arith.index_cast %add3A_1131 : i32 to index
      %get3A_1133 = arith.constant 816 : index
      %get3A_1134 = tpu.vector_load %arg8[%get3A_1132, %get3A_1133] {strides = array<i32>} : memref<64x1024xf32, #tpu.memory_space<vmem>>, vector<1x16xf32>,
      %get3A_1135 = vector.shape_cast %get3A_1134 : vector<1x16xf32> to vector<16xf32>
      %add3A_1136 = arith.addf %add3A_1129, %get3A_1135 : vector<16xf32>
      %swap3A_1137 = arith.index_cast %scan3A_50 : i32 to index
      %swap3A_1138 = arith.constant 816 : index
      %swap3A_1139 = tpu.vector_load %arg7[%swap3A_1137, %swap3A_1138] {strides = array<i32>} : memref<32x1024xf32, #tpu.memory_space<vmem>>, vector<1x16xf32>,
      %swap3A_1140 = vector.shape_cast %swap3A_1139 : vector<1x16xf32> to vector<16xf32>
      %swap3A_1141 = vector.shape_cast %add3A_1136 : vector<16xf32> to vector<1x16xf32>
      tpu.vector_store %arg7[%swap3A_1137, %swap3A_1138], %swap3A_1141 {strides = array<i32>} : memref<32x1024xf32, #tpu.memory_space<vmem>>, vector<1x16xf32>,
      %get3A_1142 = arith.index_cast %scan3A_50 : i32 to index
      %get3A_1143 = arith.constant 832 : index
      %get3A_1144 = tpu.vector_load %arg7[%get3A_1142, %get3A_1143] {strides = array<i32>} : memref<32x1024xf32, #tpu.memory_space<vmem>>, vector<1x16xf32>,
      %get3A_1145 = vector.shape_cast %get3A_1144 : vector<1x16xf32> to vector<16xf32>
      %get3A_1146 = arith.index_cast %scan3A_50 : i32 to index
      %get3A_1147 = arith.constant 832 : index
      %get3A_1148 = tpu.vector_load %arg8[%get3A_1146, %get3A_1147] {strides = array<i32>} : memref<64x1024xf32, #tpu.memory_space<vmem>>, vector<1x16xf32>,
      %get3A_1149 = vector.shape_cast %get3A_1148 : vector<1x16xf32> to vector<16xf32>
      %add3A_1150 = arith.addf %get3A_1145, %get3A_1149 : vector<16xf32>
      %add3A_1151 = arith.constant 32 : i32
      %add3A_1152 = arith.addi %add3A_1151, %scan3A_50 : i32
      %get3A_1153 = arith.index_cast %add3A_1152 : i32 to index
      %get3A_1154 = arith.constant 832 : index
      %get3A_1155 = tpu.vector_load %arg8[%get3A_1153, %get3A_1154] {strides = array<i32>} : memref<64x1024xf32, #tpu.memory_space<vmem>>, vector<1x16xf32>,
      %get3A_1156 = vector.shape_cast %get3A_1155 : vector<1x16xf32> to vector<16xf32>
      %add3A_1157 = arith.addf %add3A_1150, %get3A_1156 : vector<16xf32>
      %swap3A_1158 = arith.index_cast %scan3A_50 : i32 to index
      %swap3A_1159 = arith.constant 832 : index
      %swap3A_1160 = tpu.vector_load %arg7[%swap3A_1158, %swap3A_1159] {strides = array<i32>} : memref<32x1024xf32, #tpu.memory_space<vmem>>, vector<1x16xf32>,
      %swap3A_1161 = vector.shape_cast %swap3A_1160 : vector<1x16xf32> to vector<16xf32>
      %swap3A_1162 = vector.shape_cast %add3A_1157 : vector<16xf32> to vector<1x16xf32>
      tpu.vector_store %arg7[%swap3A_1158, %swap3A_1159], %swap3A_1162 {strides = array<i32>} : memref<32x1024xf32, #tpu.memory_space<vmem>>, vector<1x16xf32>,
      %get3A_1163 = arith.index_cast %scan3A_50 : i32 to index
      %get3A_1164 = arith.constant 848 : index
      %get3A_1165 = tpu.vector_load %arg7[%get3A_1163, %get3A_1164] {strides = array<i32>} : memref<32x1024xf32, #tpu.memory_space<vmem>>, vector<1x16xf32>,
      %get3A_1166 = vector.shape_cast %get3A_1165 : vector<1x16xf32> to vector<16xf32>
      %get3A_1167 = arith.index_cast %scan3A_50 : i32 to index
      %get3A_1168 = arith.constant 848 : index
      %get3A_1169 = tpu.vector_load %arg8[%get3A_1167, %get3A_1168] {strides = array<i32>} : memref<64x1024xf32, #tpu.memory_space<vmem>>, vector<1x16xf32>,
      %get3A_1170 = vector.shape_cast %get3A_1169 : vector<1x16xf32> to vector<16xf32>
      %add3A_1171 = arith.addf %get3A_1166, %get3A_1170 : vector<16xf32>
      %add3A_1172 = arith.constant 32 : i32
      %add3A_1173 = arith.addi %add3A_1172, %scan3A_50 : i32
      %get3A_1174 = arith.index_cast %add3A_1173 : i32 to index
      %get3A_1175 = arith.constant 848 : index
      %get3A_1176 = tpu.vector_load %arg8[%get3A_1174, %get3A_1175] {strides = array<i32>} : memref<64x1024xf32, #tpu.memory_space<vmem>>, vector<1x16xf32>,
      %get3A_1177 = vector.shape_cast %get3A_1176 : vector<1x16xf32> to vector<16xf32>
      %add3A_1178 = arith.addf %add3A_1171, %get3A_1177 : vector<16xf32>
      %swap3A_1179 = arith.index_cast %scan3A_50 : i32 to index
      %swap3A_1180 = arith.constant 848 : index
      %swap3A_1181 = tpu.vector_load %arg7[%swap3A_1179, %swap3A_1180] {strides = array<i32>} : memref<32x1024xf32, #tpu.memory_space<vmem>>, vector<1x16xf32>,
      %swap3A_1182 = vector.shape_cast %swap3A_1181 : vector<1x16xf32> to vector<16xf32>
      %swap3A_1183 = vector.shape_cast %add3A_1178 : vector<16xf32> to vector<1x16xf32>
      tpu.vector_store %arg7[%swap3A_1179, %swap3A_1180], %swap3A_1183 {strides = array<i32>} : memref<32x1024xf32, #tpu.memory_space<vmem>>, vector<1x16xf32>,
      %get3A_1184 = arith.index_cast %scan3A_50 : i32 to index
      %get3A_1185 = arith.constant 864 : index
      %get3A_1186 = tpu.vector_load %arg7[%get3A_1184, %get3A_1185] {strides = array<i32>} : memref<32x1024xf32, #tpu.memory_space<vmem>>, vector<1x16xf32>,
      %get3A_1187 = vector.shape_cast %get3A_1186 : vector<1x16xf32> to vector<16xf32>
      %get3A_1188 = arith.index_cast %scan3A_50 : i32 to index
      %get3A_1189 = arith.constant 864 : index
      %get3A_1190 = tpu.vector_load %arg8[%get3A_1188, %get3A_1189] {strides = array<i32>} : memref<64x1024xf32, #tpu.memory_space<vmem>>, vector<1x16xf32>,
      %get3A_1191 = vector.shape_cast %get3A_1190 : vector<1x16xf32> to vector<16xf32>
      %add3A_1192 = arith.addf %get3A_1187, %get3A_1191 : vector<16xf32>
      %add3A_1193 = arith.constant 32 : i32
      %add3A_1194 = arith.addi %add3A_1193, %scan3A_50 : i32
      %get3A_1195 = arith.index_cast %add3A_1194 : i32 to index
      %get3A_1196 = arith.constant 864 : index
      %get3A_1197 = tpu.vector_load %arg8[%get3A_1195, %get3A_1196] {strides = array<i32>} : memref<64x1024xf32, #tpu.memory_space<vmem>>, vector<1x16xf32>,
      %get3A_1198 = vector.shape_cast %get3A_1197 : vector<1x16xf32> to vector<16xf32>
      %add3A_1199 = arith.addf %add3A_1192, %get3A_1198 : vector<16xf32>
      %swap3A_1200 = arith.index_cast %scan3A_50 : i32 to index
      %swap3A_1201 = arith.constant 864 : index
      %swap3A_1202 = tpu.vector_load %arg7[%swap3A_1200, %swap3A_1201] {strides = array<i32>} : memref<32x1024xf32, #tpu.memory_space<vmem>>, vector<1x16xf32>,
      %swap3A_1203 = vector.shape_cast %swap3A_1202 : vector<1x16xf32> to vector<16xf32>
      %swap3A_1204 = vector.shape_cast %add3A_1199 : vector<16xf32> to vector<1x16xf32>
      tpu.vector_store %arg7[%swap3A_1200, %swap3A_1201], %swap3A_1204 {strides = array<i32>} : memref<32x1024xf32, #tpu.memory_space<vmem>>, vector<1x16xf32>,
      %get3A_1205 = arith.index_cast %scan3A_50 : i32 to index
      %get3A_1206 = arith.constant 880 : index
      %get3A_1207 = tpu.vector_load %arg7[%get3A_1205, %get3A_1206] {strides = array<i32>} : memref<32x1024xf32, #tpu.memory_space<vmem>>, vector<1x16xf32>,
      %get3A_1208 = vector.shape_cast %get3A_1207 : vector<1x16xf32> to vector<16xf32>
      %get3A_1209 = arith.index_cast %scan3A_50 : i32 to index
      %get3A_1210 = arith.constant 880 : index
      %get3A_1211 = tpu.vector_load %arg8[%get3A_1209, %get3A_1210] {strides = array<i32>} : memref<64x1024xf32, #tpu.memory_space<vmem>>, vector<1x16xf32>,
      %get3A_1212 = vector.shape_cast %get3A_1211 : vector<1x16xf32> to vector<16xf32>
      %add3A_1213 = arith.addf %get3A_1208, %get3A_1212 : vector<16xf32>
      %add3A_1214 = arith.constant 32 : i32
      %add3A_1215 = arith.addi %add3A_1214, %scan3A_50 : i32
      %get3A_1216 = arith.index_cast %add3A_1215 : i32 to index
      %get3A_1217 = arith.constant 880 : index
      %get3A_1218 = tpu.vector_load %arg8[%get3A_1216, %get3A_1217] {strides = array<i32>} : memref<64x1024xf32, #tpu.memory_space<vmem>>, vector<1x16xf32>,
      %get3A_1219 = vector.shape_cast %get3A_1218 : vector<1x16xf32> to vector<16xf32>
      %add3A_1220 = arith.addf %add3A_1213, %get3A_1219 : vector<16xf32>
      %swap3A_1221 = arith.index_cast %scan3A_50 : i32 to index
      %swap3A_1222 = arith.constant 880 : index
      %swap3A_1223 = tpu.vector_load %arg7[%swap3A_1221, %swap3A_1222] {strides = array<i32>} : memref<32x1024xf32, #tpu.memory_space<vmem>>, vector<1x16xf32>,
      %swap3A_1224 = vector.shape_cast %swap3A_1223 : vector<1x16xf32> to vector<16xf32>
      %swap3A_1225 = vector.shape_cast %add3A_1220 : vector<16xf32> to vector<1x16xf32>
      tpu.vector_store %arg7[%swap3A_1221, %swap3A_1222], %swap3A_1225 {strides = array<i32>} : memref<32x1024xf32, #tpu.memory_space<vmem>>, vector<1x16xf32>,
      %get3A_1226 = arith.index_cast %scan3A_50 : i32 to index
      %get3A_1227 = arith.constant 896 : index
      %get3A_1228 = tpu.vector_load %arg7[%get3A_1226, %get3A_1227] {strides = array<i32>} : memref<32x1024xf32, #tpu.memory_space<vmem>>, vector<1x16xf32>,
      %get3A_1229 = vector.shape_cast %get3A_1228 : vector<1x16xf32> to vector<16xf32>
      %get3A_1230 = arith.index_cast %scan3A_50 : i32 to index
      %get3A_1231 = arith.constant 896 : index
      %get3A_1232 = tpu.vector_load %arg8[%get3A_1230, %get3A_1231] {strides = array<i32>} : memref<64x1024xf32, #tpu.memory_space<vmem>>, vector<1x16xf32>,
      %get3A_1233 = vector.shape_cast %get3A_1232 : vector<1x16xf32> to vector<16xf32>
      %add3A_1234 = arith.addf %get3A_1229, %get3A_1233 : vector<16xf32>
      %add3A_1235 = arith.constant 32 : i32
      %add3A_1236 = arith.addi %add3A_1235, %scan3A_50 : i32
      %get3A_1237 = arith.index_cast %add3A_1236 : i32 to index
      %get3A_1238 = arith.constant 896 : index
      %get3A_1239 = tpu.vector_load %arg8[%get3A_1237, %get3A_1238] {strides = array<i32>} : memref<64x1024xf32, #tpu.memory_space<vmem>>, vector<1x16xf32>,
      %get3A_1240 = vector.shape_cast %get3A_1239 : vector<1x16xf32> to vector<16xf32>
      %add3A_1241 = arith.addf %add3A_1234, %get3A_1240 : vector<16xf32>
      %swap3A_1242 = arith.index_cast %scan3A_50 : i32 to index
      %swap3A_1243 = arith.constant 896 : index
      %swap3A_1244 = tpu.vector_load %arg7[%swap3A_1242, %swap3A_1243] {strides = array<i32>} : memref<32x1024xf32, #tpu.memory_space<vmem>>, vector<1x16xf32>,
      %swap3A_1245 = vector.shape_cast %swap3A_1244 : vector<1x16xf32> to vector<16xf32>
      %swap3A_1246 = vector.shape_cast %add3A_1241 : vector<16xf32> to vector<1x16xf32>
      tpu.vector_store %arg7[%swap3A_1242, %swap3A_1243], %swap3A_1246 {strides = array<i32>} : memref<32x1024xf32, #tpu.memory_space<vmem>>, vector<1x16xf32>,
      %get3A_1247 = arith.index_cast %scan3A_50 : i32 to index
      %get3A_1248 = arith.constant 912 : index
      %get3A_1249 = tpu.vector_load %arg7[%get3A_1247, %get3A_1248] {strides = array<i32>} : memref<32x1024xf32, #tpu.memory_space<vmem>>, vector<1x16xf32>,
      %get3A_1250 = vector.shape_cast %get3A_1249 : vector<1x16xf32> to vector<16xf32>
      %get3A_1251 = arith.index_cast %scan3A_50 : i32 to index
      %get3A_1252 = arith.constant 912 : index
      %get3A_1253 = tpu.vector_load %arg8[%get3A_1251, %get3A_1252] {strides = array<i32>} : memref<64x1024xf32, #tpu.memory_space<vmem>>, vector<1x16xf32>,
      %get3A_1254 = vector.shape_cast %get3A_1253 : vector<1x16xf32> to vector<16xf32>
      %add3A_1255 = arith.addf %get3A_1250, %get3A_1254 : vector<16xf32>
      %add3A_1256 = arith.constant 32 : i32
      %add3A_1257 = arith.addi %add3A_1256, %scan3A_50 : i32
      %get3A_1258 = arith.index_cast %add3A_1257 : i32 to index
      %get3A_1259 = arith.constant 912 : index
      %get3A_1260 = tpu.vector_load %arg8[%get3A_1258, %get3A_1259] {strides = array<i32>} : memref<64x1024xf32, #tpu.memory_space<vmem>>, vector<1x16xf32>,
      %get3A_1261 = vector.shape_cast %get3A_1260 : vector<1x16xf32> to vector<16xf32>
      %add3A_1262 = arith.addf %add3A_1255, %get3A_1261 : vector<16xf32>
      %swap3A_1263 = arith.index_cast %scan3A_50 : i32 to index
      %swap3A_1264 = arith.constant 912 : index
      %swap3A_1265 = tpu.vector_load %arg7[%swap3A_1263, %swap3A_1264] {strides = array<i32>} : memref<32x1024xf32, #tpu.memory_space<vmem>>, vector<1x16xf32>,
      %swap3A_1266 = vector.shape_cast %swap3A_1265 : vector<1x16xf32> to vector<16xf32>
      %swap3A_1267 = vector.shape_cast %add3A_1262 : vector<16xf32> to vector<1x16xf32>
      tpu.vector_store %arg7[%swap3A_1263, %swap3A_1264], %swap3A_1267 {strides = array<i32>} : memref<32x1024xf32, #tpu.memory_space<vmem>>, vector<1x16xf32>,
      %get3A_1268 = arith.index_cast %scan3A_50 : i32 to index
      %get3A_1269 = arith.constant 928 : index
      %get3A_1270 = tpu.vector_load %arg7[%get3A_1268, %get3A_1269] {strides = array<i32>} : memref<32x1024xf32, #tpu.memory_space<vmem>>, vector<1x16xf32>,
      %get3A_1271 = vector.shape_cast %get3A_1270 : vector<1x16xf32> to vector<16xf32>
      %get3A_1272 = arith.index_cast %scan3A_50 : i32 to index
      %get3A_1273 = arith.constant 928 : index
      %get3A_1274 = tpu.vector_load %arg8[%get3A_1272, %get3A_1273] {strides = array<i32>} : memref<64x1024xf32, #tpu.memory_space<vmem>>, vector<1x16xf32>,
      %get3A_1275 = vector.shape_cast %get3A_1274 : vector<1x16xf32> to vector<16xf32>
      %add3A_1276 = arith.addf %get3A_1271, %get3A_1275 : vector<16xf32>
      %add3A_1277 = arith.constant 32 : i32
      %add3A_1278 = arith.addi %add3A_1277, %scan3A_50 : i32
      %get3A_1279 = arith.index_cast %add3A_1278 : i32 to index
      %get3A_1280 = arith.constant 928 : index
      %get3A_1281 = tpu.vector_load %arg8[%get3A_1279, %get3A_1280] {strides = array<i32>} : memref<64x1024xf32, #tpu.memory_space<vmem>>, vector<1x16xf32>,
      %get3A_1282 = vector.shape_cast %get3A_1281 : vector<1x16xf32> to vector<16xf32>
      %add3A_1283 = arith.addf %add3A_1276, %get3A_1282 : vector<16xf32>
      %swap3A_1284 = arith.index_cast %scan3A_50 : i32 to index
      %swap3A_1285 = arith.constant 928 : index
      %swap3A_1286 = tpu.vector_load %arg7[%swap3A_1284, %swap3A_1285] {strides = array<i32>} : memref<32x1024xf32, #tpu.memory_space<vmem>>, vector<1x16xf32>,
      %swap3A_1287 = vector.shape_cast %swap3A_1286 : vector<1x16xf32> to vector<16xf32>
      %swap3A_1288 = vector.shape_cast %add3A_1283 : vector<16xf32> to vector<1x16xf32>
      tpu.vector_store %arg7[%swap3A_1284, %swap3A_1285], %swap3A_1288 {strides = array<i32>} : memref<32x1024xf32, #tpu.memory_space<vmem>>, vector<1x16xf32>,
      %get3A_1289 = arith.index_cast %scan3A_50 : i32 to index
      %get3A_1290 = arith.constant 944 : index
      %get3A_1291 = tpu.vector_load %arg7[%get3A_1289, %get3A_1290] {strides = array<i32>} : memref<32x1024xf32, #tpu.memory_space<vmem>>, vector<1x16xf32>,
      %get3A_1292 = vector.shape_cast %get3A_1291 : vector<1x16xf32> to vector<16xf32>
      %get3A_1293 = arith.index_cast %scan3A_50 : i32 to index
      %get3A_1294 = arith.constant 944 : index
      %get3A_1295 = tpu.vector_load %arg8[%get3A_1293, %get3A_1294] {strides = array<i32>} : memref<64x1024xf32, #tpu.memory_space<vmem>>, vector<1x16xf32>,
      %get3A_1296 = vector.shape_cast %get3A_1295 : vector<1x16xf32> to vector<16xf32>
      %add3A_1297 = arith.addf %get3A_1292, %get3A_1296 : vector<16xf32>
      %add3A_1298 = arith.constant 32 : i32
      %add3A_1299 = arith.addi %add3A_1298, %scan3A_50 : i32
      %get3A_1300 = arith.index_cast %add3A_1299 : i32 to index
      %get3A_1301 = arith.constant 944 : index
      %get3A_1302 = tpu.vector_load %arg8[%get3A_1300, %get3A_1301] {strides = array<i32>} : memref<64x1024xf32, #tpu.memory_space<vmem>>, vector<1x16xf32>,
      %get3A_1303 = vector.shape_cast %get3A_1302 : vector<1x16xf32> to vector<16xf32>
      %add3A_1304 = arith.addf %add3A_1297, %get3A_1303 : vector<16xf32>
      %swap3A_1305 = arith.index_cast %scan3A_50 : i32 to index
      %swap3A_1306 = arith.constant 944 : index
      %swap3A_1307 = tpu.vector_load %arg7[%swap3A_1305, %swap3A_1306] {strides = array<i32>} : memref<32x1024xf32, #tpu.memory_space<vmem>>, vector<1x16xf32>,
      %swap3A_1308 = vector.shape_cast %swap3A_1307 : vector<1x16xf32> to vector<16xf32>
      %swap3A_1309 = vector.shape_cast %add3A_1304 : vector<16xf32> to vector<1x16xf32>
      tpu.vector_store %arg7[%swap3A_1305, %swap3A_1306], %swap3A_1309 {strides = array<i32>} : memref<32x1024xf32, #tpu.memory_space<vmem>>, vector<1x16xf32>,
      %get3A_1310 = arith.index_cast %scan3A_50 : i32 to index
      %get3A_1311 = arith.constant 960 : index
      %get3A_1312 = tpu.vector_load %arg7[%get3A_1310, %get3A_1311] {strides = array<i32>} : memref<32x1024xf32, #tpu.memory_space<vmem>>, vector<1x16xf32>,
      %get3A_1313 = vector.shape_cast %get3A_1312 : vector<1x16xf32> to vector<16xf32>
      %get3A_1314 = arith.index_cast %scan3A_50 : i32 to index
      %get3A_1315 = arith.constant 960 : index
      %get3A_1316 = tpu.vector_load %arg8[%get3A_1314, %get3A_1315] {strides = array<i32>} : memref<64x1024xf32, #tpu.memory_space<vmem>>, vector<1x16xf32>,
      %get3A_1317 = vector.shape_cast %get3A_1316 : vector<1x16xf32> to vector<16xf32>
      %add3A_1318 = arith.addf %get3A_1313, %get3A_1317 : vector<16xf32>
      %add3A_1319 = arith.constant 32 : i32
      %add3A_1320 = arith.addi %add3A_1319, %scan3A_50 : i32
      %get3A_1321 = arith.index_cast %add3A_1320 : i32 to index
      %get3A_1322 = arith.constant 960 : index
      %get3A_1323 = tpu.vector_load %arg8[%get3A_1321, %get3A_1322] {strides = array<i32>} : memref<64x1024xf32, #tpu.memory_space<vmem>>, vector<1x16xf32>,
      %get3A_1324 = vector.shape_cast %get3A_1323 : vector<1x16xf32> to vector<16xf32>
      %add3A_1325 = arith.addf %add3A_1318, %get3A_1324 : vector<16xf32>
      %swap3A_1326 = arith.index_cast %scan3A_50 : i32 to index
      %swap3A_1327 = arith.constant 960 : index
      %swap3A_1328 = tpu.vector_load %arg7[%swap3A_1326, %swap3A_1327] {strides = array<i32>} : memref<32x1024xf32, #tpu.memory_space<vmem>>, vector<1x16xf32>,
      %swap3A_1329 = vector.shape_cast %swap3A_1328 : vector<1x16xf32> to vector<16xf32>
      %swap3A_1330 = vector.shape_cast %add3A_1325 : vector<16xf32> to vector<1x16xf32>
      tpu.vector_store %arg7[%swap3A_1326, %swap3A_1327], %swap3A_1330 {strides = array<i32>} : memref<32x1024xf32, #tpu.memory_space<vmem>>, vector<1x16xf32>,
      %get3A_1331 = arith.index_cast %scan3A_50 : i32 to index
      %get3A_1332 = arith.constant 976 : index
      %get3A_1333 = tpu.vector_load %arg7[%get3A_1331, %get3A_1332] {strides = array<i32>} : memref<32x1024xf32, #tpu.memory_space<vmem>>, vector<1x16xf32>,
      %get3A_1334 = vector.shape_cast %get3A_1333 : vector<1x16xf32> to vector<16xf32>
      %get3A_1335 = arith.index_cast %scan3A_50 : i32 to index
      %get3A_1336 = arith.constant 976 : index
      %get3A_1337 = tpu.vector_load %arg8[%get3A_1335, %get3A_1336] {strides = array<i32>} : memref<64x1024xf32, #tpu.memory_space<vmem>>, vector<1x16xf32>,
      %get3A_1338 = vector.shape_cast %get3A_1337 : vector<1x16xf32> to vector<16xf32>
      %add3A_1339 = arith.addf %get3A_1334, %get3A_1338 : vector<16xf32>
      %add3A_1340 = arith.constant 32 : i32
      %add3A_1341 = arith.addi %add3A_1340, %scan3A_50 : i32
      %get3A_1342 = arith.index_cast %add3A_1341 : i32 to index
      %get3A_1343 = arith.constant 976 : index
      %get3A_1344 = tpu.vector_load %arg8[%get3A_1342, %get3A_1343] {strides = array<i32>} : memref<64x1024xf32, #tpu.memory_space<vmem>>, vector<1x16xf32>,
      %get3A_1345 = vector.shape_cast %get3A_1344 : vector<1x16xf32> to vector<16xf32>
      %add3A_1346 = arith.addf %add3A_1339, %get3A_1345 : vector<16xf32>
      %swap3A_1347 = arith.index_cast %scan3A_50 : i32 to index
      %swap3A_1348 = arith.constant 976 : index
      %swap3A_1349 = tpu.vector_load %arg7[%swap3A_1347, %swap3A_1348] {strides = array<i32>} : memref<32x1024xf32, #tpu.memory_space<vmem>>, vector<1x16xf32>,
      %swap3A_1350 = vector.shape_cast %swap3A_1349 : vector<1x16xf32> to vector<16xf32>
      %swap3A_1351 = vector.shape_cast %add3A_1346 : vector<16xf32> to vector<1x16xf32>
      tpu.vector_store %arg7[%swap3A_1347, %swap3A_1348], %swap3A_1351 {strides = array<i32>} : memref<32x1024xf32, #tpu.memory_space<vmem>>, vector<1x16xf32>,
      %get3A_1352 = arith.index_cast %scan3A_50 : i32 to index
      %get3A_1353 = arith.constant 992 : index
      %get3A_1354 = tpu.vector_load %arg7[%get3A_1352, %get3A_1353] {strides = array<i32>} : memref<32x1024xf32, #tpu.memory_space<vmem>>, vector<1x16xf32>,
      %get3A_1355 = vector.shape_cast %get3A_1354 : vector<1x16xf32> to vector<16xf32>
      %get3A_1356 = arith.index_cast %scan3A_50 : i32 to index
      %get3A_1357 = arith.constant 992 : index
      %get3A_1358 = tpu.vector_load %arg8[%get3A_1356, %get3A_1357] {strides = array<i32>} : memref<64x1024xf32, #tpu.memory_space<vmem>>, vector<1x16xf32>,
      %get3A_1359 = vector.shape_cast %get3A_1358 : vector<1x16xf32> to vector<16xf32>
      %add3A_1360 = arith.addf %get3A_1355, %get3A_1359 : vector<16xf32>
      %add3A_1361 = arith.constant 32 : i32
      %add3A_1362 = arith.addi %add3A_1361, %scan3A_50 : i32
      %get3A_1363 = arith.index_cast %add3A_1362 : i32 to index
      %get3A_1364 = arith.constant 992 : index
      %get3A_1365 = tpu.vector_load %arg8[%get3A_1363, %get3A_1364] {strides = array<i32>} : memref<64x1024xf32, #tpu.memory_space<vmem>>, vector<1x16xf32>,
      %get3A_1366 = vector.shape_cast %get3A_1365 : vector<1x16xf32> to vector<16xf32>
      %add3A_1367 = arith.addf %add3A_1360, %get3A_1366 : vector<16xf32>
      %swap3A_1368 = arith.index_cast %scan3A_50 : i32 to index
      %swap3A_1369 = arith.constant 992 : index
      %swap3A_1370 = tpu.vector_load %arg7[%swap3A_1368, %swap3A_1369] {strides = array<i32>} : memref<32x1024xf32, #tpu.memory_space<vmem>>, vector<1x16xf32>,
      %swap3A_1371 = vector.shape_cast %swap3A_1370 : vector<1x16xf32> to vector<16xf32>
      %swap3A_1372 = vector.shape_cast %add3A_1367 : vector<16xf32> to vector<1x16xf32>
      tpu.vector_store %arg7[%swap3A_1368, %swap3A_1369], %swap3A_1372 {strides = array<i32>} : memref<32x1024xf32, #tpu.memory_space<vmem>>, vector<1x16xf32>,
      %get3A_1373 = arith.index_cast %scan3A_50 : i32 to index
      %get3A_1374 = arith.constant 1008 : index
      %get3A_1375 = tpu.vector_load %arg7[%get3A_1373, %get3A_1374] {strides = array<i32>} : memref<32x1024xf32, #tpu.memory_space<vmem>>, vector<1x16xf32>,
      %get3A_1376 = vector.shape_cast %get3A_1375 : vector<1x16xf32> to vector<16xf32>
      %get3A_1377 = arith.index_cast %scan3A_50 : i32 to index
      %get3A_1378 = arith.constant 1008 : index
      %get3A_1379 = tpu.vector_load %arg8[%get3A_1377, %get3A_1378] {strides = array<i32>} : memref<64x1024xf32, #tpu.memory_space<vmem>>, vector<1x16xf32>,
      %get3A_1380 = vector.shape_cast %get3A_1379 : vector<1x16xf32> to vector<16xf32>
      %add3A_1381 = arith.addf %get3A_1376, %get3A_1380 : vector<16xf32>
      %add3A_1382 = arith.constant 32 : i32
      %add3A_1383 = arith.addi %add3A_1382, %scan3A_50 : i32
      %get3A_1384 = arith.index_cast %add3A_1383 : i32 to index
      %get3A_1385 = arith.constant 1008 : index
      %get3A_1386 = tpu.vector_load %arg8[%get3A_1384, %get3A_1385] {strides = array<i32>} : memref<64x1024xf32, #tpu.memory_space<vmem>>, vector<1x16xf32>,
      %get3A_1387 = vector.shape_cast %get3A_1386 : vector<1x16xf32> to vector<16xf32>
      %add3A_1388 = arith.addf %add3A_1381, %get3A_1387 : vector<16xf32>
      %swap3A_1389 = arith.index_cast %scan3A_50 : i32 to index
      %swap3A_1390 = arith.constant 1008 : index
      %swap3A_1391 = tpu.vector_load %arg7[%swap3A_1389, %swap3A_1390] {strides = array<i32>} : memref<32x1024xf32, #tpu.memory_space<vmem>>, vector<1x16xf32>,
      %swap3A_1392 = vector.shape_cast %swap3A_1391 : vector<1x16xf32> to vector<16xf32>
      %swap3A_1393 = vector.shape_cast %add3A_1388 : vector<16xf32> to vector<1x16xf32>
      tpu.vector_store %arg7[%swap3A_1389, %swap3A_1390], %swap3A_1393 {strides = array<i32>} : memref<32x1024xf32, #tpu.memory_space<vmem>>, vector<1x16xf32>,
      %scan3A_1394 = arith.constant 0 : i32
      scf.yield %scan3A_1394 : i32
    }
    %scan3A_47 = arith.constant 32 : i32
    %add3A_48 = arith.constant 32 : i32
    %add3A_49 = arith.addi %mul3A_2, %add3A_48 : i32
    "tpu.region"() ({
      %run_scoped3A = tpu.sem_alloc : memref<!tpu.dma_semaphore, #tpu.memory_space<semaphore_mem>>
      %dma_start3A_50 = arith.constant 0 : i32
      %dma_start3A_51 = tpu.memref_slice %arg5[%add3A_49, %dma_start3A_50] : memref<2048x1024xf32, #tpu.memory_space<hbm>> -> memref<32x1024xf32, #tpu.memory_space<hbm>>
      %dma_start3A_52 = arith.constant 0 : i32
      %dma_start3A_53 = tpu.memref_slice %arg5[%add3A_49, %dma_start3A_52] : memref<2048x1024xf32, #tpu.memory_space<hbm>> -> memref<32x1024xf32, #tpu.memory_space<hbm>>
      tpu.enqueue_dma source(%arg7 : memref<32x1024xf32, #tpu.memory_space<vmem>>) target(%dma_start3A_53 : memref<32x1024xf32, #tpu.memory_space<hbm>>) target_semaphore(%run_scoped3A : memref<!tpu.dma_semaphore, #tpu.memory_space<semaphore_mem>>)
      %dma_wait3A_54 = arith.constant 0 : i32
      %dma_wait3A_55 = tpu.memref_slice %arg5[%add3A_49, %dma_wait3A_54] : memref<2048x1024xf32, #tpu.memory_space<hbm>> -> memref<32x1024xf32, #tpu.memory_space<hbm>>
      %dma_wait3A_56 = arith.constant 0 : i32
      %dma_wait3A_57 = tpu.memref_slice %arg5[%add3A_49, %dma_wait3A_56] : memref<2048x1024xf32, #tpu.memory_space<hbm>> -> memref<32x1024xf32, #tpu.memory_space<hbm>>
      tpu.wait_dma2 semaphore(%run_scoped3A : memref<!tpu.dma_semaphore, #tpu.memory_space<semaphore_mem>>) src(%arg7 : memref<32x1024xf32, #tpu.memory_space<vmem>>) dst(%dma_wait3A_57 : memref<32x1024xf32, #tpu.memory_space<hbm>>)
      tpu.yield
    }) : () -> ()
    return
  }
}

#map = affine_map<(d0, d1) -> (0, 0)>
module attributes {stable_mosaic.version = 14 : i64} {
  func.func @_dispatch_body(%arg0: i32, %arg1: i32, %arg2: memref<2048x1024xf32, #tpu.memory_space<hbm>>, %arg3: memref<2048x128xf32, #tpu.memory_space<hbm>>, %arg4: memref<2048x128xf32, #tpu.memory_space<hbm>>, %arg5: memref<32x64xi32, #tpu.memory_space<hbm>>, %arg6: memref<32x64xi32, #tpu.memory_space<hbm>>, %arg7: memref<20224x1024xf32, #tpu.memory_space<hbm>>, %arg8: memref<20224x128xf32, #tpu.memory_space<hbm>>, %arg9: memref<64xi32, #tpu.memory_space<vmem>>, %arg10: memref<64x1024xf32, #tpu.memory_space<vmem>>, %arg11: memref<64x128xf32, #tpu.memory_space<vmem>>, %arg12: memref<!tpu.dma_semaphore, #tpu.memory_space<semaphore_mem>>) attributes {dimension_semantics = [#tpu.dimension_semantics<core_parallel>, #tpu.dimension_semantics<subcore_parallel>], iteration_bounds = array<i64: 2, 16>, scalar_prefetch = 0 : i64, scratch_operands = 4 : i64, tpu.core_type = #tpu.core_type<sc_vector_subcore>, window_params = [{transform_indices = #map}, {transform_indices = #map}, {transform_indices = #map}, {transform_indices = #map}, {transform_indices = #map}, {transform_indices = #map}, {transform_indices = #map}]} {
    %mul3A = arith.constant 2 : i32
    %mul3A_0 = arith.muli %arg1, %mul3A : i32
    %add3A = arith.addi %mul3A_0, %arg0 : i32
    %mul3A_1 = arith.constant 64 : i32
    %mul3A_2 = arith.muli %add3A, %mul3A_1 : i32
    "tpu.region"() ({
      %run_scoped3A = tpu.sem_alloc : memref<!tpu.dma_semaphore, #tpu.memory_space<semaphore_mem>>
      %dma_start3A_25 = arith.constant 0 : i32
      %dma_start3A_26 = tpu.memref_slice %arg2[%mul3A_2, %dma_start3A_25] : memref<2048x1024xf32, #tpu.memory_space<hbm>> -> memref<64x1024xf32, #tpu.memory_space<hbm>>
      %dma_start3A_27 = arith.constant 0 : i32
      %dma_start3A_28 = tpu.memref_slice %arg2[%mul3A_2, %dma_start3A_27] : memref<2048x1024xf32, #tpu.memory_space<hbm>> -> memref<64x1024xf32, #tpu.memory_space<hbm>>
      tpu.enqueue_dma source(%dma_start3A_28 : memref<64x1024xf32, #tpu.memory_space<hbm>>) target(%arg10 : memref<64x1024xf32, #tpu.memory_space<vmem>>) target_semaphore(%run_scoped3A : memref<!tpu.dma_semaphore, #tpu.memory_space<semaphore_mem>>)
      %dma_wait3A_29 = arith.constant 0 : i32
      %dma_wait3A_30 = tpu.memref_slice %arg2[%mul3A_2, %dma_wait3A_29] : memref<2048x1024xf32, #tpu.memory_space<hbm>> -> memref<64x1024xf32, #tpu.memory_space<hbm>>
      %dma_wait3A_31 = arith.constant 0 : i32
      %dma_wait3A_32 = tpu.memref_slice %arg2[%mul3A_2, %dma_wait3A_31] : memref<2048x1024xf32, #tpu.memory_space<hbm>> -> memref<64x1024xf32, #tpu.memory_space<hbm>>
      tpu.wait_dma2 semaphore(%run_scoped3A : memref<!tpu.dma_semaphore, #tpu.memory_space<semaphore_mem>>) src(%dma_wait3A_32 : memref<64x1024xf32, #tpu.memory_space<hbm>>) dst(%arg10 : memref<64x1024xf32, #tpu.memory_space<vmem>>)
      tpu.yield
    }) : () -> ()
    "tpu.region"() ({
      %run_scoped3A = tpu.sem_alloc : memref<!tpu.dma_semaphore, #tpu.memory_space<semaphore_mem>>
      %dma_start3A_25 = arith.constant 0 : i32
      %dma_start3A_26 = tpu.memref_slice %arg3[%mul3A_2, %dma_start3A_25] : memref<2048x128xf32, #tpu.memory_space<hbm>> -> memref<64x128xf32, #tpu.memory_space<hbm>>
      %dma_start3A_27 = arith.constant 0 : i32
      %dma_start3A_28 = tpu.memref_slice %arg3[%mul3A_2, %dma_start3A_27] : memref<2048x128xf32, #tpu.memory_space<hbm>> -> memref<64x128xf32, #tpu.memory_space<hbm>>
      tpu.enqueue_dma source(%dma_start3A_28 : memref<64x128xf32, #tpu.memory_space<hbm>>) target(%arg11 : memref<64x128xf32, #tpu.memory_space<vmem>>) target_semaphore(%run_scoped3A : memref<!tpu.dma_semaphore, #tpu.memory_space<semaphore_mem>>)
      %dma_wait3A_29 = arith.constant 0 : i32
      %dma_wait3A_30 = tpu.memref_slice %arg3[%mul3A_2, %dma_wait3A_29] : memref<2048x128xf32, #tpu.memory_space<hbm>> -> memref<64x128xf32, #tpu.memory_space<hbm>>
      %dma_wait3A_31 = arith.constant 0 : i32
      %dma_wait3A_32 = tpu.memref_slice %arg3[%mul3A_2, %dma_wait3A_31] : memref<2048x128xf32, #tpu.memory_space<hbm>> -> memref<64x128xf32, #tpu.memory_space<hbm>>
      tpu.wait_dma2 semaphore(%run_scoped3A : memref<!tpu.dma_semaphore, #tpu.memory_space<semaphore_mem>>) src(%dma_wait3A_32 : memref<64x128xf32, #tpu.memory_space<hbm>>) dst(%arg11 : memref<64x128xf32, #tpu.memory_space<vmem>>)
      tpu.yield
    }) : () -> ()
    "tpu.region"() ({
      %run_scoped3A = tpu.sem_alloc : memref<!tpu.dma_semaphore, #tpu.memory_space<semaphore_mem>>
      %dma_start3A_25 = arith.constant 0 : i32
      %dma_start3A_26 = tpu.memref_slice %arg5[%add3A, %dma_start3A_25] : memref<32x64xi32, #tpu.memory_space<hbm>> -> memref<1x64xi32, #tpu.memory_space<hbm>>
      %dma_start3A_27 = tpu.memref_squeeze %dma_start3A_26 : memref<1x64xi32, #tpu.memory_space<hbm>> -> memref<64xi32, #tpu.memory_space<hbm>>
      %dma_start3A_28 = arith.constant 0 : i32
      %dma_start3A_29 = tpu.memref_slice %arg5[%add3A, %dma_start3A_28] : memref<32x64xi32, #tpu.memory_space<hbm>> -> memref<1x64xi32, #tpu.memory_space<hbm>>
      %dma_start3A_30 = tpu.memref_squeeze %dma_start3A_29 : memref<1x64xi32, #tpu.memory_space<hbm>> -> memref<64xi32, #tpu.memory_space<hbm>>
      tpu.enqueue_dma source(%dma_start3A_30 : memref<64xi32, #tpu.memory_space<hbm>>) target(%arg9 : memref<64xi32, #tpu.memory_space<vmem>>) target_semaphore(%run_scoped3A : memref<!tpu.dma_semaphore, #tpu.memory_space<semaphore_mem>>)
      %dma_wait3A_31 = arith.constant 0 : i32
      %dma_wait3A_32 = tpu.memref_slice %arg5[%add3A, %dma_wait3A_31] : memref<32x64xi32, #tpu.memory_space<hbm>> -> memref<1x64xi32, #tpu.memory_space<hbm>>
      %dma_wait3A_33 = tpu.memref_squeeze %dma_wait3A_32 : memref<1x64xi32, #tpu.memory_space<hbm>> -> memref<64xi32, #tpu.memory_space<hbm>>
      %dma_wait3A_34 = arith.constant 0 : i32
      %dma_wait3A_35 = tpu.memref_slice %arg5[%add3A, %dma_wait3A_34] : memref<32x64xi32, #tpu.memory_space<hbm>> -> memref<1x64xi32, #tpu.memory_space<hbm>>
      %dma_wait3A_36 = tpu.memref_squeeze %dma_wait3A_35 : memref<1x64xi32, #tpu.memory_space<hbm>> -> memref<64xi32, #tpu.memory_space<hbm>>
      tpu.wait_dma2 semaphore(%run_scoped3A : memref<!tpu.dma_semaphore, #tpu.memory_space<semaphore_mem>>) src(%dma_wait3A_36 : memref<64xi32, #tpu.memory_space<hbm>>) dst(%arg9 : memref<64xi32, #tpu.memory_space<vmem>>)
      tpu.yield
    }) : () -> ()
    %dma_start3A = arith.constant 0 : i32
    %dma_start3A_3 = arith.constant 0 : i32
    %dma_start3A_4 = tpu.memref_slice %arg7[%dma_start3A, %dma_start3A_3] : memref<20224x1024xf32, #tpu.memory_space<hbm>> -> memref<20224x1024xf32, #tpu.memory_space<hbm>>
    tpu.enqueue_indirect_dma source(%arg10 : memref<64x1024xf32, #tpu.memory_space<vmem>>) target(%dma_start3A_4 : memref<20224x1024xf32, #tpu.memory_space<hbm>>) offsets(%arg9 : memref<64xi32, #tpu.memory_space<vmem>>) semaphore(%arg12 : memref<!tpu.dma_semaphore, #tpu.memory_space<semaphore_mem>>)
    %dma_wait3A = arith.constant 0 : i32
    %dma_wait3A_5 = arith.constant 0 : i32
    %dma_wait3A_6 = tpu.memref_slice %arg7[%dma_wait3A, %dma_wait3A_5] : memref<20224x1024xf32, #tpu.memory_space<hbm>> -> memref<20224x1024xf32, #tpu.memory_space<hbm>>
    tpu.wait_indirect_dma semaphore(%arg12 : memref<!tpu.dma_semaphore, #tpu.memory_space<semaphore_mem>>) src(%arg10 : memref<64x1024xf32, #tpu.memory_space<vmem>>) dst(%dma_wait3A_6 : memref<20224x1024xf32, #tpu.memory_space<hbm>>)
    %dma_start3A_7 = arith.constant 0 : i32
    %dma_start3A_8 = arith.constant 0 : i32
    %dma_start3A_9 = tpu.memref_slice %arg8[%dma_start3A_7, %dma_start3A_8] : memref<20224x128xf32, #tpu.memory_space<hbm>> -> memref<20224x128xf32, #tpu.memory_space<hbm>>
    tpu.enqueue_indirect_dma source(%arg11 : memref<64x128xf32, #tpu.memory_space<vmem>>) target(%dma_start3A_9 : memref<20224x128xf32, #tpu.memory_space<hbm>>) offsets(%arg9 : memref<64xi32, #tpu.memory_space<vmem>>) semaphore(%arg12 : memref<!tpu.dma_semaphore, #tpu.memory_space<semaphore_mem>>)
    %dma_wait3A_10 = arith.constant 0 : i32
    %dma_wait3A_11 = arith.constant 0 : i32
    %dma_wait3A_12 = tpu.memref_slice %arg8[%dma_wait3A_10, %dma_wait3A_11] : memref<20224x128xf32, #tpu.memory_space<hbm>> -> memref<20224x128xf32, #tpu.memory_space<hbm>>
    tpu.wait_indirect_dma semaphore(%arg12 : memref<!tpu.dma_semaphore, #tpu.memory_space<semaphore_mem>>) src(%arg11 : memref<64x128xf32, #tpu.memory_space<vmem>>) dst(%dma_wait3A_12 : memref<20224x128xf32, #tpu.memory_space<hbm>>)
    "tpu.region"() ({
      %run_scoped3A = tpu.sem_alloc : memref<!tpu.dma_semaphore, #tpu.memory_space<semaphore_mem>>
      %dma_start3A_25 = arith.constant 0 : i32
      %dma_start3A_26 = tpu.memref_slice %arg4[%mul3A_2, %dma_start3A_25] : memref<2048x128xf32, #tpu.memory_space<hbm>> -> memref<64x128xf32, #tpu.memory_space<hbm>>
      %dma_start3A_27 = arith.constant 0 : i32
      %dma_start3A_28 = tpu.memref_slice %arg4[%mul3A_2, %dma_start3A_27] : memref<2048x128xf32, #tpu.memory_space<hbm>> -> memref<64x128xf32, #tpu.memory_space<hbm>>
      tpu.enqueue_dma source(%dma_start3A_28 : memref<64x128xf32, #tpu.memory_space<hbm>>) target(%arg11 : memref<64x128xf32, #tpu.memory_space<vmem>>) target_semaphore(%run_scoped3A : memref<!tpu.dma_semaphore, #tpu.memory_space<semaphore_mem>>)
      %dma_wait3A_29 = arith.constant 0 : i32
      %dma_wait3A_30 = tpu.memref_slice %arg4[%mul3A_2, %dma_wait3A_29] : memref<2048x128xf32, #tpu.memory_space<hbm>> -> memref<64x128xf32, #tpu.memory_space<hbm>>
      %dma_wait3A_31 = arith.constant 0 : i32
      %dma_wait3A_32 = tpu.memref_slice %arg4[%mul3A_2, %dma_wait3A_31] : memref<2048x128xf32, #tpu.memory_space<hbm>> -> memref<64x128xf32, #tpu.memory_space<hbm>>
      tpu.wait_dma2 semaphore(%run_scoped3A : memref<!tpu.dma_semaphore, #tpu.memory_space<semaphore_mem>>) src(%dma_wait3A_32 : memref<64x128xf32, #tpu.memory_space<hbm>>) dst(%arg11 : memref<64x128xf32, #tpu.memory_space<vmem>>)
      tpu.yield
    }) : () -> ()
    "tpu.region"() ({
      %run_scoped3A = tpu.sem_alloc : memref<!tpu.dma_semaphore, #tpu.memory_space<semaphore_mem>>
      %dma_start3A_25 = arith.constant 0 : i32
      %dma_start3A_26 = tpu.memref_slice %arg6[%add3A, %dma_start3A_25] : memref<32x64xi32, #tpu.memory_space<hbm>> -> memref<1x64xi32, #tpu.memory_space<hbm>>
      %dma_start3A_27 = tpu.memref_squeeze %dma_start3A_26 : memref<1x64xi32, #tpu.memory_space<hbm>> -> memref<64xi32, #tpu.memory_space<hbm>>
      %dma_start3A_28 = arith.constant 0 : i32
      %dma_start3A_29 = tpu.memref_slice %arg6[%add3A, %dma_start3A_28] : memref<32x64xi32, #tpu.memory_space<hbm>> -> memref<1x64xi32, #tpu.memory_space<hbm>>
      %dma_start3A_30 = tpu.memref_squeeze %dma_start3A_29 : memref<1x64xi32, #tpu.memory_space<hbm>> -> memref<64xi32, #tpu.memory_space<hbm>>
      tpu.enqueue_dma source(%dma_start3A_30 : memref<64xi32, #tpu.memory_space<hbm>>) target(%arg9 : memref<64xi32, #tpu.memory_space<vmem>>) target_semaphore(%run_scoped3A : memref<!tpu.dma_semaphore, #tpu.memory_space<semaphore_mem>>)
      %dma_wait3A_31 = arith.constant 0 : i32
      %dma_wait3A_32 = tpu.memref_slice %arg6[%add3A, %dma_wait3A_31] : memref<32x64xi32, #tpu.memory_space<hbm>> -> memref<1x64xi32, #tpu.memory_space<hbm>>
      %dma_wait3A_33 = tpu.memref_squeeze %dma_wait3A_32 : memref<1x64xi32, #tpu.memory_space<hbm>> -> memref<64xi32, #tpu.memory_space<hbm>>
      %dma_wait3A_34 = arith.constant 0 : i32
      %dma_wait3A_35 = tpu.memref_slice %arg6[%add3A, %dma_wait3A_34] : memref<32x64xi32, #tpu.memory_space<hbm>> -> memref<1x64xi32, #tpu.memory_space<hbm>>
      %dma_wait3A_36 = tpu.memref_squeeze %dma_wait3A_35 : memref<1x64xi32, #tpu.memory_space<hbm>> -> memref<64xi32, #tpu.memory_space<hbm>>
      tpu.wait_dma2 semaphore(%run_scoped3A : memref<!tpu.dma_semaphore, #tpu.memory_space<semaphore_mem>>) src(%dma_wait3A_36 : memref<64xi32, #tpu.memory_space<hbm>>) dst(%arg9 : memref<64xi32, #tpu.memory_space<vmem>>)
      tpu.yield
    }) : () -> ()
    %dma_start3A_13 = arith.constant 0 : i32
    %dma_start3A_14 = arith.constant 0 : i32
    %dma_start3A_15 = tpu.memref_slice %arg7[%dma_start3A_13, %dma_start3A_14] : memref<20224x1024xf32, #tpu.memory_space<hbm>> -> memref<20224x1024xf32, #tpu.memory_space<hbm>>
    tpu.enqueue_indirect_dma source(%arg10 : memref<64x1024xf32, #tpu.memory_space<vmem>>) target(%dma_start3A_15 : memref<20224x1024xf32, #tpu.memory_space<hbm>>) offsets(%arg9 : memref<64xi32, #tpu.memory_space<vmem>>) semaphore(%arg12 : memref<!tpu.dma_semaphore, #tpu.memory_space<semaphore_mem>>)
    %dma_wait3A_16 = arith.constant 0 : i32
    %dma_wait3A_17 = arith.constant 0 : i32
    %dma_wait3A_18 = tpu.memref_slice %arg7[%dma_wait3A_16, %dma_wait3A_17] : memref<20224x1024xf32, #tpu.memory_space<hbm>> -> memref<20224x1024xf32, #tpu.memory_space<hbm>>
    tpu.wait_indirect_dma semaphore(%arg12 : memref<!tpu.dma_semaphore, #tpu.memory_space<semaphore_mem>>) src(%arg10 : memref<64x1024xf32, #tpu.memory_space<vmem>>) dst(%dma_wait3A_18 : memref<20224x1024xf32, #tpu.memory_space<hbm>>)
    %dma_start3A_19 = arith.constant 0 : i32
    %dma_start3A_20 = arith.constant 0 : i32
    %dma_start3A_21 = tpu.memref_slice %arg8[%dma_start3A_19, %dma_start3A_20] : memref<20224x128xf32, #tpu.memory_space<hbm>> -> memref<20224x128xf32, #tpu.memory_space<hbm>>
    tpu.enqueue_indirect_dma source(%arg11 : memref<64x128xf32, #tpu.memory_space<vmem>>) target(%dma_start3A_21 : memref<20224x128xf32, #tpu.memory_space<hbm>>) offsets(%arg9 : memref<64xi32, #tpu.memory_space<vmem>>) semaphore(%arg12 : memref<!tpu.dma_semaphore, #tpu.memory_space<semaphore_mem>>)
    %dma_wait3A_22 = arith.constant 0 : i32
    %dma_wait3A_23 = arith.constant 0 : i32
    %dma_wait3A_24 = tpu.memref_slice %arg8[%dma_wait3A_22, %dma_wait3A_23] : memref<20224x128xf32, #tpu.memory_space<hbm>> -> memref<20224x128xf32, #tpu.memory_space<hbm>>
    tpu.wait_indirect_dma semaphore(%arg12 : memref<!tpu.dma_semaphore, #tpu.memory_space<semaphore_mem>>) src(%arg11 : memref<64x128xf32, #tpu.memory_space<vmem>>) dst(%dma_wait3A_24 : memref<20224x128xf32, #tpu.memory_space<hbm>>)
    return
  }
}

module attributes {stable_mosaic.version = 14 : i64} {
  func.func @_route_body(%arg0: memref<2048x1024xf32, #tpu.memory_space<vmem>>, %arg1: memref<64x1024xf32, #tpu.memory_space<vmem>>, %arg2: memref<1x64xf32, #tpu.memory_space<vmem>>, %arg3: memref<2048x128xf32, #tpu.memory_space<vmem>>, %arg4: memref<2048x128xf32, #tpu.memory_space<vmem>>, %arg5: memref<2048x1xi32, #tpu.memory_space<vmem>>, %arg6: memref<2048x1xi32, #tpu.memory_space<vmem>>, %arg7: memref<128x1xi32, #tpu.memory_space<vmem>>, %arg8: memref<128x1xi32, #tpu.memory_space<vmem>>, %arg9: memref<1x1xi32, #tpu.memory_space<vmem>>, %arg10: memref<1x1xf32, #tpu.memory_space<vmem>>) attributes {dimension_semantics = [], scalar_prefetch = 0 : i64, scratch_operands = 0 : i64, tpu.core_type = #tpu.core_type<tc>} {
    %get3A = arith.constant 0 : index
    %get3A_0 = arith.constant 0 : index
    %get3A_1 = vector.load %arg0[%get3A, %get3A_0] : memref<2048x1024xf32, #tpu.memory_space<vmem>>, vector<2048x1024xf32>
    %get3A_2 = arith.constant 0 : index
    %get3A_3 = arith.constant 0 : index
    %get3A_4 = vector.load %arg1[%get3A_2, %get3A_3] : memref<64x1024xf32, #tpu.memory_space<vmem>>, vector<64x1024xf32>
    %dot_general3A = arith.constant dense<0.000000e+00> : vector<2048x64xf32>
    %dot_general3A_5 = tpu.matmul %get3A_1, %get3A_4, %dot_general3A {dimension_numbers = #tpu.dot_dimension_numbers<[1], [1], [0], [0], [0, 0, 1, 0], [], []>, transpose_lhs_hint = false} : vector<2048x1024xf32>, vector<64x1024xf32>, vector<2048x64xf32> -> vector<2048x64xf32>
    %logistic3A = arith.negf %dot_general3A_5 : vector<2048x64xf32>
    %logistic3A_6 = math.exp %logistic3A : vector<2048x64xf32>
    %logistic3A_7 = arith.constant 1.000000e+00 : f32
    %logistic3A_8 = vector.broadcast %logistic3A_7 : f32 to vector<2048x64xf32>
    %logistic3A_9 = arith.addf %logistic3A_8, %logistic3A_6 : vector<2048x64xf32>
    %logistic3A_10 = arith.divf %logistic3A_8, %logistic3A_9 : vector<2048x64xf32>
    %get3A_11 = arith.constant 0 : index
    %get3A_12 = arith.constant 0 : index
    %get3A_13 = vector.load %arg2[%get3A_11, %get3A_12] : memref<1x64xf32, #tpu.memory_space<vmem>>, vector<1x64xf32>
    %add3A = vector.broadcast %get3A_13 : vector<1x64xf32> to vector<2048x64xf32>
    %add3A_14 = arith.addf %logistic3A_10, %add3A : vector<2048x64xf32>
    %iota3A = tpu.iota {dimensions = array<i32: 1>} : vector<2048x64xi32>
    %reduce_max3A = arith.constant dense<0xFF800000> : vector<2048xf32>
    %reduce_max3A_15 = vector.multi_reduction <maximumf>, %add3A_14, %reduce_max3A [1] : vector<2048x64xf32> to vector<2048xf32>
    %broadcast_in_dim3A = vector.shape_cast %reduce_max3A_15 : vector<2048xf32> to vector<2048x1xf32>
    %eq3A = vector.broadcast %broadcast_in_dim3A : vector<2048x1xf32> to vector<2048x64xf32>
    %eq3A_16 = arith.cmpf oeq, %add3A_14, %eq3A : vector<2048x64xf32>
    %jit3A = arith.constant 64 : i32
    %broadcast_in_dim3A_17 = vector.broadcast %jit3A : i32 to vector<2048x64xi32>
    %select_n3A = arith.select %eq3A_16, %iota3A, %broadcast_in_dim3A_17 : vector<2048x64xi1>, vector<2048x64xi32>
    %reduce_min3A = arith.constant dense<2147483647> : vector<2048xi32>
    %reduce_min3A_18 = vector.multi_reduction <minsi>, %select_n3A, %reduce_min3A [1] : vector<2048x64xi32> to vector<2048xi32>
    %broadcast_in_dim3A_19 = vector.shape_cast %reduce_min3A_18 : vector<2048xi32> to vector<2048x1xi32>
    %eq3A_20 = vector.broadcast %broadcast_in_dim3A_19 : vector<2048x1xi32> to vector<2048x64xi32>
    %eq3A_21 = arith.cmpi eq, %iota3A, %eq3A_20 : vector<2048x64xi32>
    %jit3A_22 = arith.constant 0xFF800000 : f32
    %broadcast_in_dim3A_23 = vector.broadcast %jit3A_22 : f32 to vector<2048x64xf32>
    %select_n3A_24 = arith.select %eq3A_21, %broadcast_in_dim3A_23, %add3A_14 : vector<2048x64xi1>, vector<2048x64xf32>
    %reduce_max3A_25 = arith.constant dense<0xFF800000> : vector<2048xf32>
    %reduce_max3A_26 = vector.multi_reduction <maximumf>, %select_n3A_24, %reduce_max3A_25 [1] : vector<2048x64xf32> to vector<2048xf32>
    %broadcast_in_dim3A_27 = vector.shape_cast %reduce_max3A_26 : vector<2048xf32> to vector<2048x1xf32>
    %eq3A_28 = vector.broadcast %broadcast_in_dim3A_27 : vector<2048x1xf32> to vector<2048x64xf32>
    %eq3A_29 = arith.cmpf oeq, %select_n3A_24, %eq3A_28 : vector<2048x64xf32>
    %jit3A_30 = arith.constant 64 : i32
    %broadcast_in_dim3A_31 = vector.broadcast %jit3A_30 : i32 to vector<2048x64xi32>
    %select_n3A_32 = arith.select %eq3A_29, %iota3A, %broadcast_in_dim3A_31 : vector<2048x64xi1>, vector<2048x64xi32>
    %reduce_min3A_33 = arith.constant dense<2147483647> : vector<2048xi32>
    %reduce_min3A_34 = vector.multi_reduction <minsi>, %select_n3A_32, %reduce_min3A_33 [1] : vector<2048x64xi32> to vector<2048xi32>
    %broadcast_in_dim3A_35 = vector.shape_cast %reduce_min3A_34 : vector<2048xi32> to vector<2048x1xi32>
    %add3A_36 = arith.addf %broadcast_in_dim3A, %broadcast_in_dim3A_27 : vector<2048x1xf32>
    %div3A = arith.divf %broadcast_in_dim3A, %add3A_36 : vector<2048x1xf32>
    %div3A_37 = arith.divf %broadcast_in_dim3A_27, %add3A_36 : vector<2048x1xf32>
    %log3A = math.log %div3A : vector<2048x1xf32>
    %mul3A = arith.mulf %div3A, %log3A : vector<2048x1xf32>
    %log3A_38 = math.log %div3A_37 : vector<2048x1xf32>
    %mul3A_39 = arith.mulf %div3A_37, %log3A_38 : vector<2048x1xf32>
    %add3A_40 = arith.addf %mul3A, %mul3A_39 : vector<2048x1xf32>
    %neg3A = arith.constant 0.000000e+00 : f32
    %neg3A_41 = vector.broadcast %neg3A : f32 to vector<2048x1xf32>
    %neg3A_42 = arith.subf %neg3A_41, %add3A_40 : vector<2048x1xf32>
    %reduce_sum3A = vector.shape_cast %neg3A_42 : vector<2048x1xf32> to vector<1x2048x1xf32>
    %reduce_sum3A_43 = arith.constant dense<0.000000e+00> : vector<1xf32>
    %reduce_sum3A_44 = vector.multi_reduction <add>, %reduce_sum3A, %reduce_sum3A_43 [1, 2] : vector<1x2048x1xf32> to vector<1xf32>
    %reduce_sum3A_45 = vector.shape_cast %reduce_sum3A_44 : vector<1xf32> to vector<1x1x1xf32>
    %reduce_sum3A_46 = vector.extract %reduce_sum3A_45[0, 0, 0] : f32 from vector<1x1x1xf32>
    %div3A_47 = arith.constant 2.048000e+03 : f32
    %div3A_48 = arith.divf %reduce_sum3A_46, %div3A_47 : f32
    %broadcast_in_dim3A_49 = vector.broadcast %div3A_48 : f32 to vector<1x1xf32>
    %swap3A = arith.constant 0 : index
    %swap3A_50 = arith.constant 0 : index
    %swap3A_51 = vector.load %arg10[%swap3A, %swap3A_50] : memref<1x1xf32, #tpu.memory_space<vmem>>, vector<1x1xf32>
    tpu.vector_store %arg10[%swap3A, %swap3A_50], %broadcast_in_dim3A_49 {strides = array<i32>} : memref<1x1xf32, #tpu.memory_space<vmem>>, vector<1x1xf32>,
    %eq3A_52 = vector.broadcast %broadcast_in_dim3A_19 : vector<2048x1xi32> to vector<2048x64xi32>
    %eq3A_53 = arith.cmpi eq, %iota3A, %eq3A_52 : vector<2048x64xi32>
    %convert_element_type3A = arith.extui %eq3A_53 : vector<2048x64xi1> to vector<2048x64xi32>
    %convert_element_type3A_54 = arith.sitofp %convert_element_type3A : vector<2048x64xi32> to vector<2048x64xf32>
    %eq3A_55 = vector.broadcast %broadcast_in_dim3A_35 : vector<2048x1xi32> to vector<2048x64xi32>
    %eq3A_56 = arith.cmpi eq, %iota3A, %eq3A_55 : vector<2048x64xi32>
    %convert_element_type3A_57 = arith.extui %eq3A_56 : vector<2048x64xi1> to vector<2048x64xi32>
    %convert_element_type3A_58 = arith.sitofp %convert_element_type3A_57 : vector<2048x64xi32> to vector<2048x64xf32>
    %add3A_59 = arith.addf %convert_element_type3A_54, %convert_element_type3A_58 : vector<2048x64xf32>
    %iota3A_60 = tpu.iota {dimensions = array<i32: 0>} : vector<2048x2048xi32>
    %iota3A_61 = tpu.iota {dimensions = array<i32: 1>} : vector<2048x2048xi32>
    %gt3A = arith.cmpi sgt, %iota3A_60, %iota3A_61 : vector<2048x2048xi32>
    %convert_element_type3A_62 = arith.extui %gt3A : vector<2048x2048xi1> to vector<2048x2048xi32>
    %convert_element_type3A_63 = arith.sitofp %convert_element_type3A_62 : vector<2048x2048xi32> to vector<2048x2048xf32>
    %convert_element_type3A_64 = arith.truncf %convert_element_type3A_63 : vector<2048x2048xf32> to vector<2048x2048xbf16>
    %convert_element_type3A_65 = arith.truncf %add3A_59 : vector<2048x64xf32> to vector<2048x64xbf16>
    %dot_general3A_66 = arith.constant dense<0.000000e+00> : vector<2048x64xf32>
    %dot_general3A_67 = tpu.matmul %convert_element_type3A_64, %convert_element_type3A_65, %dot_general3A_66 {dimension_numbers = #tpu.dot_dimension_numbers<[1], [0], [0], [1], [0, 0, 1, 1], [], []>, transpose_lhs_hint = false} : vector<2048x2048xbf16>, vector<2048x64xbf16>, vector<2048x64xf32> -> vector<2048x64xf32>
    %slice3A = vector.extract_strided_slice %dot_general3A_67 {offsets = [2047, 0], sizes = [1, 64], strides = [1, 1]} : vector<2048x64xf32> to vector<1x64xf32>
    %slice3A_68 = vector.extract_strided_slice %add3A_59 {offsets = [2047, 0], sizes = [1, 64], strides = [1, 1]} : vector<2048x64xf32> to vector<1x64xf32>
    %add3A_69 = arith.addf %slice3A, %slice3A_68 : vector<1x64xf32>
    %mul3A_70 = arith.constant 3.906250e-03 : f32
    %mul3A_71 = vector.broadcast %mul3A_70 : f32 to vector<1x64xf32>
    %mul3A_72 = arith.mulf %add3A_69, %mul3A_71 : vector<1x64xf32>
    %ceil3A = math.ceil %mul3A_72 : vector<1x64xf32>
    %mul3A_73 = arith.constant 2.560000e+02 : f32
    %mul3A_74 = vector.broadcast %mul3A_73 : f32 to vector<1x64xf32>
    %mul3A_75 = arith.mulf %ceil3A, %mul3A_74 : vector<1x64xf32>
    %broadcast_in_dim3A_76 = arith.constant 0.000000e+00 : f32
    %broadcast_in_dim3A_77 = vector.broadcast %broadcast_in_dim3A_76 : f32 to vector<1x1xf32>
    %slice3A_78 = vector.extract_strided_slice %mul3A_75 {offsets = [0, 0], sizes = [1, 63], strides = [1, 1]} : vector<1x64xf32> to vector<1x63xf32>
    %concatenate3A = tpu.concatenate %broadcast_in_dim3A_77, %slice3A_78 in 1 : vector<1x1xf32>, vector<1x63xf32> -> vector<1x64xf32>
    %add3A_79 = arith.addf %mul3A_75, %concatenate3A : vector<1x64xf32>
    %broadcast_in_dim3A_80 = arith.constant 0.000000e+00 : f32
    %broadcast_in_dim3A_81 = vector.broadcast %broadcast_in_dim3A_80 : f32 to vector<1x2xf32>
    %slice3A_82 = vector.extract_strided_slice %add3A_79 {offsets = [0, 0], sizes = [1, 62], strides = [1, 1]} : vector<1x64xf32> to vector<1x62xf32>
    %concatenate3A_83 = tpu.concatenate %broadcast_in_dim3A_81, %slice3A_82 in 1 : vector<1x2xf32>, vector<1x62xf32> -> vector<1x64xf32>
    %add3A_84 = arith.addf %add3A_79, %concatenate3A_83 : vector<1x64xf32>
    %broadcast_in_dim3A_85 = arith.constant 0.000000e+00 : f32
    %broadcast_in_dim3A_86 = vector.broadcast %broadcast_in_dim3A_85 : f32 to vector<1x4xf32>
    %slice3A_87 = vector.extract_strided_slice %add3A_84 {offsets = [0, 0], sizes = [1, 60], strides = [1, 1]} : vector<1x64xf32> to vector<1x60xf32>
    %concatenate3A_88 = tpu.concatenate %broadcast_in_dim3A_86, %slice3A_87 in 1 : vector<1x4xf32>, vector<1x60xf32> -> vector<1x64xf32>
    %add3A_89 = arith.addf %add3A_84, %concatenate3A_88 : vector<1x64xf32>
    %broadcast_in_dim3A_90 = arith.constant 0.000000e+00 : f32
    %broadcast_in_dim3A_91 = vector.broadcast %broadcast_in_dim3A_90 : f32 to vector<1x8xf32>
    %slice3A_92 = vector.extract_strided_slice %add3A_89 {offsets = [0, 0], sizes = [1, 56], strides = [1, 1]} : vector<1x64xf32> to vector<1x56xf32>
    %concatenate3A_93 = tpu.concatenate %broadcast_in_dim3A_91, %slice3A_92 in 1 : vector<1x8xf32>, vector<1x56xf32> -> vector<1x64xf32>
    %add3A_94 = arith.addf %add3A_89, %concatenate3A_93 : vector<1x64xf32>
    %broadcast_in_dim3A_95 = arith.constant 0.000000e+00 : f32
    %broadcast_in_dim3A_96 = vector.broadcast %broadcast_in_dim3A_95 : f32 to vector<1x16xf32>
    %slice3A_97 = vector.extract_strided_slice %add3A_94 {offsets = [0, 0], sizes = [1, 48], strides = [1, 1]} : vector<1x64xf32> to vector<1x48xf32>
    %concatenate3A_98 = tpu.concatenate %broadcast_in_dim3A_96, %slice3A_97 in 1 : vector<1x16xf32>, vector<1x48xf32> -> vector<1x64xf32>
    %add3A_99 = arith.addf %add3A_94, %concatenate3A_98 : vector<1x64xf32>
    %broadcast_in_dim3A_100 = arith.constant 0.000000e+00 : f32
    %broadcast_in_dim3A_101 = vector.broadcast %broadcast_in_dim3A_100 : f32 to vector<1x32xf32>
    %slice3A_102 = vector.extract_strided_slice %add3A_99 {offsets = [0, 0], sizes = [1, 32], strides = [1, 1]} : vector<1x64xf32> to vector<1x32xf32>
    %concatenate3A_103 = tpu.concatenate %broadcast_in_dim3A_101, %slice3A_102 in 1 : vector<1x32xf32>, vector<1x32xf32> -> vector<1x64xf32>
    %add3A_104 = arith.addf %add3A_99, %concatenate3A_103 : vector<1x64xf32>
    %sub3A = arith.subf %add3A_104, %mul3A_75 : vector<1x64xf32>
    %mul3A_105 = arith.constant 3.906250e-03 : f32
    %mul3A_106 = vector.broadcast %mul3A_105 : f32 to vector<1x64xf32>
    %mul3A_107 = arith.mulf %mul3A_75, %mul3A_106 : vector<1x64xf32>
    %broadcast_in_dim3A_108 = arith.constant 0.000000e+00 : f32
    %broadcast_in_dim3A_109 = vector.broadcast %broadcast_in_dim3A_108 : f32 to vector<1x1xf32>
    %slice3A_110 = vector.extract_strided_slice %mul3A_107 {offsets = [0, 0], sizes = [1, 63], strides = [1, 1]} : vector<1x64xf32> to vector<1x63xf32>
    %concatenate3A_111 = tpu.concatenate %broadcast_in_dim3A_109, %slice3A_110 in 1 : vector<1x1xf32>, vector<1x63xf32> -> vector<1x64xf32>
    %add3A_112 = arith.addf %mul3A_107, %concatenate3A_111 : vector<1x64xf32>
    %broadcast_in_dim3A_113 = arith.constant 0.000000e+00 : f32
    %broadcast_in_dim3A_114 = vector.broadcast %broadcast_in_dim3A_113 : f32 to vector<1x2xf32>
    %slice3A_115 = vector.extract_strided_slice %add3A_112 {offsets = [0, 0], sizes = [1, 62], strides = [1, 1]} : vector<1x64xf32> to vector<1x62xf32>
    %concatenate3A_116 = tpu.concatenate %broadcast_in_dim3A_114, %slice3A_115 in 1 : vector<1x2xf32>, vector<1x62xf32> -> vector<1x64xf32>
    %add3A_117 = arith.addf %add3A_112, %concatenate3A_116 : vector<1x64xf32>
    %broadcast_in_dim3A_118 = arith.constant 0.000000e+00 : f32
    %broadcast_in_dim3A_119 = vector.broadcast %broadcast_in_dim3A_118 : f32 to vector<1x4xf32>
    %slice3A_120 = vector.extract_strided_slice %add3A_117 {offsets = [0, 0], sizes = [1, 60], strides = [1, 1]} : vector<1x64xf32> to vector<1x60xf32>
    %concatenate3A_121 = tpu.concatenate %broadcast_in_dim3A_119, %slice3A_120 in 1 : vector<1x4xf32>, vector<1x60xf32> -> vector<1x64xf32>
    %add3A_122 = arith.addf %add3A_117, %concatenate3A_121 : vector<1x64xf32>
    %broadcast_in_dim3A_123 = arith.constant 0.000000e+00 : f32
    %broadcast_in_dim3A_124 = vector.broadcast %broadcast_in_dim3A_123 : f32 to vector<1x8xf32>
    %slice3A_125 = vector.extract_strided_slice %add3A_122 {offsets = [0, 0], sizes = [1, 56], strides = [1, 1]} : vector<1x64xf32> to vector<1x56xf32>
    %concatenate3A_126 = tpu.concatenate %broadcast_in_dim3A_124, %slice3A_125 in 1 : vector<1x8xf32>, vector<1x56xf32> -> vector<1x64xf32>
    %add3A_127 = arith.addf %add3A_122, %concatenate3A_126 : vector<1x64xf32>
    %broadcast_in_dim3A_128 = arith.constant 0.000000e+00 : f32
    %broadcast_in_dim3A_129 = vector.broadcast %broadcast_in_dim3A_128 : f32 to vector<1x16xf32>
    %slice3A_130 = vector.extract_strided_slice %add3A_127 {offsets = [0, 0], sizes = [1, 48], strides = [1, 1]} : vector<1x64xf32> to vector<1x48xf32>
    %concatenate3A_131 = tpu.concatenate %broadcast_in_dim3A_129, %slice3A_130 in 1 : vector<1x16xf32>, vector<1x48xf32> -> vector<1x64xf32>
    %add3A_132 = arith.addf %add3A_127, %concatenate3A_131 : vector<1x64xf32>
    %broadcast_in_dim3A_133 = arith.constant 0.000000e+00 : f32
    %broadcast_in_dim3A_134 = vector.broadcast %broadcast_in_dim3A_133 : f32 to vector<1x32xf32>
    %slice3A_135 = vector.extract_strided_slice %add3A_132 {offsets = [0, 0], sizes = [1, 32], strides = [1, 1]} : vector<1x64xf32> to vector<1x32xf32>
    %concatenate3A_136 = tpu.concatenate %broadcast_in_dim3A_134, %slice3A_135 in 1 : vector<1x32xf32>, vector<1x32xf32> -> vector<1x64xf32>
    %add3A_137 = arith.addf %add3A_132, %concatenate3A_136 : vector<1x64xf32>
    %slice3A_138 = vector.extract_strided_slice %add3A_137 {offsets = [0, 63], sizes = [1, 1], strides = [1, 1]} : vector<1x64xf32> to vector<1x1xf32>
    %add3A_139 = vector.broadcast %sub3A : vector<1x64xf32> to vector<2048x64xf32>
    %add3A_140 = arith.addf %add3A_139, %dot_general3A_67 : vector<2048x64xf32>
    %mul3A_141 = arith.mulf %add3A_140, %convert_element_type3A_54 : vector<2048x64xf32>
    %reduce_sum3A_142 = arith.constant dense<0.000000e+00> : vector<2048xf32>
    %reduce_sum3A_143 = vector.multi_reduction <add>, %mul3A_141, %reduce_sum3A_142 [1] : vector<2048x64xf32> to vector<2048xf32>
    %broadcast_in_dim3A_144 = vector.shape_cast %reduce_sum3A_143 : vector<2048xf32> to vector<2048x1xf32>
    %mul3A_145 = arith.mulf %add3A_140, %convert_element_type3A_58 : vector<2048x64xf32>
    %reduce_sum3A_146 = arith.constant dense<0.000000e+00> : vector<2048xf32>
    %reduce_sum3A_147 = vector.multi_reduction <add>, %mul3A_145, %reduce_sum3A_146 [1] : vector<2048x64xf32> to vector<2048xf32>
    %broadcast_in_dim3A_148 = vector.shape_cast %reduce_sum3A_147 : vector<2048xf32> to vector<2048x1xf32>
    %iota3A_149 = tpu.iota {dimensions = array<i32: 0>} : vector<128x1xi32>
    %convert_element_type3A_150 = arith.sitofp %iota3A_149 : vector<128x1xi32> to vector<128x1xf32>
    %le3A = vector.broadcast %add3A_137 : vector<1x64xf32> to vector<128x64xf32>
    %le3A_151 = vector.broadcast %convert_element_type3A_150 : vector<128x1xf32> to vector<128x64xf32>
    %le3A_152 = arith.cmpf ole, %le3A, %le3A_151 : vector<128x64xf32>
    %convert_element_type3A_153 = arith.extui %le3A_152 : vector<128x64xi1> to vector<128x64xi32>
    %convert_element_type3A_154 = arith.sitofp %convert_element_type3A_153 : vector<128x64xi32> to vector<128x64xf32>
    %reduce_sum3A_155 = arith.constant dense<0.000000e+00> : vector<128xf32>
    %reduce_sum3A_156 = vector.multi_reduction <add>, %convert_element_type3A_154, %reduce_sum3A_155 [1] : vector<128x64xf32> to vector<128xf32>
    %broadcast_in_dim3A_157 = vector.shape_cast %reduce_sum3A_156 : vector<128xf32> to vector<128x1xf32>
    %min3A = arith.constant 6.300000e+01 : f32
    %min3A_158 = vector.broadcast %min3A : f32 to vector<128x1xf32>
    %min3A_159 = arith.minimumf %broadcast_in_dim3A_157, %min3A_158 : vector<128x1xf32>
    %lt3A = vector.broadcast %slice3A_138 : vector<1x1xf32> to vector<1x64xf32>
    %lt3A_160 = arith.cmpf olt, %add3A_137, %lt3A : vector<1x64xf32>
    %convert_element_type3A_161 = arith.extui %lt3A_160 : vector<1x64xi1> to vector<1x64xi32>
    %convert_element_type3A_162 = arith.sitofp %convert_element_type3A_161 : vector<1x64xi32> to vector<1x64xf32>
    %reduce_sum3A_163 = arith.constant dense<0.000000e+00> : vector<1xf32>
    %reduce_sum3A_164 = vector.multi_reduction <add>, %convert_element_type3A_162, %reduce_sum3A_163 [1] : vector<1x64xf32> to vector<1xf32>
    %broadcast_in_dim3A_165 = vector.shape_cast %reduce_sum3A_164 : vector<1xf32> to vector<1x1xf32>
    %lt3A_166 = vector.broadcast %slice3A_138 : vector<1x1xf32> to vector<128x1xf32>
    %lt3A_167 = arith.cmpf olt, %convert_element_type3A_150, %lt3A_166 : vector<128x1xf32>
    %convert_element_type3A_168 = arith.extui %lt3A_167 : vector<128x1xi1> to vector<128x1xi32>
    %gt3A_169 = arith.constant 0 : i32
    %gt3A_170 = vector.broadcast %gt3A_169 : i32 to vector<128x1xi32>
    %gt3A_171 = arith.cmpi sgt, %convert_element_type3A_168, %gt3A_170 : vector<128x1xi32>
    %broadcast_in_dim3A_172 = vector.shape_cast %broadcast_in_dim3A_165 : vector<1x1xf32> to vector<1x1xf32>
    %broadcast_in_dim3A_173 = vector.broadcast %broadcast_in_dim3A_172 : vector<1x1xf32> to vector<128x1xf32>
    %select_n3A_174 = arith.select %gt3A_171, %min3A_159, %broadcast_in_dim3A_173 : vector<128x1xi1>, vector<128x1xf32>
    %round3A = math.roundeven %broadcast_in_dim3A_144 : vector<2048x1xf32>
    %convert_element_type3A_175 = arith.fptosi %round3A : vector<2048x1xf32> to vector<2048x1xi32>
    %swap3A_176 = arith.constant 0 : index
    %swap3A_177 = arith.constant 0 : index
    %swap3A_178 = vector.load %arg5[%swap3A_176, %swap3A_177] : memref<2048x1xi32, #tpu.memory_space<vmem>>, vector<2048x1xi32>
    tpu.vector_store %arg5[%swap3A_176, %swap3A_177], %convert_element_type3A_175 {strides = array<i32>} : memref<2048x1xi32, #tpu.memory_space<vmem>>, vector<2048x1xi32>,
    %round3A_179 = math.roundeven %broadcast_in_dim3A_148 : vector<2048x1xf32>
    %convert_element_type3A_180 = arith.fptosi %round3A_179 : vector<2048x1xf32> to vector<2048x1xi32>
    %swap3A_181 = arith.constant 0 : index
    %swap3A_182 = arith.constant 0 : index
    %swap3A_183 = vector.load %arg6[%swap3A_181, %swap3A_182] : memref<2048x1xi32, #tpu.memory_space<vmem>>, vector<2048x1xi32>
    tpu.vector_store %arg6[%swap3A_181, %swap3A_182], %convert_element_type3A_180 {strides = array<i32>} : memref<2048x1xi32, #tpu.memory_space<vmem>>, vector<2048x1xi32>,
    %round3A_184 = math.roundeven %select_n3A_174 : vector<128x1xf32>
    %convert_element_type3A_185 = arith.fptosi %round3A_184 : vector<128x1xf32> to vector<128x1xi32>
    %swap3A_186 = arith.constant 0 : index
    %swap3A_187 = arith.constant 0 : index
    %swap3A_188 = vector.load %arg7[%swap3A_186, %swap3A_187] : memref<128x1xi32, #tpu.memory_space<vmem>>, vector<128x1xi32>
    tpu.vector_store %arg7[%swap3A_186, %swap3A_187], %convert_element_type3A_185 {strides = array<i32>} : memref<128x1xi32, #tpu.memory_space<vmem>>, vector<128x1xi32>,
    %swap3A_189 = arith.constant 0 : index
    %swap3A_190 = arith.constant 0 : index
    %swap3A_191 = vector.load %arg8[%swap3A_189, %swap3A_190] : memref<128x1xi32, #tpu.memory_space<vmem>>, vector<128x1xi32>
    tpu.vector_store %arg8[%swap3A_189, %swap3A_190], %convert_element_type3A_168 {strides = array<i32>} : memref<128x1xi32, #tpu.memory_space<vmem>>, vector<128x1xi32>,
    %round3A_192 = math.roundeven %slice3A_138 : vector<1x1xf32>
    %convert_element_type3A_193 = arith.fptosi %round3A_192 : vector<1x1xf32> to vector<1x1xi32>
    %swap3A_194 = arith.constant 0 : index
    %swap3A_195 = arith.constant 0 : index
    %swap3A_196 = vector.load %arg9[%swap3A_194, %swap3A_195] : memref<1x1xi32, #tpu.memory_space<vmem>>, vector<1x1xi32>
    tpu.vector_store %arg9[%swap3A_194, %swap3A_195], %convert_element_type3A_193 {strides = array<i32>} : memref<1x1xi32, #tpu.memory_space<vmem>>, vector<1x1xi32>,
    %broadcast_in_dim3A_197 = vector.shape_cast %div3A : vector<2048x1xf32> to vector<2048x1xf32>
    %broadcast_in_dim3A_198 = vector.broadcast %broadcast_in_dim3A_197 : vector<2048x1xf32> to vector<2048x128xf32>
    %swap3A_199 = arith.constant 0 : index
    %swap3A_200 = arith.constant 0 : index
    %swap3A_201 = vector.load %arg3[%swap3A_199, %swap3A_200] : memref<2048x128xf32, #tpu.memory_space<vmem>>, vector<2048x128xf32>
    tpu.vector_store %arg3[%swap3A_199, %swap3A_200], %broadcast_in_dim3A_198 {strides = array<i32>} : memref<2048x128xf32, #tpu.memory_space<vmem>>, vector<2048x128xf32>,
    %broadcast_in_dim3A_202 = vector.shape_cast %div3A_37 : vector<2048x1xf32> to vector<2048x1xf32>
    %broadcast_in_dim3A_203 = vector.broadcast %broadcast_in_dim3A_202 : vector<2048x1xf32> to vector<2048x128xf32>
    %swap3A_204 = arith.constant 0 : index
    %swap3A_205 = arith.constant 0 : index
    %swap3A_206 = vector.load %arg4[%swap3A_204, %swap3A_205] : memref<2048x128xf32, #tpu.memory_space<vmem>>, vector<2048x128xf32>
    tpu.vector_store %arg4[%swap3A_204, %swap3A_205], %broadcast_in_dim3A_203 {strides = array<i32>} : memref<2048x128xf32, #tpu.memory_space<vmem>>, vector<2048x128xf32>,
    return
  }
}

module attributes {stable_mosaic.version = 14 : i64} {
  func.func @_shared_body(%arg0: i32, %arg1: memref<256x1024xf32, #tpu.memory_space<vmem>>, %arg2: memref<2x256x1024xf32, #tpu.memory_space<vmem>>, %arg3: memref<2x1024x256xf32, #tpu.memory_space<vmem>>, %arg4: memref<2x256x1024xf32, #tpu.memory_space<vmem>>, %arg5: memref<256x1024xf32, #tpu.memory_space<vmem>>) attributes {dimension_semantics = [#tpu.dimension_semantics<arbitrary>], iteration_bounds = array<i64: 8>, scalar_prefetch = 0 : i64, scratch_operands = 0 : i64, tpu.core_type = #tpu.core_type<tc>, window_params = [{transform_indices = @transform_0, window_bounds = array<i64: 256, 1024>}, {pipeline_mode = #tpu.pipeline_mode<synchronous>, transform_indices = @transform_1, window_bounds = array<i64: 2, 256, 1024>}, {pipeline_mode = #tpu.pipeline_mode<synchronous>, transform_indices = @transform_2, window_bounds = array<i64: 2, 1024, 256>}, {pipeline_mode = #tpu.pipeline_mode<synchronous>, transform_indices = @transform_3, window_bounds = array<i64: 2, 256, 1024>}, {transform_indices = @transform_4, window_bounds = array<i64: 256, 1024>}]} {
    %get3A = arith.constant 0 : index
    %get3A_0 = arith.constant 0 : index
    %get3A_1 = vector.load %arg1[%get3A, %get3A_0] : memref<256x1024xf32, #tpu.memory_space<vmem>>, vector<256x1024xf32>
    %get3A_2 = arith.constant 0 : index
    %get3A_3 = arith.constant 0 : index
    %get3A_4 = arith.constant 0 : index
    %get3A_5 = vector.load %arg2[%get3A_2, %get3A_3, %get3A_4] : memref<2x256x1024xf32, #tpu.memory_space<vmem>>, vector<1x256x1024xf32>
    %get3A_6 = vector.shape_cast %get3A_5 : vector<1x256x1024xf32> to vector<256x1024xf32>
    %dot_general3A = arith.constant dense<0.000000e+00> : vector<256x256xf32>
    %dot_general3A_7 = tpu.matmul %get3A_1, %get3A_6, %dot_general3A {dimension_numbers = #tpu.dot_dimension_numbers<[1], [1], [0], [0], [0, 0, 1, 0], [], []>, transpose_lhs_hint = false} : vector<256x1024xf32>, vector<256x1024xf32>, vector<256x256xf32> -> vector<256x256xf32>
    %get3A_8 = arith.constant 0 : index
    %get3A_9 = arith.constant 0 : index
    %get3A_10 = arith.constant 0 : index
    %get3A_11 = vector.load %arg4[%get3A_8, %get3A_9, %get3A_10] : memref<2x256x1024xf32, #tpu.memory_space<vmem>>, vector<1x256x1024xf32>
    %get3A_12 = vector.shape_cast %get3A_11 : vector<1x256x1024xf32> to vector<256x1024xf32>
    %dot_general3A_13 = arith.constant dense<0.000000e+00> : vector<256x256xf32>
    %dot_general3A_14 = tpu.matmul %get3A_1, %get3A_12, %dot_general3A_13 {dimension_numbers = #tpu.dot_dimension_numbers<[1], [1], [0], [0], [0, 0, 1, 0], [], []>, transpose_lhs_hint = false} : vector<256x1024xf32>, vector<256x1024xf32>, vector<256x256xf32> -> vector<256x256xf32>
    %logistic3A = arith.negf %dot_general3A_7 : vector<256x256xf32>
    %logistic3A_15 = math.exp %logistic3A : vector<256x256xf32>
    %logistic3A_16 = arith.constant 1.000000e+00 : f32
    %logistic3A_17 = vector.broadcast %logistic3A_16 : f32 to vector<256x256xf32>
    %logistic3A_18 = arith.addf %logistic3A_17, %logistic3A_15 : vector<256x256xf32>
    %logistic3A_19 = arith.divf %logistic3A_17, %logistic3A_18 : vector<256x256xf32>
    %mul3A = arith.mulf %dot_general3A_7, %logistic3A_19 : vector<256x256xf32>
    %mul3A_20 = arith.mulf %mul3A, %dot_general3A_14 : vector<256x256xf32>
    %get3A_21 = arith.constant 0 : index
    %get3A_22 = arith.constant 0 : index
    %get3A_23 = arith.constant 0 : index
    %get3A_24 = vector.load %arg3[%get3A_21, %get3A_22, %get3A_23] : memref<2x1024x256xf32, #tpu.memory_space<vmem>>, vector<1x1024x256xf32>
    %get3A_25 = vector.shape_cast %get3A_24 : vector<1x1024x256xf32> to vector<1024x256xf32>
    %dot_general3A_26 = arith.constant dense<0.000000e+00> : vector<256x1024xf32>
    %dot_general3A_27 = tpu.matmul %mul3A_20, %get3A_25, %dot_general3A_26 {dimension_numbers = #tpu.dot_dimension_numbers<[1], [1], [0], [0], [0, 0, 1, 0], [], []>, transpose_lhs_hint = false} : vector<256x256xf32>, vector<1024x256xf32>, vector<256x1024xf32> -> vector<256x1024xf32>
    %get3A_28 = arith.constant 1 : index
    %get3A_29 = arith.constant 0 : index
    %get3A_30 = arith.constant 0 : index
    %get3A_31 = vector.load %arg2[%get3A_28, %get3A_29, %get3A_30] : memref<2x256x1024xf32, #tpu.memory_space<vmem>>, vector<1x256x1024xf32>
    %get3A_32 = vector.shape_cast %get3A_31 : vector<1x256x1024xf32> to vector<256x1024xf32>
    %dot_general3A_33 = arith.constant dense<0.000000e+00> : vector<256x256xf32>
    %dot_general3A_34 = tpu.matmul %get3A_1, %get3A_32, %dot_general3A_33 {dimension_numbers = #tpu.dot_dimension_numbers<[1], [1], [0], [0], [0, 0, 1, 0], [], []>, transpose_lhs_hint = false} : vector<256x1024xf32>, vector<256x1024xf32>, vector<256x256xf32> -> vector<256x256xf32>
    %get3A_35 = arith.constant 1 : index
    %get3A_36 = arith.constant 0 : index
    %get3A_37 = arith.constant 0 : index
    %get3A_38 = vector.load %arg4[%get3A_35, %get3A_36, %get3A_37] : memref<2x256x1024xf32, #tpu.memory_space<vmem>>, vector<1x256x1024xf32>
    %get3A_39 = vector.shape_cast %get3A_38 : vector<1x256x1024xf32> to vector<256x1024xf32>
    %dot_general3A_40 = arith.constant dense<0.000000e+00> : vector<256x256xf32>
    %dot_general3A_41 = tpu.matmul %get3A_1, %get3A_39, %dot_general3A_40 {dimension_numbers = #tpu.dot_dimension_numbers<[1], [1], [0], [0], [0, 0, 1, 0], [], []>, transpose_lhs_hint = false} : vector<256x1024xf32>, vector<256x1024xf32>, vector<256x256xf32> -> vector<256x256xf32>
    %logistic3A_42 = arith.negf %dot_general3A_34 : vector<256x256xf32>
    %logistic3A_43 = math.exp %logistic3A_42 : vector<256x256xf32>
    %logistic3A_44 = arith.constant 1.000000e+00 : f32
    %logistic3A_45 = vector.broadcast %logistic3A_44 : f32 to vector<256x256xf32>
    %logistic3A_46 = arith.addf %logistic3A_45, %logistic3A_43 : vector<256x256xf32>
    %logistic3A_47 = arith.divf %logistic3A_45, %logistic3A_46 : vector<256x256xf32>
    %mul3A_48 = arith.mulf %dot_general3A_34, %logistic3A_47 : vector<256x256xf32>
    %mul3A_49 = arith.mulf %mul3A_48, %dot_general3A_41 : vector<256x256xf32>
    %get3A_50 = arith.constant 1 : index
    %get3A_51 = arith.constant 0 : index
    %get3A_52 = arith.constant 0 : index
    %get3A_53 = vector.load %arg3[%get3A_50, %get3A_51, %get3A_52] : memref<2x1024x256xf32, #tpu.memory_space<vmem>>, vector<1x1024x256xf32>
    %get3A_54 = vector.shape_cast %get3A_53 : vector<1x1024x256xf32> to vector<1024x256xf32>
    %dot_general3A_55 = arith.constant dense<0.000000e+00> : vector<256x1024xf32>
    %dot_general3A_56 = tpu.matmul %mul3A_49, %get3A_54, %dot_general3A_55 {dimension_numbers = #tpu.dot_dimension_numbers<[1], [1], [0], [0], [0, 0, 1, 0], [], []>, transpose_lhs_hint = false} : vector<256x256xf32>, vector<1024x256xf32>, vector<256x1024xf32> -> vector<256x1024xf32>
    %add3A = arith.addf %dot_general3A_27, %dot_general3A_56 : vector<256x1024xf32>
    %mul3A_57 = arith.constant 5.000000e-01 : f32
    %mul3A_58 = vector.broadcast %mul3A_57 : f32 to vector<256x1024xf32>
    %mul3A_59 = arith.mulf %add3A, %mul3A_58 : vector<256x1024xf32>
    %swap3A = arith.constant 0 : index
    %swap3A_60 = arith.constant 0 : index
    %swap3A_61 = vector.load %arg5[%swap3A, %swap3A_60] : memref<256x1024xf32, #tpu.memory_space<vmem>>, vector<256x1024xf32>
    tpu.vector_store %arg5[%swap3A, %swap3A_60], %mul3A_59 {strides = array<i32>} : memref<256x1024xf32, #tpu.memory_space<vmem>>, vector<256x1024xf32>,
    return
  }
  func.func @transform_0(%arg0: i32) -> (i32, i32) {
    %c0_i32 = arith.constant 0 : i32
    %c0_i32_0 = arith.constant 0 : i32
    return %arg0, %c0_i32 : i32, i32
  }
  func.func @transform_1(%arg0: i32) -> (i32, i32, i32) {
    %c0_i32 = arith.constant 0 : i32
    %c0_i32_0 = arith.constant 0 : i32
    %c0_i32_1 = arith.constant 0 : i32
    %c0_i32_2 = arith.constant 0 : i32
    return %c0_i32, %c0_i32_0, %c0_i32_1 : i32, i32, i32
  }
  func.func @transform_2(%arg0: i32) -> (i32, i32, i32) {
    %c0_i32 = arith.constant 0 : i32
    %c0_i32_0 = arith.constant 0 : i32
    %c0_i32_1 = arith.constant 0 : i32
    %c0_i32_2 = arith.constant 0 : i32
    return %c0_i32, %c0_i32_0, %c0_i32_1 : i32, i32, i32
  }
  func.func @transform_3(%arg0: i32) -> (i32, i32, i32) {
    %c0_i32 = arith.constant 0 : i32
    %c0_i32_0 = arith.constant 0 : i32
    %c0_i32_1 = arith.constant 0 : i32
    %c0_i32_2 = arith.constant 0 : i32
    return %c0_i32, %c0_i32_0, %c0_i32_1 : i32, i32, i32
  }
  func.func @transform_4(%arg0: i32) -> (i32, i32) {
    %c0_i32 = arith.constant 0 : i32
    %c0_i32_0 = arith.constant 0 : i32
    return %arg0, %c0_i32 : i32, i32
  }
}

module attributes {stable_mosaic.version = 14 : i64} {
  func.func @_ffn_body(%arg0: i32, %arg1: memref<128x1xi32, #tpu.memory_space<smem>>, %arg2: memref<128x1xi32, #tpu.memory_space<smem>>, %arg3: memref<1x1xi32, #tpu.memory_space<smem>>, %arg4: memref<256x1024xf32, #tpu.memory_space<vmem>>, %arg5: memref<256x128xf32, #tpu.memory_space<vmem>>, %arg6: memref<1x256x1024xf32, #tpu.memory_space<vmem>>, %arg7: memref<1x256x1024xf32, #tpu.memory_space<vmem>>, %arg8: memref<1x1024x256xf32, #tpu.memory_space<vmem>>, %arg9: memref<256x1024xf32, #tpu.memory_space<vmem>>) attributes {dimension_semantics = [#tpu.dimension_semantics<arbitrary>], iteration_bounds = array<i64: 79>, scalar_prefetch = 3 : i64, scratch_operands = 0 : i64, tpu.core_type = #tpu.core_type<tc>, window_params = [{transform_indices = @transform_0, window_bounds = array<i64: 256, 1024>}, {transform_indices = @transform_1, window_bounds = array<i64: 256, 128>}, {transform_indices = @transform_2, window_bounds = array<i64: 1, 256, 1024>}, {transform_indices = @transform_3, window_bounds = array<i64: 1, 256, 1024>}, {transform_indices = @transform_4, window_bounds = array<i64: 1, 1024, 256>}, {transform_indices = @transform_5, window_bounds = array<i64: 256, 1024>}]} {
    %get3A = arith.index_cast %arg0 : i32 to index
    %get3A_0 = arith.constant 0 : index
    %get3A_1 = memref.load %arg2[%get3A, %get3A_0] : memref<128x1xi32, #tpu.memory_space<smem>>
    %gt3A = arith.constant 0 : i32
    %gt3A_2 = arith.cmpi sgt, %get3A_1, %gt3A : i32
    %convert_element_type3A = arith.extui %gt3A_2 : i1 to i32
    %cond3A = arith.constant 0 : i32
    %cond3A_3 = arith.cmpi ne, %convert_element_type3A, %cond3A : i32
    scf.if %cond3A_3 {
      %get3A_4 = arith.constant 0 : index
      %get3A_5 = arith.constant 0 : index
      %get3A_6 = vector.load %arg4[%get3A_4, %get3A_5] : memref<256x1024xf32, #tpu.memory_space<vmem>>, vector<256x1024xf32>
      %get3A_7 = arith.constant 0 : index
      %get3A_8 = arith.constant 0 : index
      %get3A_9 = arith.constant 0 : index
      %get3A_10 = vector.load %arg6[%get3A_7, %get3A_8, %get3A_9] : memref<1x256x1024xf32, #tpu.memory_space<vmem>>, vector<1x256x1024xf32>
      %get3A_11 = vector.shape_cast %get3A_10 : vector<1x256x1024xf32> to vector<256x1024xf32>
      %dot_general3A = arith.constant dense<0.000000e+00> : vector<256x256xf32>
      %dot_general3A_12 = tpu.matmul %get3A_6, %get3A_11, %dot_general3A {dimension_numbers = #tpu.dot_dimension_numbers<[1], [1], [0], [0], [0, 0, 1, 0], [], []>, transpose_lhs_hint = false} : vector<256x1024xf32>, vector<256x1024xf32>, vector<256x256xf32> -> vector<256x256xf32>
      %get3A_13 = arith.constant 0 : index
      %get3A_14 = arith.constant 0 : index
      %get3A_15 = arith.constant 0 : index
      %get3A_16 = vector.load %arg7[%get3A_13, %get3A_14, %get3A_15] : memref<1x256x1024xf32, #tpu.memory_space<vmem>>, vector<1x256x1024xf32>
      %get3A_17 = vector.shape_cast %get3A_16 : vector<1x256x1024xf32> to vector<256x1024xf32>
      %dot_general3A_18 = arith.constant dense<0.000000e+00> : vector<256x256xf32>
      %dot_general3A_19 = tpu.matmul %get3A_6, %get3A_17, %dot_general3A_18 {dimension_numbers = #tpu.dot_dimension_numbers<[1], [1], [0], [0], [0, 0, 1, 0], [], []>, transpose_lhs_hint = false} : vector<256x1024xf32>, vector<256x1024xf32>, vector<256x256xf32> -> vector<256x256xf32>
      %logistic3A = arith.negf %dot_general3A_12 : vector<256x256xf32>
      %logistic3A_20 = math.exp %logistic3A : vector<256x256xf32>
      %logistic3A_21 = arith.constant 1.000000e+00 : f32
      %logistic3A_22 = vector.broadcast %logistic3A_21 : f32 to vector<256x256xf32>
      %logistic3A_23 = arith.addf %logistic3A_22, %logistic3A_20 : vector<256x256xf32>
      %logistic3A_24 = arith.divf %logistic3A_22, %logistic3A_23 : vector<256x256xf32>
      %mul3A = arith.mulf %dot_general3A_12, %logistic3A_24 : vector<256x256xf32>
      %mul3A_25 = arith.mulf %mul3A, %dot_general3A_19 : vector<256x256xf32>
      %get3A_26 = arith.constant 0 : index
      %get3A_27 = arith.constant 0 : index
      %get3A_28 = arith.constant 0 : index
      %get3A_29 = vector.load %arg8[%get3A_26, %get3A_27, %get3A_28] : memref<1x1024x256xf32, #tpu.memory_space<vmem>>, vector<1x1024x256xf32>
      %get3A_30 = vector.shape_cast %get3A_29 : vector<1x1024x256xf32> to vector<1024x256xf32>
      %dot_general3A_31 = arith.constant dense<0.000000e+00> : vector<256x1024xf32>
      %dot_general3A_32 = tpu.matmul %mul3A_25, %get3A_30, %dot_general3A_31 {dimension_numbers = #tpu.dot_dimension_numbers<[1], [1], [0], [0], [0, 0, 1, 0], [], []>, transpose_lhs_hint = false} : vector<256x256xf32>, vector<1024x256xf32>, vector<256x1024xf32> -> vector<256x1024xf32>
      %get3A_33 = arith.constant 0 : index
      %get3A_34 = arith.constant 0 : index
      %get3A_35 = vector.load %arg5[%get3A_33, %get3A_34] : memref<256x128xf32, #tpu.memory_space<vmem>>, vector<256x1xf32>
      %mul3A_36 = vector.broadcast %get3A_35 : vector<256x1xf32> to vector<256x1024xf32>
      %mul3A_37 = arith.mulf %dot_general3A_32, %mul3A_36 : vector<256x1024xf32>
      %swap3A = arith.constant 0 : index
      %swap3A_38 = arith.constant 0 : index
      %swap3A_39 = vector.load %arg9[%swap3A, %swap3A_38] : memref<256x1024xf32, #tpu.memory_space<vmem>>, vector<256x1024xf32>
      tpu.vector_store %arg9[%swap3A, %swap3A_38], %mul3A_37 {strides = array<i32>} : memref<256x1024xf32, #tpu.memory_space<vmem>>, vector<256x1024xf32>,
    } else {
    }
    return
  }
  func.func @transform_0(%arg0: i32, %arg1: memref<128x1xi32, #tpu.memory_space<smem>>, %arg2: memref<128x1xi32, #tpu.memory_space<smem>>, %arg3: memref<1x1xi32, #tpu.memory_space<smem>>) -> (i32, i32) {
    %get3A = arith.constant 0 : index
    %get3A_0 = arith.constant 0 : index
    %get3A_1 = memref.load %arg3[%get3A, %get3A_0] : memref<1x1xi32, #tpu.memory_space<smem>>
    %sub3A = arith.constant 1 : i32
    %sub3A_2 = arith.subi %get3A_1, %sub3A : i32
    %min3A = arith.minsi %arg0, %sub3A_2 : i32
    %c0_i32 = arith.constant 0 : i32
    %c0_i32_3 = arith.constant 0 : i32
    return %min3A, %c0_i32 : i32, i32
  }
  func.func @transform_1(%arg0: i32, %arg1: memref<128x1xi32, #tpu.memory_space<smem>>, %arg2: memref<128x1xi32, #tpu.memory_space<smem>>, %arg3: memref<1x1xi32, #tpu.memory_space<smem>>) -> (i32, i32) {
    %get3A = arith.constant 0 : index
    %get3A_0 = arith.constant 0 : index
    %get3A_1 = memref.load %arg3[%get3A, %get3A_0] : memref<1x1xi32, #tpu.memory_space<smem>>
    %sub3A = arith.constant 1 : i32
    %sub3A_2 = arith.subi %get3A_1, %sub3A : i32
    %min3A = arith.minsi %arg0, %sub3A_2 : i32
    %c0_i32 = arith.constant 0 : i32
    %c0_i32_3 = arith.constant 0 : i32
    return %min3A, %c0_i32 : i32, i32
  }
  func.func @transform_2(%arg0: i32, %arg1: memref<128x1xi32, #tpu.memory_space<smem>>, %arg2: memref<128x1xi32, #tpu.memory_space<smem>>, %arg3: memref<1x1xi32, #tpu.memory_space<smem>>) -> (i32, i32, i32) {
    %get3A = arith.index_cast %arg0 : i32 to index
    %get3A_0 = arith.constant 0 : index
    %get3A_1 = memref.load %arg1[%get3A, %get3A_0] : memref<128x1xi32, #tpu.memory_space<smem>>
    %c0_i32 = arith.constant 0 : i32
    %c0_i32_2 = arith.constant 0 : i32
    %c0_i32_3 = arith.constant 0 : i32
    return %get3A_1, %c0_i32, %c0_i32_2 : i32, i32, i32
  }
  func.func @transform_3(%arg0: i32, %arg1: memref<128x1xi32, #tpu.memory_space<smem>>, %arg2: memref<128x1xi32, #tpu.memory_space<smem>>, %arg3: memref<1x1xi32, #tpu.memory_space<smem>>) -> (i32, i32, i32) {
    %get3A = arith.index_cast %arg0 : i32 to index
    %get3A_0 = arith.constant 0 : index
    %get3A_1 = memref.load %arg1[%get3A, %get3A_0] : memref<128x1xi32, #tpu.memory_space<smem>>
    %c0_i32 = arith.constant 0 : i32
    %c0_i32_2 = arith.constant 0 : i32
    %c0_i32_3 = arith.constant 0 : i32
    return %get3A_1, %c0_i32, %c0_i32_2 : i32, i32, i32
  }
  func.func @transform_4(%arg0: i32, %arg1: memref<128x1xi32, #tpu.memory_space<smem>>, %arg2: memref<128x1xi32, #tpu.memory_space<smem>>, %arg3: memref<1x1xi32, #tpu.memory_space<smem>>) -> (i32, i32, i32) {
    %get3A = arith.index_cast %arg0 : i32 to index
    %get3A_0 = arith.constant 0 : index
    %get3A_1 = memref.load %arg1[%get3A, %get3A_0] : memref<128x1xi32, #tpu.memory_space<smem>>
    %c0_i32 = arith.constant 0 : i32
    %c0_i32_2 = arith.constant 0 : i32
    %c0_i32_3 = arith.constant 0 : i32
    return %get3A_1, %c0_i32, %c0_i32_2 : i32, i32, i32
  }
  func.func @transform_5(%arg0: i32, %arg1: memref<128x1xi32, #tpu.memory_space<smem>>, %arg2: memref<128x1xi32, #tpu.memory_space<smem>>, %arg3: memref<1x1xi32, #tpu.memory_space<smem>>) -> (i32, i32) {
    %get3A = arith.constant 0 : index
    %get3A_0 = arith.constant 0 : index
    %get3A_1 = memref.load %arg3[%get3A, %get3A_0] : memref<1x1xi32, #tpu.memory_space<smem>>
    %sub3A = arith.constant 1 : i32
    %sub3A_2 = arith.subi %get3A_1, %sub3A : i32
    %min3A = arith.minsi %arg0, %sub3A_2 : i32
    %c0_i32 = arith.constant 0 : i32
    %c0_i32_3 = arith.constant 0 : i32
    return %min3A, %c0_i32 : i32, i32
  }
}

</mosaic_0001>

<sc_bundles>
// kernel: kernel.10.cloned.1.call-start
scs
__scs_entry_jumppad:
0x0: {  	(pc) =	sbr.rel $0x88, $3  }
0x1: {  	(tag) =	ssettag $0x0;
	lr =	simm.s32 $0x1  }
0x2: {  	[smem:$0x3F98] =	sst lr;
	_ =	strace $0xD0000000  }
0x3: {  	_ = 	snop  }
0x4: {  	_ = 	snop  }
0x5: {  	_ = 	snop  }
0x6: {  	_ = 	snop  }
0x7: {  	_ = 	snop  }
__scs_overlays_trampoline_lowered:
0x8: {  	[smem:$0x3FA7] =	sst s0  }
0x9: {  	[smem:$0x3FA8] =	sst s1  }
0xa: {  	[smem:$0x3FA9] =	sst s2  }
0xb: {  	[smem:$0x3FAA] =	sst s3  }
0xc: {  	[smem:$0x3FAB] =	sst s4  }
0xd: {  	[smem:$0x3FAC] =	sst s5  }
0xe: {  	[smem:$0x3FAD] =	sst s6  }
0xf: {  	[smem:$0x3FAE] =	sst s7  }
0x10: {  	[smem:$0x3FAF] =	sst s8  }
0x11: {  	[smem:$0x3FB0] =	sst s9;
	s0 =	simm.s32 @!p0 $0x0  }
0x12: {  	s1 =	sld [smem:$0x3F96];
	s0 =	simm.s32 @p0 $0x1  }
0x13: {  	[smem:$0x3FB1] =	sst s0;
	s0 =	simm.s32 @!p1 $0x0  }
0x14: {  	s2 =	sld [smem:$0x3F95];
	s0 =	simm.s32 @p1 $0x1  }
0x15: {  	[smem:$0x3FB2] =	sst s0;
	s0 =	simm.s32 @!p2 $0x0  }
0x16: {  	s3 =	sld [smem:$0x3FDB];
	s0 =	simm.s32 @p2 $0x1  }
0x17: {  	s4 =	simm.s32 $0x1BF5;
	[smem:$0x3FB4] =	sst s0  }
0x18: {  	s0 =	sld [smem:$0x3F97];
	_ =	swait.ge [sflag:s4], $0x0  }
0x19: {  	s7 =	sld [smem:$0x3F98]  }
0x1a: {  	s8 =	sadd.s32 $0xFFFFE003, lr  }
0x1b: {  	s9 =	sadd.s32 $0xFFFFFEF7, lr;
	s5 =	simm.s32 $0xFFFFFFFF;
	p2 =	slt.u32 s8, $0xFFFFF086  }
0x1c: {  	p1 =	slt.u32 s9, $0xF7A;
	s5 =	simm.s32 @!p2 $0x0  }
0x1d: {  	s5 =	simm.s32 @p1 $0x1;
	p0 =	seq.s32 s7, s2  }
0x1e: {  	s7 =	smul.u32 @!p0 $0xF7A, s2;
	p2 =	seq.s32 @!p0 s5, $0x0  }
0x1f: {  	s9 =	smul.u32 $0xF7A, s1;
	s8 =	simm.s32 @!p0 $0x1BF5;
	p2 =	por !p2, p0  }
0x20: {  	[sflag:s8] =	ssyncset.s32 @!p0 $0xFFFFF086;
	s6 =	sadd.s32 @!p0 s3, s7;
	s7 =	simm.s32 @!p0 $0x108  }
0x21: {  	s3 =	sadd.s32 s3, s9;
	s6 =	sadd.s32 @!p0 $0x88, s6;
	s7 =	simm.s32 @p2 $0x1082  }
0x22: {  	[simem:s7], [sflag:s8] =	dma.local @!p0 [hbm:s6], $0xF7A  }
0x23: {  	s9 =	sor.u32 $0xD0000000, s2;
	s6 =	simm.s32 $0x108;
	_ =	swait.ge @!p0 [sflag:s8], $0x0  }
0x24: {  	s3 =	sadd.s32 $0x88, s3;
	s6 =	simm.s32 @!p1 $0x1082;
	[sflag:s4] =	ssyncset.s32 $0xFFFFF086  }
0x25: {  	[simem:s6], [sflag:s4] =	dma.local [hbm:s3], $0xF7A  }
0x26: {  	[smem:$0x3F98] =	sst s1;
	(tag) =	ssettag s2;
	_ =	strace s9  }
0x27: {  	s1 =	sld [smem:$0x3FA8]  }
0x28: {  	s2 =	sld [smem:$0x3FA9]  }
0x29: {  	s4 =	sld [smem:$0x3FAB]  }
0x2a: {  	p0 =	seq.s32 s5, $0x0;
	s5 =	sld [smem:$0x3FAC]  }
0x2b: {  	s6 =	sld [smem:$0x3FAD]  }
0x2c: {  	s7 =	sld [smem:$0x3FAE]  }
0x2d: {  	s3 =	simm.s32 $0x108;
	s8 =	sld [smem:$0x3FAF]  }
0x2e: {  	s3 =	simm.s32 @!p0 $0x1082;
	s9 =	sld [smem:$0x3FB0]  }
0x2f: {  	lr =	sadd.s32 s0, s3;
	s0 =	sld [smem:$0x3FA7]  }
0x30: {  	s3 =	sld [smem:$0x3FAA]  }
0x31: {  	[smem:$0x3FB3] =	sst s10  }
0x32: {  	s10 =	sld [smem:$0x3FB1];
	_ =	sdelay $0x3  }
0x33: {  	p0 =	seq.s32 s10, $0x1;
	s10 =	sld [smem:$0x3FB3];
	_ =	sdelay $0x3  }
0x34: {  	[smem:$0x3FB3] =	sst s10  }
0x35: {  	s10 =	sld [smem:$0x3FB2];
	_ =	sdelay $0x3  }
0x36: {  	p1 =	seq.s32 s10, $0x1;
	s10 =	sld [smem:$0x3FB3];
	_ =	sdelay $0x3  }
0x37: {  	[smem:$0x3FB3] =	sst s10  }
0x38: {  	s10 =	sld [smem:$0x3FB4]  }
0x39: {  	_ = 	snop;
	(pc) =	sbr.ind lr, $3  }
0x3a: {  	_ = 	snop  }
0x3b: {  	_ = 	snop  }
0x3c: {  	p2 =	seq.s32 s10, $0x1;
	s10 =	sld [smem:$0x3FB3]  }
0x3d: {  	_ =	shalt  }
0x3e: {  	_ =	shalt  }
0x3f: {  	_ =	shalt  }
0x40: {  	_ =	shalt  }
0x41: {  	_ =	shalt  }
0x42: {  	_ =	shalt  }
0x43: {  	_ =	shalt  }
0x44: {  	_ =	shalt  }
0x45: {  	_ =	shalt  }
0x46: {  	_ =	shalt  }
0x47: {  	_ =	shalt  }
0x48: {  	_ =	shalt  }
0x49: {  	_ =	shalt  }
0x4a: {  	_ =	shalt  }
0x4b: {  	_ =	shalt  }
0x4c: {  	_ =	shalt  }
0x4d: {  	_ =	shalt  }
0x4e: {  	_ =	shalt  }
0x4f: {  	_ =	shalt  }
0x50: {  	_ =	shalt  }
0x51: {  	_ =	shalt  }
0x52: {  	_ =	shalt  }
0x53: {  	_ =	shalt  }
0x54: {  	_ =	shalt  }
0x55: {  	_ =	shalt  }
0x56: {  	_ =	shalt  }
0x57: {  	_ =	shalt  }
0x58: {  	_ =	shalt  }
0x59: {  	_ =	shalt  }
0x5a: {  	_ =	shalt  }
0x5b: {  	_ =	shalt  }
0x5c: {  	_ =	shalt  }
0x5d: {  	_ =	shalt  }
0x5e: {  	_ =	shalt  }
0x5f: {  	_ =	shalt  }
0x60: {  	_ =	shalt  }
0x61: {  	_ =	shalt  }
0x62: {  	_ =	shalt  }
0x63: {  	_ =	shalt  }
0x64: {  	_ =	shalt  }
0x65: {  	_ =	shalt  }
0x66: {  	_ =	shalt  }
0x67: {  	_ =	shalt  }
0x68: {  	_ =	shalt  }
0x69: {  	_ =	shalt  }
0x6a: {  	_ =	shalt  }
0x6b: {  	_ =	shalt  }
0x6c: {  	_ =	shalt  }
0x6d: {  	_ =	shalt  }
0x6e: {  	_ =	shalt  }
0x6f: {  	_ =	shalt  }
0x70: {  	_ =	shalt  }
0x71: {  	_ =	shalt  }
0x72: {  	_ =	shalt  }
0x73: {  	_ =	shalt  }
0x74: {  	_ =	shalt  }
0x75: {  	_ =	shalt  }
0x76: {  	_ =	shalt  }
0x77: {  	_ =	shalt  }
0x78: {  	_ =	shalt  }
0x79: {  	_ =	shalt  }
0x7a: {  	_ =	shalt  }
0x7b: {  	_ =	shalt  }
0x7c: {  	_ =	shalt  }
0x7d: {  	_ =	shalt  }
0x7e: {  	_ =	shalt  }
0x7f: {  	_ =	shalt  }
0x80: {  	_ =	shalt  }
0x81: {  	_ =	shalt  }
0x82: {  	_ =	shalt  }
0x83: {  	_ =	shalt  }
0x84: {  	_ =	shalt  }
0x85: {  	_ =	shalt  }
0x86: {  	_ =	shalt  }
0x87: {  	_ =	shalt  }
.Lfunc_end0:
.L_simem_size_0:
called_computation.1_lowered:
.L_overlay_start_0:
0x88: {  	s2 =	sld [smem:$0x3FD9]  }
0x89: {  	s3 =	sld [smem:$0x3FFE];
	_ =	sdelay $0x1  }
0x8a: {  	s1 =	srdreg.scid  }
0x8b: {  	s0 =	sand.u32 $0x1, s1  }
0x8c: {  	s14 =	sshll.u32 s0, $0xA;
	s2 =	sadd.s32 s3, s2  }
0x8d: {  	s2 =	sadd.s32 s2, s14  }
0x8e: {  	[smem:$0x3FBF] =	sst s2  }
0x8f: {  	_ = 	snop  }
0x90: {  	s2 =	sld [smem:$0x3FD0];
	_ =	sdelay $0x2  }
0x91: {  	s15 =	simm.s32 $0xA;
	s4 =	simm.s32 $0x10  }
0x92: {  	[smem:s4], [sflag:s15] =	dma.local [hbm:s2], $0x1  }
0x93: {  	_ =	swait.eq [sflag:s15], $0x1  }
0x94: {  	[sflag:s15] =	ssyncset.done $0x0  }
0x95: {  	[sflag:s15] =	ssyncadd.s32 $0xFFFFFFFF  }
0x96: {  	s16 =	sld [smem:$0x10];
	(tm) =	ssettm $0x1  }
0x97: {  	s17 =	sld [smem:$0x3FFB];
	_ =	sdelay $0x3  }
0x98: {  	_ =	strace s17  }
0x99: {  	s3 =	sld [smem:$0x3FFC];
	_ =	sdelay $0x3  }
0x9a: {  	_ =	strace s3  }
0x9b: {  	s3 =	sld [smem:$0x3FFD];
	_ =	sdelay $0x3  }
0x9c: {  	_ =	strace s3  }
0x9d: {  	_ =	strace $0x8FFFFFFF  }
0x9e: {  	s18 =	sld [smem:$0x3FDB];
	_ =	sdelay $0x1  }
0x9f: {  	s19 =	simm.s32 $_scs_section_size  }
0xa0: {  	s5 =	simm.s32 $_size__tile_overlayer_lowered;
	s6 =	simm.s32 $_tile_overlayer_lowered  }
0xa1: {  	s22 =	simm.s32 $0x1BFF;
	s21 =	sshll.u32 s6, $0x1;
	s3 =	sadd.s32 s19, s18  }
0xa2: {  	s7 =	simm.s32 $0x0;
	s20 =	sshll.u32 s5, $0x1;
	s5 =	sadd.s32 s21, s3  }
0xa3: {  	[timem:s7], [sflag:s22] =	dma.local [hbm:s5], s20  }
0xa4: {  	_ =	swait.ge [sflag:s22], s20  }
0xa5: {  	s4 =	ssub.s32 $0x0, s20;
	[sflag:s22] =	ssyncset.done $0x0  }
0xa6: {  	[sflag:s22] =	ssyncadd.s32 s4;
	_ =	sdelay $0x1  }
0xa7: {  	s23 =	simm.s32 $0x1B8B  }
0xa8: {  	_ =	swait.ge [sflag:s23], $0x1  }
0xa9: {  	[sflag:s23] =	ssyncset.done $0x0  }
0xaa: {  	s25 =	simm.s32 $0x1B8E;
	s24 =	sld [smem:$0x3FFE];
	[sflag:s23] =	ssyncadd.s32 $0xFFFFFFFF  }
0xab: {  	s26 =	simm.s32 $execute0_lowered;
	[smem:$0x3FD2] =	sst s25  }
0xac: {  	s5 =	sshll.u32 s26, $0x1;
	_ =	strace $0x80000049;
	[dreg:$0x1] =	wrdreg $0xFFFFFFFF  }
0xad: {  	s28 =	simm.s32 $_size_execute0_lowered;
	s3 =	sadd.s32 s3, s5;
	[dreg:$0x0] =	wrdreg $0x0  }
0xae: {  	s5 =	sshll.u32 s28, $0x1;
	[dreg:$0x2] =	wrdreg s3  }
0xaf: {  	[dreg:$0x3] =	wrdreg s5  }
0xb0: {  	[dreg:$0x4] =	wrdreg $0xC0  }
0xb1: {  	_ =	task [dreg:s7], $0x5FFFF  }
0xb2: {  	[dreg:$0x1] =	wrdreg $0xFFFFFFFF  }
0xb3: {  	[dreg:$0x0] =	wrdreg $0x60  }
0xb4: {  	[dreg:$0x2] =	wrdreg s24  }
0xb5: {  	[dreg:$0x3] =	wrdreg s16  }
0xb6: {  	[dreg:$0x4] =	wrdreg $0x9  }
0xb7: {  	_ =	task.clear_ibuf [dreg:s7], $0x5FFFF;
	_ =	strace $0x90000049  }
0xb8: {  	s29 =	simm.s32 $0x9;
	_ =	strace $0x8000004B  }
0xb9: {  	_ =	swait.ge [sflag:s29], $0x1  }
0xba: {  	[sflag:s29] =	ssyncadd.s32 $0xFFFFFFFF  }
0xbb: {  	_ =	strace $0x9000004B  }
0xbc: {  	_ =	sfence  }
0xbd: {  	s30 =	sld [smem:$0x0];
	_ =	sdelay $0x2  }
0xbe: {  	s31 =	sshll.u32 s1, $0xD;
	s1 =	sshrl.u32 s1, $0x2  }
0xbf: {  	s3 =	sand.u32 $0x4000, s31;
	s1 =	sadd.s32 s1, s30  }
0xc0: {  	s0 =	sor.u32 s3, s0;
	s1 =	sshll.u32 s1, $0x11  }
0xc1: {  	s0 =	sor.u32 s1, s0  }
0xc2: {  	s0 =	sadd.s32 $0x8F2B, s0  }
0xc3: {  	[sflag:s0] =	ssyncadd.remote.s32 $0x1  }
0xc4: {  	_ =	sfence.sel $0xFFFF  }
0xc5: {  	[dreg:$0x0] =	wrdreg $0xFFFFFFFF;
	(pc) =	sbr.abs _section_cstart, $3  }
0xc6: {  	[dreg:$0x1] =	wrdreg $0xFFFFFFFF  }
0xc7: {  	_ =	task.clear_ibuf [dreg:s7], $0x2FFFF;
	_ =	strace $0x9FFFFFFF  }
0xc8: {  	(tm) =	ssettm $0x7FFFFFFF  }
0xc9: {  	_ =	shalt  }
tec
execute0_lowered:
.L_overlay_start_1:
0x0: {  	(tag) =	ssettag $0x1  }
0x1: {  	s0 =	rddreg [dreg:$0x0]  }
0x2: {  	s1 =	rddreg [dreg:$0x1];
	s2 =	simm.s32 $0x0  }
0x3: {  	s3 =	srdreg.scid;
	s5 =	stileid.u32;
	s13 =	simm.s32 $0x2  }
0x4: {  	s14 =	simm.s32 $0x100;
	s15 =	simm.s32 $0x11100;
	s16 =	simm.s32 $0x11900  }
0x5: {  	s17 =	simm.s32 $0x12100;
	s18 =	simm.s32 $0x12900;
	s19 =	simm.s32 $0x13900  }
0x6: {  	s20 =	simm.s32 $0x14100;
	s21 =	simm.s32 $0x15100;
	s22 =	simm.s32 $0x15900  }
0x7: {  	s23 =	simm.s32 $0x16100;
	s24 =	simm.s32 $0x16900;
	s25 =	simm.s32 $0x17900  }
0x8: {  	s10 =	simm.s32 $0x0;
	[smem:$0x7FF] =	sst s2;
	s4 =	sand.u32 $0x1, s3  }
0x9: {  	s26 =	sshll.u32 s5, $0x1;
	s3 =	sadd.s32 $0x311000, s0;
	s9 =	sadd.s32 $0x2D0C00, s0  }
0xa: {  	s8 =	sadd.s32 $0x311300, s0;
	_ =	strace $0x8000004A;
	s5 =	sor.u32 s4, s26  }
0xb: {  	s4 =	ssub.s32 $0x2, s4;
	s26 =	simm.s32 $0x1;
	s6 =	sshll.u32 s5, $0x5  }
0xc: {  	s7 =	sshrl.u32 s4, $0x1;
	s5 =	sshll.u32 s5, $0xD;
	s6 =	sadd.s32 s6, s0  }
0xd: {  	s4 =	ssub.s32 s4, s7;
	s28 =	sadd.s32 s9, s5;
	s7 =	sadd.s32 $0x311200, s0  }
0xe: {  	s29 =	sadd.s32 s1, s5;
	s30 =	sor.u32 $0x1000, s5;
	[dreg:$0x4] =	wrdreg s28  }
0xf: {  	s6 =	sadd.s32 $0x310C00, s6;
	[dreg:$0x5] =	wrdreg s29;
	s5 =	sadd.s32 s9, s30  }
0x10: {  	s31 =	smax.u32 s4, $0x1;
	s4 =	simm.s32 $0x13100;
	[dreg:$0x3] =	wrdreg s6  }
0x11: {  	v2 =	vlaneseq.u32;
	s9 =	simm.s32 $0x17100;
	s6 =	sadd.s32 $0x311100, s0;
	[dreg:$0x6] =	wrdreg s5  }
0x12: {  	vm0 =	vmmov $0xffff;
	v1 =	vshrl.u32 v2, $0x3;
	s0 =	sadd.s32 s1, s30;
	[dreg:$0x8] =	wrdreg s31;
	s1 =	simm.s32 $0x10900  }
0x13: {  	v0 =	vand.u32 $0x7, v2;
	v2 =	vor.u32 $0x8, v2;
	v1 =	vmul.u32 $0x8, v1;
	s5 =	simm.s32 $0x14900;
	[dreg:$0x7] =	wrdreg s0;
	s0 =	simm.s32 $0x10100  }
.LBB2_1:
0x14: {  	s11 =	rddreg [dreg:$0x3]  }
0x15: {  	[tilespmem:s2], [sflag:$0x2] =	stream.linear.gather [hbm4b:s11+s2], $0x100, $0x38;
	[tilespmem:$0x18100] =	vst v63  }
0x16: {  	_ =	swait.ge [sflag:s13], $0x100  }
0x17: {  	[sflag:s13] =	ssyncset.done $0x0  }
0x18: {  	s30 =	rddreg [dreg:$0x4];
	[sflag:s13] =	ssyncadd.s32 $0xFFFFFF00  }
0x19: {  	[tilespmem:s14], [sflag:$0x2] =	stream.linear.gather [hbm4b:s30+s2], $0x8000, $0x38;
	[tilespmem:$0x18100] =	vst v63  }
0x1a: {  	_ =	swait.ge [sflag:s13], $0x8000  }
0x1b: {  	[sflag:s13] =	ssyncset.done $0x0  }
0x1c: {  	[sflag:s13] =	ssyncadd.s32 $0xFFFF8000  }
0x1d: {  	v3 =	vld [tilespmem:$0x0];
	_ =	sdelay $0x4  }
0x1e: {  	v4 =	vshll.u32 v3, $0x3  }
0x1f: {  	v3 =	vand.u32 $0x7, v3;
	v4 =	vand.u32 $0xFFFFFFC0, v4  }
0x20: {  	v3 =	vor.u32 v3, v4  }
0x21: {  	v4 =	vperm.xlane v3, v0;
	_ =	sdelay $0x1  }
0x22: {  	v4 =	vadd.s32 v1, v4;
	_ =	sdelay $0x3  }
0x23: {  	s31 =	simm.s32 $0x8100  }
0x24: {  	[tilespmem:s31], [sflag:$0x1] =	stream.indirect_vreg.gather [hbm4b:s3+s2], $0x80, v4, vm0, $0xb8;
	[tilespmem:$0x18100] =	vst v63  }
0x25: {  	s12 =	simm.s32 $0x8900;
	v3 =	vperm.xlane v3, v2  }
0x26: {  	[tilespmem:s12], [sflag:$0x1] =	stream.indirect_vreg.gather [hbm4b:s6+s2], $0x80, v4, vm0, $0xb8;
	[tilespmem:$0x18100] =	vst v63  }
0x27: {  	s30 =	simm.s32 $0x9100;
	v3 =	vadd.s32 v1, v3  }
0x28: {  	[tilespmem:s30], [sflag:$0x1] =	stream.indirect_vreg.gather [hbm4b:s7+s2], $0x80, v4, vm0, $0xb8;
	[tilespmem:$0x18100] =	vst v63  }
0x29: {  	s31 =	simm.s32 $0x9900  }
0x2a: {  	[tilespmem:s31], [sflag:$0x1] =	stream.indirect_vreg.gather [hbm4b:s8+s2], $0x80, v4, vm0, $0xb8;
	[tilespmem:$0x18100] =	vst v63  }
0x2b: {  	s12 =	simm.s32 $0xA100  }
0x2c: {  	[tilespmem:s12], [sflag:$0x1] =	stream.indirect_vreg.gather [hbm4b:s3+s2], $0x80, v3, vm0, $0xb8;
	[tilespmem:$0x18100] =	vst v63  }
0x2d: {  	s30 =	simm.s32 $0xA900  }
0x2e: {  	[tilespmem:s30], [sflag:$0x1] =	stream.indirect_vreg.gather [hbm4b:s6+s2], $0x80, v3, vm0, $0xb8;
	[tilespmem:$0x18100] =	vst v63  }
0x2f: {  	s31 =	simm.s32 $0xB100  }
0x30: {  	[tilespmem:s31], [sflag:$0x1] =	stream.indirect_vreg.gather [hbm4b:s7+s2], $0x80, v3, vm0, $0xb8;
	[tilespmem:$0x18100] =	vst v63  }
0x31: {  	s12 =	simm.s32 $0xB900  }
0x32: {  	[tilespmem:s12], [sflag:$0x1] =	stream.indirect_vreg.gather [hbm4b:s8+s2], $0x80, v3, vm0, $0xb8;
	[tilespmem:$0x18100] =	vst v63  }
0x33: {  	v3 =	vld [tilespmem:$0x10];
	_ =	sdelay $0x4  }
0x34: {  	v61 =	vshll.u32 v3, $0x3  }
0x35: {  	v3 =	vand.u32 $0x7, v3;
	v4 =	vand.u32 $0xFFFFFFC0, v61  }
0x36: {  	v3 =	vor.u32 v3, v4  }
0x37: {  	v4 =	vperm.xlane v3, v0;
	_ =	sdelay $0x1  }
0x38: {  	v4 =	vadd.s32 v1, v4;
	_ =	sdelay $0x3  }
0x39: {  	s30 =	simm.s32 $0xC100  }
0x3a: {  	[tilespmem:s30], [sflag:$0x1] =	stream.indirect_vreg.gather [hbm4b:s3+s2], $0x80, v4, vm0, $0xb8;
	[tilespmem:$0x18100] =	vst v63  }
0x3b: {  	s31 =	simm.s32 $0xC900;
	v3 =	vperm.xlane v3, v2  }
0x3c: {  	[tilespmem:s31], [sflag:$0x1] =	stream.indirect_vreg.gather [hbm4b:s6+s2], $0x80, v4, vm0, $0xb8;
	[tilespmem:$0x18100] =	vst v63  }
0x3d: {  	s12 =	simm.s32 $0xD100;
	v3 =	vadd.s32 v1, v3  }
0x3e: {  	[tilespmem:s12], [sflag:$0x1] =	stream.indirect_vreg.gather [hbm4b:s7+s2], $0x80, v4, vm0, $0xb8;
	[tilespmem:$0x18100] =	vst v63  }
0x3f: {  	s30 =	simm.s32 $0xD900  }
0x40: {  	[tilespmem:s30], [sflag:$0x1] =	stream.indirect_vreg.gather [hbm4b:s8+s2], $0x80, v4, vm0, $0xb8;
	[tilespmem:$0x18100] =	vst v63  }
0x41: {  	s31 =	simm.s32 $0xE100  }
0x42: {  	[tilespmem:s31], [sflag:$0x1] =	stream.indirect_vreg.gather [hbm4b:s3+s2], $0x80, v3, vm0, $0xb8;
	[tilespmem:$0x18100] =	vst v63  }
0x43: {  	s12 =	simm.s32 $0xE900  }
0x44: {  	[tilespmem:s12], [sflag:$0x1] =	stream.indirect_vreg.gather [hbm4b:s6+s2], $0x80, v3, vm0, $0xb8;
	[tilespmem:$0x18100] =	vst v63  }
0x45: {  	s30 =	simm.s32 $0xF100  }
0x46: {  	[tilespmem:s30], [sflag:$0x1] =	stream.indirect_vreg.gather [hbm4b:s7+s2], $0x80, v3, vm0, $0xb8;
	[tilespmem:$0x18100] =	vst v63  }
0x47: {  	s31 =	simm.s32 $0xF900  }
0x48: {  	[tilespmem:s31], [sflag:$0x1] =	stream.indirect_vreg.gather [hbm4b:s8+s2], $0x80, v3, vm0, $0xb8;
	[tilespmem:$0x18100] =	vst v63  }
0x49: {  	v3 =	vld [tilespmem:$0x20];
	_ =	sdelay $0x4  }
0x4a: {  	v62 =	vshll.u32 v3, $0x3  }
0x4b: {  	v3 =	vand.u32 $0x7, v3;
	v4 =	vand.u32 $0xFFFFFFC0, v62  }
0x4c: {  	v3 =	vor.u32 v3, v4  }
0x4d: {  	v4 =	vperm.xlane v3, v0;
	_ =	sdelay $0x1  }
0x4e: {  	v4 =	vadd.s32 v1, v4;
	_ =	sdelay $0x4  }
0x4f: {  	[tilespmem:s0], [sflag:$0x1] =	stream.indirect_vreg.gather [hbm4b:s3+s2], $0x80, v4, vm0, $0xb8;
	[tilespmem:$0x18100] =	vst v63  }
0x50: {  	v3 =	vperm.xlane v3, v2  }
0x51: {  	[tilespmem:s1], [sflag:$0x1] =	stream.indirect_vreg.gather [hbm4b:s6+s2], $0x80, v4, vm0, $0xb8;
	[tilespmem:$0x18100] =	vst v63  }
0x52: {  	v3 =	vadd.s32 v1, v3  }
0x53: {  	[tilespmem:s15], [sflag:$0x1] =	stream.indirect_vreg.gather [hbm4b:s7+s2], $0x80, v4, vm0, $0xb8;
	[tilespmem:$0x18100] =	vst v63  }
0x54: {  	_ = 	snop  }
0x55: {  	[tilespmem:s16], [sflag:$0x1] =	stream.indirect_vreg.gather [hbm4b:s8+s2], $0x80, v4, vm0, $0xb8;
	[tilespmem:$0x18100] =	vst v63  }
0x56: {  	_ = 	snop  }
0x57: {  	[tilespmem:s17], [sflag:$0x1] =	stream.indirect_vreg.gather [hbm4b:s3+s2], $0x80, v3, vm0, $0xb8;
	[tilespmem:$0x18100] =	vst v63  }
0x58: {  	_ = 	snop  }
0x59: {  	[tilespmem:s18], [sflag:$0x1] =	stream.indirect_vreg.gather [hbm4b:s6+s2], $0x80, v3, vm0, $0xb8;
	[tilespmem:$0x18100] =	vst v63  }
0x5a: {  	_ = 	snop  }
0x5b: {  	[tilespmem:s4], [sflag:$0x1] =	stream.indirect_vreg.gather [hbm4b:s7+s2], $0x80, v3, vm0, $0xb8;
	[tilespmem:$0x18100] =	vst v63  }
0x5c: {  	_ = 	snop  }
0x5d: {  	[tilespmem:s19], [sflag:$0x1] =	stream.indirect_vreg.gather [hbm4b:s8+s2], $0x80, v3, vm0, $0xb8;
	[tilespmem:$0x18100] =	vst v63  }
0x5e: {  	v3 =	vld [tilespmem:$0x30];
	_ =	sdelay $0x4  }
0x5f: {  	v63 =	vshll.u32 v3, $0x3  }
0x60: {  	v3 =	vand.u32 $0x7, v3;
	v4 =	vand.u32 $0xFFFFFFC0, v63  }
0x61: {  	v3 =	vor.u32 v3, v4  }
0x62: {  	v4 =	vperm.xlane v3, v0;
	_ =	sdelay $0x1  }
0x63: {  	v4 =	vadd.s32 v1, v4;
	_ =	sdelay $0x4  }
0x64: {  	[tilespmem:s20], [sflag:$0x1] =	stream.indirect_vreg.gather [hbm4b:s3+s2], $0x80, v4, vm0, $0xb8;
	[tilespmem:$0x18100] =	vst v63  }
0x65: {  	v3 =	vperm.xlane v3, v2  }
0x66: {  	[tilespmem:s5], [sflag:$0x1] =	stream.indirect_vreg.gather [hbm4b:s6+s2], $0x80, v4, vm0, $0xb8;
	[tilespmem:$0x18100] =	vst v63  }
0x67: {  	v3 =	vadd.s32 v1, v3  }
0x68: {  	[tilespmem:s21], [sflag:$0x1] =	stream.indirect_vreg.gather [hbm4b:s7+s2], $0x80, v4, vm0, $0xb8;
	[tilespmem:$0x18100] =	vst v63  }
0x69: {  	_ = 	snop  }
0x6a: {  	[tilespmem:s22], [sflag:$0x1] =	stream.indirect_vreg.gather [hbm4b:s8+s2], $0x80, v4, vm0, $0xb8;
	[tilespmem:$0x18100] =	vst v63  }
0x6b: {  	_ = 	snop  }
0x6c: {  	[tilespmem:s23], [sflag:$0x1] =	stream.indirect_vreg.gather [hbm4b:s3+s2], $0x80, v3, vm0, $0xb8;
	[tilespmem:$0x18100] =	vst v63  }
0x6d: {  	_ = 	snop  }
0x6e: {  	[tilespmem:s24], [sflag:$0x1] =	stream.indirect_vreg.gather [hbm4b:s6+s2], $0x80, v3, vm0, $0xb8;
	[tilespmem:$0x18100] =	vst v63  }
0x6f: {  	_ = 	snop  }
0x70: {  	[tilespmem:s9], [sflag:$0x1] =	stream.indirect_vreg.gather [hbm4b:s7+s2], $0x80, v3, vm0, $0xb8;
	[tilespmem:$0x18100] =	vst v63  }
0x71: {  	_ = 	snop  }
0x72: {  	[tilespmem:s25], [sflag:$0x1] =	stream.indirect_vreg.gather [hbm4b:s8+s2], $0x80, v3, vm0, $0xb8;
	[tilespmem:$0x18100] =	vst v63  }
0x73: {  	_ =	swait.ge [sflag:s26], $0x10000  }
0x74: {  	s28 =	simm.s32 $0x0;
	[sflag:s26] =	ssyncset.done $0x0  }
0x75: {  	s29 =	simm.s32 $0x0;
	s11 =	simm.s32 $0x0;
	[sflag:s26] =	ssyncadd.s32 $0xFFFF0000  }
.LBB2_2:
0x76: {  	s30 =	sand.u32 $0x6000, s29;
	s12 =	sand.u32 $0x380, s11  }
0x77: {  	s12 =	sor.u32 s12, s30  }
0x78: {  	v3 =	vld [tilespmem:s12+$0x100]  }
0x79: {  	v4 =	vld [tilespmem:s12+$0x8100]  }
0x7a: {  	v5 =	vld [tilespmem:s12+$0x10100]  }
0x7b: {  	v6 =	vld [tilespmem:s12+$0x110]  }
0x7c: {  	v7 =	vld [tilespmem:s12+$0x8110]  }
0x7d: {  	v8 =	vld [tilespmem:s12+$0x10110]  }
0x7e: {  	v9 =	vld [tilespmem:s12+$0x120]  }
0x7f: {  	v10 =	vld [tilespmem:s12+$0x8120]  }
0x80: {  	v11 =	vld [tilespmem:s12+$0x10120]  }
0x81: {  	v12 =	vld [tilespmem:s12+$0x130]  }
0x82: {  	v13 =	vld [tilespmem:s12+$0x8130]  }
0x83: {  	v14 =	vld [tilespmem:s12+$0x10130]  }
0x84: {  	v15 =	vld [tilespmem:s12+$0x140]  }
0x85: {  	v16 =	vld [tilespmem:s12+$0x8140]  }
0x86: {  	v17 =	vld [tilespmem:s12+$0x10140]  }
0x87: {  	v18 =	vld [tilespmem:s12+$0x150]  }
0x88: {  	v19 =	vld [tilespmem:s12+$0x8150]  }
0x89: {  	v20 =	vld [tilespmem:s12+$0x10150]  }
0x8a: {  	v21 =	vld [tilespmem:s12+$0x160]  }
0x8b: {  	v22 =	vld [tilespmem:s12+$0x8160]  }
0x8c: {  	v23 =	vld [tilespmem:s12+$0x10160]  }
0x8d: {  	v24 =	vld [tilespmem:s12+$0x170]  }
0x8e: {  	v25 =	vld [tilespmem:s12+$0x8170]  }
0x8f: {  	v26 =	vld [tilespmem:s12+$0x10170]  }
0x90: {  	v27 =	vld [tilespmem:s12+$0x500]  }
0x91: {  	v28 =	vld [tilespmem:s12+$0x8500]  }
0x92: {  	v29 =	vld [tilespmem:s12+$0x10500]  }
0x93: {  	v30 =	vld [tilespmem:s12+$0x510]  }
0x94: {  	v31 =	vld [tilespmem:s12+$0x8510]  }
0x95: {  	v32 =	vld [tilespmem:s12+$0x10510]  }
0x96: {  	v33 =	vld [tilespmem:s12+$0x520]  }
0x97: {  	v34 =	vld [tilespmem:s12+$0x8520]  }
0x98: {  	v35 =	vld [tilespmem:s12+$0x10520]  }
0x99: {  	v36 =	vld [tilespmem:s12+$0x530]  }
0x9a: {  	v37 =	vld [tilespmem:s12+$0x8530]  }
0x9b: {  	v38 =	vld [tilespmem:s12+$0x10530]  }
0x9c: {  	v39 =	vld [tilespmem:s12+$0x540]  }
0x9d: {  	v40 =	vld [tilespmem:s12+$0x8540]  }
0x9e: {  	v41 =	vld [tilespmem:s12+$0x10540]  }
0x9f: {  	v42 =	vld [tilespmem:s12+$0x550]  }
0xa0: {  	v43 =	vld [tilespmem:s12+$0x8550]  }
0xa1: {  	v44 =	vld [tilespmem:s12+$0x10550]  }
0xa2: {  	v45 =	vld [tilespmem:s12+$0x560]  }
0xa3: {  	v46 =	vld [tilespmem:s12+$0x8560]  }
0xa4: {  	v47 =	vld [tilespmem:s12+$0x10560]  }
0xa5: {  	v48 =	vld [tilespmem:s12+$0x570]  }
0xa6: {  	v49 =	vld [tilespmem:s12+$0x8570]  }
0xa7: {  	v50 =	vld [tilespmem:s12+$0x10570]  }
0xa8: {  	v51 =	vld [tilespmem:s12+$0x900]  }
0xa9: {  	v52 =	vld [tilespmem:s12+$0x8900]  }
0xaa: {  	v53 =	vld [tilespmem:s12+$0x10900]  }
0xab: {  	v56 =	vld [tilespmem:s12+$0x940]  }
0xac: {  	v58 =	vld [tilespmem:s12+$0x8940]  }
0xad: {  	v3 =	vadd.f32 v4, v3;
	v4 =	vld [tilespmem:s12+$0x910]  }
0xae: {  	v6 =	vadd.f32 v7, v6;
	v7 =	vld [tilespmem:s12+$0x8910]  }
0xaf: {  	v61 =	vadd.f32 v10, v9;
	v9 =	vld [tilespmem:s12+$0x10910]  }
0xb0: {  	v10 =	vld [tilespmem:s12+$0x920]  }
0xb1: {  	v62 =	vadd.f32 v13, v12;
	v12 =	vld [tilespmem:s12+$0x10920]  }
0xb2: {  	v13 =	vld [tilespmem:s12+$0x930]  }
0xb3: {  	v63 =	vadd.f32 v16, v15;
	v19 =	vadd.f32 v19, v18;
	v15 =	vld [tilespmem:s12+$0x10930]  }
0xb4: {  	v55 =	vadd.f32 v31, v30;
	v31 =	vld [tilespmem:s12+$0x960];
	v3 =	vadd.f32 v5, v3  }
0xb5: {  	v57 =	vadd.f32 v34, v33;
	v33 =	vld [tilespmem:s12+$0x8960];
	v6 =	vadd.f32 v8, v6  }
0xb6: {  	v60 =	vadd.f32 v37, v36;
	v37 =	vld [tilespmem:s12+$0x8970];
	[tilespmem:s12+$0x100] =	vst v3;
	v3 =	vadd.f32 v11, v61  }
0xb7: {  	v30 =	vadd.f32 v49, v48;
	v48 =	vld [tilespmem:s12+$0xD00];
	v16 =	vadd.f32 v14, v62;
	[tilespmem:s12+$0x110] =	vst v6  }
0xb8: {  	v21 =	vadd.f32 v22, v21;
	v49 =	vld [tilespmem:s12+$0xD10];
	[tilespmem:s12+$0x120] =	vst v3;
	v3 =	vadd.f32 v17, v63  }
0xb9: {  	v25 =	vadd.f32 v25, v24;
	v18 =	vld [tilespmem:s12+$0x1140];
	v22 =	vadd.f32 v20, v19;
	[tilespmem:s12+$0x130] =	vst v16  }
0xba: {  	v28 =	vadd.f32 v28, v27;
	v14 =	vld [tilespmem:s12+$0x8930];
	[tilespmem:s12+$0x140] =	vst v3;
	v3 =	vadd.f32 v23, v21  }
0xbb: {  	v54 =	vadd.f32 v26, v25;
	v26 =	vld [tilespmem:s12+$0x8950];
	[tilespmem:s12+$0x150] =	vst v22  }
0xbc: {  	v62 =	vadd.f32 v40, v39;
	v39 =	vld [tilespmem:s12+$0x10960];
	[tilespmem:s12+$0x160] =	vst v3;
	v3 =	vadd.f32 v29, v28  }
0xbd: {  	v59 =	vadd.f32 v32, v55;
	v34 =	vadd.f32 v50, v30;
	v50 =	vld [tilespmem:s12+$0x8D10];
	[tilespmem:s12+$0x170] =	vst v54  }
0xbe: {  	v32 =	vadd.f32 v52, v51;
	v51 =	vld [tilespmem:s12+$0xD20];
	[tilespmem:s12+$0x500] =	vst v3;
	v3 =	vadd.f32 v35, v57  }
0xbf: {  	v24 =	vadd.f32 v38, v60;
	v11 =	vld [tilespmem:s12+$0x8920];
	[tilespmem:s12+$0x510] =	vst v59  }
0xc0: {  	v27 =	vadd.f32 v46, v45;
	v52 =	vld [tilespmem:s12+$0x8D20];
	[tilespmem:s12+$0x520] =	vst v3;
	v3 =	vadd.f32 v41, v62  }
0xc1: {  	v61 =	vld [tilespmem:s12+$0x10940];
	[tilespmem:s12+$0x530] =	vst v24;
	v4 =	vadd.f32 v7, v4  }
0xc2: {  	v63 =	vld [tilespmem:s12+$0x950];
	[tilespmem:s12+$0x540] =	vst v3;
	v3 =	vadd.f32 v47, v27  }
0xc3: {  	[tilespmem:s12+$0x570] =	vst v34;
	v4 =	vadd.f32 v9, v4;
	v38 =	vadd.f32 v14, v13;
	v28 =	vld [tilespmem:s12+$0x10950]  }
0xc4: {  	v36 =	vadd.f32 v11, v10;
	v35 =	vld [tilespmem:s12+$0x970];
	[tilespmem:s12+$0x560] =	vst v3;
	v3 =	vadd.f32 v53, v32  }
0xc5: {  	v25 =	vadd.f32 v43, v42;
	v55 =	vld [tilespmem:s12+$0xD40];
	[tilespmem:s12+$0x910] =	vst v4;
	v42 =	vadd.f32 v15, v38  }
0xc6: {  	v40 =	vadd.f32 v58, v56;
	v41 =	vld [tilespmem:s12+$0x10970];
	[tilespmem:s12+$0x900] =	vst v3;
	v3 =	vadd.f32 v12, v36  }
0xc7: {  	v56 =	vld [tilespmem:s12+$0x8D40];
	v29 =	vadd.f32 v44, v25;
	v43 =	vadd.f32 v26, v63;
	[tilespmem:s12+$0x930] =	vst v42  }
0xc8: {  	v58 =	vld [tilespmem:s12+$0x8D50];
	v44 =	vadd.f32 v33, v31;
	[tilespmem:s12+$0x920] =	vst v3;
	v3 =	vadd.f32 v61, v40  }
0xc9: {  	v60 =	vld [tilespmem:s12+$0x8D60];
	[tilespmem:s12+$0x550] =	vst v29;
	v45 =	vadd.f32 v28, v43;
	v46 =	vadd.f32 v37, v35  }
0xca: {  	v8 =	vld [tilespmem:s12+$0x11100];
	[tilespmem:s12+$0x940] =	vst v3;
	v3 =	vadd.f32 v39, v44  }
0xcb: {  	v19 =	vld [tilespmem:s12+$0x9140];
	[tilespmem:s12+$0x950] =	vst v45;
	v47 =	vadd.f32 v41, v46  }
0xcc: {  	s30 =	sor.u32 s30, s11;
	[tilespmem:s12+$0x960] =	vst v3;
	v3 =	vld [tilespmem:s12+$0x8D00]  }
0xcd: {  	s30 =	sor.u32 $0x8C00, s30;
	v20 =	vld [tilespmem:s12+$0x11140];
	[tilespmem:s12+$0x970] =	vst v47  }
0xce: {  	v4 =	vld [tilespmem:s30+$0x8100]  }
0xcf: {  	v30 =	vld [tilespmem:s12+$0x1500]  }
0xd0: {  	v54 =	vld [tilespmem:s12+$0x8D30]  }
0xd1: {  	v59 =	vld [tilespmem:s12+$0xD60];
	v3 =	vadd.f32 v3, v48  }
0xd2: {  	v6 =	vld [tilespmem:s12+$0x1100]  }
0xd3: {  	v22 =	vld [tilespmem:s12+$0x9150];
	v3 =	vadd.f32 v4, v3  }
0xd4: {  	v24 =	vld [tilespmem:s12+$0x1160]  }
0xd5: {  	v34 =	vld [tilespmem:s12+$0x9510];
	[tilespmem:s12+$0xD00] =	vst v3  }
0xd6: {  	v3 =	vld [tilespmem:s30+$0x8110]  }
0xd7: {  	v7 =	vld [tilespmem:s12+$0x9100]  }
0xd8: {  	v17 =	vld [tilespmem:s12+$0x11130]  }
0xd9: {  	v9 =	vld [tilespmem:s12+$0x1110];
	v4 =	vadd.f32 v50, v49  }
0xda: {  	v14 =	vld [tilespmem:s12+$0x11120]  }
0xdb: {  	v13 =	vld [tilespmem:s12+$0x11920];
	v3 =	vadd.f32 v3, v4  }
0xdc: {  	v21 =	vld [tilespmem:s12+$0x1150]  }
0xdd: {  	v23 =	vld [tilespmem:s12+$0x11150];
	[tilespmem:s12+$0xD10] =	vst v3  }
0xde: {  	v3 =	vld [tilespmem:s30+$0x8120]  }
0xdf: {  	v11 =	vld [tilespmem:s12+$0x11110]  }
0xe0: {  	v15 =	vld [tilespmem:s12+$0x1130]  }
0xe1: {  	v38 =	vld [tilespmem:s12+$0x11520];
	v4 =	vadd.f32 v52, v51  }
0xe2: {  	v10 =	vld [tilespmem:s12+$0x11910]  }
0xe3: {  	v25 =	vld [tilespmem:s12+$0x9160];
	v3 =	vadd.f32 v3, v4  }
0xe4: {  	v53 =	vld [tilespmem:s12+$0xD30]  }
0xe5: {  	v31 =	vld [tilespmem:s12+$0x9500];
	[tilespmem:s12+$0xD20] =	vst v3  }
0xe6: {  	v3 =	vld [tilespmem:s30+$0x8130]  }
0xe7: {  	v33 =	vld [tilespmem:s12+$0x1510]  }
0xe8: {  	v6 =	vadd.f32 v7, v6;
	v7 =	vld [tilespmem:s12+$0x1910]  }
0xe9: {  	v63 =	vld [tilespmem:s12+$0x9130];
	v4 =	vadd.f32 v54, v53  }
0xea: {  	v26 =	vld [tilespmem:s12+$0x11160]  }
0xeb: {  	v42 =	vld [tilespmem:s12+$0x1540];
	v3 =	vadd.f32 v3, v4  }
0xec: {  	v57 =	vld [tilespmem:s12+$0xD50]  }
0xed: {  	v29 =	vld [tilespmem:s12+$0x11170];
	[tilespmem:s12+$0xD30] =	vst v3  }
0xee: {  	v3 =	vld [tilespmem:s30+$0x8140]  }
0xef: {  	v62 =	vld [tilespmem:s12+$0x9120]  }
0xf0: {  	v28 =	vld [tilespmem:s12+$0x9170]  }
0xf1: {  	v43 =	vld [tilespmem:s12+$0x9540];
	v4 =	vadd.f32 v56, v55  }
0xf2: {  	v34 =	vadd.f32 v34, v33;
	v33 =	vld [tilespmem:s12+$0x9960]  }
0xf3: {  	v27 =	vld [tilespmem:s12+$0x1170];
	v3 =	vadd.f32 v3, v4  }
0xf4: {  	v63 =	vadd.f32 v63, v15;
	v15 =	vld [tilespmem:s12+$0x9930]  }
0xf5: {  	v35 =	vld [tilespmem:s12+$0x11510];
	[tilespmem:s12+$0xD40] =	vst v3  }
0xf6: {  	v3 =	vld [tilespmem:s30+$0x8150]  }
0xf7: {  	v45 =	vld [tilespmem:s12+$0x1550]  }
0xf8: {  	v32 =	vld [tilespmem:s12+$0x11500]  }
0xf9: {  	v41 =	vld [tilespmem:s12+$0x11530];
	v4 =	vadd.f32 v58, v57  }
0xfa: {  	v46 =	vld [tilespmem:s12+$0x9550]  }
0xfb: {  	v12 =	vld [tilespmem:s12+$0x1120];
	v3 =	vadd.f32 v3, v4  }
0xfc: {  	v36 =	vld [tilespmem:s12+$0x1970]  }
0xfd: {  	v61 =	vld [tilespmem:s12+$0x9110];
	[tilespmem:s12+$0xD50] =	vst v3  }
0xfe: {  	v3 =	vld [tilespmem:s30+$0x8160]  }
0xff: {  	v47 =	vld [tilespmem:s12+$0x11550]  }
0x100: {  	v40 =	vld [tilespmem:s12+$0x11960]  }
0x101: {  	v44 =	vld [tilespmem:s12+$0x11540];
	v4 =	vadd.f32 v60, v59  }
0x102: {  	v62 =	vadd.f32 v62, v12;
	v12 =	vld [tilespmem:s12+$0x9920]  }
0x103: {  	v61 =	vadd.f32 v61, v9;
	v9 =	vld [tilespmem:s12+$0x9910];
	v3 =	vadd.f32 v3, v4  }
0x104: {  	v4 =	vld [tilespmem:s12+$0xD70]  }
0x105: {  	[tilespmem:s12+$0xD60] =	vst v3;
	v3 =	vld [tilespmem:s12+$0x8D70]  }
0x106: {  	v16 =	vadd.f32 v14, v62;
	v14 =	vld [tilespmem:s12+$0x1930]  }
0x107: {  	v5 =	vld [tilespmem:s30+$0x8170]  }
0x108: {  	v62 =	vadd.f32 v43, v42;
	v42 =	vld [tilespmem:s12+$0x11970]  }
0x109: {  	v48 =	vld [tilespmem:s12+$0x1560]  }
0x10a: {  	v49 =	vld [tilespmem:s12+$0x9560];
	v3 =	vadd.f32 v3, v4  }
0x10b: {  	v50 =	vld [tilespmem:s12+$0x11560]  }
0x10c: {  	v51 =	vld [tilespmem:s12+$0x1570];
	v3 =	vadd.f32 v5, v3  }
0x10d: {  	v6 =	vadd.f32 v8, v6;
	v57 =	vld [tilespmem:s12+$0x1520]  }
0x10e: {  	v58 =	vld [tilespmem:s12+$0x9520];
	[tilespmem:s12+$0xD70] =	vst v3;
	v3 =	vadd.f32 v11, v61  }
0x10f: {  	v19 =	vadd.f32 v19, v18;
	v59 =	vld [tilespmem:s12+$0x1530];
	[tilespmem:s12+$0x1100] =	vst v6  }
0x110: {  	v21 =	vadd.f32 v22, v21;
	v60 =	vld [tilespmem:s12+$0x9530];
	[tilespmem:s12+$0x1110] =	vst v3;
	v3 =	vadd.f32 v17, v63  }
0x111: {  	v22 =	vadd.f32 v20, v19;
	v25 =	vadd.f32 v25, v24;
	v52 =	vld [tilespmem:s12+$0x9570];
	[tilespmem:s12+$0x1120] =	vst v16  }
0x112: {  	v27 =	vadd.f32 v28, v27;
	v53 =	vld [tilespmem:s12+$0x11570];
	[tilespmem:s12+$0x1130] =	vst v3;
	v3 =	vadd.f32 v23, v21  }
0x113: {  	v31 =	vadd.f32 v31, v30;
	v28 =	vadd.f32 v26, v25;
	v54 =	vld [tilespmem:s12+$0x1900];
	[tilespmem:s12+$0x1140] =	vst v22  }
0x114: {  	v57 =	vadd.f32 v58, v57;
	v11 =	vld [tilespmem:s12+$0x1920];
	[tilespmem:s12+$0x1150] =	vst v3;
	v3 =	vadd.f32 v29, v27  }
0x115: {  	v55 =	vld [tilespmem:s12+$0x9900];
	v56 =	vadd.f32 v32, v31;
	v59 =	vadd.f32 v60, v59;
	[tilespmem:s12+$0x1160] =	vst v28  }
0x116: {  	v61 =	vadd.f32 v38, v57;
	v38 =	vld [tilespmem:s12+$0x9970];
	[tilespmem:s12+$0x1170] =	vst v3;
	v3 =	vadd.f32 v35, v34  }
0x117: {  	v30 =	vadd.f32 v49, v48;
	v31 =	vld [tilespmem:s12+$0x1960];
	[tilespmem:s12+$0x1500] =	vst v56  }
0x118: {  	v58 =	vld [tilespmem:s12+$0x9940];
	v27 =	vadd.f32 v46, v45;
	[tilespmem:s12+$0x1510] =	vst v3;
	v3 =	vadd.f32 v41, v59  }
0x119: {  	v60 =	vld [tilespmem:s12+$0x1950];
	[tilespmem:s12+$0x1520] =	vst v61;
	v39 =	vadd.f32 v12, v11;
	v29 =	vadd.f32 v44, v62  }
0x11a: {  	v32 =	vadd.f32 v52, v51;
	v16 =	vld [tilespmem:s12+$0x11930];
	[tilespmem:s12+$0x1530] =	vst v3;
	v3 =	vadd.f32 v47, v27  }
0x11b: {  	v4 =	vld [tilespmem:s12+$0x11900];
	v48 =	vadd.f32 v38, v36;
	v43 =	vadd.f32 v13, v39;
	[tilespmem:s12+$0x1540] =	vst v29  }
0x11c: {  	v37 =	vadd.f32 v9, v7;
	v63 =	vld [tilespmem:s12+$0x9950];
	[tilespmem:s12+$0x1550] =	vst v3;
	v3 =	vadd.f32 v53, v32  }
0x11d: {  	v17 =	vld [tilespmem:s12+$0x1940];
	v49 =	vadd.f32 v42, v48;
	[tilespmem:s12+$0x1920] =	vst v43  }
0x11e: {  	v28 =	vld [tilespmem:s12+$0x11950];
	v41 =	vadd.f32 v15, v14;
	[tilespmem:s12+$0x1570] =	vst v3;
	v3 =	vadd.f32 v10, v37  }
0x11f: {  	v45 =	vld [tilespmem:s12+$0x11940];
	v46 =	vadd.f32 v33, v31;
	v34 =	vadd.f32 v50, v30;
	[tilespmem:s12+$0x1970] =	vst v49  }
0x120: {  	v35 =	vadd.f32 v55, v54;
	[tilespmem:s12+$0x1910] =	vst v3;
	v3 =	vadd.f32 v16, v41  }
0x121: {  	v44 =	vadd.f32 v63, v60;
	v5 =	vadd.f32 v40, v46;
	[tilespmem:s12+$0x1560] =	vst v34  }
0x122: {  	s31 =	sand.u32 $0x7, s28;
	v4 =	vadd.f32 v4, v35;
	[tilespmem:s12+$0x1930] =	vst v3;
	v3 =	vadd.f32 v58, v17  }
0x123: {  	s30 =	sshll.u32 s31, $0x7;
	[tilespmem:s12+$0x1960] =	vst v5;
	v47 =	vadd.f32 v28, v44  }
0x124: {  	s30 =	sadd.s32 s30, s29;
	[tilespmem:s12+$0x1900] =	vst v4;
	v3 =	vadd.f32 v45, v3  }
0x125: {  	s31 =	sor.u32 $0x1C00, s30;
	[tilespmem:s12+$0x1950] =	vst v47  }
0x126: {  	[tilespmem:s12+$0x1940] =	vst v3;
	v3 =	vld [tilespmem:s31+$0x100]  }
0x127: {  	s12 =	sor.u32 s29, s11;
	v4 =	vld [tilespmem:s31+$0x8100]  }
0x128: {  	s12 =	sor.u32 $0x9C00, s12  }
0x129: {  	v5 =	vld [tilespmem:s12+$0x8100];
	_ =	sdelay $0x2  }
0x12a: {  	v3 =	vadd.f32 v4, v3;
	_ =	sdelay $0x1  }
0x12b: {  	v3 =	vadd.f32 v5, v3;
	_ =	sdelay $0x1  }
0x12c: {  	[tilespmem:s31+$0x100] =	vst v3;
	s31 =	sor.u32 $0x1C10, s30  }
0x12d: {  	v3 =	vld [tilespmem:s31+$0x100]  }
0x12e: {  	v50 =	vld [tilespmem:s31+$0x8100];
	_ =	sdelay $0x1  }
0x12f: {  	v51 =	vld [tilespmem:s12+$0x8110];
	_ =	sdelay $0x2  }
0x130: {  	v3 =	vadd.f32 v50, v3;
	_ =	sdelay $0x1  }
0x131: {  	v3 =	vadd.f32 v51, v3;
	_ =	sdelay $0x1  }
0x132: {  	[tilespmem:s31+$0x100] =	vst v3;
	s31 =	sor.u32 $0x1C20, s30  }
0x133: {  	v3 =	vld [tilespmem:s31+$0x100]  }
0x134: {  	v52 =	vld [tilespmem:s31+$0x8100];
	_ =	sdelay $0x1  }
0x135: {  	v53 =	vld [tilespmem:s12+$0x8120];
	_ =	sdelay $0x2  }
0x136: {  	v3 =	vadd.f32 v52, v3;
	_ =	sdelay $0x1  }
0x137: {  	v3 =	vadd.f32 v53, v3;
	_ =	sdelay $0x1  }
0x138: {  	[tilespmem:s31+$0x100] =	vst v3;
	s31 =	sor.u32 $0x1C30, s30  }
0x139: {  	v3 =	vld [tilespmem:s31+$0x100]  }
0x13a: {  	v54 =	vld [tilespmem:s31+$0x8100];
	_ =	sdelay $0x1  }
0x13b: {  	v55 =	vld [tilespmem:s12+$0x8130];
	_ =	sdelay $0x2  }
0x13c: {  	v3 =	vadd.f32 v54, v3;
	_ =	sdelay $0x1  }
0x13d: {  	v3 =	vadd.f32 v55, v3;
	_ =	sdelay $0x1  }
0x13e: {  	[tilespmem:s31+$0x100] =	vst v3;
	s31 =	sor.u32 $0x1C40, s30  }
0x13f: {  	v3 =	vld [tilespmem:s31+$0x100]  }
0x140: {  	v56 =	vld [tilespmem:s31+$0x8100];
	_ =	sdelay $0x1  }
0x141: {  	v57 =	vld [tilespmem:s12+$0x8140];
	_ =	sdelay $0x2  }
0x142: {  	v3 =	vadd.f32 v56, v3;
	_ =	sdelay $0x1  }
0x143: {  	v3 =	vadd.f32 v57, v3;
	_ =	sdelay $0x1  }
0x144: {  	[tilespmem:s31+$0x100] =	vst v3;
	s31 =	sor.u32 $0x1C50, s30  }
0x145: {  	v3 =	vld [tilespmem:s31+$0x100]  }
0x146: {  	v58 =	vld [tilespmem:s31+$0x8100];
	_ =	sdelay $0x1  }
0x147: {  	v59 =	vld [tilespmem:s12+$0x8150];
	_ =	sdelay $0x2  }
0x148: {  	v3 =	vadd.f32 v58, v3;
	_ =	sdelay $0x1  }
0x149: {  	v3 =	vadd.f32 v59, v3;
	_ =	sdelay $0x1  }
0x14a: {  	[tilespmem:s31+$0x100] =	vst v3;
	s31 =	sor.u32 $0x1C60, s30  }
0x14b: {  	v3 =	vld [tilespmem:s31+$0x100]  }
0x14c: {  	v60 =	vld [tilespmem:s31+$0x8100];
	_ =	sdelay $0x1  }
0x14d: {  	v61 =	vld [tilespmem:s12+$0x8160];
	_ =	sdelay $0x2  }
0x14e: {  	v3 =	vadd.f32 v60, v3;
	_ =	sdelay $0x1  }
0x14f: {  	v3 =	vadd.f32 v61, v3;
	_ =	sdelay $0x1  }
0x150: {  	s30 =	sor.u32 $0x1C70, s30;
	[tilespmem:s31+$0x100] =	vst v3  }
0x151: {  	v3 =	vld [tilespmem:s30+$0x100]  }
0x152: {  	v62 =	vld [tilespmem:s30+$0x8100];
	_ =	sdelay $0x1  }
0x153: {  	v63 =	vld [tilespmem:s12+$0x8170];
	_ =	sdelay $0x1  }
0x154: {  	p0 =	sne.s32 s29, $0x7C00  }
.Ltmp0:
0x155: {  	v3 =	vadd.f32 v62, v3;
	(pc) =	sbr.rel @p0 .LBB2_2-.Ltmp0, $3  }
0x156: {  	_ = 	snop  }
0x157: {  	v3 =	vadd.f32 v63, v3;
	_ =	sdelay $0x1  }
0x158: {  	s28 =	sadd.s32 $0x1, s28;
	s11 =	sadd.s32 $0x80, s11;
	s29 =	sadd.s32 $0x400, s29;
	[tilespmem:s30+$0x100] =	vst v3  }
0x159: {  	s28 =	simm.s32 $0x0;
	s11 =	rddreg [dreg:$0x5]  }
0x15a: {  	[hbm4b:s11+s28] =	stream.linear.scatter [tilespmem:s14], [sflag:$0x2], $0x8000, $0x38;
	[tilespmem:$0x18100] =	vst v63  }
0x15b: {  	_ =	swait.ge [sflag:s13], $0x8000  }
0x15c: {  	[sflag:s13] =	ssyncset.done $0x0  }
0x15d: {  	s30 =	rddreg [dreg:$0x6];
	[sflag:s13] =	ssyncadd.s32 $0xFFFF8000  }
0x15e: {  	[tilespmem:s14], [sflag:$0x2] =	stream.linear.gather [hbm4b:s30+s28], $0x8000, $0x38;
	[tilespmem:$0x18100] =	vst v63  }
0x15f: {  	_ =	swait.ge [sflag:s13], $0x8000  }
0x160: {  	[sflag:s13] =	ssyncset.done $0x0  }
0x161: {  	[sflag:s13] =	ssyncadd.s32 $0xFFFF8000  }
0x162: {  	v3 =	vld [tilespmem:$0x80];
	_ =	sdelay $0x4  }
0x163: {  	v4 =	vshll.u32 v3, $0x3  }
0x164: {  	v3 =	vand.u32 $0x7, v3;
	v4 =	vand.u32 $0xFFFFFFC0, v4  }
0x165: {  	v3 =	vor.u32 v3, v4  }
0x166: {  	v4 =	vperm.xlane v3, v0;
	_ =	sdelay $0x1  }
0x167: {  	v4 =	vadd.s32 v1, v4;
	_ =	sdelay $0x3  }
0x168: {  	s31 =	simm.s32 $0x8100  }
0x169: {  	[tilespmem:s31], [sflag:$0x1] =	stream.indirect_vreg.gather [hbm4b:s3+s28], $0x80, v4, vm0, $0xb8;
	[tilespmem:$0x18100] =	vst v63  }
0x16a: {  	s12 =	simm.s32 $0x8900;
	v3 =	vperm.xlane v3, v2  }
0x16b: {  	[tilespmem:s12], [sflag:$0x1] =	stream.indirect_vreg.gather [hbm4b:s6+s28], $0x80, v4, vm0, $0xb8;
	[tilespmem:$0x18100] =	vst v63  }
0x16c: {  	s30 =	simm.s32 $0x9100;
	v3 =	vadd.s32 v1, v3  }
0x16d: {  	[tilespmem:s30], [sflag:$0x1] =	stream.indirect_vreg.gather [hbm4b:s7+s28], $0x80, v4, vm0, $0xb8;
	[tilespmem:$0x18100] =	vst v63  }
0x16e: {  	s31 =	simm.s32 $0x9900  }
0x16f: {  	[tilespmem:s31], [sflag:$0x1] =	stream.indirect_vreg.gather [hbm4b:s8+s28], $0x80, v4, vm0, $0xb8;
	[tilespmem:$0x18100] =	vst v63  }
0x170: {  	s12 =	simm.s32 $0xA100  }
0x171: {  	[tilespmem:s12], [sflag:$0x1] =	stream.indirect_vreg.gather [hbm4b:s3+s28], $0x80, v3, vm0, $0xb8;
	[tilespmem:$0x18100] =	vst v63  }
0x172: {  	s30 =	simm.s32 $0xA900  }
0x173: {  	[tilespmem:s30], [sflag:$0x1] =	stream.indirect_vreg.gather [hbm4b:s6+s28], $0x80, v3, vm0, $0xb8;
	[tilespmem:$0x18100] =	vst v63  }
0x174: {  	s31 =	simm.s32 $0xB100  }
0x175: {  	[tilespmem:s31], [sflag:$0x1] =	stream.indirect_vreg.gather [hbm4b:s7+s28], $0x80, v3, vm0, $0xb8;
	[tilespmem:$0x18100] =	vst v63  }
0x176: {  	s12 =	simm.s32 $0xB900  }
0x177: {  	[tilespmem:s12], [sflag:$0x1] =	stream.indirect_vreg.gather [hbm4b:s8+s28], $0x80, v3, vm0, $0xb8;
	[tilespmem:$0x18100] =	vst v63  }
0x178: {  	v3 =	vld [tilespmem:$0x90];
	_ =	sdelay $0x4  }
0x179: {  	v61 =	vshll.u32 v3, $0x3  }
0x17a: {  	v3 =	vand.u32 $0x7, v3;
	v4 =	vand.u32 $0xFFFFFFC0, v61  }
0x17b: {  	v3 =	vor.u32 v3, v4  }
0x17c: {  	v4 =	vperm.xlane v3, v0;
	_ =	sdelay $0x1  }
0x17d: {  	v4 =	vadd.s32 v1, v4;
	_ =	sdelay $0x3  }
0x17e: {  	s30 =	simm.s32 $0xC100  }
0x17f: {  	[tilespmem:s30], [sflag:$0x1] =	stream.indirect_vreg.gather [hbm4b:s3+s28], $0x80, v4, vm0, $0xb8;
	[tilespmem:$0x18100] =	vst v63  }
0x180: {  	s31 =	simm.s32 $0xC900;
	v3 =	vperm.xlane v3, v2  }
0x181: {  	[tilespmem:s31], [sflag:$0x1] =	stream.indirect_vreg.gather [hbm4b:s6+s28], $0x80, v4, vm0, $0xb8;
	[tilespmem:$0x18100] =	vst v63  }
0x182: {  	s12 =	simm.s32 $0xD100;
	v3 =	vadd.s32 v1, v3  }
0x183: {  	[tilespmem:s12], [sflag:$0x1] =	stream.indirect_vreg.gather [hbm4b:s7+s28], $0x80, v4, vm0, $0xb8;
	[tilespmem:$0x18100] =	vst v63  }
0x184: {  	s30 =	simm.s32 $0xD900  }
0x185: {  	[tilespmem:s30], [sflag:$0x1] =	stream.indirect_vreg.gather [hbm4b:s8+s28], $0x80, v4, vm0, $0xb8;
	[tilespmem:$0x18100] =	vst v63  }
0x186: {  	s31 =	simm.s32 $0xE100  }
0x187: {  	[tilespmem:s31], [sflag:$0x1] =	stream.indirect_vreg.gather [hbm4b:s3+s28], $0x80, v3, vm0, $0xb8;
	[tilespmem:$0x18100] =	vst v63  }
0x188: {  	s12 =	simm.s32 $0xE900  }
0x189: {  	[tilespmem:s12], [sflag:$0x1] =	stream.indirect_vreg.gather [hbm4b:s6+s28], $0x80, v3, vm0, $0xb8;
	[tilespmem:$0x18100] =	vst v63  }
0x18a: {  	s30 =	simm.s32 $0xF100  }
0x18b: {  	[tilespmem:s30], [sflag:$0x1] =	stream.indirect_vreg.gather [hbm4b:s7+s28], $0x80, v3, vm0, $0xb8;
	[tilespmem:$0x18100] =	vst v63  }
0x18c: {  	s31 =	simm.s32 $0xF900  }
0x18d: {  	[tilespmem:s31], [sflag:$0x1] =	stream.indirect_vreg.gather [hbm4b:s8+s28], $0x80, v3, vm0, $0xb8;
	[tilespmem:$0x18100] =	vst v63  }
0x18e: {  	v3 =	vld [tilespmem:$0xA0];
	_ =	sdelay $0x4  }
0x18f: {  	v62 =	vshll.u32 v3, $0x3  }
0x190: {  	v3 =	vand.u32 $0x7, v3;
	v4 =	vand.u32 $0xFFFFFFC0, v62  }
0x191: {  	v3 =	vor.u32 v3, v4  }
0x192: {  	v4 =	vperm.xlane v3, v0;
	_ =	sdelay $0x1  }
0x193: {  	v4 =	vadd.s32 v1, v4;
	_ =	sdelay $0x4  }
0x194: {  	[tilespmem:s0], [sflag:$0x1] =	stream.indirect_vreg.gather [hbm4b:s3+s28], $0x80, v4, vm0, $0xb8;
	[tilespmem:$0x18100] =	vst v63  }
0x195: {  	v3 =	vperm.xlane v3, v2  }
0x196: {  	[tilespmem:s1], [sflag:$0x1] =	stream.indirect_vreg.gather [hbm4b:s6+s28], $0x80, v4, vm0, $0xb8;
	[tilespmem:$0x18100] =	vst v63  }
0x197: {  	v3 =	vadd.s32 v1, v3  }
0x198: {  	[tilespmem:s15], [sflag:$0x1] =	stream.indirect_vreg.gather [hbm4b:s7+s28], $0x80, v4, vm0, $0xb8;
	[tilespmem:$0x18100] =	vst v63  }
0x199: {  	_ = 	snop  }
0x19a: {  	[tilespmem:s16], [sflag:$0x1] =	stream.indirect_vreg.gather [hbm4b:s8+s28], $0x80, v4, vm0, $0xb8;
	[tilespmem:$0x18100] =	vst v63  }
0x19b: {  	_ = 	snop  }
0x19c: {  	[tilespmem:s17], [sflag:$0x1] =	stream.indirect_vreg.gather [hbm4b:s3+s28], $0x80, v3, vm0, $0xb8;
	[tilespmem:$0x18100] =	vst v63  }
0x19d: {  	_ = 	snop  }
0x19e: {  	[tilespmem:s18], [sflag:$0x1] =	stream.indirect_vreg.gather [hbm4b:s6+s28], $0x80, v3, vm0, $0xb8;
	[tilespmem:$0x18100] =	vst v63  }
0x19f: {  	_ = 	snop  }
0x1a0: {  	[tilespmem:s4], [sflag:$0x1] =	stream.indirect_vreg.gather [hbm4b:s7+s28], $0x80, v3, vm0, $0xb8;
	[tilespmem:$0x18100] =	vst v63  }
0x1a1: {  	_ = 	snop  }
0x1a2: {  	[tilespmem:s19], [sflag:$0x1] =	stream.indirect_vreg.gather [hbm4b:s8+s28], $0x80, v3, vm0, $0xb8;
	[tilespmem:$0x18100] =	vst v63  }
0x1a3: {  	v3 =	vld [tilespmem:$0xB0];
	_ =	sdelay $0x4  }
0x1a4: {  	v63 =	vshll.u32 v3, $0x3  }
0x1a5: {  	v3 =	vand.u32 $0x7, v3;
	v4 =	vand.u32 $0xFFFFFFC0, v63  }
0x1a6: {  	v3 =	vor.u32 v3, v4  }
0x1a7: {  	v4 =	vperm.xlane v3, v0;
	_ =	sdelay $0x1  }
0x1a8: {  	v4 =	vadd.s32 v1, v4;
	_ =	sdelay $0x4  }
0x1a9: {  	[tilespmem:s20], [sflag:$0x1] =	stream.indirect_vreg.gather [hbm4b:s3+s28], $0x80, v4, vm0, $0xb8;
	[tilespmem:$0x18100] =	vst v63  }
0x1aa: {  	v3 =	vperm.xlane v3, v2  }
0x1ab: {  	[tilespmem:s5], [sflag:$0x1] =	stream.indirect_vreg.gather [hbm4b:s6+s28], $0x80, v4, vm0, $0xb8;
	[tilespmem:$0x18100] =	vst v63  }
0x1ac: {  	v3 =	vadd.s32 v1, v3  }
0x1ad: {  	[tilespmem:s21], [sflag:$0x1] =	stream.indirect_vreg.gather [hbm4b:s7+s28], $0x80, v4, vm0, $0xb8;
	[tilespmem:$0x18100] =	vst v63  }
0x1ae: {  	_ = 	snop  }
0x1af: {  	[tilespmem:s22], [sflag:$0x1] =	stream.indirect_vreg.gather [hbm4b:s8+s28], $0x80, v4, vm0, $0xb8;
	[tilespmem:$0x18100] =	vst v63  }
0x1b0: {  	_ = 	snop  }
0x1b1: {  	[tilespmem:s23], [sflag:$0x1] =	stream.indirect_vreg.gather [hbm4b:s3+s28], $0x80, v3, vm0, $0xb8;
	[tilespmem:$0x18100] =	vst v63  }
0x1b2: {  	_ = 	snop  }
0x1b3: {  	[tilespmem:s24], [sflag:$0x1] =	stream.indirect_vreg.gather [hbm4b:s6+s28], $0x80, v3, vm0, $0xb8;
	[tilespmem:$0x18100] =	vst v63  }
0x1b4: {  	_ = 	snop  }
0x1b5: {  	[tilespmem:s9], [sflag:$0x1] =	stream.indirect_vreg.gather [hbm4b:s7+s28], $0x80, v3, vm0, $0xb8;
	[tilespmem:$0x18100] =	vst v63  }
0x1b6: {  	_ = 	snop  }
0x1b7: {  	[tilespmem:s25], [sflag:$0x1] =	stream.indirect_vreg.gather [hbm4b:s8+s28], $0x80, v3, vm0, $0xb8;
	[tilespmem:$0x18100] =	vst v63  }
0x1b8: {  	_ =	swait.ge [sflag:s26], $0x10000  }
0x1b9: {  	[sflag:s26] =	ssyncset.done $0x0  }
0x1ba: {  	s29 =	simm.s32 $0x0;
	s11 =	simm.s32 $0x0;
	[sflag:s26] =	ssyncadd.s32 $0xFFFF0000  }
.LBB2_4:
0x1bb: {  	s30 =	sand.u32 $0x6000, s29;
	s12 =	sand.u32 $0x380, s11  }
0x1bc: {  	s12 =	sor.u32 s12, s30  }
0x1bd: {  	v3 =	vld [tilespmem:s12+$0x100]  }
0x1be: {  	v4 =	vld [tilespmem:s12+$0x8100]  }
0x1bf: {  	v5 =	vld [tilespmem:s12+$0x10100]  }
0x1c0: {  	v6 =	vld [tilespmem:s12+$0x110]  }
0x1c1: {  	v7 =	vld [tilespmem:s12+$0x8110]  }
0x1c2: {  	v8 =	vld [tilespmem:s12+$0x10110]  }
0x1c3: {  	v9 =	vld [tilespmem:s12+$0x120]  }
0x1c4: {  	v10 =	vld [tilespmem:s12+$0x8120]  }
0x1c5: {  	v11 =	vld [tilespmem:s12+$0x10120]  }
0x1c6: {  	v12 =	vld [tilespmem:s12+$0x130]  }
0x1c7: {  	v13 =	vld [tilespmem:s12+$0x8130]  }
0x1c8: {  	v14 =	vld [tilespmem:s12+$0x10130]  }
0x1c9: {  	v15 =	vld [tilespmem:s12+$0x140]  }
0x1ca: {  	v16 =	vld [tilespmem:s12+$0x8140]  }
0x1cb: {  	v17 =	vld [tilespmem:s12+$0x10140]  }
0x1cc: {  	v18 =	vld [tilespmem:s12+$0x150]  }
0x1cd: {  	v19 =	vld [tilespmem:s12+$0x8150]  }
0x1ce: {  	v20 =	vld [tilespmem:s12+$0x10150]  }
0x1cf: {  	v21 =	vld [tilespmem:s12+$0x160]  }
0x1d0: {  	v22 =	vld [tilespmem:s12+$0x8160]  }
0x1d1: {  	v23 =	vld [tilespmem:s12+$0x10160]  }
0x1d2: {  	v24 =	vld [tilespmem:s12+$0x170]  }
0x1d3: {  	v25 =	vld [tilespmem:s12+$0x8170]  }
0x1d4: {  	v26 =	vld [tilespmem:s12+$0x10170]  }
0x1d5: {  	v27 =	vld [tilespmem:s12+$0x500]  }
0x1d6: {  	v28 =	vld [tilespmem:s12+$0x8500]  }
0x1d7: {  	v29 =	vld [tilespmem:s12+$0x10500]  }
0x1d8: {  	v30 =	vld [tilespmem:s12+$0x510]  }
0x1d9: {  	v31 =	vld [tilespmem:s12+$0x8510]  }
0x1da: {  	v32 =	vld [tilespmem:s12+$0x10510]  }
0x1db: {  	v33 =	vld [tilespmem:s12+$0x520]  }
0x1dc: {  	v34 =	vld [tilespmem:s12+$0x8520]  }
0x1dd: {  	v35 =	vld [tilespmem:s12+$0x10520]  }
0x1de: {  	v36 =	vld [tilespmem:s12+$0x530]  }
0x1df: {  	v37 =	vld [tilespmem:s12+$0x8530]  }
0x1e0: {  	v38 =	vld [tilespmem:s12+$0x10530]  }
0x1e1: {  	v39 =	vld [tilespmem:s12+$0x540]  }
0x1e2: {  	v40 =	vld [tilespmem:s12+$0x8540]  }
0x1e3: {  	v41 =	vld [tilespmem:s12+$0x10540]  }
0x1e4: {  	v42 =	vld [tilespmem:s12+$0x550]  }
0x1e5: {  	v43 =	vld [tilespmem:s12+$0x8550]  }
0x1e6: {  	v44 =	vld [tilespmem:s12+$0x10550]  }
0x1e7: {  	v45 =	vld [tilespmem:s12+$0x560]  }
0x1e8: {  	v46 =	vld [tilespmem:s12+$0x8560]  }
0x1e9: {  	v47 =	vld [tilespmem:s12+$0x10560]  }
0x1ea: {  	v48 =	vld [tilespmem:s12+$0x570]  }
0x1eb: {  	v49 =	vld [tilespmem:s12+$0x8570]  }
0x1ec: {  	v50 =	vld [tilespmem:s12+$0x10570]  }
0x1ed: {  	v51 =	vld [tilespmem:s12+$0x900]  }
0x1ee: {  	v52 =	vld [tilespmem:s12+$0x8900]  }
0x1ef: {  	v53 =	vld [tilespmem:s12+$0x10900]  }
0x1f0: {  	v56 =	vld [tilespmem:s12+$0x940]  }
0x1f1: {  	v58 =	vld [tilespmem:s12+$0x8940]  }
0x1f2: {  	v3 =	vadd.f32 v4, v3;
	v4 =	vld [tilespmem:s12+$0x910]  }
0x1f3: {  	v6 =	vadd.f32 v7, v6;
	v7 =	vld [tilespmem:s12+$0x8910]  }
0x1f4: {  	v61 =	vadd.f32 v10, v9;
	v9 =	vld [tilespmem:s12+$0x10910]  }
0x1f5: {  	v10 =	vld [tilespmem:s12+$0x920]  }
0x1f6: {  	v62 =	vadd.f32 v13, v12;
	v12 =	vld [tilespmem:s12+$0x10920]  }
0x1f7: {  	v13 =	vld [tilespmem:s12+$0x930]  }
0x1f8: {  	v63 =	vadd.f32 v16, v15;
	v19 =	vadd.f32 v19, v18;
	v15 =	vld [tilespmem:s12+$0x10930]  }
0x1f9: {  	v55 =	vadd.f32 v31, v30;
	v31 =	vld [tilespmem:s12+$0x960];
	v3 =	vadd.f32 v5, v3  }
0x1fa: {  	v57 =	vadd.f32 v34, v33;
	v33 =	vld [tilespmem:s12+$0x8960];
	v6 =	vadd.f32 v8, v6  }
0x1fb: {  	v60 =	vadd.f32 v37, v36;
	v37 =	vld [tilespmem:s12+$0x8970];
	[tilespmem:s12+$0x100] =	vst v3;
	v3 =	vadd.f32 v11, v61  }
0x1fc: {  	v30 =	vadd.f32 v49, v48;
	v48 =	vld [tilespmem:s12+$0xD00];
	v16 =	vadd.f32 v14, v62;
	[tilespmem:s12+$0x110] =	vst v6  }
0x1fd: {  	v21 =	vadd.f32 v22, v21;
	v49 =	vld [tilespmem:s12+$0xD10];
	[tilespmem:s12+$0x120] =	vst v3;
	v3 =	vadd.f32 v17, v63  }
0x1fe: {  	v25 =	vadd.f32 v25, v24;
	v18 =	vld [tilespmem:s12+$0x1140];
	v22 =	vadd.f32 v20, v19;
	[tilespmem:s12+$0x130] =	vst v16  }
0x1ff: {  	v28 =	vadd.f32 v28, v27;
	v14 =	vld [tilespmem:s12+$0x8930];
	[tilespmem:s12+$0x140] =	vst v3;
	v3 =	vadd.f32 v23, v21  }
0x200: {  	v54 =	vadd.f32 v26, v25;
	v26 =	vld [tilespmem:s12+$0x8950];
	[tilespmem:s12+$0x150] =	vst v22  }
0x201: {  	v62 =	vadd.f32 v40, v39;
	v39 =	vld [tilespmem:s12+$0x10960];
	[tilespmem:s12+$0x160] =	vst v3;
	v3 =	vadd.f32 v29, v28  }
0x202: {  	v59 =	vadd.f32 v32, v55;
	v34 =	vadd.f32 v50, v30;
	v50 =	vld [tilespmem:s12+$0x8D10];
	[tilespmem:s12+$0x170] =	vst v54  }
0x203: {  	v32 =	vadd.f32 v52, v51;
	v51 =	vld [tilespmem:s12+$0xD20];
	[tilespmem:s12+$0x500] =	vst v3;
	v3 =	vadd.f32 v35, v57  }
0x204: {  	v24 =	vadd.f32 v38, v60;
	v11 =	vld [tilespmem:s12+$0x8920];
	[tilespmem:s12+$0x510] =	vst v59  }
0x205: {  	v27 =	vadd.f32 v46, v45;
	v52 =	vld [tilespmem:s12+$0x8D20];
	[tilespmem:s12+$0x520] =	vst v3;
	v3 =	vadd.f32 v41, v62  }
0x206: {  	v61 =	vld [tilespmem:s12+$0x10940];
	[tilespmem:s12+$0x530] =	vst v24;
	v4 =	vadd.f32 v7, v4  }
0x207: {  	v63 =	vld [tilespmem:s12+$0x950];
	[tilespmem:s12+$0x540] =	vst v3;
	v3 =	vadd.f32 v47, v27  }
0x208: {  	[tilespmem:s12+$0x570] =	vst v34;
	v4 =	vadd.f32 v9, v4;
	v38 =	vadd.f32 v14, v13;
	v28 =	vld [tilespmem:s12+$0x10950]  }
0x209: {  	v36 =	vadd.f32 v11, v10;
	v35 =	vld [tilespmem:s12+$0x970];
	[tilespmem:s12+$0x560] =	vst v3;
	v3 =	vadd.f32 v53, v32  }
0x20a: {  	v25 =	vadd.f32 v43, v42;
	v55 =	vld [tilespmem:s12+$0xD40];
	[tilespmem:s12+$0x910] =	vst v4;
	v42 =	vadd.f32 v15, v38  }
0x20b: {  	v40 =	vadd.f32 v58, v56;
	v41 =	vld [tilespmem:s12+$0x10970];
	[tilespmem:s12+$0x900] =	vst v3;
	v3 =	vadd.f32 v12, v36  }
0x20c: {  	v56 =	vld [tilespmem:s12+$0x8D40];
	v29 =	vadd.f32 v44, v25;
	v43 =	vadd.f32 v26, v63;
	[tilespmem:s12+$0x930] =	vst v42  }
0x20d: {  	v58 =	vld [tilespmem:s12+$0x8D50];
	v44 =	vadd.f32 v33, v31;
	[tilespmem:s12+$0x920] =	vst v3;
	v3 =	vadd.f32 v61, v40  }
0x20e: {  	v60 =	vld [tilespmem:s12+$0x8D60];
	[tilespmem:s12+$0x550] =	vst v29;
	v45 =	vadd.f32 v28, v43;
	v46 =	vadd.f32 v37, v35  }
0x20f: {  	v8 =	vld [tilespmem:s12+$0x11100];
	[tilespmem:s12+$0x940] =	vst v3;
	v3 =	vadd.f32 v39, v44  }
0x210: {  	v19 =	vld [tilespmem:s12+$0x9140];
	[tilespmem:s12+$0x950] =	vst v45;
	v47 =	vadd.f32 v41, v46  }
0x211: {  	s30 =	sor.u32 s30, s11;
	[tilespmem:s12+$0x960] =	vst v3;
	v3 =	vld [tilespmem:s12+$0x8D00]  }
0x212: {  	s30 =	sor.u32 $0x8C00, s30;
	v20 =	vld [tilespmem:s12+$0x11140];
	[tilespmem:s12+$0x970] =	vst v47  }
0x213: {  	v4 =	vld [tilespmem:s30+$0x8100]  }
0x214: {  	v30 =	vld [tilespmem:s12+$0x1500]  }
0x215: {  	v54 =	vld [tilespmem:s12+$0x8D30]  }
0x216: {  	v59 =	vld [tilespmem:s12+$0xD60];
	v3 =	vadd.f32 v3, v48  }
0x217: {  	v6 =	vld [tilespmem:s12+$0x1100]  }
0x218: {  	v22 =	vld [tilespmem:s12+$0x9150];
	v3 =	vadd.f32 v4, v3  }
0x219: {  	v24 =	vld [tilespmem:s12+$0x1160]  }
0x21a: {  	v34 =	vld [tilespmem:s12+$0x9510];
	[tilespmem:s12+$0xD00] =	vst v3  }
0x21b: {  	v3 =	vld [tilespmem:s30+$0x8110]  }
0x21c: {  	v7 =	vld [tilespmem:s12+$0x9100]  }
0x21d: {  	v17 =	vld [tilespmem:s12+$0x11130]  }
0x21e: {  	v9 =	vld [tilespmem:s12+$0x1110];
	v4 =	vadd.f32 v50, v49  }
0x21f: {  	v14 =	vld [tilespmem:s12+$0x11120]  }
0x220: {  	v13 =	vld [tilespmem:s12+$0x11920];
	v3 =	vadd.f32 v3, v4  }
0x221: {  	v21 =	vld [tilespmem:s12+$0x1150]  }
0x222: {  	v23 =	vld [tilespmem:s12+$0x11150];
	[tilespmem:s12+$0xD10] =	vst v3  }
0x223: {  	v3 =	vld [tilespmem:s30+$0x8120]  }
0x224: {  	v11 =	vld [tilespmem:s12+$0x11110]  }
0x225: {  	v15 =	vld [tilespmem:s12+$0x1130]  }
0x226: {  	v38 =	vld [tilespmem:s12+$0x11520];
	v4 =	vadd.f32 v52, v51  }
0x227: {  	v10 =	vld [tilespmem:s12+$0x11910]  }
0x228: {  	v25 =	vld [tilespmem:s12+$0x9160];
	v3 =	vadd.f32 v3, v4  }
0x229: {  	v53 =	vld [tilespmem:s12+$0xD30]  }
0x22a: {  	v31 =	vld [tilespmem:s12+$0x9500];
	[tilespmem:s12+$0xD20] =	vst v3  }
0x22b: {  	v3 =	vld [tilespmem:s30+$0x8130]  }
0x22c: {  	v33 =	vld [tilespmem:s12+$0x1510]  }
0x22d: {  	v6 =	vadd.f32 v7, v6;
	v7 =	vld [tilespmem:s12+$0x1910]  }
0x22e: {  	v63 =	vld [tilespmem:s12+$0x9130];
	v4 =	vadd.f32 v54, v53  }
0x22f: {  	v26 =	vld [tilespmem:s12+$0x11160]  }
0x230: {  	v42 =	vld [tilespmem:s12+$0x1540];
	v3 =	vadd.f32 v3, v4  }
0x231: {  	v57 =	vld [tilespmem:s12+$0xD50]  }
0x232: {  	v29 =	vld [tilespmem:s12+$0x11170];
	[tilespmem:s12+$0xD30] =	vst v3  }
0x233: {  	v3 =	vld [tilespmem:s30+$0x8140]  }
0x234: {  	v62 =	vld [tilespmem:s12+$0x9120]  }
0x235: {  	v28 =	vld [tilespmem:s12+$0x9170]  }
0x236: {  	v43 =	vld [tilespmem:s12+$0x9540];
	v4 =	vadd.f32 v56, v55  }
0x237: {  	v34 =	vadd.f32 v34, v33;
	v33 =	vld [tilespmem:s12+$0x9960]  }
0x238: {  	v27 =	vld [tilespmem:s12+$0x1170];
	v3 =	vadd.f32 v3, v4  }
0x239: {  	v63 =	vadd.f32 v63, v15;
	v15 =	vld [tilespmem:s12+$0x9930]  }
0x23a: {  	v35 =	vld [tilespmem:s12+$0x11510];
	[tilespmem:s12+$0xD40] =	vst v3  }
0x23b: {  	v3 =	vld [tilespmem:s30+$0x8150]  }
0x23c: {  	v45 =	vld [tilespmem:s12+$0x1550]  }
0x23d: {  	v32 =	vld [tilespmem:s12+$0x11500]  }
0x23e: {  	v41 =	vld [tilespmem:s12+$0x11530];
	v4 =	vadd.f32 v58, v57  }
0x23f: {  	v46 =	vld [tilespmem:s12+$0x9550]  }
0x240: {  	v12 =	vld [tilespmem:s12+$0x1120];
	v3 =	vadd.f32 v3, v4  }
0x241: {  	v36 =	vld [tilespmem:s12+$0x1970]  }
0x242: {  	v61 =	vld [tilespmem:s12+$0x9110];
	[tilespmem:s12+$0xD50] =	vst v3  }
0x243: {  	v3 =	vld [tilespmem:s30+$0x8160]  }
0x244: {  	v47 =	vld [tilespmem:s12+$0x11550]  }
0x245: {  	v40 =	vld [tilespmem:s12+$0x11960]  }
0x246: {  	v44 =	vld [tilespmem:s12+$0x11540];
	v4 =	vadd.f32 v60, v59  }
0x247: {  	v62 =	vadd.f32 v62, v12;
	v12 =	vld [tilespmem:s12+$0x9920]  }
0x248: {  	v61 =	vadd.f32 v61, v9;
	v9 =	vld [tilespmem:s12+$0x9910];
	v3 =	vadd.f32 v3, v4  }
0x249: {  	v4 =	vld [tilespmem:s12+$0xD70]  }
0x24a: {  	[tilespmem:s12+$0xD60] =	vst v3;
	v3 =	vld [tilespmem:s12+$0x8D70]  }
0x24b: {  	v16 =	vadd.f32 v14, v62;
	v14 =	vld [tilespmem:s12+$0x1930]  }
0x24c: {  	v5 =	vld [tilespmem:s30+$0x8170]  }
0x24d: {  	v62 =	vadd.f32 v43, v42;
	v42 =	vld [tilespmem:s12+$0x11970]  }
0x24e: {  	v48 =	vld [tilespmem:s12+$0x1560]  }
0x24f: {  	v49 =	vld [tilespmem:s12+$0x9560];
	v3 =	vadd.f32 v3, v4  }
0x250: {  	v50 =	vld [tilespmem:s12+$0x11560]  }
0x251: {  	v51 =	vld [tilespmem:s12+$0x1570];
	v3 =	vadd.f32 v5, v3  }
0x252: {  	v6 =	vadd.f32 v8, v6;
	v57 =	vld [tilespmem:s12+$0x1520]  }
0x253: {  	v58 =	vld [tilespmem:s12+$0x9520];
	[tilespmem:s12+$0xD70] =	vst v3;
	v3 =	vadd.f32 v11, v61  }
0x254: {  	v19 =	vadd.f32 v19, v18;
	v59 =	vld [tilespmem:s12+$0x1530];
	[tilespmem:s12+$0x1100] =	vst v6  }
0x255: {  	v21 =	vadd.f32 v22, v21;
	v60 =	vld [tilespmem:s12+$0x9530];
	[tilespmem:s12+$0x1110] =	vst v3;
	v3 =	vadd.f32 v17, v63  }
0x256: {  	v22 =	vadd.f32 v20, v19;
	v25 =	vadd.f32 v25, v24;
	v52 =	vld [tilespmem:s12+$0x9570];
	[tilespmem:s12+$0x1120] =	vst v16  }
0x257: {  	v27 =	vadd.f32 v28, v27;
	v53 =	vld [tilespmem:s12+$0x11570];
	[tilespmem:s12+$0x1130] =	vst v3;
	v3 =	vadd.f32 v23, v21  }
0x258: {  	v31 =	vadd.f32 v31, v30;
	v28 =	vadd.f32 v26, v25;
	v54 =	vld [tilespmem:s12+$0x1900];
	[tilespmem:s12+$0x1140] =	vst v22  }
0x259: {  	v57 =	vadd.f32 v58, v57;
	v11 =	vld [tilespmem:s12+$0x1920];
	[tilespmem:s12+$0x1150] =	vst v3;
	v3 =	vadd.f32 v29, v27  }
0x25a: {  	v55 =	vld [tilespmem:s12+$0x9900];
	v56 =	vadd.f32 v32, v31;
	v59 =	vadd.f32 v60, v59;
	[tilespmem:s12+$0x1160] =	vst v28  }
0x25b: {  	v61 =	vadd.f32 v38, v57;
	v38 =	vld [tilespmem:s12+$0x9970];
	[tilespmem:s12+$0x1170] =	vst v3;
	v3 =	vadd.f32 v35, v34  }
0x25c: {  	v30 =	vadd.f32 v49, v48;
	v31 =	vld [tilespmem:s12+$0x1960];
	[tilespmem:s12+$0x1500] =	vst v56  }
0x25d: {  	v58 =	vld [tilespmem:s12+$0x9940];
	v27 =	vadd.f32 v46, v45;
	[tilespmem:s12+$0x1510] =	vst v3;
	v3 =	vadd.f32 v41, v59  }
0x25e: {  	v60 =	vld [tilespmem:s12+$0x1950];
	[tilespmem:s12+$0x1520] =	vst v61;
	v39 =	vadd.f32 v12, v11;
	v29 =	vadd.f32 v44, v62  }
0x25f: {  	v32 =	vadd.f32 v52, v51;
	v16 =	vld [tilespmem:s12+$0x11930];
	[tilespmem:s12+$0x1530] =	vst v3;
	v3 =	vadd.f32 v47, v27  }
0x260: {  	v4 =	vld [tilespmem:s12+$0x11900];
	v48 =	vadd.f32 v38, v36;
	v43 =	vadd.f32 v13, v39;
	[tilespmem:s12+$0x1540] =	vst v29  }
0x261: {  	v37 =	vadd.f32 v9, v7;
	v63 =	vld [tilespmem:s12+$0x9950];
	[tilespmem:s12+$0x1550] =	vst v3;
	v3 =	vadd.f32 v53, v32  }
0x262: {  	v17 =	vld [tilespmem:s12+$0x1940];
	v49 =	vadd.f32 v42, v48;
	[tilespmem:s12+$0x1920] =	vst v43  }
0x263: {  	v28 =	vld [tilespmem:s12+$0x11950];
	v41 =	vadd.f32 v15, v14;
	[tilespmem:s12+$0x1570] =	vst v3;
	v3 =	vadd.f32 v10, v37  }
0x264: {  	v45 =	vld [tilespmem:s12+$0x11940];
	v46 =	vadd.f32 v33, v31;
	v34 =	vadd.f32 v50, v30;
	[tilespmem:s12+$0x1970] =	vst v49  }
0x265: {  	v35 =	vadd.f32 v55, v54;
	[tilespmem:s12+$0x1910] =	vst v3;
	v3 =	vadd.f32 v16, v41  }
0x266: {  	v44 =	vadd.f32 v63, v60;
	v5 =	vadd.f32 v40, v46;
	[tilespmem:s12+$0x1560] =	vst v34  }
0x267: {  	s31 =	sand.u32 $0x7, s28;
	v4 =	vadd.f32 v4, v35;
	[tilespmem:s12+$0x1930] =	vst v3;
	v3 =	vadd.f32 v58, v17  }
0x268: {  	s30 =	sshll.u32 s31, $0x7;
	[tilespmem:s12+$0x1960] =	vst v5;
	v47 =	vadd.f32 v28, v44  }
0x269: {  	s30 =	sadd.s32 s30, s29;
	[tilespmem:s12+$0x1900] =	vst v4;
	v3 =	vadd.f32 v45, v3  }
0x26a: {  	s31 =	sor.u32 $0x1C00, s30;
	[tilespmem:s12+$0x1950] =	vst v47  }
0x26b: {  	[tilespmem:s12+$0x1940] =	vst v3;
	v3 =	vld [tilespmem:s31+$0x100]  }
0x26c: {  	s12 =	sor.u32 s29, s11;
	v4 =	vld [tilespmem:s31+$0x8100]  }
0x26d: {  	s12 =	sor.u32 $0x9C00, s12  }
0x26e: {  	v5 =	vld [tilespmem:s12+$0x8100];
	_ =	sdelay $0x2  }
0x26f: {  	v3 =	vadd.f32 v4, v3;
	_ =	sdelay $0x1  }
0x270: {  	v3 =	vadd.f32 v5, v3;
	_ =	sdelay $0x1  }
0x271: {  	[tilespmem:s31+$0x100] =	vst v3;
	s31 =	sor.u32 $0x1C10, s30  }
0x272: {  	v3 =	vld [tilespmem:s31+$0x100]  }
0x273: {  	v50 =	vld [tilespmem:s31+$0x8100];
	_ =	sdelay $0x1  }
0x274: {  	v51 =	vld [tilespmem:s12+$0x8110];
	_ =	sdelay $0x2  }
0x275: {  	v3 =	vadd.f32 v50, v3;
	_ =	sdelay $0x1  }
0x276: {  	v3 =	vadd.f32 v51, v3;
	_ =	sdelay $0x1  }
0x277: {  	[tilespmem:s31+$0x100] =	vst v3;
	s31 =	sor.u32 $0x1C20, s30  }
0x278: {  	v3 =	vld [tilespmem:s31+$0x100]  }
0x279: {  	v52 =	vld [tilespmem:s31+$0x8100];
	_ =	sdelay $0x1  }
0x27a: {  	v53 =	vld [tilespmem:s12+$0x8120];
	_ =	sdelay $0x2  }
0x27b: {  	v3 =	vadd.f32 v52, v3;
	_ =	sdelay $0x1  }
0x27c: {  	v3 =	vadd.f32 v53, v3;
	_ =	sdelay $0x1  }
0x27d: {  	[tilespmem:s31+$0x100] =	vst v3;
	s31 =	sor.u32 $0x1C30, s30  }
0x27e: {  	v3 =	vld [tilespmem:s31+$0x100]  }
0x27f: {  	v54 =	vld [tilespmem:s31+$0x8100];
	_ =	sdelay $0x1  }
0x280: {  	v55 =	vld [tilespmem:s12+$0x8130];
	_ =	sdelay $0x2  }
0x281: {  	v3 =	vadd.f32 v54, v3;
	_ =	sdelay $0x1  }
0x282: {  	v3 =	vadd.f32 v55, v3;
	_ =	sdelay $0x1  }
0x283: {  	[tilespmem:s31+$0x100] =	vst v3;
	s31 =	sor.u32 $0x1C40, s30  }
0x284: {  	v3 =	vld [tilespmem:s31+$0x100]  }
0x285: {  	v56 =	vld [tilespmem:s31+$0x8100];
	_ =	sdelay $0x1  }
0x286: {  	v57 =	vld [tilespmem:s12+$0x8140];
	_ =	sdelay $0x2  }
0x287: {  	v3 =	vadd.f32 v56, v3;
	_ =	sdelay $0x1  }
0x288: {  	v3 =	vadd.f32 v57, v3;
	_ =	sdelay $0x1  }
0x289: {  	[tilespmem:s31+$0x100] =	vst v3;
	s31 =	sor.u32 $0x1C50, s30  }
0x28a: {  	v3 =	vld [tilespmem:s31+$0x100]  }
0x28b: {  	v58 =	vld [tilespmem:s31+$0x8100];
	_ =	sdelay $0x1  }
0x28c: {  	v59 =	vld [tilespmem:s12+$0x8150];
	_ =	sdelay $0x2  }
0x28d: {  	v3 =	vadd.f32 v58, v3;
	_ =	sdelay $0x1  }
0x28e: {  	v3 =	vadd.f32 v59, v3;
	_ =	sdelay $0x1  }
0x28f: {  	[tilespmem:s31+$0x100] =	vst v3;
	s31 =	sor.u32 $0x1C60, s30  }
0x290: {  	v3 =	vld [tilespmem:s31+$0x100]  }
0x291: {  	v60 =	vld [tilespmem:s31+$0x8100];
	_ =	sdelay $0x1  }
0x292: {  	v61 =	vld [tilespmem:s12+$0x8160];
	_ =	sdelay $0x2  }
0x293: {  	v3 =	vadd.f32 v60, v3;
	_ =	sdelay $0x1  }
0x294: {  	v3 =	vadd.f32 v61, v3;
	_ =	sdelay $0x1  }
0x295: {  	s30 =	sor.u32 $0x1C70, s30;
	[tilespmem:s31+$0x100] =	vst v3  }
0x296: {  	v3 =	vld [tilespmem:s30+$0x100]  }
0x297: {  	v62 =	vld [tilespmem:s30+$0x8100];
	_ =	sdelay $0x1  }
0x298: {  	v63 =	vld [tilespmem:s12+$0x8170];
	_ =	sdelay $0x1  }
0x299: {  	p0 =	sne.s32 s29, $0x7C00  }
.Ltmp1:
0x29a: {  	v3 =	vadd.f32 v62, v3;
	(pc) =	sbr.rel @p0 .LBB2_4-.Ltmp1, $3  }
0x29b: {  	_ = 	snop  }
0x29c: {  	v3 =	vadd.f32 v63, v3;
	_ =	sdelay $0x1  }
0x29d: {  	s28 =	sadd.s32 $0x1, s28;
	s11 =	sadd.s32 $0x80, s11;
	s29 =	sadd.s32 $0x400, s29;
	[tilespmem:s30+$0x100] =	vst v3  }
0x29e: {  	s11 =	rddreg [dreg:$0x7]  }
0x29f: {  	[hbm4b:s11+s2] =	stream.linear.scatter [tilespmem:s14], [sflag:$0x2], $0x8000, $0x38;
	[tilespmem:$0x18100] =	vst v63  }
0x2a0: {  	_ =	swait.ge [sflag:s13], $0x8000  }
0x2a1: {  	s10 =	sadd.s32 $0x1, s10;
	s31 =	rddreg [dreg:$0x8]  }
0x2a2: {  	p0 =	sne.s32 s10, s31  }
.Ltmp2:
0x2a3: {  	_ = 	snop;
	(pc) =	sbr.rel @p0 .LBB2_1-.Ltmp2, $3  }
0x2a4: {  	_ =	sdelay $0x1  }
0x2a5: {  	[sflag:s13] =	ssyncset.done $0x0  }
0x2a6: {  	[sflag:s13] =	ssyncadd.s32 $0xFFFF8000  }
0x2a7: {  	_ =	sfence.sel $0x180000  }
0x2a8: {  	[bflag:$0x0] =	sbarrier.arrive $0xFFFF  }
0x2a9: {  	_ =	strace $0x9000004A  }
0x2aa: {  	s0 =	stileid.u32;
	[bflag:$0x2] =	sbarrier.arrive $0xFFFF  }
0x2ab: {  	p0 =	sne.s32 s0, $0x0;
	s0 =	rddreg [dreg:$0x2]  }
0x2ac: {  	s0 =	sadd.s32 @!p0 $0x100000, s0  }
0x2ad: {  	[sflag:s0] =	ssyncadd.tile.s32 @!p0 $0x1;
	_ =	shalt  }
.Lfunc_end2:
_tile_overlayer_lowered:
.L_overlay_start_2:
0x2ae: {  	(tag) =	ssettag $0x2  }
0x2af: {  	s0 =	rddreg [dreg:$0x0];
	s2 =	stileid.u32  }
0x2b0: {  	s1 =	rddreg [dreg:$0x1];
	p0 =	sne.s32 s2, $0x0  }
0x2b1: {  	s3 =	rddreg [dreg:$0x2];
	[bflag:$0x3] =	sbarrier.arrive $0xFFFF;
	s2 =	simm.s32 @!p0 $0x1C02  }
0x2b2: {  	[timem:s3], [sflag:s2] =	dma.local @!p0 [hbm:s0], s1  }
0x2b3: {  	s0 =	simm.s32 @!p0 $0x2  }
0x2b4: {  	_ =	swait.ge @!p0 [sflag:s0], s1  }
0x2b5: {  	s1 =	ssub.s32 @!p0 $0x0, s1;
	[sflag:s0] =	ssyncset.done @!p0 $0x0  }
0x2b6: {  	[sflag:s0] =	ssyncadd.s32 @!p0 s1  }
0x2b7: {  	[bflag:$0x3] =	sbarrier.arrive $0xFFFF  }
0x2b8: {  	_ =	shalt  }

// kernel: kernel.7.cloned.1.call-start
scs
__scs_entry_jumppad:
0x0: {  	(pc) =	sbr.rel $0x88, $3  }
0x1: {  	(tag) =	ssettag $0x0;
	lr =	simm.s32 $0x1  }
0x2: {  	[smem:$0x3F98] =	sst lr;
	_ =	strace $0xD0000000  }
0x3: {  	_ = 	snop  }
0x4: {  	_ = 	snop  }
0x5: {  	_ = 	snop  }
0x6: {  	_ = 	snop  }
0x7: {  	_ = 	snop  }
__scs_overlays_trampoline_lowered:
0x8: {  	[smem:$0x3FA7] =	sst s0  }
0x9: {  	[smem:$0x3FA8] =	sst s1  }
0xa: {  	[smem:$0x3FA9] =	sst s2  }
0xb: {  	[smem:$0x3FAA] =	sst s3  }
0xc: {  	[smem:$0x3FAB] =	sst s4  }
0xd: {  	[smem:$0x3FAC] =	sst s5  }
0xe: {  	[smem:$0x3FAD] =	sst s6  }
0xf: {  	[smem:$0x3FAE] =	sst s7  }
0x10: {  	[smem:$0x3FAF] =	sst s8  }
0x11: {  	[smem:$0x3FB0] =	sst s9;
	s0 =	simm.s32 @!p0 $0x0  }
0x12: {  	s1 =	sld [smem:$0x3F96];
	s0 =	simm.s32 @p0 $0x1  }
0x13: {  	[smem:$0x3FB1] =	sst s0;
	s0 =	simm.s32 @!p1 $0x0  }
0x14: {  	s2 =	sld [smem:$0x3F95];
	s0 =	simm.s32 @p1 $0x1  }
0x15: {  	[smem:$0x3FB2] =	sst s0;
	s0 =	simm.s32 @!p2 $0x0  }
0x16: {  	s3 =	sld [smem:$0x3FDB];
	s0 =	simm.s32 @p2 $0x1  }
0x17: {  	s4 =	simm.s32 $0x1BF5;
	[smem:$0x3FB4] =	sst s0  }
0x18: {  	s0 =	sld [smem:$0x3F97];
	_ =	swait.ge [sflag:s4], $0x0  }
0x19: {  	s7 =	sld [smem:$0x3F98]  }
0x1a: {  	s8 =	sadd.s32 $0xFFFFE003, lr  }
0x1b: {  	s9 =	sadd.s32 $0xFFFFFEF7, lr;
	s5 =	simm.s32 $0xFFFFFFFF;
	p2 =	slt.u32 s8, $0xFFFFF086  }
0x1c: {  	p1 =	slt.u32 s9, $0xF7A;
	s5 =	simm.s32 @!p2 $0x0  }
0x1d: {  	s5 =	simm.s32 @p1 $0x1;
	p0 =	seq.s32 s7, s2  }
0x1e: {  	s7 =	smul.u32 @!p0 $0xF7A, s2;
	p2 =	seq.s32 @!p0 s5, $0x0  }
0x1f: {  	s9 =	smul.u32 $0xF7A, s1;
	s8 =	simm.s32 @!p0 $0x1BF5;
	p2 =	por !p2, p0  }
0x20: {  	[sflag:s8] =	ssyncset.s32 @!p0 $0xFFFFF086;
	s6 =	sadd.s32 @!p0 s3, s7;
	s7 =	simm.s32 @!p0 $0x108  }
0x21: {  	s3 =	sadd.s32 s3, s9;
	s6 =	sadd.s32 @!p0 $0x88, s6;
	s7 =	simm.s32 @p2 $0x1082  }
0x22: {  	[simem:s7], [sflag:s8] =	dma.local @!p0 [hbm:s6], $0xF7A  }
0x23: {  	s9 =	sor.u32 $0xD0000000, s2;
	s6 =	simm.s32 $0x108;
	_ =	swait.ge @!p0 [sflag:s8], $0x0  }
0x24: {  	s3 =	sadd.s32 $0x88, s3;
	s6 =	simm.s32 @!p1 $0x1082;
	[sflag:s4] =	ssyncset.s32 $0xFFFFF086  }
0x25: {  	[simem:s6], [sflag:s4] =	dma.local [hbm:s3], $0xF7A  }
0x26: {  	[smem:$0x3F98] =	sst s1;
	(tag) =	ssettag s2;
	_ =	strace s9  }
0x27: {  	s1 =	sld [smem:$0x3FA8]  }
0x28: {  	s2 =	sld [smem:$0x3FA9]  }
0x29: {  	s4 =	sld [smem:$0x3FAB]  }
0x2a: {  	p0 =	seq.s32 s5, $0x0;
	s5 =	sld [smem:$0x3FAC]  }
0x2b: {  	s6 =	sld [smem:$0x3FAD]  }
0x2c: {  	s7 =	sld [smem:$0x3FAE]  }
0x2d: {  	s3 =	simm.s32 $0x108;
	s8 =	sld [smem:$0x3FAF]  }
0x2e: {  	s3 =	simm.s32 @!p0 $0x1082;
	s9 =	sld [smem:$0x3FB0]  }
0x2f: {  	lr =	sadd.s32 s0, s3;
	s0 =	sld [smem:$0x3FA7]  }
0x30: {  	s3 =	sld [smem:$0x3FAA]  }
0x31: {  	[smem:$0x3FB3] =	sst s10  }
0x32: {  	s10 =	sld [smem:$0x3FB1];
	_ =	sdelay $0x3  }
0x33: {  	p0 =	seq.s32 s10, $0x1;
	s10 =	sld [smem:$0x3FB3];
	_ =	sdelay $0x3  }
0x34: {  	[smem:$0x3FB3] =	sst s10  }
0x35: {  	s10 =	sld [smem:$0x3FB2];
	_ =	sdelay $0x3  }
0x36: {  	p1 =	seq.s32 s10, $0x1;
	s10 =	sld [smem:$0x3FB3];
	_ =	sdelay $0x3  }
0x37: {  	[smem:$0x3FB3] =	sst s10  }
0x38: {  	s10 =	sld [smem:$0x3FB4]  }
0x39: {  	_ = 	snop;
	(pc) =	sbr.ind lr, $3  }
0x3a: {  	_ = 	snop  }
0x3b: {  	_ = 	snop  }
0x3c: {  	p2 =	seq.s32 s10, $0x1;
	s10 =	sld [smem:$0x3FB3]  }
0x3d: {  	_ =	shalt  }
0x3e: {  	_ =	shalt  }
0x3f: {  	_ =	shalt  }
0x40: {  	_ =	shalt  }
0x41: {  	_ =	shalt  }
0x42: {  	_ =	shalt  }
0x43: {  	_ =	shalt  }
0x44: {  	_ =	shalt  }
0x45: {  	_ =	shalt  }
0x46: {  	_ =	shalt  }
0x47: {  	_ =	shalt  }
0x48: {  	_ =	shalt  }
0x49: {  	_ =	shalt  }
0x4a: {  	_ =	shalt  }
0x4b: {  	_ =	shalt  }
0x4c: {  	_ =	shalt  }
0x4d: {  	_ =	shalt  }
0x4e: {  	_ =	shalt  }
0x4f: {  	_ =	shalt  }
0x50: {  	_ =	shalt  }
0x51: {  	_ =	shalt  }
0x52: {  	_ =	shalt  }
0x53: {  	_ =	shalt  }
0x54: {  	_ =	shalt  }
0x55: {  	_ =	shalt  }
0x56: {  	_ =	shalt  }
0x57: {  	_ =	shalt  }
0x58: {  	_ =	shalt  }
0x59: {  	_ =	shalt  }
0x5a: {  	_ =	shalt  }
0x5b: {  	_ =	shalt  }
0x5c: {  	_ =	shalt  }
0x5d: {  	_ =	shalt  }
0x5e: {  	_ =	shalt  }
0x5f: {  	_ =	shalt  }
0x60: {  	_ =	shalt  }
0x61: {  	_ =	shalt  }
0x62: {  	_ =	shalt  }
0x63: {  	_ =	shalt  }
0x64: {  	_ =	shalt  }
0x65: {  	_ =	shalt  }
0x66: {  	_ =	shalt  }
0x67: {  	_ =	shalt  }
0x68: {  	_ =	shalt  }
0x69: {  	_ =	shalt  }
0x6a: {  	_ =	shalt  }
0x6b: {  	_ =	shalt  }
0x6c: {  	_ =	shalt  }
0x6d: {  	_ =	shalt  }
0x6e: {  	_ =	shalt  }
0x6f: {  	_ =	shalt  }
0x70: {  	_ =	shalt  }
0x71: {  	_ =	shalt  }
0x72: {  	_ =	shalt  }
0x73: {  	_ =	shalt  }
0x74: {  	_ =	shalt  }
0x75: {  	_ =	shalt  }
0x76: {  	_ =	shalt  }
0x77: {  	_ =	shalt  }
0x78: {  	_ =	shalt  }
0x79: {  	_ =	shalt  }
0x7a: {  	_ =	shalt  }
0x7b: {  	_ =	shalt  }
0x7c: {  	_ =	shalt  }
0x7d: {  	_ =	shalt  }
0x7e: {  	_ =	shalt  }
0x7f: {  	_ =	shalt  }
0x80: {  	_ =	shalt  }
0x81: {  	_ =	shalt  }
0x82: {  	_ =	shalt  }
0x83: {  	_ =	shalt  }
0x84: {  	_ =	shalt  }
0x85: {  	_ =	shalt  }
0x86: {  	_ =	shalt  }
0x87: {  	_ =	shalt  }
.Lfunc_end0:
.L_simem_size_0:
called_computation_lowered:
.L_overlay_start_0:
0x88: {  	s2 =	sld [smem:$0x3FD9]  }
0x89: {  	s3 =	sld [smem:$0x3FFE];
	_ =	sdelay $0x1  }
0x8a: {  	s1 =	srdreg.scid  }
0x8b: {  	s0 =	sand.u32 $0x1, s1  }
0x8c: {  	s14 =	sshll.u32 s0, $0xA;
	s2 =	sadd.s32 s3, s2  }
0x8d: {  	s2 =	sadd.s32 s2, s14  }
0x8e: {  	[smem:$0x3FBF] =	sst s2  }
0x8f: {  	_ = 	snop  }
0x90: {  	s2 =	sld [smem:$0x3FD0];
	_ =	sdelay $0x2  }
0x91: {  	s4 =	simm.s32 $0xA;
	s5 =	simm.s32 $0x10;
	s15 =	sld [smem:$0x3FC9]  }
0x92: {  	[smem:s5], [sflag:s4] =	dma.local [hbm:s2], $0x1  }
0x93: {  	_ =	swait.eq [sflag:s4], $0x1  }
0x94: {  	[sflag:s4] =	ssyncset.done $0x0  }
0x95: {  	[sflag:s4] =	ssyncadd.s32 $0xFFFFFFFF  }
0x96: {  	s16 =	sld [smem:$0x10];
	(tm) =	ssettm $0x1  }
0x97: {  	s17 =	sld [smem:$0x3FFB];
	_ =	sdelay $0x3  }
0x98: {  	_ =	strace s17  }
0x99: {  	s4 =	sld [smem:$0x3FFC];
	_ =	sdelay $0x3  }
0x9a: {  	_ =	strace s4  }
0x9b: {  	s4 =	sld [smem:$0x3FFD];
	_ =	sdelay $0x3  }
0x9c: {  	_ =	strace s4  }
0x9d: {  	_ =	strace $0x8FFFFFFF  }
0x9e: {  	s18 =	sld [smem:$0x3FDB];
	_ =	sdelay $0x1  }
0x9f: {  	s19 =	simm.s32 $_scs_section_size  }
0xa0: {  	s6 =	simm.s32 $_size__tile_overlayer_lowered;
	s7 =	simm.s32 $_tile_overlayer_lowered  }
0xa1: {  	s22 =	simm.s32 $0x1BFF;
	s21 =	sshll.u32 s7, $0x1;
	s4 =	sadd.s32 s19, s18  }
0xa2: {  	s8 =	simm.s32 $0x0;
	s20 =	sshll.u32 s6, $0x1;
	s6 =	sadd.s32 s21, s4  }
0xa3: {  	[timem:s8], [sflag:s22] =	dma.local [hbm:s6], s20  }
0xa4: {  	_ =	swait.ge [sflag:s22], s20  }
0xa5: {  	s5 =	ssub.s32 $0x0, s20;
	[sflag:s22] =	ssyncset.done $0x0  }
0xa6: {  	[sflag:s22] =	ssyncadd.s32 s5;
	_ =	sdelay $0x1  }
0xa7: {  	s23 =	simm.s32 $0x1B8B  }
0xa8: {  	_ =	swait.ge [sflag:s23], $0x1  }
0xa9: {  	[sflag:s23] =	ssyncset.done $0x0  }
0xaa: {  	s25 =	simm.s32 $0x1B8E;
	s24 =	sld [smem:$0x3FFE];
	[sflag:s23] =	ssyncadd.s32 $0xFFFFFFFF  }
0xab: {  	s26 =	simm.s32 $execute0_lowered;
	[smem:$0x3FD2] =	sst s25  }
0xac: {  	s6 =	sshll.u32 s26, $0x1;
	_ =	strace $0x80000046;
	[dreg:$0x1] =	wrdreg $0xFFFFFFFF  }
0xad: {  	s28 =	simm.s32 $_size_execute0_lowered;
	s4 =	sadd.s32 s4, s6;
	[dreg:$0x0] =	wrdreg $0x0  }
0xae: {  	s6 =	sshll.u32 s28, $0x1;
	[dreg:$0x2] =	wrdreg s4  }
0xaf: {  	[dreg:$0x3] =	wrdreg s6  }
0xb0: {  	[dreg:$0x4] =	wrdreg $0xC0  }
0xb1: {  	_ =	task [dreg:s8], $0x5FFFF  }
0xb2: {  	[dreg:$0x1] =	wrdreg $0xFFFFFFFF  }
0xb3: {  	[dreg:$0x0] =	wrdreg $0x60  }
0xb4: {  	[dreg:$0x2] =	wrdreg s15  }
0xb5: {  	[dreg:$0x3] =	wrdreg s16  }
0xb6: {  	[dreg:$0x4] =	wrdreg s24  }
0xb7: {  	[dreg:$0x5] =	wrdreg $0x9  }
0xb8: {  	_ =	task.clear_ibuf [dreg:s8], $0x6FFFF;
	_ =	strace $0x90000046  }
0xb9: {  	s29 =	simm.s32 $0x9;
	_ =	strace $0x80000048  }
0xba: {  	_ =	swait.ge [sflag:s29], $0x1  }
0xbb: {  	[sflag:s29] =	ssyncadd.s32 $0xFFFFFFFF  }
0xbc: {  	_ =	strace $0x90000048  }
0xbd: {  	_ =	sfence  }
0xbe: {  	s30 =	sld [smem:$0x0];
	_ =	sdelay $0x2  }
0xbf: {  	s31 =	sshll.u32 s1, $0xD;
	s1 =	sshrl.u32 s1, $0x2  }
0xc0: {  	s3 =	sand.u32 $0x4000, s31;
	s1 =	sadd.s32 s1, s30  }
0xc1: {  	s0 =	sor.u32 s3, s0;
	s1 =	sshll.u32 s1, $0x11  }
0xc2: {  	s0 =	sor.u32 s1, s0  }
0xc3: {  	s0 =	sadd.s32 $0x8F2B, s0  }
0xc4: {  	[sflag:s0] =	ssyncadd.remote.s32 $0x1  }
0xc5: {  	_ =	sfence.sel $0xFFFF  }
0xc6: {  	[dreg:$0x0] =	wrdreg $0xFFFFFFFF;
	(pc) =	sbr.abs _section_cstart, $3  }
0xc7: {  	[dreg:$0x1] =	wrdreg $0xFFFFFFFF  }
0xc8: {  	_ =	task.clear_ibuf [dreg:s8], $0x2FFFF;
	_ =	strace $0x9FFFFFFF  }
0xc9: {  	(tm) =	ssettm $0x7FFFFFFF  }
tec
execute0_lowered:
.L_overlay_start_1:
0x0: {  	(tag) =	ssettag $0x1  }
0x1: {  	s0 =	rddreg [dreg:$0x0]  }
0x2: {  	s1 =	rddreg [dreg:$0x1];
	s2 =	srdreg.scid  }
0x3: {  	s3 =	stileid.u32;
	s7 =	rddreg [dreg:$0x2];
	s28 =	simm.s32 $0x1880  }
0x4: {  	s29 =	simm.s32 $0x2080;
	s30 =	simm.s32 $0x2880;
	s31 =	simm.s32 $0x3080  }
0x5: {  	s12 =	simm.s32 $0x4880;
	s13 =	simm.s32 $0x5080;
	s14 =	simm.s32 $0x5880  }
0x6: {  	s15 =	simm.s32 $0x6080;
	s16 =	simm.s32 $0x6880;
	s17 =	simm.s32 $0x7080  }
0x7: {  	s18 =	simm.s32 $0x7880;
	s19 =	simm.s32 $0x8080;
	s5 =	sand.u32 $0x1, s2  }
0x8: {  	s3 =	sshll.u32 s3, $0x1;
	s2 =	simm.s32 $0x0;
	s20 =	sadd.s32 $0x9C00, s7  }
0x9: {  	s4 =	sor.u32 s5, s3;
	[smem:$0x7FF] =	sst s2;
	s5 =	ssub.s32 $0x2, s5  }
0xa: {  	s6 =	sshll.u32 s4, $0xA;
	_ =	strace $0x80000047;
	s3 =	sshll.u32 s4, $0x4  }
0xb: {  	s10 =	sshll.u32 s4, $0xD;
	[dreg:$0x9] =	wrdreg s20;
	s21 =	sshrl.u32 s5, $0x1  }
0xc: {  	s4 =	simm.s32 $0x80;
	s20 =	simm.s32 $0x8880;
	s8 =	sadd.s32 s6, s7  }
0xd: {  	s9 =	sadd.s32 s3, s7;
	s3 =	sadd.s32 $0x58C00, s7;
	s0 =	sadd.s32 s0, s10  }
0xe: {  	s22 =	sadd.s32 s1, s6;
	s23 =	ssub.s32 s5, s21;
	s5 =	sadd.s32 $0x58D00, s7  }
0xf: {  	s6 =	sadd.s32 $0x58E00, s7;
	s7 =	sadd.s32 $0x58F00, s7;
	[dreg:$0x4] =	wrdreg s0  }
0x10: {  	s10 =	simm.s32 $0x2;
	s21 =	simm.s32 $0x9080;
	[dreg:$0x5] =	wrdreg s22  }
0x11: {  	s24 =	sadd.s32 $0x9800, s9;
	s25 =	sadd.s32 $0x1800, s8;
	s26 =	sadd.s32 $0x9A00, s9  }
0x12: {  	v2 =	vlaneseq.u32;
	s8 =	smax.u32 s23, $0x1;
	s22 =	simm.s32 $0x1;
	[dreg:$0x6] =	wrdreg s24  }
0x13: {  	vm0 =	vmmov $0xffff;
	v1 =	vshrl.u32 v2, $0x3;
	s23 =	simm.s32 $0x9880;
	s9 =	simm.s32 $0xA080;
	[dreg:$0x7] =	wrdreg s25  }
0x14: {  	v0 =	vand.u32 $0x7, v2;
	v2 =	vor.u32 $0x8, v2;
	v1 =	vmul.u32 $0x8, v1;
	[dreg:$0x8] =	wrdreg s26;
	s25 =	simm.s32 $0x880;
	s26 =	simm.s32 $0x1080  }
.LBB2_1:
0x15: {  	s24 =	rddreg [dreg:$0x4]  }
0x16: {  	[tilespmem:s4], [sflag:$0x2] =	stream.linear.gather [hbm4b:s24+s2], $0x10000, $0x38;
	[tilespmem:$0x12080] =	vst v63  }
0x17: {  	_ =	swait.ge [sflag:s10], $0x10000  }
0x18: {  	[sflag:s10] =	ssyncset.done $0x0  }
0x19: {  	s0 =	simm.s32 $0x10080;
	s11 =	rddreg [dreg:$0x5];
	[sflag:s10] =	ssyncadd.s32 $0xFFFF0000  }
0x1a: {  	[tilespmem:s0], [sflag:$0x2] =	stream.linear.gather [hbm4b:s11+s2], $0x2000, $0x38;
	[tilespmem:$0x12080] =	vst v63  }
0x1b: {  	_ =	swait.ge [sflag:s10], $0x2000  }
0x1c: {  	[sflag:s10] =	ssyncset.done $0x0  }
0x1d: {  	s1 =	rddreg [dreg:$0x6];
	[sflag:s10] =	ssyncadd.s32 $0xFFFFE000  }
0x1e: {  	[tilespmem:s2], [sflag:$0x2] =	stream.linear.gather [hbm4b:s1+s2], $0x80, $0x38;
	[tilespmem:$0x12080] =	vst v63  }
0x1f: {  	_ =	swait.ge [sflag:s10], $0x80  }
0x20: {  	[sflag:s10] =	ssyncset.done $0x0  }
0x21: {  	[sflag:s10] =	ssyncadd.s32 $0xFFFFFF80  }
0x22: {  	v3 =	vld [tilespmem:$0x0];
	_ =	sdelay $0x4  }
0x23: {  	v4 =	vshll.u32 v3, $0x3  }
0x24: {  	v3 =	vand.u32 $0x7, v3;
	v4 =	vand.u32 $0xFFFFFFC0, v4  }
0x25: {  	v3 =	vor.u32 v3, v4  }
0x26: {  	v4 =	vperm.xlane v3, v0;
	_ =	sdelay $0x1  }
0x27: {  	v4 =	vadd.s32 v1, v4;
	_ =	sdelay $0x4  }
0x28: {  	[hbm4b:s3+s2] =	stream.indirect_vreg.scatter [tilespmem:s4], [sflag:$0x1], $0x80, v4, vm0, $0xb8;
	[tilespmem:$0x12080] =	vst v63  }
0x29: {  	v3 =	vperm.xlane v3, v2  }
0x2a: {  	[hbm4b:s5+s2] =	stream.indirect_vreg.scatter [tilespmem:s25], [sflag:$0x1], $0x80, v4, vm0, $0xb8;
	[tilespmem:$0x12080] =	vst v63  }
0x2b: {  	v3 =	vadd.s32 v1, v3  }
0x2c: {  	[hbm4b:s6+s2] =	stream.indirect_vreg.scatter [tilespmem:s26], [sflag:$0x1], $0x80, v4, vm0, $0xb8;
	[tilespmem:$0x12080] =	vst v63  }
0x2d: {  	_ = 	snop  }
0x2e: {  	[hbm4b:s7+s2] =	stream.indirect_vreg.scatter [tilespmem:s28], [sflag:$0x1], $0x80, v4, vm0, $0xb8;
	[tilespmem:$0x12080] =	vst v63  }
0x2f: {  	_ = 	snop  }
0x30: {  	[hbm4b:s3+s2] =	stream.indirect_vreg.scatter [tilespmem:s29], [sflag:$0x1], $0x80, v3, vm0, $0xb8;
	[tilespmem:$0x12080] =	vst v63  }
0x31: {  	_ = 	snop  }
0x32: {  	[hbm4b:s5+s2] =	stream.indirect_vreg.scatter [tilespmem:s30], [sflag:$0x1], $0x80, v3, vm0, $0xb8;
	[tilespmem:$0x12080] =	vst v63  }
0x33: {  	_ = 	snop  }
0x34: {  	[hbm4b:s6+s2] =	stream.indirect_vreg.scatter [tilespmem:s31], [sflag:$0x1], $0x80, v3, vm0, $0xb8;
	[tilespmem:$0x12080] =	vst v63  }
0x35: {  	s1 =	simm.s32 $0x3880  }
0x36: {  	[hbm4b:s7+s2] =	stream.indirect_vreg.scatter [tilespmem:s1], [sflag:$0x1], $0x80, v3, vm0, $0xb8;
	[tilespmem:$0x12080] =	vst v63  }
0x37: {  	v3 =	vld [tilespmem:$0x10];
	_ =	sdelay $0x4  }
0x38: {  	v57 =	vshll.u32 v3, $0x3  }
0x39: {  	v3 =	vand.u32 $0x7, v3;
	v4 =	vand.u32 $0xFFFFFFC0, v57  }
0x3a: {  	v3 =	vor.u32 v3, v4  }
0x3b: {  	v4 =	vperm.xlane v3, v0;
	_ =	sdelay $0x1  }
0x3c: {  	v4 =	vadd.s32 v1, v4;
	_ =	sdelay $0x3  }
0x3d: {  	s11 =	simm.s32 $0x4080  }
0x3e: {  	[hbm4b:s3+s2] =	stream.indirect_vreg.scatter [tilespmem:s11], [sflag:$0x1], $0x80, v4, vm0, $0xb8;
	[tilespmem:$0x12080] =	vst v63  }
0x3f: {  	v3 =	vperm.xlane v3, v2  }
0x40: {  	[hbm4b:s5+s2] =	stream.indirect_vreg.scatter [tilespmem:s12], [sflag:$0x1], $0x80, v4, vm0, $0xb8;
	[tilespmem:$0x12080] =	vst v63  }
0x41: {  	v3 =	vadd.s32 v1, v3  }
0x42: {  	[hbm4b:s6+s2] =	stream.indirect_vreg.scatter [tilespmem:s13], [sflag:$0x1], $0x80, v4, vm0, $0xb8;
	[tilespmem:$0x12080] =	vst v63  }
0x43: {  	_ = 	snop  }
0x44: {  	[hbm4b:s7+s2] =	stream.indirect_vreg.scatter [tilespmem:s14], [sflag:$0x1], $0x80, v4, vm0, $0xb8;
	[tilespmem:$0x12080] =	vst v63  }
0x45: {  	_ = 	snop  }
0x46: {  	[hbm4b:s3+s2] =	stream.indirect_vreg.scatter [tilespmem:s15], [sflag:$0x1], $0x80, v3, vm0, $0xb8;
	[tilespmem:$0x12080] =	vst v63  }
0x47: {  	_ = 	snop  }
0x48: {  	[hbm4b:s5+s2] =	stream.indirect_vreg.scatter [tilespmem:s16], [sflag:$0x1], $0x80, v3, vm0, $0xb8;
	[tilespmem:$0x12080] =	vst v63  }
0x49: {  	_ = 	snop  }
0x4a: {  	[hbm4b:s6+s2] =	stream.indirect_vreg.scatter [tilespmem:s17], [sflag:$0x1], $0x80, v3, vm0, $0xb8;
	[tilespmem:$0x12080] =	vst v63  }
0x4b: {  	_ = 	snop  }
0x4c: {  	[hbm4b:s7+s2] =	stream.indirect_vreg.scatter [tilespmem:s18], [sflag:$0x1], $0x80, v3, vm0, $0xb8;
	[tilespmem:$0x12080] =	vst v63  }
0x4d: {  	v3 =	vld [tilespmem:$0x20];
	_ =	sdelay $0x4  }
0x4e: {  	v58 =	vshll.u32 v3, $0x3  }
0x4f: {  	v3 =	vand.u32 $0x7, v3;
	v4 =	vand.u32 $0xFFFFFFC0, v58  }
0x50: {  	v3 =	vor.u32 v3, v4  }
0x51: {  	v4 =	vperm.xlane v3, v0;
	_ =	sdelay $0x1  }
0x52: {  	v4 =	vadd.s32 v1, v4;
	_ =	sdelay $0x4  }
0x53: {  	[hbm4b:s3+s2] =	stream.indirect_vreg.scatter [tilespmem:s19], [sflag:$0x1], $0x80, v4, vm0, $0xb8;
	[tilespmem:$0x12080] =	vst v63  }
0x54: {  	v3 =	vperm.xlane v3, v2  }
0x55: {  	[hbm4b:s5+s2] =	stream.indirect_vreg.scatter [tilespmem:s20], [sflag:$0x1], $0x80, v4, vm0, $0xb8;
	[tilespmem:$0x12080] =	vst v63  }
0x56: {  	v3 =	vadd.s32 v1, v3  }
0x57: {  	[hbm4b:s6+s2] =	stream.indirect_vreg.scatter [tilespmem:s21], [sflag:$0x1], $0x80, v4, vm0, $0xb8;
	[tilespmem:$0x12080] =	vst v63  }
0x58: {  	_ = 	snop  }
0x59: {  	[hbm4b:s7+s2] =	stream.indirect_vreg.scatter [tilespmem:s23], [sflag:$0x1], $0x80, v4, vm0, $0xb8;
	[tilespmem:$0x12080] =	vst v63  }
0x5a: {  	_ = 	snop  }
0x5b: {  	[hbm4b:s3+s2] =	stream.indirect_vreg.scatter [tilespmem:s9], [sflag:$0x1], $0x80, v3, vm0, $0xb8;
	[tilespmem:$0x12080] =	vst v63  }
0x5c: {  	s24 =	simm.s32 $0xA880  }
0x5d: {  	[hbm4b:s5+s2] =	stream.indirect_vreg.scatter [tilespmem:s24], [sflag:$0x1], $0x80, v3, vm0, $0xb8;
	[tilespmem:$0x12080] =	vst v63  }
0x5e: {  	s11 =	simm.s32 $0xB080  }
0x5f: {  	[hbm4b:s6+s2] =	stream.indirect_vreg.scatter [tilespmem:s11], [sflag:$0x1], $0x80, v3, vm0, $0xb8;
	[tilespmem:$0x12080] =	vst v63  }
0x60: {  	s24 =	simm.s32 $0xB880  }
0x61: {  	[hbm4b:s7+s2] =	stream.indirect_vreg.scatter [tilespmem:s24], [sflag:$0x1], $0x80, v3, vm0, $0xb8;
	[tilespmem:$0x12080] =	vst v63  }
0x62: {  	v3 =	vld [tilespmem:$0x30];
	_ =	sdelay $0x4  }
0x63: {  	v59 =	vshll.u32 v3, $0x3  }
0x64: {  	v3 =	vand.u32 $0x7, v3;
	v4 =	vand.u32 $0xFFFFFFC0, v59  }
0x65: {  	v3 =	vor.u32 v3, v4  }
0x66: {  	v4 =	vperm.xlane v3, v0;
	_ =	sdelay $0x1  }
0x67: {  	v4 =	vadd.s32 v1, v4;
	_ =	sdelay $0x3  }
0x68: {  	s11 =	simm.s32 $0xC080  }
0x69: {  	[hbm4b:s3+s2] =	stream.indirect_vreg.scatter [tilespmem:s11], [sflag:$0x1], $0x80, v4, vm0, $0xb8;
	[tilespmem:$0x12080] =	vst v63  }
0x6a: {  	s24 =	simm.s32 $0xC880;
	v3 =	vperm.xlane v3, v2  }
0x6b: {  	[hbm4b:s5+s2] =	stream.indirect_vreg.scatter [tilespmem:s24], [sflag:$0x1], $0x80, v4, vm0, $0xb8;
	[tilespmem:$0x12080] =	vst v63  }
0x6c: {  	v3 =	vadd.s32 v1, v3;
	s11 =	simm.s32 $0xD080  }
0x6d: {  	[hbm4b:s6+s2] =	stream.indirect_vreg.scatter [tilespmem:s11], [sflag:$0x1], $0x80, v4, vm0, $0xb8;
	[tilespmem:$0x12080] =	vst v63  }
0x6e: {  	s24 =	simm.s32 $0xD880  }
0x6f: {  	[hbm4b:s7+s2] =	stream.indirect_vreg.scatter [tilespmem:s24], [sflag:$0x1], $0x80, v4, vm0, $0xb8;
	[tilespmem:$0x12080] =	vst v63  }
0x70: {  	s11 =	simm.s32 $0xE080  }
0x71: {  	[hbm4b:s3+s2] =	stream.indirect_vreg.scatter [tilespmem:s11], [sflag:$0x1], $0x80, v3, vm0, $0xb8;
	[tilespmem:$0x12080] =	vst v63  }
0x72: {  	s24 =	simm.s32 $0xE880  }
0x73: {  	[hbm4b:s5+s2] =	stream.indirect_vreg.scatter [tilespmem:s24], [sflag:$0x1], $0x80, v3, vm0, $0xb8;
	[tilespmem:$0x12080] =	vst v63  }
0x74: {  	s11 =	simm.s32 $0xF080  }
0x75: {  	[hbm4b:s6+s2] =	stream.indirect_vreg.scatter [tilespmem:s11], [sflag:$0x1], $0x80, v3, vm0, $0xb8;
	[tilespmem:$0x12080] =	vst v63  }
0x76: {  	s24 =	simm.s32 $0xF880  }
0x77: {  	[hbm4b:s7+s2] =	stream.indirect_vreg.scatter [tilespmem:s24], [sflag:$0x1], $0x80, v3, vm0, $0xb8;
	[tilespmem:$0x12080] =	vst v63  }
0x78: {  	_ =	swait.ge [sflag:s22], $0x10000  }
0x79: {  	s0 =	simm.s32 $0x10080;
	[sflag:s22] =	ssyncset.done $0x0  }
0x7a: {  	s24 =	simm.s32 $0x40;
	s11 =	rddreg [dreg:$0x9];
	[sflag:s22] =	ssyncadd.s32 $0xFFFF0000  }
0x7b: {  	[hbm4b:s11+s24] =	stream.indirect.scatter [tilespmem:s0], [sflag:$0x1], $0x80, s2, s24, $0xb8;
	[tilespmem:$0x12080] =	vst v63  }
0x7c: {  	_ =	swait.ge [sflag:s22], $0x2000  }
0x7d: {  	[sflag:s22] =	ssyncset.done $0x0  }
0x7e: {  	s24 =	rddreg [dreg:$0x7];
	[sflag:s22] =	ssyncadd.s32 $0xFFFFE000  }
0x7f: {  	[tilespmem:s0], [sflag:$0x2] =	stream.linear.gather [hbm4b:s24+s2], $0x2000, $0x38;
	[tilespmem:$0x12080] =	vst v63  }
0x80: {  	_ =	swait.ge [sflag:s10], $0x2000  }
0x81: {  	[sflag:s10] =	ssyncset.done $0x0  }
0x82: {  	s0 =	rddreg [dreg:$0x8];
	[sflag:s10] =	ssyncadd.s32 $0xFFFFE000  }
0x83: {  	[tilespmem:s2], [sflag:$0x2] =	stream.linear.gather [hbm4b:s0+s2], $0x80, $0x38;
	[tilespmem:$0x12080] =	vst v63  }
0x84: {  	_ =	swait.ge [sflag:s10], $0x80  }
0x85: {  	[sflag:s10] =	ssyncset.done $0x0  }
0x86: {  	[sflag:s10] =	ssyncadd.s32 $0xFFFFFF80  }
0x87: {  	v3 =	vld [tilespmem:$0x0];
	_ =	sdelay $0x4  }
0x88: {  	v60 =	vshll.u32 v3, $0x3  }
0x89: {  	v3 =	vand.u32 $0x7, v3;
	v4 =	vand.u32 $0xFFFFFFC0, v60  }
0x8a: {  	v3 =	vor.u32 v3, v4  }
0x8b: {  	v4 =	vperm.xlane v3, v0;
	_ =	sdelay $0x1  }
0x8c: {  	v4 =	vadd.s32 v1, v4;
	_ =	sdelay $0x4  }
0x8d: {  	[hbm4b:s3+s2] =	stream.indirect_vreg.scatter [tilespmem:s4], [sflag:$0x1], $0x80, v4, vm0, $0xb8;
	[tilespmem:$0x12080] =	vst v63  }
0x8e: {  	v3 =	vperm.xlane v3, v2  }
0x8f: {  	[hbm4b:s5+s2] =	stream.indirect_vreg.scatter [tilespmem:s25], [sflag:$0x1], $0x80, v4, vm0, $0xb8;
	[tilespmem:$0x12080] =	vst v63  }
0x90: {  	v3 =	vadd.s32 v1, v3  }
0x91: {  	[hbm4b:s6+s2] =	stream.indirect_vreg.scatter [tilespmem:s26], [sflag:$0x1], $0x80, v4, vm0, $0xb8;
	[tilespmem:$0x12080] =	vst v63  }
0x92: {  	_ = 	snop  }
0x93: {  	[hbm4b:s7+s2] =	stream.indirect_vreg.scatter [tilespmem:s28], [sflag:$0x1], $0x80, v4, vm0, $0xb8;
	[tilespmem:$0x12080] =	vst v63  }
0x94: {  	_ = 	snop  }
0x95: {  	[hbm4b:s3+s2] =	stream.indirect_vreg.scatter [tilespmem:s29], [sflag:$0x1], $0x80, v3, vm0, $0xb8;
	[tilespmem:$0x12080] =	vst v63  }
0x96: {  	_ = 	snop  }
0x97: {  	[hbm4b:s5+s2] =	stream.indirect_vreg.scatter [tilespmem:s30], [sflag:$0x1], $0x80, v3, vm0, $0xb8;
	[tilespmem:$0x12080] =	vst v63  }
0x98: {  	_ = 	snop  }
0x99: {  	[hbm4b:s6+s2] =	stream.indirect_vreg.scatter [tilespmem:s31], [sflag:$0x1], $0x80, v3, vm0, $0xb8;
	[tilespmem:$0x12080] =	vst v63  }
0x9a: {  	_ = 	snop  }
0x9b: {  	[hbm4b:s7+s2] =	stream.indirect_vreg.scatter [tilespmem:s1], [sflag:$0x1], $0x80, v3, vm0, $0xb8;
	[tilespmem:$0x12080] =	vst v63  }
0x9c: {  	v3 =	vld [tilespmem:$0x10];
	_ =	sdelay $0x4  }
0x9d: {  	v61 =	vshll.u32 v3, $0x3  }
0x9e: {  	v3 =	vand.u32 $0x7, v3;
	v4 =	vand.u32 $0xFFFFFFC0, v61  }
0x9f: {  	v3 =	vor.u32 v3, v4  }
0xa0: {  	v4 =	vperm.xlane v3, v0;
	_ =	sdelay $0x1  }
0xa1: {  	v4 =	vadd.s32 v1, v4;
	_ =	sdelay $0x3  }
0xa2: {  	s1 =	simm.s32 $0x4080  }
0xa3: {  	[hbm4b:s3+s2] =	stream.indirect_vreg.scatter [tilespmem:s1], [sflag:$0x1], $0x80, v4, vm0, $0xb8;
	[tilespmem:$0x12080] =	vst v63  }
0xa4: {  	v3 =	vperm.xlane v3, v2  }
0xa5: {  	[hbm4b:s5+s2] =	stream.indirect_vreg.scatter [tilespmem:s12], [sflag:$0x1], $0x80, v4, vm0, $0xb8;
	[tilespmem:$0x12080] =	vst v63  }
0xa6: {  	v3 =	vadd.s32 v1, v3  }
0xa7: {  	[hbm4b:s6+s2] =	stream.indirect_vreg.scatter [tilespmem:s13], [sflag:$0x1], $0x80, v4, vm0, $0xb8;
	[tilespmem:$0x12080] =	vst v63  }
0xa8: {  	_ = 	snop  }
0xa9: {  	[hbm4b:s7+s2] =	stream.indirect_vreg.scatter [tilespmem:s14], [sflag:$0x1], $0x80, v4, vm0, $0xb8;
	[tilespmem:$0x12080] =	vst v63  }
0xaa: {  	_ = 	snop  }
0xab: {  	[hbm4b:s3+s2] =	stream.indirect_vreg.scatter [tilespmem:s15], [sflag:$0x1], $0x80, v3, vm0, $0xb8;
	[tilespmem:$0x12080] =	vst v63  }
0xac: {  	_ = 	snop  }
0xad: {  	[hbm4b:s5+s2] =	stream.indirect_vreg.scatter [tilespmem:s16], [sflag:$0x1], $0x80, v3, vm0, $0xb8;
	[tilespmem:$0x12080] =	vst v63  }
0xae: {  	_ = 	snop  }
0xaf: {  	[hbm4b:s6+s2] =	stream.indirect_vreg.scatter [tilespmem:s17], [sflag:$0x1], $0x80, v3, vm0, $0xb8;
	[tilespmem:$0x12080] =	vst v63  }
0xb0: {  	_ = 	snop  }
0xb1: {  	[hbm4b:s7+s2] =	stream.indirect_vreg.scatter [tilespmem:s18], [sflag:$0x1], $0x80, v3, vm0, $0xb8;
	[tilespmem:$0x12080] =	vst v63  }
0xb2: {  	v3 =	vld [tilespmem:$0x20];
	_ =	sdelay $0x4  }
0xb3: {  	v62 =	vshll.u32 v3, $0x3  }
0xb4: {  	v3 =	vand.u32 $0x7, v3;
	v4 =	vand.u32 $0xFFFFFFC0, v62  }
0xb5: {  	v3 =	vor.u32 v3, v4  }
0xb6: {  	v4 =	vperm.xlane v3, v0;
	_ =	sdelay $0x1  }
0xb7: {  	v4 =	vadd.s32 v1, v4;
	_ =	sdelay $0x4  }
0xb8: {  	[hbm4b:s3+s2] =	stream.indirect_vreg.scatter [tilespmem:s19], [sflag:$0x1], $0x80, v4, vm0, $0xb8;
	[tilespmem:$0x12080] =	vst v63  }
0xb9: {  	v3 =	vperm.xlane v3, v2  }
0xba: {  	[hbm4b:s5+s2] =	stream.indirect_vreg.scatter [tilespmem:s20], [sflag:$0x1], $0x80, v4, vm0, $0xb8;
	[tilespmem:$0x12080] =	vst v63  }
0xbb: {  	v3 =	vadd.s32 v1, v3  }
0xbc: {  	[hbm4b:s6+s2] =	stream.indirect_vreg.scatter [tilespmem:s21], [sflag:$0x1], $0x80, v4, vm0, $0xb8;
	[tilespmem:$0x12080] =	vst v63  }
0xbd: {  	_ = 	snop  }
0xbe: {  	[hbm4b:s7+s2] =	stream.indirect_vreg.scatter [tilespmem:s23], [sflag:$0x1], $0x80, v4, vm0, $0xb8;
	[tilespmem:$0x12080] =	vst v63  }
0xbf: {  	_ = 	snop  }
0xc0: {  	[hbm4b:s3+s2] =	stream.indirect_vreg.scatter [tilespmem:s9], [sflag:$0x1], $0x80, v3, vm0, $0xb8;
	[tilespmem:$0x12080] =	vst v63  }
0xc1: {  	s24 =	simm.s32 $0xA880  }
0xc2: {  	[hbm4b:s5+s2] =	stream.indirect_vreg.scatter [tilespmem:s24], [sflag:$0x1], $0x80, v3, vm0, $0xb8;
	[tilespmem:$0x12080] =	vst v63  }
0xc3: {  	s1 =	simm.s32 $0xB080  }
0xc4: {  	[hbm4b:s6+s2] =	stream.indirect_vreg.scatter [tilespmem:s1], [sflag:$0x1], $0x80, v3, vm0, $0xb8;
	[tilespmem:$0x12080] =	vst v63  }
0xc5: {  	s24 =	simm.s32 $0xB880  }
0xc6: {  	[hbm4b:s7+s2] =	stream.indirect_vreg.scatter [tilespmem:s24], [sflag:$0x1], $0x80, v3, vm0, $0xb8;
	[tilespmem:$0x12080] =	vst v63  }
0xc7: {  	v3 =	vld [tilespmem:$0x30];
	_ =	sdelay $0x4  }
0xc8: {  	v63 =	vshll.u32 v3, $0x3  }
0xc9: {  	v3 =	vand.u32 $0x7, v3;
	v4 =	vand.u32 $0xFFFFFFC0, v63  }
0xca: {  	v3 =	vor.u32 v3, v4  }
0xcb: {  	v4 =	vperm.xlane v3, v0;
	_ =	sdelay $0x1  }
0xcc: {  	v4 =	vadd.s32 v1, v4;
	_ =	sdelay $0x3  }
0xcd: {  	s1 =	simm.s32 $0xC080  }
0xce: {  	[hbm4b:s3+s2] =	stream.indirect_vreg.scatter [tilespmem:s1], [sflag:$0x1], $0x80, v4, vm0, $0xb8;
	[tilespmem:$0x12080] =	vst v63  }
0xcf: {  	s24 =	simm.s32 $0xC880;
	v3 =	vperm.xlane v3, v2  }
0xd0: {  	[hbm4b:s5+s2] =	stream.indirect_vreg.scatter [tilespmem:s24], [sflag:$0x1], $0x80, v4, vm0, $0xb8;
	[tilespmem:$0x12080] =	vst v63  }
0xd1: {  	v3 =	vadd.s32 v1, v3;
	s1 =	simm.s32 $0xD080  }
0xd2: {  	[hbm4b:s6+s2] =	stream.indirect_vreg.scatter [tilespmem:s1], [sflag:$0x1], $0x80, v4, vm0, $0xb8;
	[tilespmem:$0x12080] =	vst v63  }
0xd3: {  	s24 =	simm.s32 $0xD880  }
0xd4: {  	[hbm4b:s7+s2] =	stream.indirect_vreg.scatter [tilespmem:s24], [sflag:$0x1], $0x80, v4, vm0, $0xb8;
	[tilespmem:$0x12080] =	vst v63  }
0xd5: {  	s1 =	simm.s32 $0xE080  }
0xd6: {  	[hbm4b:s3+s2] =	stream.indirect_vreg.scatter [tilespmem:s1], [sflag:$0x1], $0x80, v3, vm0, $0xb8;
	[tilespmem:$0x12080] =	vst v63  }
0xd7: {  	s24 =	simm.s32 $0xE880  }
0xd8: {  	[hbm4b:s5+s2] =	stream.indirect_vreg.scatter [tilespmem:s24], [sflag:$0x1], $0x80, v3, vm0, $0xb8;
	[tilespmem:$0x12080] =	vst v63  }
0xd9: {  	s1 =	simm.s32 $0xF080  }
0xda: {  	[hbm4b:s6+s2] =	stream.indirect_vreg.scatter [tilespmem:s1], [sflag:$0x1], $0x80, v3, vm0, $0xb8;
	[tilespmem:$0x12080] =	vst v63  }
0xdb: {  	s24 =	simm.s32 $0xF880  }
0xdc: {  	[hbm4b:s7+s2] =	stream.indirect_vreg.scatter [tilespmem:s24], [sflag:$0x1], $0x80, v3, vm0, $0xb8;
	[tilespmem:$0x12080] =	vst v63  }
0xdd: {  	_ =	swait.ge [sflag:s22], $0x10000  }
0xde: {  	p0 =	sne.s32 s8, $0x1;
	s1 =	simm.s32 $0x40;
	[sflag:s22] =	ssyncset.done $0x0  }
.Ltmp0:
0xdf: {  	s24 =	simm.s32 $0x10080;
	[sflag:s22] =	ssyncadd.s32 $0xFFFF0000;
	(pc) =	sbr.rel @p0 .LBB2_1-.Ltmp0, $4  }
0xe0: {  	[hbm4b:s11+s1] =	stream.indirect.scatter [tilespmem:s24], [sflag:$0x1], $0x80, s2, s1, $0xb8;
	[tilespmem:$0x12080] =	vst v63  }
0xe1: {  	_ =	swait.ge [sflag:s22], $0x2000  }
0xe2: {  	[sflag:s22] =	ssyncset.done $0x0  }
0xe3: {  	s8 =	sadd.s32 $0xFFFFFFFF, s8;
	[sflag:s22] =	ssyncadd.s32 $0xFFFFE000  }
0xe4: {  	_ =	sfence.sel $0x180000  }
0xe5: {  	[bflag:$0x0] =	sbarrier.arrive $0xFFFF  }
0xe6: {  	_ =	strace $0x90000047  }
0xe7: {  	s0 =	stileid.u32;
	[bflag:$0x2] =	sbarrier.arrive $0xFFFF  }
0xe8: {  	p0 =	sne.s32 s0, $0x0;
	s0 =	rddreg [dreg:$0x3]  }
0xe9: {  	s0 =	sadd.s32 @!p0 $0x100000, s0  }
0xea: {  	[sflag:s0] =	ssyncadd.tile.s32 @!p0 $0x1;
	_ =	shalt  }
.Lfunc_end2:
_tile_overlayer_lowered:
.L_overlay_start_2:
0xeb: {  	(tag) =	ssettag $0x2  }
0xec: {  	s0 =	rddreg [dreg:$0x0];
	s2 =	stileid.u32  }
0xed: {  	s1 =	rddreg [dreg:$0x1];
	p0 =	sne.s32 s2, $0x0  }
0xee: {  	s3 =	rddreg [dreg:$0x2];
	[bflag:$0x3] =	sbarrier.arrive $0xFFFF;
	s2 =	simm.s32 @!p0 $0x1C02  }
0xef: {  	[timem:s3], [sflag:s2] =	dma.local @!p0 [hbm:s0], s1  }
0xf0: {  	s0 =	simm.s32 @!p0 $0x2  }
0xf1: {  	_ =	swait.ge @!p0 [sflag:s0], s1  }
0xf2: {  	s1 =	ssub.s32 @!p0 $0x0, s1;
	[sflag:s0] =	ssyncset.done @!p0 $0x0  }
0xf3: {  	[sflag:s0] =	ssyncadd.s32 @!p0 s1  }
0xf4: {  	[bflag:$0x3] =	sbarrier.arrive $0xFFFF  }
0xf5: {  	_ =	shalt  }

</sc_bundles>
